<compile_context>
chip_gen: v7x
topology: tpu7x:2x2x1
jax: 0.10.2.dev20260603
libtpu: 0.0.44.dev20260713+nightly
codegen_flags: <defaults>
</compile_context>

<pallas_src>
import functools

import jax
import jax.numpy as jnp
from jax import lax
from jax.experimental import pallas as pl
from jax.experimental.pallas import tpu as pltpu
from jax.experimental.pallas import tpu_sc as plsc

NUM_CLASSES = 100
IMAGE_SIZE = 65536
NC = 2
NS = 16
L = 16
NW = NC * NS
TC_COLS = 45056
SC_COLS = IMAGE_SIZE - TC_COLS
COLS_W = SC_COLS // NW
GROUPS = COLS_W // L
CB = 16
BLOCKS = [(i * CB, min(CB, NUM_CLASSES - i * CB))
          for i in range((NUM_CLASSES + CB - 1) // CB)]
SLOT = 128


def _sc_partials(image_flat, basal):
    mesh = plsc.VectorSubcoreMesh(core_axis_name="c", subcore_axis_name="s")

    @functools.partial(
        pl.kernel,
        out_type=jax.ShapeDtypeStruct((NUM_CLASSES, NC * SLOT), jnp.float32),
        mesh=mesh,
        scratch_types=[
            pltpu.VMEM((COLS_W,), jnp.float32),
            pltpu.VMEM((2, CB, COLS_W), jnp.float32),
            pltpu.VMEM((NUM_CLASSES, SLOT), jnp.float32),
            pltpu.VMEM_SHARED((NUM_CLASSES, SLOT), jnp.float32),
            pltpu.VMEM((NUM_CLASSES,), jnp.int32),
            pltpu.SemaphoreType.DMA,
            pltpu.SemaphoreType.DMA,
        ],
    )
    def k(img_hbm, basal_hbm, out_hbm, mask_v, buf_v, acc_v, shr_v, idx_v,
          sem0, sem1):
        cid = lax.axis_index("c")
        sid = lax.axis_index("s")
        wid = sid * NC + cid
        base = TC_COLS + wid * COLS_W

        zeros = jnp.zeros((L,), jnp.float32)
        sems = (sem0, sem1)

        def start(t):
            row0, nrows = BLOCKS[t]
            return pltpu.async_copy(
                basal_hbm.at[pl.ds(row0, nrows), pl.ds(base, COLS_W)],
                buf_v.at[t % 2, pl.ds(0, nrows)],
                sems[t % 2],
            )

        handles = [start(0), start(1)]

        pltpu.sync_copy(img_hbm.at[pl.ds(base, COLS_W)], mask_v)

        def mk(g, carry):
            v = mask_v[pl.ds(g * L, L)]
            mask_v[pl.ds(g * L, L)] = jnp.where(v > 0.5, 1.0, 0.0)
            return carry

        lax.fori_loop(0, GROUPS, mk, 0)

        def compute(t):
            row0, nrows = BLOCKS[t]
            b = t % 2

            def body(g, accs):
                m = mask_v[pl.ds(g * L, L)]
                return tuple(
                    accs[j] + buf_v[b, j, pl.ds(g * L, L)] * m
                    for j in range(nrows)
                )

            accs = lax.fori_loop(
                0, GROUPS, body, (zeros,) * nrows, unroll=2)
            for j in range(nrows):
                acc_v[row0 + j, pl.ds(0, L)] = accs[j]

        for t in range(len(BLOCKS)):
            handles[t % 2].wait()
            compute(t)
            if t + 2 < len(BLOCKS):
                handles[t % 2] = start(t + 2)

        @pl.when(sid == 0)
        def _():
            pltpu.sync_copy(acc_v, shr_v)

        lane16 = lax.iota(jnp.int32, 16)
        for g, off in enumerate((0, 16, 32, 48, 64, 80, 84)):
            idx_v[pl.ds(off, L)] = lane16 + off

        plsc.subcore_barrier()

        @pl.when(sid != 0)
        def _():
            pltpu.sync_copy(acc_v, shr_v.at[idx_v], add=True)

        plsc.subcore_barrier()

        @pl.when(sid == 0)
        def _():
            pltpu.sync_copy(shr_v, out_hbm.at[:, pl.ds(cid * SLOT, SLOT)])

    return k(image_flat, basal)


def _tc_matvec(image, basal):
    RB = 32

    def body(img_ref, bas_ref, o_ref):
        m = (img_ref[...] > 0.5).astype(jnp.float32)
        o_ref[...] = jnp.sum(bas_ref[...] * m, axis=1, keepdims=True)

    return pl.pallas_call(
        body,
        grid=(pl.cdiv(NUM_CLASSES, RB),),
        in_specs=[
            pl.BlockSpec((1, TC_COLS), lambda i: (0, 0)),
            pl.BlockSpec((RB, TC_COLS), lambda i: (i, 0)),
        ],
        out_specs=pl.BlockSpec((RB, 1), lambda i: (i, 0)),
        out_shape=jax.ShapeDtypeStruct((NUM_CLASSES, 1), jnp.float32),
    )(image, basal)


def _tc_finish(partials, tc_part):

    def body(p_ref, q_ref, o_ref):
        p = p_ref[...]
        lane = lax.broadcasted_iota(jnp.int32, p.shape, 1)
        p = jnp.where(lane % SLOT < L, p, 0.0)
        s = jnp.sum(p, axis=1, keepdims=True) + q_ref[...]
        mx = jnp.max(s, axis=0, keepdims=True)
        idx = lax.broadcasted_iota(jnp.int32, s.shape, 0)
        cand = jnp.where(s >= mx, idx, jnp.int32(NUM_CLASSES))
        o_ref[0, 0] = jnp.min(cand)

    return pl.pallas_call(
        body,
        out_shape=jax.ShapeDtypeStruct((1, 1), jnp.int32),
        out_specs=pl.BlockSpec(memory_space=pltpu.SMEM),
    )(partials, tc_part)


def kernel(image, basal_synapses):
    img = image.reshape(IMAGE_SIZE)
    partials = _sc_partials(img, basal_synapses)
    tc_part = _tc_matvec(image, basal_synapses)
    label = _tc_finish(partials, tc_part)
    return label[0, 0]

# --- scband reference (transcript-rebuilt; emitter-appended) ---
"""Pipeline reference for scband-pyramidal-neuron-49667001811700 (READ-ONLY COPY).

The authoritative reference and input builder live on the scoring server;
editing this copy changes nothing except your own understanding.
"""

import jax, jax.numpy as jnp
import numpy as np

BASAL_SIZE = 1000000
IMAGE_SIZE = 65536
NUM_CLASSES = 100


def setup_inputs(seed: int = 0) -> dict:
    key = jax.random.key(seed)
    k1, k2 = jax.random.split(key)
    image = jax.random.uniform(k1, (1, IMAGE_SIZE), dtype=jnp.float32)
    # learned parameter: basal synapse table, init like torch.rand(...) * 0.01
    basal_synapses = jax.random.uniform(k2, (NUM_CLASSES, BASAL_SIZE), dtype=jnp.float32) * 0.01
    return {"image": image, "basal_synapses": basal_synapses}


def reference(image, basal_synapses):
    # basal_encoder: scatter 1.0 into basal_features at (active_pixel % basal_size)
    basal_size = basal_synapses.shape[1]
    pixel_ids = jnp.arange(image.shape[1], dtype=jnp.int32) % basal_size
    active = (image[0] > 0.5).astype(jnp.float32)
    # image_size <= basal_size so pixel_ids are unique; .set is exact scatter-overwrite
    basal_features = jnp.zeros((basal_size,), dtype=jnp.float32).at[pixel_ids].set(active)
    # inference_phase: overlap of every class row with the sparse feature vector
    overlaps = (basal_synapses * basal_features[None, :]).sum(axis=1)
    predicted_label = jnp.argmax(overlaps)
    return predicted_label

if __name__ == "__main__":
    import jax
    _d = setup_inputs()
    print(jax.jit(kernel)(*tuple(_d.values())))

</pallas_src>

<mosaic_0001>
#map = affine_map<(d0, d1) -> (0)>
#map1 = affine_map<(d0, d1) -> (0, 0)>
module attributes {stable_mosaic.version = 14 : i64} {
  func.func @k(%arg0: i32, %arg1: i32, %arg2: memref<65536xf32, #tpu.memory_space<hbm>>, %arg3: memref<100x1000000xf32, #tpu.memory_space<hbm>>, %arg4: memref<100x256xf32, #tpu.memory_space<hbm>>, %arg5: memref<640xf32, #tpu.memory_space<vmem>>, %arg6: memref<2x16x640xf32, #tpu.memory_space<vmem>>, %arg7: memref<100x128xf32, #tpu.memory_space<vmem>>, %arg8: memref<100x128xf32, #tpu.memory_space<vmem_shared>>, %arg9: memref<100xi32, #tpu.memory_space<vmem>>, %arg10: memref<!tpu.dma_semaphore, #tpu.memory_space<semaphore_mem>>, %arg11: memref<!tpu.dma_semaphore, #tpu.memory_space<semaphore_mem>>) attributes {dimension_semantics = [#tpu.dimension_semantics<core_parallel>, #tpu.dimension_semantics<subcore_parallel>], iteration_bounds = array<i64: 2, 16>, scalar_prefetch = 0 : i64, scratch_operands = 7 : i64, tpu.core_type = #tpu.core_type<sc_vector_subcore>, window_params = [{transform_indices = #map}, {transform_indices = #map1}, {transform_indices = #map1}]} {
    %mul3A = arith.constant 2 : i32
    %mul3A_0 = arith.muli %arg1, %mul3A : i32
    %add3A = arith.addi %mul3A_0, %arg0 : i32
    %mul3A_1 = arith.constant 640 : i32
    %mul3A_2 = arith.muli %add3A, %mul3A_1 : i32
    %add3A_3 = arith.constant 45056 : i32
    %add3A_4 = arith.addi %add3A_3, %mul3A_2 : i32
    %broadcast_in_dim3A = arith.constant 0.000000e+00 : f32
    %broadcast_in_dim3A_5 = vector.broadcast %broadcast_in_dim3A : f32 to vector<16xf32>
    %dma_start3A = arith.constant 0 : i32
    %dma_start3A_6 = arith.constant 0 : i32
    %dma_start3A_7 = arith.constant 0 : i32
    %dma_start3A_8 = tpu.memref_slice %arg6[%dma_start3A, %dma_start3A_6, %dma_start3A_7] : memref<2x16x640xf32, #tpu.memory_space<vmem>> -> memref<1x16x640xf32, #tpu.memory_space<vmem>>
    %dma_start3A_9 = tpu.memref_squeeze %dma_start3A_8 : memref<1x16x640xf32, #tpu.memory_space<vmem>> -> memref<16x640xf32, #tpu.memory_space<vmem>>
    %dma_start3A_10 = arith.constant 0 : i32
    %dma_start3A_11 = tpu.memref_slice %arg3[%dma_start3A_10, %add3A_4] : memref<100x1000000xf32, #tpu.memory_space<hbm>> -> memref<16x640xf32, #tpu.memory_space<hbm>>
    %dma_start3A_12 = arith.constant 0 : i32
    %dma_start3A_13 = arith.constant 0 : i32
    %dma_start3A_14 = tpu.memref_slice %arg6[%dma_start3A, %dma_start3A_12, %dma_start3A_13] : memref<2x16x640xf32, #tpu.memory_space<vmem>> -> memref<1x16x640xf32, #tpu.memory_space<vmem>>
    %dma_start3A_15 = tpu.memref_squeeze %dma_start3A_14 : memref<1x16x640xf32, #tpu.memory_space<vmem>> -> memref<16x640xf32, #tpu.memory_space<vmem>>
    %dma_start3A_16 = arith.constant 0 : i32
    %dma_start3A_17 = tpu.memref_slice %arg3[%dma_start3A_16, %add3A_4] : memref<100x1000000xf32, #tpu.memory_space<hbm>> -> memref<16x640xf32, #tpu.memory_space<hbm>>
    tpu.enqueue_dma source(%dma_start3A_17 : memref<16x640xf32, #tpu.memory_space<hbm>>) target(%dma_start3A_15 : memref<16x640xf32, #tpu.memory_space<vmem>>) target_semaphore(%arg10 : memref<!tpu.dma_semaphore, #tpu.memory_space<semaphore_mem>>)
    %dma_start3A_18 = arith.constant 1 : i32
    %dma_start3A_19 = arith.constant 0 : i32
    %dma_start3A_20 = arith.constant 0 : i32
    %dma_start3A_21 = tpu.memref_slice %arg6[%dma_start3A_18, %dma_start3A_19, %dma_start3A_20] : memref<2x16x640xf32, #tpu.memory_space<vmem>> -> memref<1x16x640xf32, #tpu.memory_space<vmem>>
    %dma_start3A_22 = tpu.memref_squeeze %dma_start3A_21 : memref<1x16x640xf32, #tpu.memory_space<vmem>> -> memref<16x640xf32, #tpu.memory_space<vmem>>
    %dma_start3A_23 = arith.constant 16 : i32
    %dma_start3A_24 = tpu.memref_slice %arg3[%dma_start3A_23, %add3A_4] : memref<100x1000000xf32, #tpu.memory_space<hbm>> -> memref<16x640xf32, #tpu.memory_space<hbm>>
    %dma_start3A_25 = arith.constant 0 : i32
    %dma_start3A_26 = arith.constant 0 : i32
    %dma_start3A_27 = tpu.memref_slice %arg6[%dma_start3A_18, %dma_start3A_25, %dma_start3A_26] : memref<2x16x640xf32, #tpu.memory_space<vmem>> -> memref<1x16x640xf32, #tpu.memory_space<vmem>>
    %dma_start3A_28 = tpu.memref_squeeze %dma_start3A_27 : memref<1x16x640xf32, #tpu.memory_space<vmem>> -> memref<16x640xf32, #tpu.memory_space<vmem>>
    %dma_start3A_29 = arith.constant 16 : i32
    %dma_start3A_30 = tpu.memref_slice %arg3[%dma_start3A_29, %add3A_4] : memref<100x1000000xf32, #tpu.memory_space<hbm>> -> memref<16x640xf32, #tpu.memory_space<hbm>>
    tpu.enqueue_dma source(%dma_start3A_30 : memref<16x640xf32, #tpu.memory_space<hbm>>) target(%dma_start3A_28 : memref<16x640xf32, #tpu.memory_space<vmem>>) target_semaphore(%arg11 : memref<!tpu.dma_semaphore, #tpu.memory_space<semaphore_mem>>)
    "tpu.region"() ({
      %run_scoped3A = tpu.sem_alloc : memref<!tpu.dma_semaphore, #tpu.memory_space<semaphore_mem>>
      %dma_start3A_893 = tpu.memref_slice %arg2[%add3A_4] : memref<65536xf32, #tpu.memory_space<hbm>> -> memref<640xf32, #tpu.memory_space<hbm>>
      %dma_start3A_894 = tpu.memref_slice %arg2[%add3A_4] : memref<65536xf32, #tpu.memory_space<hbm>> -> memref<640xf32, #tpu.memory_space<hbm>>
      tpu.enqueue_dma source(%dma_start3A_894 : memref<640xf32, #tpu.memory_space<hbm>>) target(%arg5 : memref<640xf32, #tpu.memory_space<vmem>>) target_semaphore(%run_scoped3A : memref<!tpu.dma_semaphore, #tpu.memory_space<semaphore_mem>>)
      %dma_wait3A_895 = tpu.memref_slice %arg2[%add3A_4] : memref<65536xf32, #tpu.memory_space<hbm>> -> memref<640xf32, #tpu.memory_space<hbm>>
      %dma_wait3A_896 = tpu.memref_slice %arg2[%add3A_4] : memref<65536xf32, #tpu.memory_space<hbm>> -> memref<640xf32, #tpu.memory_space<hbm>>
      tpu.wait_dma2 semaphore(%run_scoped3A : memref<!tpu.dma_semaphore, #tpu.memory_space<semaphore_mem>>) src(%dma_wait3A_896 : memref<640xf32, #tpu.memory_space<hbm>>) dst(%arg5 : memref<640xf32, #tpu.memory_space<vmem>>)
      tpu.yield
    }) : () -> ()
    %scan3A = arith.constant 0 : i32
    %scan3A_31 = arith.constant 0 : i32
    %scan3A_32 = arith.constant 40 : i32
    %scan3A_33 = arith.addi %scan3A_31, %scan3A_32 : i32
    %scan3A_34 = arith.constant 1 : i32
    scf.for %scan3A_893 = %scan3A_31 to %scan3A_33 step %scan3A_34  : i32 {
      %mul3A_894 = arith.constant 16 : i32
      %mul3A_895 = arith.muli %scan3A_893, %mul3A_894 : i32
      %get3A = arith.index_cast %mul3A_895 : i32 to index
      %get3A_896 = tpu.vector_load %arg5[%get3A] {strides = array<i32>} : memref<640xf32, #tpu.memory_space<vmem>>, vector<16xf32>,
      %get3A_897 = vector.shape_cast %get3A_896 : vector<16xf32> to vector<16xf32>
      %gt3A = arith.constant 5.000000e-01 : f32
      %gt3A_898 = vector.broadcast %gt3A : f32 to vector<16xf32>
      %gt3A_899 = arith.cmpf ogt, %get3A_897, %gt3A_898 : vector<16xf32>
      %jit3A = arith.constant 1.000000e+00 : f32
      %jit3A_900 = arith.constant 0.000000e+00 : f32
      %broadcast_in_dim3A_901 = vector.broadcast %jit3A : f32 to vector<16xf32>
      %broadcast_in_dim3A_902 = vector.broadcast %jit3A_900 : f32 to vector<16xf32>
      %select_n3A = arith.select %gt3A_899, %broadcast_in_dim3A_901, %broadcast_in_dim3A_902 : vector<16xi1>, vector<16xf32>
      %mul3A_903 = arith.constant 16 : i32
      %mul3A_904 = arith.muli %scan3A_893, %mul3A_903 : i32
      %swap3A_905 = arith.index_cast %mul3A_904 : i32 to index
      %swap3A_906 = tpu.vector_load %arg5[%swap3A_905] {strides = array<i32>} : memref<640xf32, #tpu.memory_space<vmem>>, vector<16xf32>,
      %swap3A_907 = vector.shape_cast %swap3A_906 : vector<16xf32> to vector<16xf32>
      %swap3A_908 = vector.shape_cast %select_n3A : vector<16xf32> to vector<16xf32>
      tpu.vector_store %arg5[%swap3A_905], %swap3A_908 {strides = array<i32>} : memref<640xf32, #tpu.memory_space<vmem>>, vector<16xf32>,
    }
    %scan3A_35 = arith.constant 40 : i32
    %dma_wait3A = arith.constant 0 : i32
    %dma_wait3A_36 = arith.constant 0 : i32
    %dma_wait3A_37 = arith.constant 0 : i32
    %dma_wait3A_38 = tpu.memref_slice %arg6[%dma_wait3A, %dma_wait3A_36, %dma_wait3A_37] : memref<2x16x640xf32, #tpu.memory_space<vmem>> -> memref<1x16x640xf32, #tpu.memory_space<vmem>>
    %dma_wait3A_39 = tpu.memref_squeeze %dma_wait3A_38 : memref<1x16x640xf32, #tpu.memory_space<vmem>> -> memref<16x640xf32, #tpu.memory_space<vmem>>
    %dma_wait3A_40 = arith.constant 0 : i32
    %dma_wait3A_41 = tpu.memref_slice %arg3[%dma_wait3A_40, %add3A_4] : memref<100x1000000xf32, #tpu.memory_space<hbm>> -> memref<16x640xf32, #tpu.memory_space<hbm>>
    %dma_wait3A_42 = arith.constant 0 : i32
    %dma_wait3A_43 = arith.constant 0 : i32
    %dma_wait3A_44 = tpu.memref_slice %arg6[%dma_wait3A, %dma_wait3A_42, %dma_wait3A_43] : memref<2x16x640xf32, #tpu.memory_space<vmem>> -> memref<1x16x640xf32, #tpu.memory_space<vmem>>
    %dma_wait3A_45 = tpu.memref_squeeze %dma_wait3A_44 : memref<1x16x640xf32, #tpu.memory_space<vmem>> -> memref<16x640xf32, #tpu.memory_space<vmem>>
    %dma_wait3A_46 = arith.constant 0 : i32
    %dma_wait3A_47 = tpu.memref_slice %arg3[%dma_wait3A_46, %add3A_4] : memref<100x1000000xf32, #tpu.memory_space<hbm>> -> memref<16x640xf32, #tpu.memory_space<hbm>>
    tpu.wait_dma2 semaphore(%arg10 : memref<!tpu.dma_semaphore, #tpu.memory_space<semaphore_mem>>) src(%dma_wait3A_47 : memref<16x640xf32, #tpu.memory_space<hbm>>) dst(%dma_wait3A_45 : memref<16x640xf32, #tpu.memory_space<vmem>>)
    %scan3A_48 = arith.constant 0 : i32
    %scan3A_49 = arith.constant 40 : i32
    %scan3A_50 = arith.addi %scan3A_48, %scan3A_49 : i32
    %scan3A_51 = arith.constant 2 : i32
    %scan3A_52:16 = scf.for %scan3A_893 = %scan3A_48 to %scan3A_50 step %scan3A_51 iter_args(%scan3A_894 = %broadcast_in_dim3A_5, %scan3A_895 = %broadcast_in_dim3A_5, %scan3A_896 = %broadcast_in_dim3A_5, %scan3A_897 = %broadcast_in_dim3A_5, %scan3A_898 = %broadcast_in_dim3A_5, %scan3A_899 = %broadcast_in_dim3A_5, %scan3A_900 = %broadcast_in_dim3A_5, %scan3A_901 = %broadcast_in_dim3A_5, %scan3A_902 = %broadcast_in_dim3A_5, %scan3A_903 = %broadcast_in_dim3A_5, %scan3A_904 = %broadcast_in_dim3A_5, %scan3A_905 = %broadcast_in_dim3A_5, %scan3A_906 = %broadcast_in_dim3A_5, %scan3A_907 = %broadcast_in_dim3A_5, %scan3A_908 = %broadcast_in_dim3A_5, %scan3A_909 = %broadcast_in_dim3A_5) -> (vector<16xf32>, vector<16xf32>, vector<16xf32>, vector<16xf32>, vector<16xf32>, vector<16xf32>, vector<16xf32>, vector<16xf32>, vector<16xf32>, vector<16xf32>, vector<16xf32>, vector<16xf32>, vector<16xf32>, vector<16xf32>, vector<16xf32>, vector<16xf32>)  : i32 {
      %mul3A_910 = arith.constant 16 : i32
      %mul3A_911 = arith.muli %scan3A_893, %mul3A_910 : i32
      %get3A = arith.index_cast %mul3A_911 : i32 to index
      %get3A_912 = tpu.vector_load %arg5[%get3A] {strides = array<i32>} : memref<640xf32, #tpu.memory_space<vmem>>, vector<16xf32>,
      %get3A_913 = vector.shape_cast %get3A_912 : vector<16xf32> to vector<16xf32>
      %mul3A_914 = arith.constant 16 : i32
      %mul3A_915 = arith.muli %scan3A_893, %mul3A_914 : i32
      %get3A_916 = arith.constant 0 : i32
      %get3A_917 = arith.constant 0 : i32
      %get3A_918 = arith.index_cast %get3A_916 : i32 to index
      %get3A_919 = arith.index_cast %get3A_917 : i32 to index
      %get3A_920 = arith.index_cast %mul3A_915 : i32 to index
      %get3A_921 = tpu.vector_load %arg6[%get3A_918, %get3A_919, %get3A_920] {strides = array<i32>} : memref<2x16x640xf32, #tpu.memory_space<vmem>>, vector<1x1x16xf32>,
      %get3A_922 = vector.shape_cast %get3A_921 : vector<1x1x16xf32> to vector<16xf32>
      %mul3A_923 = arith.mulf %get3A_922, %get3A_913 : vector<16xf32>
      %add3A_924 = arith.addf %scan3A_894, %mul3A_923 : vector<16xf32>
      %mul3A_925 = arith.constant 16 : i32
      %mul3A_926 = arith.muli %scan3A_893, %mul3A_925 : i32
      %get3A_927 = arith.constant 0 : i32
      %get3A_928 = arith.constant 1 : i32
      %get3A_929 = arith.index_cast %get3A_927 : i32 to index
      %get3A_930 = arith.index_cast %get3A_928 : i32 to index
      %get3A_931 = arith.index_cast %mul3A_926 : i32 to index
      %get3A_932 = tpu.vector_load %arg6[%get3A_929, %get3A_930, %get3A_931] {strides = array<i32>} : memref<2x16x640xf32, #tpu.memory_space<vmem>>, vector<1x1x16xf32>,
      %get3A_933 = vector.shape_cast %get3A_932 : vector<1x1x16xf32> to vector<16xf32>
      %mul3A_934 = arith.mulf %get3A_933, %get3A_913 : vector<16xf32>
      %add3A_935 = arith.addf %scan3A_895, %mul3A_934 : vector<16xf32>
      %mul3A_936 = arith.constant 16 : i32
      %mul3A_937 = arith.muli %scan3A_893, %mul3A_936 : i32
      %get3A_938 = arith.constant 0 : i32
      %get3A_939 = arith.constant 2 : i32
      %get3A_940 = arith.index_cast %get3A_938 : i32 to index
      %get3A_941 = arith.index_cast %get3A_939 : i32 to index
      %get3A_942 = arith.index_cast %mul3A_937 : i32 to index
      %get3A_943 = tpu.vector_load %arg6[%get3A_940, %get3A_941, %get3A_942] {strides = array<i32>} : memref<2x16x640xf32, #tpu.memory_space<vmem>>, vector<1x1x16xf32>,
      %get3A_944 = vector.shape_cast %get3A_943 : vector<1x1x16xf32> to vector<16xf32>
      %mul3A_945 = arith.mulf %get3A_944, %get3A_913 : vector<16xf32>
      %add3A_946 = arith.addf %scan3A_896, %mul3A_945 : vector<16xf32>
      %mul3A_947 = arith.constant 16 : i32
      %mul3A_948 = arith.muli %scan3A_893, %mul3A_947 : i32
      %get3A_949 = arith.constant 0 : i32
      %get3A_950 = arith.constant 3 : i32
      %get3A_951 = arith.index_cast %get3A_949 : i32 to index
      %get3A_952 = arith.index_cast %get3A_950 : i32 to index
      %get3A_953 = arith.index_cast %mul3A_948 : i32 to index
      %get3A_954 = tpu.vector_load %arg6[%get3A_951, %get3A_952, %get3A_953] {strides = array<i32>} : memref<2x16x640xf32, #tpu.memory_space<vmem>>, vector<1x1x16xf32>,
      %get3A_955 = vector.shape_cast %get3A_954 : vector<1x1x16xf32> to vector<16xf32>
      %mul3A_956 = arith.mulf %get3A_955, %get3A_913 : vector<16xf32>
      %add3A_957 = arith.addf %scan3A_897, %mul3A_956 : vector<16xf32>
      %mul3A_958 = arith.constant 16 : i32
      %mul3A_959 = arith.muli %scan3A_893, %mul3A_958 : i32
      %get3A_960 = arith.constant 0 : i32
      %get3A_961 = arith.constant 4 : i32
      %get3A_962 = arith.index_cast %get3A_960 : i32 to index
      %get3A_963 = arith.index_cast %get3A_961 : i32 to index
      %get3A_964 = arith.index_cast %mul3A_959 : i32 to index
      %get3A_965 = tpu.vector_load %arg6[%get3A_962, %get3A_963, %get3A_964] {strides = array<i32>} : memref<2x16x640xf32, #tpu.memory_space<vmem>>, vector<1x1x16xf32>,
      %get3A_966 = vector.shape_cast %get3A_965 : vector<1x1x16xf32> to vector<16xf32>
      %mul3A_967 = arith.mulf %get3A_966, %get3A_913 : vector<16xf32>
      %add3A_968 = arith.addf %scan3A_898, %mul3A_967 : vector<16xf32>
      %mul3A_969 = arith.constant 16 : i32
      %mul3A_970 = arith.muli %scan3A_893, %mul3A_969 : i32
      %get3A_971 = arith.constant 0 : i32
      %get3A_972 = arith.constant 5 : i32
      %get3A_973 = arith.index_cast %get3A_971 : i32 to index
      %get3A_974 = arith.index_cast %get3A_972 : i32 to index
      %get3A_975 = arith.index_cast %mul3A_970 : i32 to index
      %get3A_976 = tpu.vector_load %arg6[%get3A_973, %get3A_974, %get3A_975] {strides = array<i32>} : memref<2x16x640xf32, #tpu.memory_space<vmem>>, vector<1x1x16xf32>,
      %get3A_977 = vector.shape_cast %get3A_976 : vector<1x1x16xf32> to vector<16xf32>
      %mul3A_978 = arith.mulf %get3A_977, %get3A_913 : vector<16xf32>
      %add3A_979 = arith.addf %scan3A_899, %mul3A_978 : vector<16xf32>
      %mul3A_980 = arith.constant 16 : i32
      %mul3A_981 = arith.muli %scan3A_893, %mul3A_980 : i32
      %get3A_982 = arith.constant 0 : i32
      %get3A_983 = arith.constant 6 : i32
      %get3A_984 = arith.index_cast %get3A_982 : i32 to index
      %get3A_985 = arith.index_cast %get3A_983 : i32 to index
      %get3A_986 = arith.index_cast %mul3A_981 : i32 to index
      %get3A_987 = tpu.vector_load %arg6[%get3A_984, %get3A_985, %get3A_986] {strides = array<i32>} : memref<2x16x640xf32, #tpu.memory_space<vmem>>, vector<1x1x16xf32>,
      %get3A_988 = vector.shape_cast %get3A_987 : vector<1x1x16xf32> to vector<16xf32>
      %mul3A_989 = arith.mulf %get3A_988, %get3A_913 : vector<16xf32>
      %add3A_990 = arith.addf %scan3A_900, %mul3A_989 : vector<16xf32>
      %mul3A_991 = arith.constant 16 : i32
      %mul3A_992 = arith.muli %scan3A_893, %mul3A_991 : i32
      %get3A_993 = arith.constant 0 : i32
      %get3A_994 = arith.constant 7 : i32
      %get3A_995 = arith.index_cast %get3A_993 : i32 to index
      %get3A_996 = arith.index_cast %get3A_994 : i32 to index
      %get3A_997 = arith.index_cast %mul3A_992 : i32 to index
      %get3A_998 = tpu.vector_load %arg6[%get3A_995, %get3A_996, %get3A_997] {strides = array<i32>} : memref<2x16x640xf32, #tpu.memory_space<vmem>>, vector<1x1x16xf32>,
      %get3A_999 = vector.shape_cast %get3A_998 : vector<1x1x16xf32> to vector<16xf32>
      %mul3A_1000 = arith.mulf %get3A_999, %get3A_913 : vector<16xf32>
      %add3A_1001 = arith.addf %scan3A_901, %mul3A_1000 : vector<16xf32>
      %mul3A_1002 = arith.constant 16 : i32
      %mul3A_1003 = arith.muli %scan3A_893, %mul3A_1002 : i32
      %get3A_1004 = arith.constant 0 : i32
      %get3A_1005 = arith.constant 8 : i32
      %get3A_1006 = arith.index_cast %get3A_1004 : i32 to index
      %get3A_1007 = arith.index_cast %get3A_1005 : i32 to index
      %get3A_1008 = arith.index_cast %mul3A_1003 : i32 to index
      %get3A_1009 = tpu.vector_load %arg6[%get3A_1006, %get3A_1007, %get3A_1008] {strides = array<i32>} : memref<2x16x640xf32, #tpu.memory_space<vmem>>, vector<1x1x16xf32>,
      %get3A_1010 = vector.shape_cast %get3A_1009 : vector<1x1x16xf32> to vector<16xf32>
      %mul3A_1011 = arith.mulf %get3A_1010, %get3A_913 : vector<16xf32>
      %add3A_1012 = arith.addf %scan3A_902, %mul3A_1011 : vector<16xf32>
      %mul3A_1013 = arith.constant 16 : i32
      %mul3A_1014 = arith.muli %scan3A_893, %mul3A_1013 : i32
      %get3A_1015 = arith.constant 0 : i32
      %get3A_1016 = arith.constant 9 : i32
      %get3A_1017 = arith.index_cast %get3A_1015 : i32 to index
      %get3A_1018 = arith.index_cast %get3A_1016 : i32 to index
      %get3A_1019 = arith.index_cast %mul3A_1014 : i32 to index
      %get3A_1020 = tpu.vector_load %arg6[%get3A_1017, %get3A_1018, %get3A_1019] {strides = array<i32>} : memref<2x16x640xf32, #tpu.memory_space<vmem>>, vector<1x1x16xf32>,
      %get3A_1021 = vector.shape_cast %get3A_1020 : vector<1x1x16xf32> to vector<16xf32>
      %mul3A_1022 = arith.mulf %get3A_1021, %get3A_913 : vector<16xf32>
      %add3A_1023 = arith.addf %scan3A_903, %mul3A_1022 : vector<16xf32>
      %mul3A_1024 = arith.constant 16 : i32
      %mul3A_1025 = arith.muli %scan3A_893, %mul3A_1024 : i32
      %get3A_1026 = arith.constant 0 : i32
      %get3A_1027 = arith.constant 10 : i32
      %get3A_1028 = arith.index_cast %get3A_1026 : i32 to index
      %get3A_1029 = arith.index_cast %get3A_1027 : i32 to index
      %get3A_1030 = arith.index_cast %mul3A_1025 : i32 to index
      %get3A_1031 = tpu.vector_load %arg6[%get3A_1028, %get3A_1029, %get3A_1030] {strides = array<i32>} : memref<2x16x640xf32, #tpu.memory_space<vmem>>, vector<1x1x16xf32>,
      %get3A_1032 = vector.shape_cast %get3A_1031 : vector<1x1x16xf32> to vector<16xf32>
      %mul3A_1033 = arith.mulf %get3A_1032, %get3A_913 : vector<16xf32>
      %add3A_1034 = arith.addf %scan3A_904, %mul3A_1033 : vector<16xf32>
      %mul3A_1035 = arith.constant 16 : i32
      %mul3A_1036 = arith.muli %scan3A_893, %mul3A_1035 : i32
      %get3A_1037 = arith.constant 0 : i32
      %get3A_1038 = arith.constant 11 : i32
      %get3A_1039 = arith.index_cast %get3A_1037 : i32 to index
      %get3A_1040 = arith.index_cast %get3A_1038 : i32 to index
      %get3A_1041 = arith.index_cast %mul3A_1036 : i32 to index
      %get3A_1042 = tpu.vector_load %arg6[%get3A_1039, %get3A_1040, %get3A_1041] {strides = array<i32>} : memref<2x16x640xf32, #tpu.memory_space<vmem>>, vector<1x1x16xf32>,
      %get3A_1043 = vector.shape_cast %get3A_1042 : vector<1x1x16xf32> to vector<16xf32>
      %mul3A_1044 = arith.mulf %get3A_1043, %get3A_913 : vector<16xf32>
      %add3A_1045 = arith.addf %scan3A_905, %mul3A_1044 : vector<16xf32>
      %mul3A_1046 = arith.constant 16 : i32
      %mul3A_1047 = arith.muli %scan3A_893, %mul3A_1046 : i32
      %get3A_1048 = arith.constant 0 : i32
      %get3A_1049 = arith.constant 12 : i32
      %get3A_1050 = arith.index_cast %get3A_1048 : i32 to index
      %get3A_1051 = arith.index_cast %get3A_1049 : i32 to index
      %get3A_1052 = arith.index_cast %mul3A_1047 : i32 to index
      %get3A_1053 = tpu.vector_load %arg6[%get3A_1050, %get3A_1051, %get3A_1052] {strides = array<i32>} : memref<2x16x640xf32, #tpu.memory_space<vmem>>, vector<1x1x16xf32>,
      %get3A_1054 = vector.shape_cast %get3A_1053 : vector<1x1x16xf32> to vector<16xf32>
      %mul3A_1055 = arith.mulf %get3A_1054, %get3A_913 : vector<16xf32>
      %add3A_1056 = arith.addf %scan3A_906, %mul3A_1055 : vector<16xf32>
      %mul3A_1057 = arith.constant 16 : i32
      %mul3A_1058 = arith.muli %scan3A_893, %mul3A_1057 : i32
      %get3A_1059 = arith.constant 0 : i32
      %get3A_1060 = arith.constant 13 : i32
      %get3A_1061 = arith.index_cast %get3A_1059 : i32 to index
      %get3A_1062 = arith.index_cast %get3A_1060 : i32 to index
      %get3A_1063 = arith.index_cast %mul3A_1058 : i32 to index
      %get3A_1064 = tpu.vector_load %arg6[%get3A_1061, %get3A_1062, %get3A_1063] {strides = array<i32>} : memref<2x16x640xf32, #tpu.memory_space<vmem>>, vector<1x1x16xf32>,
      %get3A_1065 = vector.shape_cast %get3A_1064 : vector<1x1x16xf32> to vector<16xf32>
      %mul3A_1066 = arith.mulf %get3A_1065, %get3A_913 : vector<16xf32>
      %add3A_1067 = arith.addf %scan3A_907, %mul3A_1066 : vector<16xf32>
      %mul3A_1068 = arith.constant 16 : i32
      %mul3A_1069 = arith.muli %scan3A_893, %mul3A_1068 : i32
      %get3A_1070 = arith.constant 0 : i32
      %get3A_1071 = arith.constant 14 : i32
      %get3A_1072 = arith.index_cast %get3A_1070 : i32 to index
      %get3A_1073 = arith.index_cast %get3A_1071 : i32 to index
      %get3A_1074 = arith.index_cast %mul3A_1069 : i32 to index
      %get3A_1075 = tpu.vector_load %arg6[%get3A_1072, %get3A_1073, %get3A_1074] {strides = array<i32>} : memref<2x16x640xf32, #tpu.memory_space<vmem>>, vector<1x1x16xf32>,
      %get3A_1076 = vector.shape_cast %get3A_1075 : vector<1x1x16xf32> to vector<16xf32>
      %mul3A_1077 = arith.mulf %get3A_1076, %get3A_913 : vector<16xf32>
      %add3A_1078 = arith.addf %scan3A_908, %mul3A_1077 : vector<16xf32>
      %mul3A_1079 = arith.constant 16 : i32
      %mul3A_1080 = arith.muli %scan3A_893, %mul3A_1079 : i32
      %get3A_1081 = arith.constant 0 : i32
      %get3A_1082 = arith.constant 15 : i32
      %get3A_1083 = arith.index_cast %get3A_1081 : i32 to index
      %get3A_1084 = arith.index_cast %get3A_1082 : i32 to index
      %get3A_1085 = arith.index_cast %mul3A_1080 : i32 to index
      %get3A_1086 = tpu.vector_load %arg6[%get3A_1083, %get3A_1084, %get3A_1085] {strides = array<i32>} : memref<2x16x640xf32, #tpu.memory_space<vmem>>, vector<1x1x16xf32>,
      %get3A_1087 = vector.shape_cast %get3A_1086 : vector<1x1x16xf32> to vector<16xf32>
      %mul3A_1088 = arith.mulf %get3A_1087, %get3A_913 : vector<16xf32>
      %add3A_1089 = arith.addf %scan3A_909, %mul3A_1088 : vector<16xf32>
      %scan3A_1090 = arith.constant 1 : i32
      %scan3A_1091 = arith.addi %scan3A_893, %scan3A_1090 : i32
      %mul3A_1092 = arith.constant 16 : i32
      %mul3A_1093 = arith.muli %scan3A_1091, %mul3A_1092 : i32
      %get3A_1094 = arith.index_cast %mul3A_1093 : i32 to index
      %get3A_1095 = tpu.vector_load %arg5[%get3A_1094] {strides = array<i32>} : memref<640xf32, #tpu.memory_space<vmem>>, vector<16xf32>,
      %get3A_1096 = vector.shape_cast %get3A_1095 : vector<16xf32> to vector<16xf32>
      %mul3A_1097 = arith.constant 16 : i32
      %mul3A_1098 = arith.muli %scan3A_1091, %mul3A_1097 : i32
      %get3A_1099 = arith.constant 0 : i32
      %get3A_1100 = arith.constant 0 : i32
      %get3A_1101 = arith.index_cast %get3A_1099 : i32 to index
      %get3A_1102 = arith.index_cast %get3A_1100 : i32 to index
      %get3A_1103 = arith.index_cast %mul3A_1098 : i32 to index
      %get3A_1104 = tpu.vector_load %arg6[%get3A_1101, %get3A_1102, %get3A_1103] {strides = array<i32>} : memref<2x16x640xf32, #tpu.memory_space<vmem>>, vector<1x1x16xf32>,
      %get3A_1105 = vector.shape_cast %get3A_1104 : vector<1x1x16xf32> to vector<16xf32>
      %mul3A_1106 = arith.mulf %get3A_1105, %get3A_1096 : vector<16xf32>
      %add3A_1107 = arith.addf %add3A_924, %mul3A_1106 : vector<16xf32>
      %mul3A_1108 = arith.constant 16 : i32
      %mul3A_1109 = arith.muli %scan3A_1091, %mul3A_1108 : i32
      %get3A_1110 = arith.constant 0 : i32
      %get3A_1111 = arith.constant 1 : i32
      %get3A_1112 = arith.index_cast %get3A_1110 : i32 to index
      %get3A_1113 = arith.index_cast %get3A_1111 : i32 to index
      %get3A_1114 = arith.index_cast %mul3A_1109 : i32 to index
      %get3A_1115 = tpu.vector_load %arg6[%get3A_1112, %get3A_1113, %get3A_1114] {strides = array<i32>} : memref<2x16x640xf32, #tpu.memory_space<vmem>>, vector<1x1x16xf32>,
      %get3A_1116 = vector.shape_cast %get3A_1115 : vector<1x1x16xf32> to vector<16xf32>
      %mul3A_1117 = arith.mulf %get3A_1116, %get3A_1096 : vector<16xf32>
      %add3A_1118 = arith.addf %add3A_935, %mul3A_1117 : vector<16xf32>
      %mul3A_1119 = arith.constant 16 : i32
      %mul3A_1120 = arith.muli %scan3A_1091, %mul3A_1119 : i32
      %get3A_1121 = arith.constant 0 : i32
      %get3A_1122 = arith.constant 2 : i32
      %get3A_1123 = arith.index_cast %get3A_1121 : i32 to index
      %get3A_1124 = arith.index_cast %get3A_1122 : i32 to index
      %get3A_1125 = arith.index_cast %mul3A_1120 : i32 to index
      %get3A_1126 = tpu.vector_load %arg6[%get3A_1123, %get3A_1124, %get3A_1125] {strides = array<i32>} : memref<2x16x640xf32, #tpu.memory_space<vmem>>, vector<1x1x16xf32>,
      %get3A_1127 = vector.shape_cast %get3A_1126 : vector<1x1x16xf32> to vector<16xf32>
      %mul3A_1128 = arith.mulf %get3A_1127, %get3A_1096 : vector<16xf32>
      %add3A_1129 = arith.addf %add3A_946, %mul3A_1128 : vector<16xf32>
      %mul3A_1130 = arith.constant 16 : i32
      %mul3A_1131 = arith.muli %scan3A_1091, %mul3A_1130 : i32
      %get3A_1132 = arith.constant 0 : i32
      %get3A_1133 = arith.constant 3 : i32
      %get3A_1134 = arith.index_cast %get3A_1132 : i32 to index
      %get3A_1135 = arith.index_cast %get3A_1133 : i32 to index
      %get3A_1136 = arith.index_cast %mul3A_1131 : i32 to index
      %get3A_1137 = tpu.vector_load %arg6[%get3A_1134, %get3A_1135, %get3A_1136] {strides = array<i32>} : memref<2x16x640xf32, #tpu.memory_space<vmem>>, vector<1x1x16xf32>,
      %get3A_1138 = vector.shape_cast %get3A_1137 : vector<1x1x16xf32> to vector<16xf32>
      %mul3A_1139 = arith.mulf %get3A_1138, %get3A_1096 : vector<16xf32>
      %add3A_1140 = arith.addf %add3A_957, %mul3A_1139 : vector<16xf32>
      %mul3A_1141 = arith.constant 16 : i32
      %mul3A_1142 = arith.muli %scan3A_1091, %mul3A_1141 : i32
      %get3A_1143 = arith.constant 0 : i32
      %get3A_1144 = arith.constant 4 : i32
      %get3A_1145 = arith.index_cast %get3A_1143 : i32 to index
      %get3A_1146 = arith.index_cast %get3A_1144 : i32 to index
      %get3A_1147 = arith.index_cast %mul3A_1142 : i32 to index
      %get3A_1148 = tpu.vector_load %arg6[%get3A_1145, %get3A_1146, %get3A_1147] {strides = array<i32>} : memref<2x16x640xf32, #tpu.memory_space<vmem>>, vector<1x1x16xf32>,
      %get3A_1149 = vector.shape_cast %get3A_1148 : vector<1x1x16xf32> to vector<16xf32>
      %mul3A_1150 = arith.mulf %get3A_1149, %get3A_1096 : vector<16xf32>
      %add3A_1151 = arith.addf %add3A_968, %mul3A_1150 : vector<16xf32>
      %mul3A_1152 = arith.constant 16 : i32
      %mul3A_1153 = arith.muli %scan3A_1091, %mul3A_1152 : i32
      %get3A_1154 = arith.constant 0 : i32
      %get3A_1155 = arith.constant 5 : i32
      %get3A_1156 = arith.index_cast %get3A_1154 : i32 to index
      %get3A_1157 = arith.index_cast %get3A_1155 : i32 to index
      %get3A_1158 = arith.index_cast %mul3A_1153 : i32 to index
      %get3A_1159 = tpu.vector_load %arg6[%get3A_1156, %get3A_1157, %get3A_1158] {strides = array<i32>} : memref<2x16x640xf32, #tpu.memory_space<vmem>>, vector<1x1x16xf32>,
      %get3A_1160 = vector.shape_cast %get3A_1159 : vector<1x1x16xf32> to vector<16xf32>
      %mul3A_1161 = arith.mulf %get3A_1160, %get3A_1096 : vector<16xf32>
      %add3A_1162 = arith.addf %add3A_979, %mul3A_1161 : vector<16xf32>
      %mul3A_1163 = arith.constant 16 : i32
      %mul3A_1164 = arith.muli %scan3A_1091, %mul3A_1163 : i32
      %get3A_1165 = arith.constant 0 : i32
      %get3A_1166 = arith.constant 6 : i32
      %get3A_1167 = arith.index_cast %get3A_1165 : i32 to index
      %get3A_1168 = arith.index_cast %get3A_1166 : i32 to index
      %get3A_1169 = arith.index_cast %mul3A_1164 : i32 to index
      %get3A_1170 = tpu.vector_load %arg6[%get3A_1167, %get3A_1168, %get3A_1169] {strides = array<i32>} : memref<2x16x640xf32, #tpu.memory_space<vmem>>, vector<1x1x16xf32>,
      %get3A_1171 = vector.shape_cast %get3A_1170 : vector<1x1x16xf32> to vector<16xf32>
      %mul3A_1172 = arith.mulf %get3A_1171, %get3A_1096 : vector<16xf32>
      %add3A_1173 = arith.addf %add3A_990, %mul3A_1172 : vector<16xf32>
      %mul3A_1174 = arith.constant 16 : i32
      %mul3A_1175 = arith.muli %scan3A_1091, %mul3A_1174 : i32
      %get3A_1176 = arith.constant 0 : i32
      %get3A_1177 = arith.constant 7 : i32
      %get3A_1178 = arith.index_cast %get3A_1176 : i32 to index
      %get3A_1179 = arith.index_cast %get3A_1177 : i32 to index
      %get3A_1180 = arith.index_cast %mul3A_1175 : i32 to index
      %get3A_1181 = tpu.vector_load %arg6[%get3A_1178, %get3A_1179, %get3A_1180] {strides = array<i32>} : memref<2x16x640xf32, #tpu.memory_space<vmem>>, vector<1x1x16xf32>,
      %get3A_1182 = vector.shape_cast %get3A_1181 : vector<1x1x16xf32> to vector<16xf32>
      %mul3A_1183 = arith.mulf %get3A_1182, %get3A_1096 : vector<16xf32>
      %add3A_1184 = arith.addf %add3A_1001, %mul3A_1183 : vector<16xf32>
      %mul3A_1185 = arith.constant 16 : i32
      %mul3A_1186 = arith.muli %scan3A_1091, %mul3A_1185 : i32
      %get3A_1187 = arith.constant 0 : i32
      %get3A_1188 = arith.constant 8 : i32
      %get3A_1189 = arith.index_cast %get3A_1187 : i32 to index
      %get3A_1190 = arith.index_cast %get3A_1188 : i32 to index
      %get3A_1191 = arith.index_cast %mul3A_1186 : i32 to index
      %get3A_1192 = tpu.vector_load %arg6[%get3A_1189, %get3A_1190, %get3A_1191] {strides = array<i32>} : memref<2x16x640xf32, #tpu.memory_space<vmem>>, vector<1x1x16xf32>,
      %get3A_1193 = vector.shape_cast %get3A_1192 : vector<1x1x16xf32> to vector<16xf32>
      %mul3A_1194 = arith.mulf %get3A_1193, %get3A_1096 : vector<16xf32>
      %add3A_1195 = arith.addf %add3A_1012, %mul3A_1194 : vector<16xf32>
      %mul3A_1196 = arith.constant 16 : i32
      %mul3A_1197 = arith.muli %scan3A_1091, %mul3A_1196 : i32
      %get3A_1198 = arith.constant 0 : i32
      %get3A_1199 = arith.constant 9 : i32
      %get3A_1200 = arith.index_cast %get3A_1198 : i32 to index
      %get3A_1201 = arith.index_cast %get3A_1199 : i32 to index
      %get3A_1202 = arith.index_cast %mul3A_1197 : i32 to index
      %get3A_1203 = tpu.vector_load %arg6[%get3A_1200, %get3A_1201, %get3A_1202] {strides = array<i32>} : memref<2x16x640xf32, #tpu.memory_space<vmem>>, vector<1x1x16xf32>,
      %get3A_1204 = vector.shape_cast %get3A_1203 : vector<1x1x16xf32> to vector<16xf32>
      %mul3A_1205 = arith.mulf %get3A_1204, %get3A_1096 : vector<16xf32>
      %add3A_1206 = arith.addf %add3A_1023, %mul3A_1205 : vector<16xf32>
      %mul3A_1207 = arith.constant 16 : i32
      %mul3A_1208 = arith.muli %scan3A_1091, %mul3A_1207 : i32
      %get3A_1209 = arith.constant 0 : i32
      %get3A_1210 = arith.constant 10 : i32
      %get3A_1211 = arith.index_cast %get3A_1209 : i32 to index
      %get3A_1212 = arith.index_cast %get3A_1210 : i32 to index
      %get3A_1213 = arith.index_cast %mul3A_1208 : i32 to index
      %get3A_1214 = tpu.vector_load %arg6[%get3A_1211, %get3A_1212, %get3A_1213] {strides = array<i32>} : memref<2x16x640xf32, #tpu.memory_space<vmem>>, vector<1x1x16xf32>,
      %get3A_1215 = vector.shape_cast %get3A_1214 : vector<1x1x16xf32> to vector<16xf32>
      %mul3A_1216 = arith.mulf %get3A_1215, %get3A_1096 : vector<16xf32>
      %add3A_1217 = arith.addf %add3A_1034, %mul3A_1216 : vector<16xf32>
      %mul3A_1218 = arith.constant 16 : i32
      %mul3A_1219 = arith.muli %scan3A_1091, %mul3A_1218 : i32
      %get3A_1220 = arith.constant 0 : i32
      %get3A_1221 = arith.constant 11 : i32
      %get3A_1222 = arith.index_cast %get3A_1220 : i32 to index
      %get3A_1223 = arith.index_cast %get3A_1221 : i32 to index
      %get3A_1224 = arith.index_cast %mul3A_1219 : i32 to index
      %get3A_1225 = tpu.vector_load %arg6[%get3A_1222, %get3A_1223, %get3A_1224] {strides = array<i32>} : memref<2x16x640xf32, #tpu.memory_space<vmem>>, vector<1x1x16xf32>,
      %get3A_1226 = vector.shape_cast %get3A_1225 : vector<1x1x16xf32> to vector<16xf32>
      %mul3A_1227 = arith.mulf %get3A_1226, %get3A_1096 : vector<16xf32>
      %add3A_1228 = arith.addf %add3A_1045, %mul3A_1227 : vector<16xf32>
      %mul3A_1229 = arith.constant 16 : i32
      %mul3A_1230 = arith.muli %scan3A_1091, %mul3A_1229 : i32
      %get3A_1231 = arith.constant 0 : i32
      %get3A_1232 = arith.constant 12 : i32
      %get3A_1233 = arith.index_cast %get3A_1231 : i32 to index
      %get3A_1234 = arith.index_cast %get3A_1232 : i32 to index
      %get3A_1235 = arith.index_cast %mul3A_1230 : i32 to index
      %get3A_1236 = tpu.vector_load %arg6[%get3A_1233, %get3A_1234, %get3A_1235] {strides = array<i32>} : memref<2x16x640xf32, #tpu.memory_space<vmem>>, vector<1x1x16xf32>,
      %get3A_1237 = vector.shape_cast %get3A_1236 : vector<1x1x16xf32> to vector<16xf32>
      %mul3A_1238 = arith.mulf %get3A_1237, %get3A_1096 : vector<16xf32>
      %add3A_1239 = arith.addf %add3A_1056, %mul3A_1238 : vector<16xf32>
      %mul3A_1240 = arith.constant 16 : i32
      %mul3A_1241 = arith.muli %scan3A_1091, %mul3A_1240 : i32
      %get3A_1242 = arith.constant 0 : i32
      %get3A_1243 = arith.constant 13 : i32
      %get3A_1244 = arith.index_cast %get3A_1242 : i32 to index
      %get3A_1245 = arith.index_cast %get3A_1243 : i32 to index
      %get3A_1246 = arith.index_cast %mul3A_1241 : i32 to index
      %get3A_1247 = tpu.vector_load %arg6[%get3A_1244, %get3A_1245, %get3A_1246] {strides = array<i32>} : memref<2x16x640xf32, #tpu.memory_space<vmem>>, vector<1x1x16xf32>,
      %get3A_1248 = vector.shape_cast %get3A_1247 : vector<1x1x16xf32> to vector<16xf32>
      %mul3A_1249 = arith.mulf %get3A_1248, %get3A_1096 : vector<16xf32>
      %add3A_1250 = arith.addf %add3A_1067, %mul3A_1249 : vector<16xf32>
      %mul3A_1251 = arith.constant 16 : i32
      %mul3A_1252 = arith.muli %scan3A_1091, %mul3A_1251 : i32
      %get3A_1253 = arith.constant 0 : i32
      %get3A_1254 = arith.constant 14 : i32
      %get3A_1255 = arith.index_cast %get3A_1253 : i32 to index
      %get3A_1256 = arith.index_cast %get3A_1254 : i32 to index
      %get3A_1257 = arith.index_cast %mul3A_1252 : i32 to index
      %get3A_1258 = tpu.vector_load %arg6[%get3A_1255, %get3A_1256, %get3A_1257] {strides = array<i32>} : memref<2x16x640xf32, #tpu.memory_space<vmem>>, vector<1x1x16xf32>,
      %get3A_1259 = vector.shape_cast %get3A_1258 : vector<1x1x16xf32> to vector<16xf32>
      %mul3A_1260 = arith.mulf %get3A_1259, %get3A_1096 : vector<16xf32>
      %add3A_1261 = arith.addf %add3A_1078, %mul3A_1260 : vector<16xf32>
      %mul3A_1262 = arith.constant 16 : i32
      %mul3A_1263 = arith.muli %scan3A_1091, %mul3A_1262 : i32
      %get3A_1264 = arith.constant 0 : i32
      %get3A_1265 = arith.constant 15 : i32
      %get3A_1266 = arith.index_cast %get3A_1264 : i32 to index
      %get3A_1267 = arith.index_cast %get3A_1265 : i32 to index
      %get3A_1268 = arith.index_cast %mul3A_1263 : i32 to index
      %get3A_1269 = tpu.vector_load %arg6[%get3A_1266, %get3A_1267, %get3A_1268] {strides = array<i32>} : memref<2x16x640xf32, #tpu.memory_space<vmem>>, vector<1x1x16xf32>,
      %get3A_1270 = vector.shape_cast %get3A_1269 : vector<1x1x16xf32> to vector<16xf32>
      %mul3A_1271 = arith.mulf %get3A_1270, %get3A_1096 : vector<16xf32>
      %add3A_1272 = arith.addf %add3A_1089, %mul3A_1271 : vector<16xf32>
      scf.yield %add3A_1107, %add3A_1118, %add3A_1129, %add3A_1140, %add3A_1151, %add3A_1162, %add3A_1173, %add3A_1184, %add3A_1195, %add3A_1206, %add3A_1217, %add3A_1228, %add3A_1239, %add3A_1250, %add3A_1261, %add3A_1272 : vector<16xf32>, vector<16xf32>, vector<16xf32>, vector<16xf32>, vector<16xf32>, vector<16xf32>, vector<16xf32>, vector<16xf32>, vector<16xf32>, vector<16xf32>, vector<16xf32>, vector<16xf32>, vector<16xf32>, vector<16xf32>, vector<16xf32>, vector<16xf32>
    }
    %scan3A_53 = arith.constant 40 : i32
    %swap3A = arith.constant 0 : i32
    %swap3A_54 = arith.index_cast %swap3A : i32 to index
    %swap3A_55 = arith.constant 0 : index
    %swap3A_56 = tpu.vector_load %arg7[%swap3A_54, %swap3A_55] {strides = array<i32>} : memref<100x128xf32, #tpu.memory_space<vmem>>, vector<1x16xf32>,
    %swap3A_57 = vector.shape_cast %swap3A_56 : vector<1x16xf32> to vector<16xf32>
    %swap3A_58 = vector.shape_cast %scan3A_52#0 : vector<16xf32> to vector<1x16xf32>
    tpu.vector_store %arg7[%swap3A_54, %swap3A_55], %swap3A_58 {strides = array<i32>} : memref<100x128xf32, #tpu.memory_space<vmem>>, vector<1x16xf32>,
    %swap3A_59 = arith.constant 1 : i32
    %swap3A_60 = arith.index_cast %swap3A_59 : i32 to index
    %swap3A_61 = arith.constant 0 : index
    %swap3A_62 = tpu.vector_load %arg7[%swap3A_60, %swap3A_61] {strides = array<i32>} : memref<100x128xf32, #tpu.memory_space<vmem>>, vector<1x16xf32>,
    %swap3A_63 = vector.shape_cast %swap3A_62 : vector<1x16xf32> to vector<16xf32>
    %swap3A_64 = vector.shape_cast %scan3A_52#1 : vector<16xf32> to vector<1x16xf32>
    tpu.vector_store %arg7[%swap3A_60, %swap3A_61], %swap3A_64 {strides = array<i32>} : memref<100x128xf32, #tpu.memory_space<vmem>>, vector<1x16xf32>,
    %swap3A_65 = arith.constant 2 : i32
    %swap3A_66 = arith.index_cast %swap3A_65 : i32 to index
    %swap3A_67 = arith.constant 0 : index
    %swap3A_68 = tpu.vector_load %arg7[%swap3A_66, %swap3A_67] {strides = array<i32>} : memref<100x128xf32, #tpu.memory_space<vmem>>, vector<1x16xf32>,
    %swap3A_69 = vector.shape_cast %swap3A_68 : vector<1x16xf32> to vector<16xf32>
    %swap3A_70 = vector.shape_cast %scan3A_52#2 : vector<16xf32> to vector<1x16xf32>
    tpu.vector_store %arg7[%swap3A_66, %swap3A_67], %swap3A_70 {strides = array<i32>} : memref<100x128xf32, #tpu.memory_space<vmem>>, vector<1x16xf32>,
    %swap3A_71 = arith.constant 3 : i32
    %swap3A_72 = arith.index_cast %swap3A_71 : i32 to index
    %swap3A_73 = arith.constant 0 : index
    %swap3A_74 = tpu.vector_load %arg7[%swap3A_72, %swap3A_73] {strides = array<i32>} : memref<100x128xf32, #tpu.memory_space<vmem>>, vector<1x16xf32>,
    %swap3A_75 = vector.shape_cast %swap3A_74 : vector<1x16xf32> to vector<16xf32>
    %swap3A_76 = vector.shape_cast %scan3A_52#3 : vector<16xf32> to vector<1x16xf32>
    tpu.vector_store %arg7[%swap3A_72, %swap3A_73], %swap3A_76 {strides = array<i32>} : memref<100x128xf32, #tpu.memory_space<vmem>>, vector<1x16xf32>,
    %swap3A_77 = arith.constant 4 : i32
    %swap3A_78 = arith.index_cast %swap3A_77 : i32 to index
    %swap3A_79 = arith.constant 0 : index
    %swap3A_80 = tpu.vector_load %arg7[%swap3A_78, %swap3A_79] {strides = array<i32>} : memref<100x128xf32, #tpu.memory_space<vmem>>, vector<1x16xf32>,
    %swap3A_81 = vector.shape_cast %swap3A_80 : vector<1x16xf32> to vector<16xf32>
    %swap3A_82 = vector.shape_cast %scan3A_52#4 : vector<16xf32> to vector<1x16xf32>
    tpu.vector_store %arg7[%swap3A_78, %swap3A_79], %swap3A_82 {strides = array<i32>} : memref<100x128xf32, #tpu.memory_space<vmem>>, vector<1x16xf32>,
    %swap3A_83 = arith.constant 5 : i32
    %swap3A_84 = arith.index_cast %swap3A_83 : i32 to index
    %swap3A_85 = arith.constant 0 : index
    %swap3A_86 = tpu.vector_load %arg7[%swap3A_84, %swap3A_85] {strides = array<i32>} : memref<100x128xf32, #tpu.memory_space<vmem>>, vector<1x16xf32>,
    %swap3A_87 = vector.shape_cast %swap3A_86 : vector<1x16xf32> to vector<16xf32>
    %swap3A_88 = vector.shape_cast %scan3A_52#5 : vector<16xf32> to vector<1x16xf32>
    tpu.vector_store %arg7[%swap3A_84, %swap3A_85], %swap3A_88 {strides = array<i32>} : memref<100x128xf32, #tpu.memory_space<vmem>>, vector<1x16xf32>,
    %swap3A_89 = arith.constant 6 : i32
    %swap3A_90 = arith.index_cast %swap3A_89 : i32 to index
    %swap3A_91 = arith.constant 0 : index
    %swap3A_92 = tpu.vector_load %arg7[%swap3A_90, %swap3A_91] {strides = array<i32>} : memref<100x128xf32, #tpu.memory_space<vmem>>, vector<1x16xf32>,
    %swap3A_93 = vector.shape_cast %swap3A_92 : vector<1x16xf32> to vector<16xf32>
    %swap3A_94 = vector.shape_cast %scan3A_52#6 : vector<16xf32> to vector<1x16xf32>
    tpu.vector_store %arg7[%swap3A_90, %swap3A_91], %swap3A_94 {strides = array<i32>} : memref<100x128xf32, #tpu.memory_space<vmem>>, vector<1x16xf32>,
    %swap3A_95 = arith.constant 7 : i32
    %swap3A_96 = arith.index_cast %swap3A_95 : i32 to index
    %swap3A_97 = arith.constant 0 : index
    %swap3A_98 = tpu.vector_load %arg7[%swap3A_96, %swap3A_97] {strides = array<i32>} : memref<100x128xf32, #tpu.memory_space<vmem>>, vector<1x16xf32>,
    %swap3A_99 = vector.shape_cast %swap3A_98 : vector<1x16xf32> to vector<16xf32>
    %swap3A_100 = vector.shape_cast %scan3A_52#7 : vector<16xf32> to vector<1x16xf32>
    tpu.vector_store %arg7[%swap3A_96, %swap3A_97], %swap3A_100 {strides = array<i32>} : memref<100x128xf32, #tpu.memory_space<vmem>>, vector<1x16xf32>,
    %swap3A_101 = arith.constant 8 : i32
    %swap3A_102 = arith.index_cast %swap3A_101 : i32 to index
    %swap3A_103 = arith.constant 0 : index
    %swap3A_104 = tpu.vector_load %arg7[%swap3A_102, %swap3A_103] {strides = array<i32>} : memref<100x128xf32, #tpu.memory_space<vmem>>, vector<1x16xf32>,
    %swap3A_105 = vector.shape_cast %swap3A_104 : vector<1x16xf32> to vector<16xf32>
    %swap3A_106 = vector.shape_cast %scan3A_52#8 : vector<16xf32> to vector<1x16xf32>
    tpu.vector_store %arg7[%swap3A_102, %swap3A_103], %swap3A_106 {strides = array<i32>} : memref<100x128xf32, #tpu.memory_space<vmem>>, vector<1x16xf32>,
    %swap3A_107 = arith.constant 9 : i32
    %swap3A_108 = arith.index_cast %swap3A_107 : i32 to index
    %swap3A_109 = arith.constant 0 : index
    %swap3A_110 = tpu.vector_load %arg7[%swap3A_108, %swap3A_109] {strides = array<i32>} : memref<100x128xf32, #tpu.memory_space<vmem>>, vector<1x16xf32>,
    %swap3A_111 = vector.shape_cast %swap3A_110 : vector<1x16xf32> to vector<16xf32>
    %swap3A_112 = vector.shape_cast %scan3A_52#9 : vector<16xf32> to vector<1x16xf32>
    tpu.vector_store %arg7[%swap3A_108, %swap3A_109], %swap3A_112 {strides = array<i32>} : memref<100x128xf32, #tpu.memory_space<vmem>>, vector<1x16xf32>,
    %swap3A_113 = arith.constant 10 : i32
    %swap3A_114 = arith.index_cast %swap3A_113 : i32 to index
    %swap3A_115 = arith.constant 0 : index
    %swap3A_116 = tpu.vector_load %arg7[%swap3A_114, %swap3A_115] {strides = array<i32>} : memref<100x128xf32, #tpu.memory_space<vmem>>, vector<1x16xf32>,
    %swap3A_117 = vector.shape_cast %swap3A_116 : vector<1x16xf32> to vector<16xf32>
    %swap3A_118 = vector.shape_cast %scan3A_52#10 : vector<16xf32> to vector<1x16xf32>
    tpu.vector_store %arg7[%swap3A_114, %swap3A_115], %swap3A_118 {strides = array<i32>} : memref<100x128xf32, #tpu.memory_space<vmem>>, vector<1x16xf32>,
    %swap3A_119 = arith.constant 11 : i32
    %swap3A_120 = arith.index_cast %swap3A_119 : i32 to index
    %swap3A_121 = arith.constant 0 : index
    %swap3A_122 = tpu.vector_load %arg7[%swap3A_120, %swap3A_121] {strides = array<i32>} : memref<100x128xf32, #tpu.memory_space<vmem>>, vector<1x16xf32>,
    %swap3A_123 = vector.shape_cast %swap3A_122 : vector<1x16xf32> to vector<16xf32>
    %swap3A_124 = vector.shape_cast %scan3A_52#11 : vector<16xf32> to vector<1x16xf32>
    tpu.vector_store %arg7[%swap3A_120, %swap3A_121], %swap3A_124 {strides = array<i32>} : memref<100x128xf32, #tpu.memory_space<vmem>>, vector<1x16xf32>,
    %swap3A_125 = arith.constant 12 : i32
    %swap3A_126 = arith.index_cast %swap3A_125 : i32 to index
    %swap3A_127 = arith.constant 0 : index
    %swap3A_128 = tpu.vector_load %arg7[%swap3A_126, %swap3A_127] {strides = array<i32>} : memref<100x128xf32, #tpu.memory_space<vmem>>, vector<1x16xf32>,
    %swap3A_129 = vector.shape_cast %swap3A_128 : vector<1x16xf32> to vector<16xf32>
    %swap3A_130 = vector.shape_cast %scan3A_52#12 : vector<16xf32> to vector<1x16xf32>
    tpu.vector_store %arg7[%swap3A_126, %swap3A_127], %swap3A_130 {strides = array<i32>} : memref<100x128xf32, #tpu.memory_space<vmem>>, vector<1x16xf32>,
    %swap3A_131 = arith.constant 13 : i32
    %swap3A_132 = arith.index_cast %swap3A_131 : i32 to index
    %swap3A_133 = arith.constant 0 : index
    %swap3A_134 = tpu.vector_load %arg7[%swap3A_132, %swap3A_133] {strides = array<i32>} : memref<100x128xf32, #tpu.memory_space<vmem>>, vector<1x16xf32>,
    %swap3A_135 = vector.shape_cast %swap3A_134 : vector<1x16xf32> to vector<16xf32>
    %swap3A_136 = vector.shape_cast %scan3A_52#13 : vector<16xf32> to vector<1x16xf32>
    tpu.vector_store %arg7[%swap3A_132, %swap3A_133], %swap3A_136 {strides = array<i32>} : memref<100x128xf32, #tpu.memory_space<vmem>>, vector<1x16xf32>,
    %swap3A_137 = arith.constant 14 : i32
    %swap3A_138 = arith.index_cast %swap3A_137 : i32 to index
    %swap3A_139 = arith.constant 0 : index
    %swap3A_140 = tpu.vector_load %arg7[%swap3A_138, %swap3A_139] {strides = array<i32>} : memref<100x128xf32, #tpu.memory_space<vmem>>, vector<1x16xf32>,
    %swap3A_141 = vector.shape_cast %swap3A_140 : vector<1x16xf32> to vector<16xf32>
    %swap3A_142 = vector.shape_cast %scan3A_52#14 : vector<16xf32> to vector<1x16xf32>
    tpu.vector_store %arg7[%swap3A_138, %swap3A_139], %swap3A_142 {strides = array<i32>} : memref<100x128xf32, #tpu.memory_space<vmem>>, vector<1x16xf32>,
    %swap3A_143 = arith.constant 15 : i32
    %swap3A_144 = arith.index_cast %swap3A_143 : i32 to index
    %swap3A_145 = arith.constant 0 : index
    %swap3A_146 = tpu.vector_load %arg7[%swap3A_144, %swap3A_145] {strides = array<i32>} : memref<100x128xf32, #tpu.memory_space<vmem>>, vector<1x16xf32>,
    %swap3A_147 = vector.shape_cast %swap3A_146 : vector<1x16xf32> to vector<16xf32>
    %swap3A_148 = vector.shape_cast %scan3A_52#15 : vector<16xf32> to vector<1x16xf32>
    tpu.vector_store %arg7[%swap3A_144, %swap3A_145], %swap3A_148 {strides = array<i32>} : memref<100x128xf32, #tpu.memory_space<vmem>>, vector<1x16xf32>,
    %dma_start3A_149 = arith.constant 0 : i32
    %dma_start3A_150 = arith.constant 0 : i32
    %dma_start3A_151 = arith.constant 0 : i32
    %dma_start3A_152 = tpu.memref_slice %arg6[%dma_start3A_149, %dma_start3A_150, %dma_start3A_151] : memref<2x16x640xf32, #tpu.memory_space<vmem>> -> memref<1x16x640xf32, #tpu.memory_space<vmem>>
    %dma_start3A_153 = tpu.memref_squeeze %dma_start3A_152 : memref<1x16x640xf32, #tpu.memory_space<vmem>> -> memref<16x640xf32, #tpu.memory_space<vmem>>
    %dma_start3A_154 = arith.constant 32 : i32
    %dma_start3A_155 = tpu.memref_slice %arg3[%dma_start3A_154, %add3A_4] : memref<100x1000000xf32, #tpu.memory_space<hbm>> -> memref<16x640xf32, #tpu.memory_space<hbm>>
    %dma_start3A_156 = arith.constant 0 : i32
    %dma_start3A_157 = arith.constant 0 : i32
    %dma_start3A_158 = tpu.memref_slice %arg6[%dma_start3A_149, %dma_start3A_156, %dma_start3A_157] : memref<2x16x640xf32, #tpu.memory_space<vmem>> -> memref<1x16x640xf32, #tpu.memory_space<vmem>>
    %dma_start3A_159 = tpu.memref_squeeze %dma_start3A_158 : memref<1x16x640xf32, #tpu.memory_space<vmem>> -> memref<16x640xf32, #tpu.memory_space<vmem>>
    %dma_start3A_160 = arith.constant 32 : i32
    %dma_start3A_161 = tpu.memref_slice %arg3[%dma_start3A_160, %add3A_4] : memref<100x1000000xf32, #tpu.memory_space<hbm>> -> memref<16x640xf32, #tpu.memory_space<hbm>>
    tpu.enqueue_dma source(%dma_start3A_161 : memref<16x640xf32, #tpu.memory_space<hbm>>) target(%dma_start3A_159 : memref<16x640xf32, #tpu.memory_space<vmem>>) target_semaphore(%arg10 : memref<!tpu.dma_semaphore, #tpu.memory_space<semaphore_mem>>)
    %dma_wait3A_162 = arith.constant 1 : i32
    %dma_wait3A_163 = arith.constant 0 : i32
    %dma_wait3A_164 = arith.constant 0 : i32
    %dma_wait3A_165 = tpu.memref_slice %arg6[%dma_wait3A_162, %dma_wait3A_163, %dma_wait3A_164] : memref<2x16x640xf32, #tpu.memory_space<vmem>> -> memref<1x16x640xf32, #tpu.memory_space<vmem>>
    %dma_wait3A_166 = tpu.memref_squeeze %dma_wait3A_165 : memref<1x16x640xf32, #tpu.memory_space<vmem>> -> memref<16x640xf32, #tpu.memory_space<vmem>>
    %dma_wait3A_167 = arith.constant 16 : i32
    %dma_wait3A_168 = tpu.memref_slice %arg3[%dma_wait3A_167, %add3A_4] : memref<100x1000000xf32, #tpu.memory_space<hbm>> -> memref<16x640xf32, #tpu.memory_space<hbm>>
    %dma_wait3A_169 = arith.constant 0 : i32
    %dma_wait3A_170 = arith.constant 0 : i32
    %dma_wait3A_171 = tpu.memref_slice %arg6[%dma_wait3A_162, %dma_wait3A_169, %dma_wait3A_170] : memref<2x16x640xf32, #tpu.memory_space<vmem>> -> memref<1x16x640xf32, #tpu.memory_space<vmem>>
    %dma_wait3A_172 = tpu.memref_squeeze %dma_wait3A_171 : memref<1x16x640xf32, #tpu.memory_space<vmem>> -> memref<16x640xf32, #tpu.memory_space<vmem>>
    %dma_wait3A_173 = arith.constant 16 : i32
    %dma_wait3A_174 = tpu.memref_slice %arg3[%dma_wait3A_173, %add3A_4] : memref<100x1000000xf32, #tpu.memory_space<hbm>> -> memref<16x640xf32, #tpu.memory_space<hbm>>
    tpu.wait_dma2 semaphore(%arg11 : memref<!tpu.dma_semaphore, #tpu.memory_space<semaphore_mem>>) src(%dma_wait3A_174 : memref<16x640xf32, #tpu.memory_space<hbm>>) dst(%dma_wait3A_172 : memref<16x640xf32, #tpu.memory_space<vmem>>)
    %scan3A_175 = arith.constant 0 : i32
    %scan3A_176 = arith.constant 40 : i32
    %scan3A_177 = arith.addi %scan3A_175, %scan3A_176 : i32
    %scan3A_178 = arith.constant 2 : i32
    %scan3A_179:16 = scf.for %scan3A_893 = %scan3A_175 to %scan3A_177 step %scan3A_178 iter_args(%scan3A_894 = %broadcast_in_dim3A_5, %scan3A_895 = %broadcast_in_dim3A_5, %scan3A_896 = %broadcast_in_dim3A_5, %scan3A_897 = %broadcast_in_dim3A_5, %scan3A_898 = %broadcast_in_dim3A_5, %scan3A_899 = %broadcast_in_dim3A_5, %scan3A_900 = %broadcast_in_dim3A_5, %scan3A_901 = %broadcast_in_dim3A_5, %scan3A_902 = %broadcast_in_dim3A_5, %scan3A_903 = %broadcast_in_dim3A_5, %scan3A_904 = %broadcast_in_dim3A_5, %scan3A_905 = %broadcast_in_dim3A_5, %scan3A_906 = %broadcast_in_dim3A_5, %scan3A_907 = %broadcast_in_dim3A_5, %scan3A_908 = %broadcast_in_dim3A_5, %scan3A_909 = %broadcast_in_dim3A_5) -> (vector<16xf32>, vector<16xf32>, vector<16xf32>, vector<16xf32>, vector<16xf32>, vector<16xf32>, vector<16xf32>, vector<16xf32>, vector<16xf32>, vector<16xf32>, vector<16xf32>, vector<16xf32>, vector<16xf32>, vector<16xf32>, vector<16xf32>, vector<16xf32>)  : i32 {
      %mul3A_910 = arith.constant 16 : i32
      %mul3A_911 = arith.muli %scan3A_893, %mul3A_910 : i32
      %get3A = arith.index_cast %mul3A_911 : i32 to index
      %get3A_912 = tpu.vector_load %arg5[%get3A] {strides = array<i32>} : memref<640xf32, #tpu.memory_space<vmem>>, vector<16xf32>,
      %get3A_913 = vector.shape_cast %get3A_912 : vector<16xf32> to vector<16xf32>
      %mul3A_914 = arith.constant 16 : i32
      %mul3A_915 = arith.muli %scan3A_893, %mul3A_914 : i32
      %get3A_916 = arith.constant 1 : i32
      %get3A_917 = arith.constant 0 : i32
      %get3A_918 = arith.index_cast %get3A_916 : i32 to index
      %get3A_919 = arith.index_cast %get3A_917 : i32 to index
      %get3A_920 = arith.index_cast %mul3A_915 : i32 to index
      %get3A_921 = tpu.vector_load %arg6[%get3A_918, %get3A_919, %get3A_920] {strides = array<i32>} : memref<2x16x640xf32, #tpu.memory_space<vmem>>, vector<1x1x16xf32>,
      %get3A_922 = vector.shape_cast %get3A_921 : vector<1x1x16xf32> to vector<16xf32>
      %mul3A_923 = arith.mulf %get3A_922, %get3A_913 : vector<16xf32>
      %add3A_924 = arith.addf %scan3A_894, %mul3A_923 : vector<16xf32>
      %mul3A_925 = arith.constant 16 : i32
      %mul3A_926 = arith.muli %scan3A_893, %mul3A_925 : i32
      %get3A_927 = arith.constant 1 : i32
      %get3A_928 = arith.constant 1 : i32
      %get3A_929 = arith.index_cast %get3A_927 : i32 to index
      %get3A_930 = arith.index_cast %get3A_928 : i32 to index
      %get3A_931 = arith.index_cast %mul3A_926 : i32 to index
      %get3A_932 = tpu.vector_load %arg6[%get3A_929, %get3A_930, %get3A_931] {strides = array<i32>} : memref<2x16x640xf32, #tpu.memory_space<vmem>>, vector<1x1x16xf32>,
      %get3A_933 = vector.shape_cast %get3A_932 : vector<1x1x16xf32> to vector<16xf32>
      %mul3A_934 = arith.mulf %get3A_933, %get3A_913 : vector<16xf32>
      %add3A_935 = arith.addf %scan3A_895, %mul3A_934 : vector<16xf32>
      %mul3A_936 = arith.constant 16 : i32
      %mul3A_937 = arith.muli %scan3A_893, %mul3A_936 : i32
      %get3A_938 = arith.constant 1 : i32
      %get3A_939 = arith.constant 2 : i32
      %get3A_940 = arith.index_cast %get3A_938 : i32 to index
      %get3A_941 = arith.index_cast %get3A_939 : i32 to index
      %get3A_942 = arith.index_cast %mul3A_937 : i32 to index
      %get3A_943 = tpu.vector_load %arg6[%get3A_940, %get3A_941, %get3A_942] {strides = array<i32>} : memref<2x16x640xf32, #tpu.memory_space<vmem>>, vector<1x1x16xf32>,
      %get3A_944 = vector.shape_cast %get3A_943 : vector<1x1x16xf32> to vector<16xf32>
      %mul3A_945 = arith.mulf %get3A_944, %get3A_913 : vector<16xf32>
      %add3A_946 = arith.addf %scan3A_896, %mul3A_945 : vector<16xf32>
      %mul3A_947 = arith.constant 16 : i32
      %mul3A_948 = arith.muli %scan3A_893, %mul3A_947 : i32
      %get3A_949 = arith.constant 1 : i32
      %get3A_950 = arith.constant 3 : i32
      %get3A_951 = arith.index_cast %get3A_949 : i32 to index
      %get3A_952 = arith.index_cast %get3A_950 : i32 to index
      %get3A_953 = arith.index_cast %mul3A_948 : i32 to index
      %get3A_954 = tpu.vector_load %arg6[%get3A_951, %get3A_952, %get3A_953] {strides = array<i32>} : memref<2x16x640xf32, #tpu.memory_space<vmem>>, vector<1x1x16xf32>,
      %get3A_955 = vector.shape_cast %get3A_954 : vector<1x1x16xf32> to vector<16xf32>
      %mul3A_956 = arith.mulf %get3A_955, %get3A_913 : vector<16xf32>
      %add3A_957 = arith.addf %scan3A_897, %mul3A_956 : vector<16xf32>
      %mul3A_958 = arith.constant 16 : i32
      %mul3A_959 = arith.muli %scan3A_893, %mul3A_958 : i32
      %get3A_960 = arith.constant 1 : i32
      %get3A_961 = arith.constant 4 : i32
      %get3A_962 = arith.index_cast %get3A_960 : i32 to index
      %get3A_963 = arith.index_cast %get3A_961 : i32 to index
      %get3A_964 = arith.index_cast %mul3A_959 : i32 to index
      %get3A_965 = tpu.vector_load %arg6[%get3A_962, %get3A_963, %get3A_964] {strides = array<i32>} : memref<2x16x640xf32, #tpu.memory_space<vmem>>, vector<1x1x16xf32>,
      %get3A_966 = vector.shape_cast %get3A_965 : vector<1x1x16xf32> to vector<16xf32>
      %mul3A_967 = arith.mulf %get3A_966, %get3A_913 : vector<16xf32>
      %add3A_968 = arith.addf %scan3A_898, %mul3A_967 : vector<16xf32>
      %mul3A_969 = arith.constant 16 : i32
      %mul3A_970 = arith.muli %scan3A_893, %mul3A_969 : i32
      %get3A_971 = arith.constant 1 : i32
      %get3A_972 = arith.constant 5 : i32
      %get3A_973 = arith.index_cast %get3A_971 : i32 to index
      %get3A_974 = arith.index_cast %get3A_972 : i32 to index
      %get3A_975 = arith.index_cast %mul3A_970 : i32 to index
      %get3A_976 = tpu.vector_load %arg6[%get3A_973, %get3A_974, %get3A_975] {strides = array<i32>} : memref<2x16x640xf32, #tpu.memory_space<vmem>>, vector<1x1x16xf32>,
      %get3A_977 = vector.shape_cast %get3A_976 : vector<1x1x16xf32> to vector<16xf32>
      %mul3A_978 = arith.mulf %get3A_977, %get3A_913 : vector<16xf32>
      %add3A_979 = arith.addf %scan3A_899, %mul3A_978 : vector<16xf32>
      %mul3A_980 = arith.constant 16 : i32
      %mul3A_981 = arith.muli %scan3A_893, %mul3A_980 : i32
      %get3A_982 = arith.constant 1 : i32
      %get3A_983 = arith.constant 6 : i32
      %get3A_984 = arith.index_cast %get3A_982 : i32 to index
      %get3A_985 = arith.index_cast %get3A_983 : i32 to index
      %get3A_986 = arith.index_cast %mul3A_981 : i32 to index
      %get3A_987 = tpu.vector_load %arg6[%get3A_984, %get3A_985, %get3A_986] {strides = array<i32>} : memref<2x16x640xf32, #tpu.memory_space<vmem>>, vector<1x1x16xf32>,
      %get3A_988 = vector.shape_cast %get3A_987 : vector<1x1x16xf32> to vector<16xf32>
      %mul3A_989 = arith.mulf %get3A_988, %get3A_913 : vector<16xf32>
      %add3A_990 = arith.addf %scan3A_900, %mul3A_989 : vector<16xf32>
      %mul3A_991 = arith.constant 16 : i32
      %mul3A_992 = arith.muli %scan3A_893, %mul3A_991 : i32
      %get3A_993 = arith.constant 1 : i32
      %get3A_994 = arith.constant 7 : i32
      %get3A_995 = arith.index_cast %get3A_993 : i32 to index
      %get3A_996 = arith.index_cast %get3A_994 : i32 to index
      %get3A_997 = arith.index_cast %mul3A_992 : i32 to index
      %get3A_998 = tpu.vector_load %arg6[%get3A_995, %get3A_996, %get3A_997] {strides = array<i32>} : memref<2x16x640xf32, #tpu.memory_space<vmem>>, vector<1x1x16xf32>,
      %get3A_999 = vector.shape_cast %get3A_998 : vector<1x1x16xf32> to vector<16xf32>
      %mul3A_1000 = arith.mulf %get3A_999, %get3A_913 : vector<16xf32>
      %add3A_1001 = arith.addf %scan3A_901, %mul3A_1000 : vector<16xf32>
      %mul3A_1002 = arith.constant 16 : i32
      %mul3A_1003 = arith.muli %scan3A_893, %mul3A_1002 : i32
      %get3A_1004 = arith.constant 1 : i32
      %get3A_1005 = arith.constant 8 : i32
      %get3A_1006 = arith.index_cast %get3A_1004 : i32 to index
      %get3A_1007 = arith.index_cast %get3A_1005 : i32 to index
      %get3A_1008 = arith.index_cast %mul3A_1003 : i32 to index
      %get3A_1009 = tpu.vector_load %arg6[%get3A_1006, %get3A_1007, %get3A_1008] {strides = array<i32>} : memref<2x16x640xf32, #tpu.memory_space<vmem>>, vector<1x1x16xf32>,
      %get3A_1010 = vector.shape_cast %get3A_1009 : vector<1x1x16xf32> to vector<16xf32>
      %mul3A_1011 = arith.mulf %get3A_1010, %get3A_913 : vector<16xf32>
      %add3A_1012 = arith.addf %scan3A_902, %mul3A_1011 : vector<16xf32>
      %mul3A_1013 = arith.constant 16 : i32
      %mul3A_1014 = arith.muli %scan3A_893, %mul3A_1013 : i32
      %get3A_1015 = arith.constant 1 : i32
      %get3A_1016 = arith.constant 9 : i32
      %get3A_1017 = arith.index_cast %get3A_1015 : i32 to index
      %get3A_1018 = arith.index_cast %get3A_1016 : i32 to index
      %get3A_1019 = arith.index_cast %mul3A_1014 : i32 to index
      %get3A_1020 = tpu.vector_load %arg6[%get3A_1017, %get3A_1018, %get3A_1019] {strides = array<i32>} : memref<2x16x640xf32, #tpu.memory_space<vmem>>, vector<1x1x16xf32>,
      %get3A_1021 = vector.shape_cast %get3A_1020 : vector<1x1x16xf32> to vector<16xf32>
      %mul3A_1022 = arith.mulf %get3A_1021, %get3A_913 : vector<16xf32>
      %add3A_1023 = arith.addf %scan3A_903, %mul3A_1022 : vector<16xf32>
      %mul3A_1024 = arith.constant 16 : i32
      %mul3A_1025 = arith.muli %scan3A_893, %mul3A_1024 : i32
      %get3A_1026 = arith.constant 1 : i32
      %get3A_1027 = arith.constant 10 : i32
      %get3A_1028 = arith.index_cast %get3A_1026 : i32 to index
      %get3A_1029 = arith.index_cast %get3A_1027 : i32 to index
      %get3A_1030 = arith.index_cast %mul3A_1025 : i32 to index
      %get3A_1031 = tpu.vector_load %arg6[%get3A_1028, %get3A_1029, %get3A_1030] {strides = array<i32>} : memref<2x16x640xf32, #tpu.memory_space<vmem>>, vector<1x1x16xf32>,
      %get3A_1032 = vector.shape_cast %get3A_1031 : vector<1x1x16xf32> to vector<16xf32>
      %mul3A_1033 = arith.mulf %get3A_1032, %get3A_913 : vector<16xf32>
      %add3A_1034 = arith.addf %scan3A_904, %mul3A_1033 : vector<16xf32>
      %mul3A_1035 = arith.constant 16 : i32
      %mul3A_1036 = arith.muli %scan3A_893, %mul3A_1035 : i32
      %get3A_1037 = arith.constant 1 : i32
      %get3A_1038 = arith.constant 11 : i32
      %get3A_1039 = arith.index_cast %get3A_1037 : i32 to index
      %get3A_1040 = arith.index_cast %get3A_1038 : i32 to index
      %get3A_1041 = arith.index_cast %mul3A_1036 : i32 to index
      %get3A_1042 = tpu.vector_load %arg6[%get3A_1039, %get3A_1040, %get3A_1041] {strides = array<i32>} : memref<2x16x640xf32, #tpu.memory_space<vmem>>, vector<1x1x16xf32>,
      %get3A_1043 = vector.shape_cast %get3A_1042 : vector<1x1x16xf32> to vector<16xf32>
      %mul3A_1044 = arith.mulf %get3A_1043, %get3A_913 : vector<16xf32>
      %add3A_1045 = arith.addf %scan3A_905, %mul3A_1044 : vector<16xf32>
      %mul3A_1046 = arith.constant 16 : i32
      %mul3A_1047 = arith.muli %scan3A_893, %mul3A_1046 : i32
      %get3A_1048 = arith.constant 1 : i32
      %get3A_1049 = arith.constant 12 : i32
      %get3A_1050 = arith.index_cast %get3A_1048 : i32 to index
      %get3A_1051 = arith.index_cast %get3A_1049 : i32 to index
      %get3A_1052 = arith.index_cast %mul3A_1047 : i32 to index
      %get3A_1053 = tpu.vector_load %arg6[%get3A_1050, %get3A_1051, %get3A_1052] {strides = array<i32>} : memref<2x16x640xf32, #tpu.memory_space<vmem>>, vector<1x1x16xf32>,
      %get3A_1054 = vector.shape_cast %get3A_1053 : vector<1x1x16xf32> to vector<16xf32>
      %mul3A_1055 = arith.mulf %get3A_1054, %get3A_913 : vector<16xf32>
      %add3A_1056 = arith.addf %scan3A_906, %mul3A_1055 : vector<16xf32>
      %mul3A_1057 = arith.constant 16 : i32
      %mul3A_1058 = arith.muli %scan3A_893, %mul3A_1057 : i32
      %get3A_1059 = arith.constant 1 : i32
      %get3A_1060 = arith.constant 13 : i32
      %get3A_1061 = arith.index_cast %get3A_1059 : i32 to index
      %get3A_1062 = arith.index_cast %get3A_1060 : i32 to index
      %get3A_1063 = arith.index_cast %mul3A_1058 : i32 to index
      %get3A_1064 = tpu.vector_load %arg6[%get3A_1061, %get3A_1062, %get3A_1063] {strides = array<i32>} : memref<2x16x640xf32, #tpu.memory_space<vmem>>, vector<1x1x16xf32>,
      %get3A_1065 = vector.shape_cast %get3A_1064 : vector<1x1x16xf32> to vector<16xf32>
      %mul3A_1066 = arith.mulf %get3A_1065, %get3A_913 : vector<16xf32>
      %add3A_1067 = arith.addf %scan3A_907, %mul3A_1066 : vector<16xf32>
      %mul3A_1068 = arith.constant 16 : i32
      %mul3A_1069 = arith.muli %scan3A_893, %mul3A_1068 : i32
      %get3A_1070 = arith.constant 1 : i32
      %get3A_1071 = arith.constant 14 : i32
      %get3A_1072 = arith.index_cast %get3A_1070 : i32 to index
      %get3A_1073 = arith.index_cast %get3A_1071 : i32 to index
      %get3A_1074 = arith.index_cast %mul3A_1069 : i32 to index
      %get3A_1075 = tpu.vector_load %arg6[%get3A_1072, %get3A_1073, %get3A_1074] {strides = array<i32>} : memref<2x16x640xf32, #tpu.memory_space<vmem>>, vector<1x1x16xf32>,
      %get3A_1076 = vector.shape_cast %get3A_1075 : vector<1x1x16xf32> to vector<16xf32>
      %mul3A_1077 = arith.mulf %get3A_1076, %get3A_913 : vector<16xf32>
      %add3A_1078 = arith.addf %scan3A_908, %mul3A_1077 : vector<16xf32>
      %mul3A_1079 = arith.constant 16 : i32
      %mul3A_1080 = arith.muli %scan3A_893, %mul3A_1079 : i32
      %get3A_1081 = arith.constant 1 : i32
      %get3A_1082 = arith.constant 15 : i32
      %get3A_1083 = arith.index_cast %get3A_1081 : i32 to index
      %get3A_1084 = arith.index_cast %get3A_1082 : i32 to index
      %get3A_1085 = arith.index_cast %mul3A_1080 : i32 to index
      %get3A_1086 = tpu.vector_load %arg6[%get3A_1083, %get3A_1084, %get3A_1085] {strides = array<i32>} : memref<2x16x640xf32, #tpu.memory_space<vmem>>, vector<1x1x16xf32>,
      %get3A_1087 = vector.shape_cast %get3A_1086 : vector<1x1x16xf32> to vector<16xf32>
      %mul3A_1088 = arith.mulf %get3A_1087, %get3A_913 : vector<16xf32>
      %add3A_1089 = arith.addf %scan3A_909, %mul3A_1088 : vector<16xf32>
      %scan3A_1090 = arith.constant 1 : i32
      %scan3A_1091 = arith.addi %scan3A_893, %scan3A_1090 : i32
      %mul3A_1092 = arith.constant 16 : i32
      %mul3A_1093 = arith.muli %scan3A_1091, %mul3A_1092 : i32
      %get3A_1094 = arith.index_cast %mul3A_1093 : i32 to index
      %get3A_1095 = tpu.vector_load %arg5[%get3A_1094] {strides = array<i32>} : memref<640xf32, #tpu.memory_space<vmem>>, vector<16xf32>,
      %get3A_1096 = vector.shape_cast %get3A_1095 : vector<16xf32> to vector<16xf32>
      %mul3A_1097 = arith.constant 16 : i32
      %mul3A_1098 = arith.muli %scan3A_1091, %mul3A_1097 : i32
      %get3A_1099 = arith.constant 1 : i32
      %get3A_1100 = arith.constant 0 : i32
      %get3A_1101 = arith.index_cast %get3A_1099 : i32 to index
      %get3A_1102 = arith.index_cast %get3A_1100 : i32 to index
      %get3A_1103 = arith.index_cast %mul3A_1098 : i32 to index
      %get3A_1104 = tpu.vector_load %arg6[%get3A_1101, %get3A_1102, %get3A_1103] {strides = array<i32>} : memref<2x16x640xf32, #tpu.memory_space<vmem>>, vector<1x1x16xf32>,
      %get3A_1105 = vector.shape_cast %get3A_1104 : vector<1x1x16xf32> to vector<16xf32>
      %mul3A_1106 = arith.mulf %get3A_1105, %get3A_1096 : vector<16xf32>
      %add3A_1107 = arith.addf %add3A_924, %mul3A_1106 : vector<16xf32>
      %mul3A_1108 = arith.constant 16 : i32
      %mul3A_1109 = arith.muli %scan3A_1091, %mul3A_1108 : i32
      %get3A_1110 = arith.constant 1 : i32
      %get3A_1111 = arith.constant 1 : i32
      %get3A_1112 = arith.index_cast %get3A_1110 : i32 to index
      %get3A_1113 = arith.index_cast %get3A_1111 : i32 to index
      %get3A_1114 = arith.index_cast %mul3A_1109 : i32 to index
      %get3A_1115 = tpu.vector_load %arg6[%get3A_1112, %get3A_1113, %get3A_1114] {strides = array<i32>} : memref<2x16x640xf32, #tpu.memory_space<vmem>>, vector<1x1x16xf32>,
      %get3A_1116 = vector.shape_cast %get3A_1115 : vector<1x1x16xf32> to vector<16xf32>
      %mul3A_1117 = arith.mulf %get3A_1116, %get3A_1096 : vector<16xf32>
      %add3A_1118 = arith.addf %add3A_935, %mul3A_1117 : vector<16xf32>
      %mul3A_1119 = arith.constant 16 : i32
      %mul3A_1120 = arith.muli %scan3A_1091, %mul3A_1119 : i32
      %get3A_1121 = arith.constant 1 : i32
      %get3A_1122 = arith.constant 2 : i32
      %get3A_1123 = arith.index_cast %get3A_1121 : i32 to index
      %get3A_1124 = arith.index_cast %get3A_1122 : i32 to index
      %get3A_1125 = arith.index_cast %mul3A_1120 : i32 to index
      %get3A_1126 = tpu.vector_load %arg6[%get3A_1123, %get3A_1124, %get3A_1125] {strides = array<i32>} : memref<2x16x640xf32, #tpu.memory_space<vmem>>, vector<1x1x16xf32>,
      %get3A_1127 = vector.shape_cast %get3A_1126 : vector<1x1x16xf32> to vector<16xf32>
      %mul3A_1128 = arith.mulf %get3A_1127, %get3A_1096 : vector<16xf32>
      %add3A_1129 = arith.addf %add3A_946, %mul3A_1128 : vector<16xf32>
      %mul3A_1130 = arith.constant 16 : i32
      %mul3A_1131 = arith.muli %scan3A_1091, %mul3A_1130 : i32
      %get3A_1132 = arith.constant 1 : i32
      %get3A_1133 = arith.constant 3 : i32
      %get3A_1134 = arith.index_cast %get3A_1132 : i32 to index
      %get3A_1135 = arith.index_cast %get3A_1133 : i32 to index
      %get3A_1136 = arith.index_cast %mul3A_1131 : i32 to index
      %get3A_1137 = tpu.vector_load %arg6[%get3A_1134, %get3A_1135, %get3A_1136] {strides = array<i32>} : memref<2x16x640xf32, #tpu.memory_space<vmem>>, vector<1x1x16xf32>,
      %get3A_1138 = vector.shape_cast %get3A_1137 : vector<1x1x16xf32> to vector<16xf32>
      %mul3A_1139 = arith.mulf %get3A_1138, %get3A_1096 : vector<16xf32>
      %add3A_1140 = arith.addf %add3A_957, %mul3A_1139 : vector<16xf32>
      %mul3A_1141 = arith.constant 16 : i32
      %mul3A_1142 = arith.muli %scan3A_1091, %mul3A_1141 : i32
      %get3A_1143 = arith.constant 1 : i32
      %get3A_1144 = arith.constant 4 : i32
      %get3A_1145 = arith.index_cast %get3A_1143 : i32 to index
      %get3A_1146 = arith.index_cast %get3A_1144 : i32 to index
      %get3A_1147 = arith.index_cast %mul3A_1142 : i32 to index
      %get3A_1148 = tpu.vector_load %arg6[%get3A_1145, %get3A_1146, %get3A_1147] {strides = array<i32>} : memref<2x16x640xf32, #tpu.memory_space<vmem>>, vector<1x1x16xf32>,
      %get3A_1149 = vector.shape_cast %get3A_1148 : vector<1x1x16xf32> to vector<16xf32>
      %mul3A_1150 = arith.mulf %get3A_1149, %get3A_1096 : vector<16xf32>
      %add3A_1151 = arith.addf %add3A_968, %mul3A_1150 : vector<16xf32>
      %mul3A_1152 = arith.constant 16 : i32
      %mul3A_1153 = arith.muli %scan3A_1091, %mul3A_1152 : i32
      %get3A_1154 = arith.constant 1 : i32
      %get3A_1155 = arith.constant 5 : i32
      %get3A_1156 = arith.index_cast %get3A_1154 : i32 to index
      %get3A_1157 = arith.index_cast %get3A_1155 : i32 to index
      %get3A_1158 = arith.index_cast %mul3A_1153 : i32 to index
      %get3A_1159 = tpu.vector_load %arg6[%get3A_1156, %get3A_1157, %get3A_1158] {strides = array<i32>} : memref<2x16x640xf32, #tpu.memory_space<vmem>>, vector<1x1x16xf32>,
      %get3A_1160 = vector.shape_cast %get3A_1159 : vector<1x1x16xf32> to vector<16xf32>
      %mul3A_1161 = arith.mulf %get3A_1160, %get3A_1096 : vector<16xf32>
      %add3A_1162 = arith.addf %add3A_979, %mul3A_1161 : vector<16xf32>
      %mul3A_1163 = arith.constant 16 : i32
      %mul3A_1164 = arith.muli %scan3A_1091, %mul3A_1163 : i32
      %get3A_1165 = arith.constant 1 : i32
      %get3A_1166 = arith.constant 6 : i32
      %get3A_1167 = arith.index_cast %get3A_1165 : i32 to index
      %get3A_1168 = arith.index_cast %get3A_1166 : i32 to index
      %get3A_1169 = arith.index_cast %mul3A_1164 : i32 to index
      %get3A_1170 = tpu.vector_load %arg6[%get3A_1167, %get3A_1168, %get3A_1169] {strides = array<i32>} : memref<2x16x640xf32, #tpu.memory_space<vmem>>, vector<1x1x16xf32>,
      %get3A_1171 = vector.shape_cast %get3A_1170 : vector<1x1x16xf32> to vector<16xf32>
      %mul3A_1172 = arith.mulf %get3A_1171, %get3A_1096 : vector<16xf32>
      %add3A_1173 = arith.addf %add3A_990, %mul3A_1172 : vector<16xf32>
      %mul3A_1174 = arith.constant 16 : i32
      %mul3A_1175 = arith.muli %scan3A_1091, %mul3A_1174 : i32
      %get3A_1176 = arith.constant 1 : i32
      %get3A_1177 = arith.constant 7 : i32
      %get3A_1178 = arith.index_cast %get3A_1176 : i32 to index
      %get3A_1179 = arith.index_cast %get3A_1177 : i32 to index
      %get3A_1180 = arith.index_cast %mul3A_1175 : i32 to index
      %get3A_1181 = tpu.vector_load %arg6[%get3A_1178, %get3A_1179, %get3A_1180] {strides = array<i32>} : memref<2x16x640xf32, #tpu.memory_space<vmem>>, vector<1x1x16xf32>,
      %get3A_1182 = vector.shape_cast %get3A_1181 : vector<1x1x16xf32> to vector<16xf32>
      %mul3A_1183 = arith.mulf %get3A_1182, %get3A_1096 : vector<16xf32>
      %add3A_1184 = arith.addf %add3A_1001, %mul3A_1183 : vector<16xf32>
      %mul3A_1185 = arith.constant 16 : i32
      %mul3A_1186 = arith.muli %scan3A_1091, %mul3A_1185 : i32
      %get3A_1187 = arith.constant 1 : i32
      %get3A_1188 = arith.constant 8 : i32
      %get3A_1189 = arith.index_cast %get3A_1187 : i32 to index
      %get3A_1190 = arith.index_cast %get3A_1188 : i32 to index
      %get3A_1191 = arith.index_cast %mul3A_1186 : i32 to index
      %get3A_1192 = tpu.vector_load %arg6[%get3A_1189, %get3A_1190, %get3A_1191] {strides = array<i32>} : memref<2x16x640xf32, #tpu.memory_space<vmem>>, vector<1x1x16xf32>,
      %get3A_1193 = vector.shape_cast %get3A_1192 : vector<1x1x16xf32> to vector<16xf32>
      %mul3A_1194 = arith.mulf %get3A_1193, %get3A_1096 : vector<16xf32>
      %add3A_1195 = arith.addf %add3A_1012, %mul3A_1194 : vector<16xf32>
      %mul3A_1196 = arith.constant 16 : i32
      %mul3A_1197 = arith.muli %scan3A_1091, %mul3A_1196 : i32
      %get3A_1198 = arith.constant 1 : i32
      %get3A_1199 = arith.constant 9 : i32
      %get3A_1200 = arith.index_cast %get3A_1198 : i32 to index
      %get3A_1201 = arith.index_cast %get3A_1199 : i32 to index
      %get3A_1202 = arith.index_cast %mul3A_1197 : i32 to index
      %get3A_1203 = tpu.vector_load %arg6[%get3A_1200, %get3A_1201, %get3A_1202] {strides = array<i32>} : memref<2x16x640xf32, #tpu.memory_space<vmem>>, vector<1x1x16xf32>,
      %get3A_1204 = vector.shape_cast %get3A_1203 : vector<1x1x16xf32> to vector<16xf32>
      %mul3A_1205 = arith.mulf %get3A_1204, %get3A_1096 : vector<16xf32>
      %add3A_1206 = arith.addf %add3A_1023, %mul3A_1205 : vector<16xf32>
      %mul3A_1207 = arith.constant 16 : i32
      %mul3A_1208 = arith.muli %scan3A_1091, %mul3A_1207 : i32
      %get3A_1209 = arith.constant 1 : i32
      %get3A_1210 = arith.constant 10 : i32
      %get3A_1211 = arith.index_cast %get3A_1209 : i32 to index
      %get3A_1212 = arith.index_cast %get3A_1210 : i32 to index
      %get3A_1213 = arith.index_cast %mul3A_1208 : i32 to index
      %get3A_1214 = tpu.vector_load %arg6[%get3A_1211, %get3A_1212, %get3A_1213] {strides = array<i32>} : memref<2x16x640xf32, #tpu.memory_space<vmem>>, vector<1x1x16xf32>,
      %get3A_1215 = vector.shape_cast %get3A_1214 : vector<1x1x16xf32> to vector<16xf32>
      %mul3A_1216 = arith.mulf %get3A_1215, %get3A_1096 : vector<16xf32>
      %add3A_1217 = arith.addf %add3A_1034, %mul3A_1216 : vector<16xf32>
      %mul3A_1218 = arith.constant 16 : i32
      %mul3A_1219 = arith.muli %scan3A_1091, %mul3A_1218 : i32
      %get3A_1220 = arith.constant 1 : i32
      %get3A_1221 = arith.constant 11 : i32
      %get3A_1222 = arith.index_cast %get3A_1220 : i32 to index
      %get3A_1223 = arith.index_cast %get3A_1221 : i32 to index
      %get3A_1224 = arith.index_cast %mul3A_1219 : i32 to index
      %get3A_1225 = tpu.vector_load %arg6[%get3A_1222, %get3A_1223, %get3A_1224] {strides = array<i32>} : memref<2x16x640xf32, #tpu.memory_space<vmem>>, vector<1x1x16xf32>,
      %get3A_1226 = vector.shape_cast %get3A_1225 : vector<1x1x16xf32> to vector<16xf32>
      %mul3A_1227 = arith.mulf %get3A_1226, %get3A_1096 : vector<16xf32>
      %add3A_1228 = arith.addf %add3A_1045, %mul3A_1227 : vector<16xf32>
      %mul3A_1229 = arith.constant 16 : i32
      %mul3A_1230 = arith.muli %scan3A_1091, %mul3A_1229 : i32
      %get3A_1231 = arith.constant 1 : i32
      %get3A_1232 = arith.constant 12 : i32
      %get3A_1233 = arith.index_cast %get3A_1231 : i32 to index
      %get3A_1234 = arith.index_cast %get3A_1232 : i32 to index
      %get3A_1235 = arith.index_cast %mul3A_1230 : i32 to index
      %get3A_1236 = tpu.vector_load %arg6[%get3A_1233, %get3A_1234, %get3A_1235] {strides = array<i32>} : memref<2x16x640xf32, #tpu.memory_space<vmem>>, vector<1x1x16xf32>,
      %get3A_1237 = vector.shape_cast %get3A_1236 : vector<1x1x16xf32> to vector<16xf32>
      %mul3A_1238 = arith.mulf %get3A_1237, %get3A_1096 : vector<16xf32>
      %add3A_1239 = arith.addf %add3A_1056, %mul3A_1238 : vector<16xf32>
      %mul3A_1240 = arith.constant 16 : i32
      %mul3A_1241 = arith.muli %scan3A_1091, %mul3A_1240 : i32
      %get3A_1242 = arith.constant 1 : i32
      %get3A_1243 = arith.constant 13 : i32
      %get3A_1244 = arith.index_cast %get3A_1242 : i32 to index
      %get3A_1245 = arith.index_cast %get3A_1243 : i32 to index
      %get3A_1246 = arith.index_cast %mul3A_1241 : i32 to index
      %get3A_1247 = tpu.vector_load %arg6[%get3A_1244, %get3A_1245, %get3A_1246] {strides = array<i32>} : memref<2x16x640xf32, #tpu.memory_space<vmem>>, vector<1x1x16xf32>,
      %get3A_1248 = vector.shape_cast %get3A_1247 : vector<1x1x16xf32> to vector<16xf32>
      %mul3A_1249 = arith.mulf %get3A_1248, %get3A_1096 : vector<16xf32>
      %add3A_1250 = arith.addf %add3A_1067, %mul3A_1249 : vector<16xf32>
      %mul3A_1251 = arith.constant 16 : i32
      %mul3A_1252 = arith.muli %scan3A_1091, %mul3A_1251 : i32
      %get3A_1253 = arith.constant 1 : i32
      %get3A_1254 = arith.constant 14 : i32
      %get3A_1255 = arith.index_cast %get3A_1253 : i32 to index
      %get3A_1256 = arith.index_cast %get3A_1254 : i32 to index
      %get3A_1257 = arith.index_cast %mul3A_1252 : i32 to index
      %get3A_1258 = tpu.vector_load %arg6[%get3A_1255, %get3A_1256, %get3A_1257] {strides = array<i32>} : memref<2x16x640xf32, #tpu.memory_space<vmem>>, vector<1x1x16xf32>,
      %get3A_1259 = vector.shape_cast %get3A_1258 : vector<1x1x16xf32> to vector<16xf32>
      %mul3A_1260 = arith.mulf %get3A_1259, %get3A_1096 : vector<16xf32>
      %add3A_1261 = arith.addf %add3A_1078, %mul3A_1260 : vector<16xf32>
      %mul3A_1262 = arith.constant 16 : i32
      %mul3A_1263 = arith.muli %scan3A_1091, %mul3A_1262 : i32
      %get3A_1264 = arith.constant 1 : i32
      %get3A_1265 = arith.constant 15 : i32
      %get3A_1266 = arith.index_cast %get3A_1264 : i32 to index
      %get3A_1267 = arith.index_cast %get3A_1265 : i32 to index
      %get3A_1268 = arith.index_cast %mul3A_1263 : i32 to index
      %get3A_1269 = tpu.vector_load %arg6[%get3A_1266, %get3A_1267, %get3A_1268] {strides = array<i32>} : memref<2x16x640xf32, #tpu.memory_space<vmem>>, vector<1x1x16xf32>,
      %get3A_1270 = vector.shape_cast %get3A_1269 : vector<1x1x16xf32> to vector<16xf32>
      %mul3A_1271 = arith.mulf %get3A_1270, %get3A_1096 : vector<16xf32>
      %add3A_1272 = arith.addf %add3A_1089, %mul3A_1271 : vector<16xf32>
      scf.yield %add3A_1107, %add3A_1118, %add3A_1129, %add3A_1140, %add3A_1151, %add3A_1162, %add3A_1173, %add3A_1184, %add3A_1195, %add3A_1206, %add3A_1217, %add3A_1228, %add3A_1239, %add3A_1250, %add3A_1261, %add3A_1272 : vector<16xf32>, vector<16xf32>, vector<16xf32>, vector<16xf32>, vector<16xf32>, vector<16xf32>, vector<16xf32>, vector<16xf32>, vector<16xf32>, vector<16xf32>, vector<16xf32>, vector<16xf32>, vector<16xf32>, vector<16xf32>, vector<16xf32>, vector<16xf32>
    }
    %scan3A_180 = arith.constant 40 : i32
    %swap3A_181 = arith.constant 16 : i32
    %swap3A_182 = arith.index_cast %swap3A_181 : i32 to index
    %swap3A_183 = arith.constant 0 : index
    %swap3A_184 = tpu.vector_load %arg7[%swap3A_182, %swap3A_183] {strides = array<i32>} : memref<100x128xf32, #tpu.memory_space<vmem>>, vector<1x16xf32>,
    %swap3A_185 = vector.shape_cast %swap3A_184 : vector<1x16xf32> to vector<16xf32>
    %swap3A_186 = vector.shape_cast %scan3A_179#0 : vector<16xf32> to vector<1x16xf32>
    tpu.vector_store %arg7[%swap3A_182, %swap3A_183], %swap3A_186 {strides = array<i32>} : memref<100x128xf32, #tpu.memory_space<vmem>>, vector<1x16xf32>,
    %swap3A_187 = arith.constant 17 : i32
    %swap3A_188 = arith.index_cast %swap3A_187 : i32 to index
    %swap3A_189 = arith.constant 0 : index
    %swap3A_190 = tpu.vector_load %arg7[%swap3A_188, %swap3A_189] {strides = array<i32>} : memref<100x128xf32, #tpu.memory_space<vmem>>, vector<1x16xf32>,
    %swap3A_191 = vector.shape_cast %swap3A_190 : vector<1x16xf32> to vector<16xf32>
    %swap3A_192 = vector.shape_cast %scan3A_179#1 : vector<16xf32> to vector<1x16xf32>
    tpu.vector_store %arg7[%swap3A_188, %swap3A_189], %swap3A_192 {strides = array<i32>} : memref<100x128xf32, #tpu.memory_space<vmem>>, vector<1x16xf32>,
    %swap3A_193 = arith.constant 18 : i32
    %swap3A_194 = arith.index_cast %swap3A_193 : i32 to index
    %swap3A_195 = arith.constant 0 : index
    %swap3A_196 = tpu.vector_load %arg7[%swap3A_194, %swap3A_195] {strides = array<i32>} : memref<100x128xf32, #tpu.memory_space<vmem>>, vector<1x16xf32>,
    %swap3A_197 = vector.shape_cast %swap3A_196 : vector<1x16xf32> to vector<16xf32>
    %swap3A_198 = vector.shape_cast %scan3A_179#2 : vector<16xf32> to vector<1x16xf32>
    tpu.vector_store %arg7[%swap3A_194, %swap3A_195], %swap3A_198 {strides = array<i32>} : memref<100x128xf32, #tpu.memory_space<vmem>>, vector<1x16xf32>,
    %swap3A_199 = arith.constant 19 : i32
    %swap3A_200 = arith.index_cast %swap3A_199 : i32 to index
    %swap3A_201 = arith.constant 0 : index
    %swap3A_202 = tpu.vector_load %arg7[%swap3A_200, %swap3A_201] {strides = array<i32>} : memref<100x128xf32, #tpu.memory_space<vmem>>, vector<1x16xf32>,
    %swap3A_203 = vector.shape_cast %swap3A_202 : vector<1x16xf32> to vector<16xf32>
    %swap3A_204 = vector.shape_cast %scan3A_179#3 : vector<16xf32> to vector<1x16xf32>
    tpu.vector_store %arg7[%swap3A_200, %swap3A_201], %swap3A_204 {strides = array<i32>} : memref<100x128xf32, #tpu.memory_space<vmem>>, vector<1x16xf32>,
    %swap3A_205 = arith.constant 20 : i32
    %swap3A_206 = arith.index_cast %swap3A_205 : i32 to index
    %swap3A_207 = arith.constant 0 : index
    %swap3A_208 = tpu.vector_load %arg7[%swap3A_206, %swap3A_207] {strides = array<i32>} : memref<100x128xf32, #tpu.memory_space<vmem>>, vector<1x16xf32>,
    %swap3A_209 = vector.shape_cast %swap3A_208 : vector<1x16xf32> to vector<16xf32>
    %swap3A_210 = vector.shape_cast %scan3A_179#4 : vector<16xf32> to vector<1x16xf32>
    tpu.vector_store %arg7[%swap3A_206, %swap3A_207], %swap3A_210 {strides = array<i32>} : memref<100x128xf32, #tpu.memory_space<vmem>>, vector<1x16xf32>,
    %swap3A_211 = arith.constant 21 : i32
    %swap3A_212 = arith.index_cast %swap3A_211 : i32 to index
    %swap3A_213 = arith.constant 0 : index
    %swap3A_214 = tpu.vector_load %arg7[%swap3A_212, %swap3A_213] {strides = array<i32>} : memref<100x128xf32, #tpu.memory_space<vmem>>, vector<1x16xf32>,
    %swap3A_215 = vector.shape_cast %swap3A_214 : vector<1x16xf32> to vector<16xf32>
    %swap3A_216 = vector.shape_cast %scan3A_179#5 : vector<16xf32> to vector<1x16xf32>
    tpu.vector_store %arg7[%swap3A_212, %swap3A_213], %swap3A_216 {strides = array<i32>} : memref<100x128xf32, #tpu.memory_space<vmem>>, vector<1x16xf32>,
    %swap3A_217 = arith.constant 22 : i32
    %swap3A_218 = arith.index_cast %swap3A_217 : i32 to index
    %swap3A_219 = arith.constant 0 : index
    %swap3A_220 = tpu.vector_load %arg7[%swap3A_218, %swap3A_219] {strides = array<i32>} : memref<100x128xf32, #tpu.memory_space<vmem>>, vector<1x16xf32>,
    %swap3A_221 = vector.shape_cast %swap3A_220 : vector<1x16xf32> to vector<16xf32>
    %swap3A_222 = vector.shape_cast %scan3A_179#6 : vector<16xf32> to vector<1x16xf32>
    tpu.vector_store %arg7[%swap3A_218, %swap3A_219], %swap3A_222 {strides = array<i32>} : memref<100x128xf32, #tpu.memory_space<vmem>>, vector<1x16xf32>,
    %swap3A_223 = arith.constant 23 : i32
    %swap3A_224 = arith.index_cast %swap3A_223 : i32 to index
    %swap3A_225 = arith.constant 0 : index
    %swap3A_226 = tpu.vector_load %arg7[%swap3A_224, %swap3A_225] {strides = array<i32>} : memref<100x128xf32, #tpu.memory_space<vmem>>, vector<1x16xf32>,
    %swap3A_227 = vector.shape_cast %swap3A_226 : vector<1x16xf32> to vector<16xf32>
    %swap3A_228 = vector.shape_cast %scan3A_179#7 : vector<16xf32> to vector<1x16xf32>
    tpu.vector_store %arg7[%swap3A_224, %swap3A_225], %swap3A_228 {strides = array<i32>} : memref<100x128xf32, #tpu.memory_space<vmem>>, vector<1x16xf32>,
    %swap3A_229 = arith.constant 24 : i32
    %swap3A_230 = arith.index_cast %swap3A_229 : i32 to index
    %swap3A_231 = arith.constant 0 : index
    %swap3A_232 = tpu.vector_load %arg7[%swap3A_230, %swap3A_231] {strides = array<i32>} : memref<100x128xf32, #tpu.memory_space<vmem>>, vector<1x16xf32>,
    %swap3A_233 = vector.shape_cast %swap3A_232 : vector<1x16xf32> to vector<16xf32>
    %swap3A_234 = vector.shape_cast %scan3A_179#8 : vector<16xf32> to vector<1x16xf32>
    tpu.vector_store %arg7[%swap3A_230, %swap3A_231], %swap3A_234 {strides = array<i32>} : memref<100x128xf32, #tpu.memory_space<vmem>>, vector<1x16xf32>,
    %swap3A_235 = arith.constant 25 : i32
    %swap3A_236 = arith.index_cast %swap3A_235 : i32 to index
    %swap3A_237 = arith.constant 0 : index
    %swap3A_238 = tpu.vector_load %arg7[%swap3A_236, %swap3A_237] {strides = array<i32>} : memref<100x128xf32, #tpu.memory_space<vmem>>, vector<1x16xf32>,
    %swap3A_239 = vector.shape_cast %swap3A_238 : vector<1x16xf32> to vector<16xf32>
    %swap3A_240 = vector.shape_cast %scan3A_179#9 : vector<16xf32> to vector<1x16xf32>
    tpu.vector_store %arg7[%swap3A_236, %swap3A_237], %swap3A_240 {strides = array<i32>} : memref<100x128xf32, #tpu.memory_space<vmem>>, vector<1x16xf32>,
    %swap3A_241 = arith.constant 26 : i32
    %swap3A_242 = arith.index_cast %swap3A_241 : i32 to index
    %swap3A_243 = arith.constant 0 : index
    %swap3A_244 = tpu.vector_load %arg7[%swap3A_242, %swap3A_243] {strides = array<i32>} : memref<100x128xf32, #tpu.memory_space<vmem>>, vector<1x16xf32>,
    %swap3A_245 = vector.shape_cast %swap3A_244 : vector<1x16xf32> to vector<16xf32>
    %swap3A_246 = vector.shape_cast %scan3A_179#10 : vector<16xf32> to vector<1x16xf32>
    tpu.vector_store %arg7[%swap3A_242, %swap3A_243], %swap3A_246 {strides = array<i32>} : memref<100x128xf32, #tpu.memory_space<vmem>>, vector<1x16xf32>,
    %swap3A_247 = arith.constant 27 : i32
    %swap3A_248 = arith.index_cast %swap3A_247 : i32 to index
    %swap3A_249 = arith.constant 0 : index
    %swap3A_250 = tpu.vector_load %arg7[%swap3A_248, %swap3A_249] {strides = array<i32>} : memref<100x128xf32, #tpu.memory_space<vmem>>, vector<1x16xf32>,
    %swap3A_251 = vector.shape_cast %swap3A_250 : vector<1x16xf32> to vector<16xf32>
    %swap3A_252 = vector.shape_cast %scan3A_179#11 : vector<16xf32> to vector<1x16xf32>
    tpu.vector_store %arg7[%swap3A_248, %swap3A_249], %swap3A_252 {strides = array<i32>} : memref<100x128xf32, #tpu.memory_space<vmem>>, vector<1x16xf32>,
    %swap3A_253 = arith.constant 28 : i32
    %swap3A_254 = arith.index_cast %swap3A_253 : i32 to index
    %swap3A_255 = arith.constant 0 : index
    %swap3A_256 = tpu.vector_load %arg7[%swap3A_254, %swap3A_255] {strides = array<i32>} : memref<100x128xf32, #tpu.memory_space<vmem>>, vector<1x16xf32>,
    %swap3A_257 = vector.shape_cast %swap3A_256 : vector<1x16xf32> to vector<16xf32>
    %swap3A_258 = vector.shape_cast %scan3A_179#12 : vector<16xf32> to vector<1x16xf32>
    tpu.vector_store %arg7[%swap3A_254, %swap3A_255], %swap3A_258 {strides = array<i32>} : memref<100x128xf32, #tpu.memory_space<vmem>>, vector<1x16xf32>,
    %swap3A_259 = arith.constant 29 : i32
    %swap3A_260 = arith.index_cast %swap3A_259 : i32 to index
    %swap3A_261 = arith.constant 0 : index
    %swap3A_262 = tpu.vector_load %arg7[%swap3A_260, %swap3A_261] {strides = array<i32>} : memref<100x128xf32, #tpu.memory_space<vmem>>, vector<1x16xf32>,
    %swap3A_263 = vector.shape_cast %swap3A_262 : vector<1x16xf32> to vector<16xf32>
    %swap3A_264 = vector.shape_cast %scan3A_179#13 : vector<16xf32> to vector<1x16xf32>
    tpu.vector_store %arg7[%swap3A_260, %swap3A_261], %swap3A_264 {strides = array<i32>} : memref<100x128xf32, #tpu.memory_space<vmem>>, vector<1x16xf32>,
    %swap3A_265 = arith.constant 30 : i32
    %swap3A_266 = arith.index_cast %swap3A_265 : i32 to index
    %swap3A_267 = arith.constant 0 : index
    %swap3A_268 = tpu.vector_load %arg7[%swap3A_266, %swap3A_267] {strides = array<i32>} : memref<100x128xf32, #tpu.memory_space<vmem>>, vector<1x16xf32>,
    %swap3A_269 = vector.shape_cast %swap3A_268 : vector<1x16xf32> to vector<16xf32>
    %swap3A_270 = vector.shape_cast %scan3A_179#14 : vector<16xf32> to vector<1x16xf32>
    tpu.vector_store %arg7[%swap3A_266, %swap3A_267], %swap3A_270 {strides = array<i32>} : memref<100x128xf32, #tpu.memory_space<vmem>>, vector<1x16xf32>,
    %swap3A_271 = arith.constant 31 : i32
    %swap3A_272 = arith.index_cast %swap3A_271 : i32 to index
    %swap3A_273 = arith.constant 0 : index
    %swap3A_274 = tpu.vector_load %arg7[%swap3A_272, %swap3A_273] {strides = array<i32>} : memref<100x128xf32, #tpu.memory_space<vmem>>, vector<1x16xf32>,
    %swap3A_275 = vector.shape_cast %swap3A_274 : vector<1x16xf32> to vector<16xf32>
    %swap3A_276 = vector.shape_cast %scan3A_179#15 : vector<16xf32> to vector<1x16xf32>
    tpu.vector_store %arg7[%swap3A_272, %swap3A_273], %swap3A_276 {strides = array<i32>} : memref<100x128xf32, #tpu.memory_space<vmem>>, vector<1x16xf32>,
    %dma_start3A_277 = arith.constant 1 : i32
    %dma_start3A_278 = arith.constant 0 : i32
    %dma_start3A_279 = arith.constant 0 : i32
    %dma_start3A_280 = tpu.memref_slice %arg6[%dma_start3A_277, %dma_start3A_278, %dma_start3A_279] : memref<2x16x640xf32, #tpu.memory_space<vmem>> -> memref<1x16x640xf32, #tpu.memory_space<vmem>>
    %dma_start3A_281 = tpu.memref_squeeze %dma_start3A_280 : memref<1x16x640xf32, #tpu.memory_space<vmem>> -> memref<16x640xf32, #tpu.memory_space<vmem>>
    %dma_start3A_282 = arith.constant 48 : i32
    %dma_start3A_283 = tpu.memref_slice %arg3[%dma_start3A_282, %add3A_4] : memref<100x1000000xf32, #tpu.memory_space<hbm>> -> memref<16x640xf32, #tpu.memory_space<hbm>>
    %dma_start3A_284 = arith.constant 0 : i32
    %dma_start3A_285 = arith.constant 0 : i32
    %dma_start3A_286 = tpu.memref_slice %arg6[%dma_start3A_277, %dma_start3A_284, %dma_start3A_285] : memref<2x16x640xf32, #tpu.memory_space<vmem>> -> memref<1x16x640xf32, #tpu.memory_space<vmem>>
    %dma_start3A_287 = tpu.memref_squeeze %dma_start3A_286 : memref<1x16x640xf32, #tpu.memory_space<vmem>> -> memref<16x640xf32, #tpu.memory_space<vmem>>
    %dma_start3A_288 = arith.constant 48 : i32
    %dma_start3A_289 = tpu.memref_slice %arg3[%dma_start3A_288, %add3A_4] : memref<100x1000000xf32, #tpu.memory_space<hbm>> -> memref<16x640xf32, #tpu.memory_space<hbm>>
    tpu.enqueue_dma source(%dma_start3A_289 : memref<16x640xf32, #tpu.memory_space<hbm>>) target(%dma_start3A_287 : memref<16x640xf32, #tpu.memory_space<vmem>>) target_semaphore(%arg11 : memref<!tpu.dma_semaphore, #tpu.memory_space<semaphore_mem>>)
    %dma_wait3A_290 = arith.constant 0 : i32
    %dma_wait3A_291 = arith.constant 0 : i32
    %dma_wait3A_292 = arith.constant 0 : i32
    %dma_wait3A_293 = tpu.memref_slice %arg6[%dma_wait3A_290, %dma_wait3A_291, %dma_wait3A_292] : memref<2x16x640xf32, #tpu.memory_space<vmem>> -> memref<1x16x640xf32, #tpu.memory_space<vmem>>
    %dma_wait3A_294 = tpu.memref_squeeze %dma_wait3A_293 : memref<1x16x640xf32, #tpu.memory_space<vmem>> -> memref<16x640xf32, #tpu.memory_space<vmem>>
    %dma_wait3A_295 = arith.constant 32 : i32
    %dma_wait3A_296 = tpu.memref_slice %arg3[%dma_wait3A_295, %add3A_4] : memref<100x1000000xf32, #tpu.memory_space<hbm>> -> memref<16x640xf32, #tpu.memory_space<hbm>>
    %dma_wait3A_297 = arith.constant 0 : i32
    %dma_wait3A_298 = arith.constant 0 : i32
    %dma_wait3A_299 = tpu.memref_slice %arg6[%dma_wait3A_290, %dma_wait3A_297, %dma_wait3A_298] : memref<2x16x640xf32, #tpu.memory_space<vmem>> -> memref<1x16x640xf32, #tpu.memory_space<vmem>>
    %dma_wait3A_300 = tpu.memref_squeeze %dma_wait3A_299 : memref<1x16x640xf32, #tpu.memory_space<vmem>> -> memref<16x640xf32, #tpu.memory_space<vmem>>
    %dma_wait3A_301 = arith.constant 32 : i32
    %dma_wait3A_302 = tpu.memref_slice %arg3[%dma_wait3A_301, %add3A_4] : memref<100x1000000xf32, #tpu.memory_space<hbm>> -> memref<16x640xf32, #tpu.memory_space<hbm>>
    tpu.wait_dma2 semaphore(%arg10 : memref<!tpu.dma_semaphore, #tpu.memory_space<semaphore_mem>>) src(%dma_wait3A_302 : memref<16x640xf32, #tpu.memory_space<hbm>>) dst(%dma_wait3A_300 : memref<16x640xf32, #tpu.memory_space<vmem>>)
    %scan3A_303 = arith.constant 0 : i32
    %scan3A_304 = arith.constant 40 : i32
    %scan3A_305 = arith.addi %scan3A_303, %scan3A_304 : i32
    %scan3A_306 = arith.constant 2 : i32
    %scan3A_307:16 = scf.for %scan3A_893 = %scan3A_303 to %scan3A_305 step %scan3A_306 iter_args(%scan3A_894 = %broadcast_in_dim3A_5, %scan3A_895 = %broadcast_in_dim3A_5, %scan3A_896 = %broadcast_in_dim3A_5, %scan3A_897 = %broadcast_in_dim3A_5, %scan3A_898 = %broadcast_in_dim3A_5, %scan3A_899 = %broadcast_in_dim3A_5, %scan3A_900 = %broadcast_in_dim3A_5, %scan3A_901 = %broadcast_in_dim3A_5, %scan3A_902 = %broadcast_in_dim3A_5, %scan3A_903 = %broadcast_in_dim3A_5, %scan3A_904 = %broadcast_in_dim3A_5, %scan3A_905 = %broadcast_in_dim3A_5, %scan3A_906 = %broadcast_in_dim3A_5, %scan3A_907 = %broadcast_in_dim3A_5, %scan3A_908 = %broadcast_in_dim3A_5, %scan3A_909 = %broadcast_in_dim3A_5) -> (vector<16xf32>, vector<16xf32>, vector<16xf32>, vector<16xf32>, vector<16xf32>, vector<16xf32>, vector<16xf32>, vector<16xf32>, vector<16xf32>, vector<16xf32>, vector<16xf32>, vector<16xf32>, vector<16xf32>, vector<16xf32>, vector<16xf32>, vector<16xf32>)  : i32 {
      %mul3A_910 = arith.constant 16 : i32
      %mul3A_911 = arith.muli %scan3A_893, %mul3A_910 : i32
      %get3A = arith.index_cast %mul3A_911 : i32 to index
      %get3A_912 = tpu.vector_load %arg5[%get3A] {strides = array<i32>} : memref<640xf32, #tpu.memory_space<vmem>>, vector<16xf32>,
      %get3A_913 = vector.shape_cast %get3A_912 : vector<16xf32> to vector<16xf32>
      %mul3A_914 = arith.constant 16 : i32
      %mul3A_915 = arith.muli %scan3A_893, %mul3A_914 : i32
      %get3A_916 = arith.constant 0 : i32
      %get3A_917 = arith.constant 0 : i32
      %get3A_918 = arith.index_cast %get3A_916 : i32 to index
      %get3A_919 = arith.index_cast %get3A_917 : i32 to index
      %get3A_920 = arith.index_cast %mul3A_915 : i32 to index
      %get3A_921 = tpu.vector_load %arg6[%get3A_918, %get3A_919, %get3A_920] {strides = array<i32>} : memref<2x16x640xf32, #tpu.memory_space<vmem>>, vector<1x1x16xf32>,
      %get3A_922 = vector.shape_cast %get3A_921 : vector<1x1x16xf32> to vector<16xf32>
      %mul3A_923 = arith.mulf %get3A_922, %get3A_913 : vector<16xf32>
      %add3A_924 = arith.addf %scan3A_894, %mul3A_923 : vector<16xf32>
      %mul3A_925 = arith.constant 16 : i32
      %mul3A_926 = arith.muli %scan3A_893, %mul3A_925 : i32
      %get3A_927 = arith.constant 0 : i32
      %get3A_928 = arith.constant 1 : i32
      %get3A_929 = arith.index_cast %get3A_927 : i32 to index
      %get3A_930 = arith.index_cast %get3A_928 : i32 to index
      %get3A_931 = arith.index_cast %mul3A_926 : i32 to index
      %get3A_932 = tpu.vector_load %arg6[%get3A_929, %get3A_930, %get3A_931] {strides = array<i32>} : memref<2x16x640xf32, #tpu.memory_space<vmem>>, vector<1x1x16xf32>,
      %get3A_933 = vector.shape_cast %get3A_932 : vector<1x1x16xf32> to vector<16xf32>
      %mul3A_934 = arith.mulf %get3A_933, %get3A_913 : vector<16xf32>
      %add3A_935 = arith.addf %scan3A_895, %mul3A_934 : vector<16xf32>
      %mul3A_936 = arith.constant 16 : i32
      %mul3A_937 = arith.muli %scan3A_893, %mul3A_936 : i32
      %get3A_938 = arith.constant 0 : i32
      %get3A_939 = arith.constant 2 : i32
      %get3A_940 = arith.index_cast %get3A_938 : i32 to index
      %get3A_941 = arith.index_cast %get3A_939 : i32 to index
      %get3A_942 = arith.index_cast %mul3A_937 : i32 to index
      %get3A_943 = tpu.vector_load %arg6[%get3A_940, %get3A_941, %get3A_942] {strides = array<i32>} : memref<2x16x640xf32, #tpu.memory_space<vmem>>, vector<1x1x16xf32>,
      %get3A_944 = vector.shape_cast %get3A_943 : vector<1x1x16xf32> to vector<16xf32>
      %mul3A_945 = arith.mulf %get3A_944, %get3A_913 : vector<16xf32>
      %add3A_946 = arith.addf %scan3A_896, %mul3A_945 : vector<16xf32>
      %mul3A_947 = arith.constant 16 : i32
      %mul3A_948 = arith.muli %scan3A_893, %mul3A_947 : i32
      %get3A_949 = arith.constant 0 : i32
      %get3A_950 = arith.constant 3 : i32
      %get3A_951 = arith.index_cast %get3A_949 : i32 to index
      %get3A_952 = arith.index_cast %get3A_950 : i32 to index
      %get3A_953 = arith.index_cast %mul3A_948 : i32 to index
      %get3A_954 = tpu.vector_load %arg6[%get3A_951, %get3A_952, %get3A_953] {strides = array<i32>} : memref<2x16x640xf32, #tpu.memory_space<vmem>>, vector<1x1x16xf32>,
      %get3A_955 = vector.shape_cast %get3A_954 : vector<1x1x16xf32> to vector<16xf32>
      %mul3A_956 = arith.mulf %get3A_955, %get3A_913 : vector<16xf32>
      %add3A_957 = arith.addf %scan3A_897, %mul3A_956 : vector<16xf32>
      %mul3A_958 = arith.constant 16 : i32
      %mul3A_959 = arith.muli %scan3A_893, %mul3A_958 : i32
      %get3A_960 = arith.constant 0 : i32
      %get3A_961 = arith.constant 4 : i32
      %get3A_962 = arith.index_cast %get3A_960 : i32 to index
      %get3A_963 = arith.index_cast %get3A_961 : i32 to index
      %get3A_964 = arith.index_cast %mul3A_959 : i32 to index
      %get3A_965 = tpu.vector_load %arg6[%get3A_962, %get3A_963, %get3A_964] {strides = array<i32>} : memref<2x16x640xf32, #tpu.memory_space<vmem>>, vector<1x1x16xf32>,
      %get3A_966 = vector.shape_cast %get3A_965 : vector<1x1x16xf32> to vector<16xf32>
      %mul3A_967 = arith.mulf %get3A_966, %get3A_913 : vector<16xf32>
      %add3A_968 = arith.addf %scan3A_898, %mul3A_967 : vector<16xf32>
      %mul3A_969 = arith.constant 16 : i32
      %mul3A_970 = arith.muli %scan3A_893, %mul3A_969 : i32
      %get3A_971 = arith.constant 0 : i32
      %get3A_972 = arith.constant 5 : i32
      %get3A_973 = arith.index_cast %get3A_971 : i32 to index
      %get3A_974 = arith.index_cast %get3A_972 : i32 to index
      %get3A_975 = arith.index_cast %mul3A_970 : i32 to index
      %get3A_976 = tpu.vector_load %arg6[%get3A_973, %get3A_974, %get3A_975] {strides = array<i32>} : memref<2x16x640xf32, #tpu.memory_space<vmem>>, vector<1x1x16xf32>,
      %get3A_977 = vector.shape_cast %get3A_976 : vector<1x1x16xf32> to vector<16xf32>
      %mul3A_978 = arith.mulf %get3A_977, %get3A_913 : vector<16xf32>
      %add3A_979 = arith.addf %scan3A_899, %mul3A_978 : vector<16xf32>
      %mul3A_980 = arith.constant 16 : i32
      %mul3A_981 = arith.muli %scan3A_893, %mul3A_980 : i32
      %get3A_982 = arith.constant 0 : i32
      %get3A_983 = arith.constant 6 : i32
      %get3A_984 = arith.index_cast %get3A_982 : i32 to index
      %get3A_985 = arith.index_cast %get3A_983 : i32 to index
      %get3A_986 = arith.index_cast %mul3A_981 : i32 to index
      %get3A_987 = tpu.vector_load %arg6[%get3A_984, %get3A_985, %get3A_986] {strides = array<i32>} : memref<2x16x640xf32, #tpu.memory_space<vmem>>, vector<1x1x16xf32>,
      %get3A_988 = vector.shape_cast %get3A_987 : vector<1x1x16xf32> to vector<16xf32>
      %mul3A_989 = arith.mulf %get3A_988, %get3A_913 : vector<16xf32>
      %add3A_990 = arith.addf %scan3A_900, %mul3A_989 : vector<16xf32>
      %mul3A_991 = arith.constant 16 : i32
      %mul3A_992 = arith.muli %scan3A_893, %mul3A_991 : i32
      %get3A_993 = arith.constant 0 : i32
      %get3A_994 = arith.constant 7 : i32
      %get3A_995 = arith.index_cast %get3A_993 : i32 to index
      %get3A_996 = arith.index_cast %get3A_994 : i32 to index
      %get3A_997 = arith.index_cast %mul3A_992 : i32 to index
      %get3A_998 = tpu.vector_load %arg6[%get3A_995, %get3A_996, %get3A_997] {strides = array<i32>} : memref<2x16x640xf32, #tpu.memory_space<vmem>>, vector<1x1x16xf32>,
      %get3A_999 = vector.shape_cast %get3A_998 : vector<1x1x16xf32> to vector<16xf32>
      %mul3A_1000 = arith.mulf %get3A_999, %get3A_913 : vector<16xf32>
      %add3A_1001 = arith.addf %scan3A_901, %mul3A_1000 : vector<16xf32>
      %mul3A_1002 = arith.constant 16 : i32
      %mul3A_1003 = arith.muli %scan3A_893, %mul3A_1002 : i32
      %get3A_1004 = arith.constant 0 : i32
      %get3A_1005 = arith.constant 8 : i32
      %get3A_1006 = arith.index_cast %get3A_1004 : i32 to index
      %get3A_1007 = arith.index_cast %get3A_1005 : i32 to index
      %get3A_1008 = arith.index_cast %mul3A_1003 : i32 to index
      %get3A_1009 = tpu.vector_load %arg6[%get3A_1006, %get3A_1007, %get3A_1008] {strides = array<i32>} : memref<2x16x640xf32, #tpu.memory_space<vmem>>, vector<1x1x16xf32>,
      %get3A_1010 = vector.shape_cast %get3A_1009 : vector<1x1x16xf32> to vector<16xf32>
      %mul3A_1011 = arith.mulf %get3A_1010, %get3A_913 : vector<16xf32>
      %add3A_1012 = arith.addf %scan3A_902, %mul3A_1011 : vector<16xf32>
      %mul3A_1013 = arith.constant 16 : i32
      %mul3A_1014 = arith.muli %scan3A_893, %mul3A_1013 : i32
      %get3A_1015 = arith.constant 0 : i32
      %get3A_1016 = arith.constant 9 : i32
      %get3A_1017 = arith.index_cast %get3A_1015 : i32 to index
      %get3A_1018 = arith.index_cast %get3A_1016 : i32 to index
      %get3A_1019 = arith.index_cast %mul3A_1014 : i32 to index
      %get3A_1020 = tpu.vector_load %arg6[%get3A_1017, %get3A_1018, %get3A_1019] {strides = array<i32>} : memref<2x16x640xf32, #tpu.memory_space<vmem>>, vector<1x1x16xf32>,
      %get3A_1021 = vector.shape_cast %get3A_1020 : vector<1x1x16xf32> to vector<16xf32>
      %mul3A_1022 = arith.mulf %get3A_1021, %get3A_913 : vector<16xf32>
      %add3A_1023 = arith.addf %scan3A_903, %mul3A_1022 : vector<16xf32>
      %mul3A_1024 = arith.constant 16 : i32
      %mul3A_1025 = arith.muli %scan3A_893, %mul3A_1024 : i32
      %get3A_1026 = arith.constant 0 : i32
      %get3A_1027 = arith.constant 10 : i32
      %get3A_1028 = arith.index_cast %get3A_1026 : i32 to index
      %get3A_1029 = arith.index_cast %get3A_1027 : i32 to index
      %get3A_1030 = arith.index_cast %mul3A_1025 : i32 to index
      %get3A_1031 = tpu.vector_load %arg6[%get3A_1028, %get3A_1029, %get3A_1030] {strides = array<i32>} : memref<2x16x640xf32, #tpu.memory_space<vmem>>, vector<1x1x16xf32>,
      %get3A_1032 = vector.shape_cast %get3A_1031 : vector<1x1x16xf32> to vector<16xf32>
      %mul3A_1033 = arith.mulf %get3A_1032, %get3A_913 : vector<16xf32>
      %add3A_1034 = arith.addf %scan3A_904, %mul3A_1033 : vector<16xf32>
      %mul3A_1035 = arith.constant 16 : i32
      %mul3A_1036 = arith.muli %scan3A_893, %mul3A_1035 : i32
      %get3A_1037 = arith.constant 0 : i32
      %get3A_1038 = arith.constant 11 : i32
      %get3A_1039 = arith.index_cast %get3A_1037 : i32 to index
      %get3A_1040 = arith.index_cast %get3A_1038 : i32 to index
      %get3A_1041 = arith.index_cast %mul3A_1036 : i32 to index
      %get3A_1042 = tpu.vector_load %arg6[%get3A_1039, %get3A_1040, %get3A_1041] {strides = array<i32>} : memref<2x16x640xf32, #tpu.memory_space<vmem>>, vector<1x1x16xf32>,
      %get3A_1043 = vector.shape_cast %get3A_1042 : vector<1x1x16xf32> to vector<16xf32>
      %mul3A_1044 = arith.mulf %get3A_1043, %get3A_913 : vector<16xf32>
      %add3A_1045 = arith.addf %scan3A_905, %mul3A_1044 : vector<16xf32>
      %mul3A_1046 = arith.constant 16 : i32
      %mul3A_1047 = arith.muli %scan3A_893, %mul3A_1046 : i32
      %get3A_1048 = arith.constant 0 : i32
      %get3A_1049 = arith.constant 12 : i32
      %get3A_1050 = arith.index_cast %get3A_1048 : i32 to index
      %get3A_1051 = arith.index_cast %get3A_1049 : i32 to index
      %get3A_1052 = arith.index_cast %mul3A_1047 : i32 to index
      %get3A_1053 = tpu.vector_load %arg6[%get3A_1050, %get3A_1051, %get3A_1052] {strides = array<i32>} : memref<2x16x640xf32, #tpu.memory_space<vmem>>, vector<1x1x16xf32>,
      %get3A_1054 = vector.shape_cast %get3A_1053 : vector<1x1x16xf32> to vector<16xf32>
      %mul3A_1055 = arith.mulf %get3A_1054, %get3A_913 : vector<16xf32>
      %add3A_1056 = arith.addf %scan3A_906, %mul3A_1055 : vector<16xf32>
      %mul3A_1057 = arith.constant 16 : i32
      %mul3A_1058 = arith.muli %scan3A_893, %mul3A_1057 : i32
      %get3A_1059 = arith.constant 0 : i32
      %get3A_1060 = arith.constant 13 : i32
      %get3A_1061 = arith.index_cast %get3A_1059 : i32 to index
      %get3A_1062 = arith.index_cast %get3A_1060 : i32 to index
      %get3A_1063 = arith.index_cast %mul3A_1058 : i32 to index
      %get3A_1064 = tpu.vector_load %arg6[%get3A_1061, %get3A_1062, %get3A_1063] {strides = array<i32>} : memref<2x16x640xf32, #tpu.memory_space<vmem>>, vector<1x1x16xf32>,
      %get3A_1065 = vector.shape_cast %get3A_1064 : vector<1x1x16xf32> to vector<16xf32>
      %mul3A_1066 = arith.mulf %get3A_1065, %get3A_913 : vector<16xf32>
      %add3A_1067 = arith.addf %scan3A_907, %mul3A_1066 : vector<16xf32>
      %mul3A_1068 = arith.constant 16 : i32
      %mul3A_1069 = arith.muli %scan3A_893, %mul3A_1068 : i32
      %get3A_1070 = arith.constant 0 : i32
      %get3A_1071 = arith.constant 14 : i32
      %get3A_1072 = arith.index_cast %get3A_1070 : i32 to index
      %get3A_1073 = arith.index_cast %get3A_1071 : i32 to index
      %get3A_1074 = arith.index_cast %mul3A_1069 : i32 to index
      %get3A_1075 = tpu.vector_load %arg6[%get3A_1072, %get3A_1073, %get3A_1074] {strides = array<i32>} : memref<2x16x640xf32, #tpu.memory_space<vmem>>, vector<1x1x16xf32>,
      %get3A_1076 = vector.shape_cast %get3A_1075 : vector<1x1x16xf32> to vector<16xf32>
      %mul3A_1077 = arith.mulf %get3A_1076, %get3A_913 : vector<16xf32>
      %add3A_1078 = arith.addf %scan3A_908, %mul3A_1077 : vector<16xf32>
      %mul3A_1079 = arith.constant 16 : i32
      %mul3A_1080 = arith.muli %scan3A_893, %mul3A_1079 : i32
      %get3A_1081 = arith.constant 0 : i32
      %get3A_1082 = arith.constant 15 : i32
      %get3A_1083 = arith.index_cast %get3A_1081 : i32 to index
      %get3A_1084 = arith.index_cast %get3A_1082 : i32 to index
      %get3A_1085 = arith.index_cast %mul3A_1080 : i32 to index
      %get3A_1086 = tpu.vector_load %arg6[%get3A_1083, %get3A_1084, %get3A_1085] {strides = array<i32>} : memref<2x16x640xf32, #tpu.memory_space<vmem>>, vector<1x1x16xf32>,
      %get3A_1087 = vector.shape_cast %get3A_1086 : vector<1x1x16xf32> to vector<16xf32>
      %mul3A_1088 = arith.mulf %get3A_1087, %get3A_913 : vector<16xf32>
      %add3A_1089 = arith.addf %scan3A_909, %mul3A_1088 : vector<16xf32>
      %scan3A_1090 = arith.constant 1 : i32
      %scan3A_1091 = arith.addi %scan3A_893, %scan3A_1090 : i32
      %mul3A_1092 = arith.constant 16 : i32
      %mul3A_1093 = arith.muli %scan3A_1091, %mul3A_1092 : i32
      %get3A_1094 = arith.index_cast %mul3A_1093 : i32 to index
      %get3A_1095 = tpu.vector_load %arg5[%get3A_1094] {strides = array<i32>} : memref<640xf32, #tpu.memory_space<vmem>>, vector<16xf32>,
      %get3A_1096 = vector.shape_cast %get3A_1095 : vector<16xf32> to vector<16xf32>
      %mul3A_1097 = arith.constant 16 : i32
      %mul3A_1098 = arith.muli %scan3A_1091, %mul3A_1097 : i32
      %get3A_1099 = arith.constant 0 : i32
      %get3A_1100 = arith.constant 0 : i32
      %get3A_1101 = arith.index_cast %get3A_1099 : i32 to index
      %get3A_1102 = arith.index_cast %get3A_1100 : i32 to index
      %get3A_1103 = arith.index_cast %mul3A_1098 : i32 to index
      %get3A_1104 = tpu.vector_load %arg6[%get3A_1101, %get3A_1102, %get3A_1103] {strides = array<i32>} : memref<2x16x640xf32, #tpu.memory_space<vmem>>, vector<1x1x16xf32>,
      %get3A_1105 = vector.shape_cast %get3A_1104 : vector<1x1x16xf32> to vector<16xf32>
      %mul3A_1106 = arith.mulf %get3A_1105, %get3A_1096 : vector<16xf32>
      %add3A_1107 = arith.addf %add3A_924, %mul3A_1106 : vector<16xf32>
      %mul3A_1108 = arith.constant 16 : i32
      %mul3A_1109 = arith.muli %scan3A_1091, %mul3A_1108 : i32
      %get3A_1110 = arith.constant 0 : i32
      %get3A_1111 = arith.constant 1 : i32
      %get3A_1112 = arith.index_cast %get3A_1110 : i32 to index
      %get3A_1113 = arith.index_cast %get3A_1111 : i32 to index
      %get3A_1114 = arith.index_cast %mul3A_1109 : i32 to index
      %get3A_1115 = tpu.vector_load %arg6[%get3A_1112, %get3A_1113, %get3A_1114] {strides = array<i32>} : memref<2x16x640xf32, #tpu.memory_space<vmem>>, vector<1x1x16xf32>,
      %get3A_1116 = vector.shape_cast %get3A_1115 : vector<1x1x16xf32> to vector<16xf32>
      %mul3A_1117 = arith.mulf %get3A_1116, %get3A_1096 : vector<16xf32>
      %add3A_1118 = arith.addf %add3A_935, %mul3A_1117 : vector<16xf32>
      %mul3A_1119 = arith.constant 16 : i32
      %mul3A_1120 = arith.muli %scan3A_1091, %mul3A_1119 : i32
      %get3A_1121 = arith.constant 0 : i32
      %get3A_1122 = arith.constant 2 : i32
      %get3A_1123 = arith.index_cast %get3A_1121 : i32 to index
      %get3A_1124 = arith.index_cast %get3A_1122 : i32 to index
      %get3A_1125 = arith.index_cast %mul3A_1120 : i32 to index
      %get3A_1126 = tpu.vector_load %arg6[%get3A_1123, %get3A_1124, %get3A_1125] {strides = array<i32>} : memref<2x16x640xf32, #tpu.memory_space<vmem>>, vector<1x1x16xf32>,
      %get3A_1127 = vector.shape_cast %get3A_1126 : vector<1x1x16xf32> to vector<16xf32>
      %mul3A_1128 = arith.mulf %get3A_1127, %get3A_1096 : vector<16xf32>
      %add3A_1129 = arith.addf %add3A_946, %mul3A_1128 : vector<16xf32>
      %mul3A_1130 = arith.constant 16 : i32
      %mul3A_1131 = arith.muli %scan3A_1091, %mul3A_1130 : i32
      %get3A_1132 = arith.constant 0 : i32
      %get3A_1133 = arith.constant 3 : i32
      %get3A_1134 = arith.index_cast %get3A_1132 : i32 to index
      %get3A_1135 = arith.index_cast %get3A_1133 : i32 to index
      %get3A_1136 = arith.index_cast %mul3A_1131 : i32 to index
      %get3A_1137 = tpu.vector_load %arg6[%get3A_1134, %get3A_1135, %get3A_1136] {strides = array<i32>} : memref<2x16x640xf32, #tpu.memory_space<vmem>>, vector<1x1x16xf32>,
      %get3A_1138 = vector.shape_cast %get3A_1137 : vector<1x1x16xf32> to vector<16xf32>
      %mul3A_1139 = arith.mulf %get3A_1138, %get3A_1096 : vector<16xf32>
      %add3A_1140 = arith.addf %add3A_957, %mul3A_1139 : vector<16xf32>
      %mul3A_1141 = arith.constant 16 : i32
      %mul3A_1142 = arith.muli %scan3A_1091, %mul3A_1141 : i32
      %get3A_1143 = arith.constant 0 : i32
      %get3A_1144 = arith.constant 4 : i32
      %get3A_1145 = arith.index_cast %get3A_1143 : i32 to index
      %get3A_1146 = arith.index_cast %get3A_1144 : i32 to index
      %get3A_1147 = arith.index_cast %mul3A_1142 : i32 to index
      %get3A_1148 = tpu.vector_load %arg6[%get3A_1145, %get3A_1146, %get3A_1147] {strides = array<i32>} : memref<2x16x640xf32, #tpu.memory_space<vmem>>, vector<1x1x16xf32>,
      %get3A_1149 = vector.shape_cast %get3A_1148 : vector<1x1x16xf32> to vector<16xf32>
      %mul3A_1150 = arith.mulf %get3A_1149, %get3A_1096 : vector<16xf32>
      %add3A_1151 = arith.addf %add3A_968, %mul3A_1150 : vector<16xf32>
      %mul3A_1152 = arith.constant 16 : i32
      %mul3A_1153 = arith.muli %scan3A_1091, %mul3A_1152 : i32
      %get3A_1154 = arith.constant 0 : i32
      %get3A_1155 = arith.constant 5 : i32
      %get3A_1156 = arith.index_cast %get3A_1154 : i32 to index
      %get3A_1157 = arith.index_cast %get3A_1155 : i32 to index
      %get3A_1158 = arith.index_cast %mul3A_1153 : i32 to index
      %get3A_1159 = tpu.vector_load %arg6[%get3A_1156, %get3A_1157, %get3A_1158] {strides = array<i32>} : memref<2x16x640xf32, #tpu.memory_space<vmem>>, vector<1x1x16xf32>,
      %get3A_1160 = vector.shape_cast %get3A_1159 : vector<1x1x16xf32> to vector<16xf32>
      %mul3A_1161 = arith.mulf %get3A_1160, %get3A_1096 : vector<16xf32>
      %add3A_1162 = arith.addf %add3A_979, %mul3A_1161 : vector<16xf32>
      %mul3A_1163 = arith.constant 16 : i32
      %mul3A_1164 = arith.muli %scan3A_1091, %mul3A_1163 : i32
      %get3A_1165 = arith.constant 0 : i32
      %get3A_1166 = arith.constant 6 : i32
      %get3A_1167 = arith.index_cast %get3A_1165 : i32 to index
      %get3A_1168 = arith.index_cast %get3A_1166 : i32 to index
      %get3A_1169 = arith.index_cast %mul3A_1164 : i32 to index
      %get3A_1170 = tpu.vector_load %arg6[%get3A_1167, %get3A_1168, %get3A_1169] {strides = array<i32>} : memref<2x16x640xf32, #tpu.memory_space<vmem>>, vector<1x1x16xf32>,
      %get3A_1171 = vector.shape_cast %get3A_1170 : vector<1x1x16xf32> to vector<16xf32>
      %mul3A_1172 = arith.mulf %get3A_1171, %get3A_1096 : vector<16xf32>
      %add3A_1173 = arith.addf %add3A_990, %mul3A_1172 : vector<16xf32>
      %mul3A_1174 = arith.constant 16 : i32
      %mul3A_1175 = arith.muli %scan3A_1091, %mul3A_1174 : i32
      %get3A_1176 = arith.constant 0 : i32
      %get3A_1177 = arith.constant 7 : i32
      %get3A_1178 = arith.index_cast %get3A_1176 : i32 to index
      %get3A_1179 = arith.index_cast %get3A_1177 : i32 to index
      %get3A_1180 = arith.index_cast %mul3A_1175 : i32 to index
      %get3A_1181 = tpu.vector_load %arg6[%get3A_1178, %get3A_1179, %get3A_1180] {strides = array<i32>} : memref<2x16x640xf32, #tpu.memory_space<vmem>>, vector<1x1x16xf32>,
      %get3A_1182 = vector.shape_cast %get3A_1181 : vector<1x1x16xf32> to vector<16xf32>
      %mul3A_1183 = arith.mulf %get3A_1182, %get3A_1096 : vector<16xf32>
      %add3A_1184 = arith.addf %add3A_1001, %mul3A_1183 : vector<16xf32>
      %mul3A_1185 = arith.constant 16 : i32
      %mul3A_1186 = arith.muli %scan3A_1091, %mul3A_1185 : i32
      %get3A_1187 = arith.constant 0 : i32
      %get3A_1188 = arith.constant 8 : i32
      %get3A_1189 = arith.index_cast %get3A_1187 : i32 to index
      %get3A_1190 = arith.index_cast %get3A_1188 : i32 to index
      %get3A_1191 = arith.index_cast %mul3A_1186 : i32 to index
      %get3A_1192 = tpu.vector_load %arg6[%get3A_1189, %get3A_1190, %get3A_1191] {strides = array<i32>} : memref<2x16x640xf32, #tpu.memory_space<vmem>>, vector<1x1x16xf32>,
      %get3A_1193 = vector.shape_cast %get3A_1192 : vector<1x1x16xf32> to vector<16xf32>
      %mul3A_1194 = arith.mulf %get3A_1193, %get3A_1096 : vector<16xf32>
      %add3A_1195 = arith.addf %add3A_1012, %mul3A_1194 : vector<16xf32>
      %mul3A_1196 = arith.constant 16 : i32
      %mul3A_1197 = arith.muli %scan3A_1091, %mul3A_1196 : i32
      %get3A_1198 = arith.constant 0 : i32
      %get3A_1199 = arith.constant 9 : i32
      %get3A_1200 = arith.index_cast %get3A_1198 : i32 to index
      %get3A_1201 = arith.index_cast %get3A_1199 : i32 to index
      %get3A_1202 = arith.index_cast %mul3A_1197 : i32 to index
      %get3A_1203 = tpu.vector_load %arg6[%get3A_1200, %get3A_1201, %get3A_1202] {strides = array<i32>} : memref<2x16x640xf32, #tpu.memory_space<vmem>>, vector<1x1x16xf32>,
      %get3A_1204 = vector.shape_cast %get3A_1203 : vector<1x1x16xf32> to vector<16xf32>
      %mul3A_1205 = arith.mulf %get3A_1204, %get3A_1096 : vector<16xf32>
      %add3A_1206 = arith.addf %add3A_1023, %mul3A_1205 : vector<16xf32>
      %mul3A_1207 = arith.constant 16 : i32
      %mul3A_1208 = arith.muli %scan3A_1091, %mul3A_1207 : i32
      %get3A_1209 = arith.constant 0 : i32
      %get3A_1210 = arith.constant 10 : i32
      %get3A_1211 = arith.index_cast %get3A_1209 : i32 to index
      %get3A_1212 = arith.index_cast %get3A_1210 : i32 to index
      %get3A_1213 = arith.index_cast %mul3A_1208 : i32 to index
      %get3A_1214 = tpu.vector_load %arg6[%get3A_1211, %get3A_1212, %get3A_1213] {strides = array<i32>} : memref<2x16x640xf32, #tpu.memory_space<vmem>>, vector<1x1x16xf32>,
      %get3A_1215 = vector.shape_cast %get3A_1214 : vector<1x1x16xf32> to vector<16xf32>
      %mul3A_1216 = arith.mulf %get3A_1215, %get3A_1096 : vector<16xf32>
      %add3A_1217 = arith.addf %add3A_1034, %mul3A_1216 : vector<16xf32>
      %mul3A_1218 = arith.constant 16 : i32
      %mul3A_1219 = arith.muli %scan3A_1091, %mul3A_1218 : i32
      %get3A_1220 = arith.constant 0 : i32
      %get3A_1221 = arith.constant 11 : i32
      %get3A_1222 = arith.index_cast %get3A_1220 : i32 to index
      %get3A_1223 = arith.index_cast %get3A_1221 : i32 to index
      %get3A_1224 = arith.index_cast %mul3A_1219 : i32 to index
      %get3A_1225 = tpu.vector_load %arg6[%get3A_1222, %get3A_1223, %get3A_1224] {strides = array<i32>} : memref<2x16x640xf32, #tpu.memory_space<vmem>>, vector<1x1x16xf32>,
      %get3A_1226 = vector.shape_cast %get3A_1225 : vector<1x1x16xf32> to vector<16xf32>
      %mul3A_1227 = arith.mulf %get3A_1226, %get3A_1096 : vector<16xf32>
      %add3A_1228 = arith.addf %add3A_1045, %mul3A_1227 : vector<16xf32>
      %mul3A_1229 = arith.constant 16 : i32
      %mul3A_1230 = arith.muli %scan3A_1091, %mul3A_1229 : i32
      %get3A_1231 = arith.constant 0 : i32
      %get3A_1232 = arith.constant 12 : i32
      %get3A_1233 = arith.index_cast %get3A_1231 : i32 to index
      %get3A_1234 = arith.index_cast %get3A_1232 : i32 to index
      %get3A_1235 = arith.index_cast %mul3A_1230 : i32 to index
      %get3A_1236 = tpu.vector_load %arg6[%get3A_1233, %get3A_1234, %get3A_1235] {strides = array<i32>} : memref<2x16x640xf32, #tpu.memory_space<vmem>>, vector<1x1x16xf32>,
      %get3A_1237 = vector.shape_cast %get3A_1236 : vector<1x1x16xf32> to vector<16xf32>
      %mul3A_1238 = arith.mulf %get3A_1237, %get3A_1096 : vector<16xf32>
      %add3A_1239 = arith.addf %add3A_1056, %mul3A_1238 : vector<16xf32>
      %mul3A_1240 = arith.constant 16 : i32
      %mul3A_1241 = arith.muli %scan3A_1091, %mul3A_1240 : i32
      %get3A_1242 = arith.constant 0 : i32
      %get3A_1243 = arith.constant 13 : i32
      %get3A_1244 = arith.index_cast %get3A_1242 : i32 to index
      %get3A_1245 = arith.index_cast %get3A_1243 : i32 to index
      %get3A_1246 = arith.index_cast %mul3A_1241 : i32 to index
      %get3A_1247 = tpu.vector_load %arg6[%get3A_1244, %get3A_1245, %get3A_1246] {strides = array<i32>} : memref<2x16x640xf32, #tpu.memory_space<vmem>>, vector<1x1x16xf32>,
      %get3A_1248 = vector.shape_cast %get3A_1247 : vector<1x1x16xf32> to vector<16xf32>
      %mul3A_1249 = arith.mulf %get3A_1248, %get3A_1096 : vector<16xf32>
      %add3A_1250 = arith.addf %add3A_1067, %mul3A_1249 : vector<16xf32>
      %mul3A_1251 = arith.constant 16 : i32
      %mul3A_1252 = arith.muli %scan3A_1091, %mul3A_1251 : i32
      %get3A_1253 = arith.constant 0 : i32
      %get3A_1254 = arith.constant 14 : i32
      %get3A_1255 = arith.index_cast %get3A_1253 : i32 to index
      %get3A_1256 = arith.index_cast %get3A_1254 : i32 to index
      %get3A_1257 = arith.index_cast %mul3A_1252 : i32 to index
      %get3A_1258 = tpu.vector_load %arg6[%get3A_1255, %get3A_1256, %get3A_1257] {strides = array<i32>} : memref<2x16x640xf32, #tpu.memory_space<vmem>>, vector<1x1x16xf32>,
      %get3A_1259 = vector.shape_cast %get3A_1258 : vector<1x1x16xf32> to vector<16xf32>
      %mul3A_1260 = arith.mulf %get3A_1259, %get3A_1096 : vector<16xf32>
      %add3A_1261 = arith.addf %add3A_1078, %mul3A_1260 : vector<16xf32>
      %mul3A_1262 = arith.constant 16 : i32
      %mul3A_1263 = arith.muli %scan3A_1091, %mul3A_1262 : i32
      %get3A_1264 = arith.constant 0 : i32
      %get3A_1265 = arith.constant 15 : i32
      %get3A_1266 = arith.index_cast %get3A_1264 : i32 to index
      %get3A_1267 = arith.index_cast %get3A_1265 : i32 to index
      %get3A_1268 = arith.index_cast %mul3A_1263 : i32 to index
      %get3A_1269 = tpu.vector_load %arg6[%get3A_1266, %get3A_1267, %get3A_1268] {strides = array<i32>} : memref<2x16x640xf32, #tpu.memory_space<vmem>>, vector<1x1x16xf32>,
      %get3A_1270 = vector.shape_cast %get3A_1269 : vector<1x1x16xf32> to vector<16xf32>
      %mul3A_1271 = arith.mulf %get3A_1270, %get3A_1096 : vector<16xf32>
      %add3A_1272 = arith.addf %add3A_1089, %mul3A_1271 : vector<16xf32>
      scf.yield %add3A_1107, %add3A_1118, %add3A_1129, %add3A_1140, %add3A_1151, %add3A_1162, %add3A_1173, %add3A_1184, %add3A_1195, %add3A_1206, %add3A_1217, %add3A_1228, %add3A_1239, %add3A_1250, %add3A_1261, %add3A_1272 : vector<16xf32>, vector<16xf32>, vector<16xf32>, vector<16xf32>, vector<16xf32>, vector<16xf32>, vector<16xf32>, vector<16xf32>, vector<16xf32>, vector<16xf32>, vector<16xf32>, vector<16xf32>, vector<16xf32>, vector<16xf32>, vector<16xf32>, vector<16xf32>
    }
    %scan3A_308 = arith.constant 40 : i32
    %swap3A_309 = arith.constant 32 : i32
    %swap3A_310 = arith.index_cast %swap3A_309 : i32 to index
    %swap3A_311 = arith.constant 0 : index
    %swap3A_312 = tpu.vector_load %arg7[%swap3A_310, %swap3A_311] {strides = array<i32>} : memref<100x128xf32, #tpu.memory_space<vmem>>, vector<1x16xf32>,
    %swap3A_313 = vector.shape_cast %swap3A_312 : vector<1x16xf32> to vector<16xf32>
    %swap3A_314 = vector.shape_cast %scan3A_307#0 : vector<16xf32> to vector<1x16xf32>
    tpu.vector_store %arg7[%swap3A_310, %swap3A_311], %swap3A_314 {strides = array<i32>} : memref<100x128xf32, #tpu.memory_space<vmem>>, vector<1x16xf32>,
    %swap3A_315 = arith.constant 33 : i32
    %swap3A_316 = arith.index_cast %swap3A_315 : i32 to index
    %swap3A_317 = arith.constant 0 : index
    %swap3A_318 = tpu.vector_load %arg7[%swap3A_316, %swap3A_317] {strides = array<i32>} : memref<100x128xf32, #tpu.memory_space<vmem>>, vector<1x16xf32>,
    %swap3A_319 = vector.shape_cast %swap3A_318 : vector<1x16xf32> to vector<16xf32>
    %swap3A_320 = vector.shape_cast %scan3A_307#1 : vector<16xf32> to vector<1x16xf32>
    tpu.vector_store %arg7[%swap3A_316, %swap3A_317], %swap3A_320 {strides = array<i32>} : memref<100x128xf32, #tpu.memory_space<vmem>>, vector<1x16xf32>,
    %swap3A_321 = arith.constant 34 : i32
    %swap3A_322 = arith.index_cast %swap3A_321 : i32 to index
    %swap3A_323 = arith.constant 0 : index
    %swap3A_324 = tpu.vector_load %arg7[%swap3A_322, %swap3A_323] {strides = array<i32>} : memref<100x128xf32, #tpu.memory_space<vmem>>, vector<1x16xf32>,
    %swap3A_325 = vector.shape_cast %swap3A_324 : vector<1x16xf32> to vector<16xf32>
    %swap3A_326 = vector.shape_cast %scan3A_307#2 : vector<16xf32> to vector<1x16xf32>
    tpu.vector_store %arg7[%swap3A_322, %swap3A_323], %swap3A_326 {strides = array<i32>} : memref<100x128xf32, #tpu.memory_space<vmem>>, vector<1x16xf32>,
    %swap3A_327 = arith.constant 35 : i32
    %swap3A_328 = arith.index_cast %swap3A_327 : i32 to index
    %swap3A_329 = arith.constant 0 : index
    %swap3A_330 = tpu.vector_load %arg7[%swap3A_328, %swap3A_329] {strides = array<i32>} : memref<100x128xf32, #tpu.memory_space<vmem>>, vector<1x16xf32>,
    %swap3A_331 = vector.shape_cast %swap3A_330 : vector<1x16xf32> to vector<16xf32>
    %swap3A_332 = vector.shape_cast %scan3A_307#3 : vector<16xf32> to vector<1x16xf32>
    tpu.vector_store %arg7[%swap3A_328, %swap3A_329], %swap3A_332 {strides = array<i32>} : memref<100x128xf32, #tpu.memory_space<vmem>>, vector<1x16xf32>,
    %swap3A_333 = arith.constant 36 : i32
    %swap3A_334 = arith.index_cast %swap3A_333 : i32 to index
    %swap3A_335 = arith.constant 0 : index
    %swap3A_336 = tpu.vector_load %arg7[%swap3A_334, %swap3A_335] {strides = array<i32>} : memref<100x128xf32, #tpu.memory_space<vmem>>, vector<1x16xf32>,
    %swap3A_337 = vector.shape_cast %swap3A_336 : vector<1x16xf32> to vector<16xf32>
    %swap3A_338 = vector.shape_cast %scan3A_307#4 : vector<16xf32> to vector<1x16xf32>
    tpu.vector_store %arg7[%swap3A_334, %swap3A_335], %swap3A_338 {strides = array<i32>} : memref<100x128xf32, #tpu.memory_space<vmem>>, vector<1x16xf32>,
    %swap3A_339 = arith.constant 37 : i32
    %swap3A_340 = arith.index_cast %swap3A_339 : i32 to index
    %swap3A_341 = arith.constant 0 : index
    %swap3A_342 = tpu.vector_load %arg7[%swap3A_340, %swap3A_341] {strides = array<i32>} : memref<100x128xf32, #tpu.memory_space<vmem>>, vector<1x16xf32>,
    %swap3A_343 = vector.shape_cast %swap3A_342 : vector<1x16xf32> to vector<16xf32>
    %swap3A_344 = vector.shape_cast %scan3A_307#5 : vector<16xf32> to vector<1x16xf32>
    tpu.vector_store %arg7[%swap3A_340, %swap3A_341], %swap3A_344 {strides = array<i32>} : memref<100x128xf32, #tpu.memory_space<vmem>>, vector<1x16xf32>,
    %swap3A_345 = arith.constant 38 : i32
    %swap3A_346 = arith.index_cast %swap3A_345 : i32 to index
    %swap3A_347 = arith.constant 0 : index
    %swap3A_348 = tpu.vector_load %arg7[%swap3A_346, %swap3A_347] {strides = array<i32>} : memref<100x128xf32, #tpu.memory_space<vmem>>, vector<1x16xf32>,
    %swap3A_349 = vector.shape_cast %swap3A_348 : vector<1x16xf32> to vector<16xf32>
    %swap3A_350 = vector.shape_cast %scan3A_307#6 : vector<16xf32> to vector<1x16xf32>
    tpu.vector_store %arg7[%swap3A_346, %swap3A_347], %swap3A_350 {strides = array<i32>} : memref<100x128xf32, #tpu.memory_space<vmem>>, vector<1x16xf32>,
    %swap3A_351 = arith.constant 39 : i32
    %swap3A_352 = arith.index_cast %swap3A_351 : i32 to index
    %swap3A_353 = arith.constant 0 : index
    %swap3A_354 = tpu.vector_load %arg7[%swap3A_352, %swap3A_353] {strides = array<i32>} : memref<100x128xf32, #tpu.memory_space<vmem>>, vector<1x16xf32>,
    %swap3A_355 = vector.shape_cast %swap3A_354 : vector<1x16xf32> to vector<16xf32>
    %swap3A_356 = vector.shape_cast %scan3A_307#7 : vector<16xf32> to vector<1x16xf32>
    tpu.vector_store %arg7[%swap3A_352, %swap3A_353], %swap3A_356 {strides = array<i32>} : memref<100x128xf32, #tpu.memory_space<vmem>>, vector<1x16xf32>,
    %swap3A_357 = arith.constant 40 : i32
    %swap3A_358 = arith.index_cast %swap3A_357 : i32 to index
    %swap3A_359 = arith.constant 0 : index
    %swap3A_360 = tpu.vector_load %arg7[%swap3A_358, %swap3A_359] {strides = array<i32>} : memref<100x128xf32, #tpu.memory_space<vmem>>, vector<1x16xf32>,
    %swap3A_361 = vector.shape_cast %swap3A_360 : vector<1x16xf32> to vector<16xf32>
    %swap3A_362 = vector.shape_cast %scan3A_307#8 : vector<16xf32> to vector<1x16xf32>
    tpu.vector_store %arg7[%swap3A_358, %swap3A_359], %swap3A_362 {strides = array<i32>} : memref<100x128xf32, #tpu.memory_space<vmem>>, vector<1x16xf32>,
    %swap3A_363 = arith.constant 41 : i32
    %swap3A_364 = arith.index_cast %swap3A_363 : i32 to index
    %swap3A_365 = arith.constant 0 : index
    %swap3A_366 = tpu.vector_load %arg7[%swap3A_364, %swap3A_365] {strides = array<i32>} : memref<100x128xf32, #tpu.memory_space<vmem>>, vector<1x16xf32>,
    %swap3A_367 = vector.shape_cast %swap3A_366 : vector<1x16xf32> to vector<16xf32>
    %swap3A_368 = vector.shape_cast %scan3A_307#9 : vector<16xf32> to vector<1x16xf32>
    tpu.vector_store %arg7[%swap3A_364, %swap3A_365], %swap3A_368 {strides = array<i32>} : memref<100x128xf32, #tpu.memory_space<vmem>>, vector<1x16xf32>,
    %swap3A_369 = arith.constant 42 : i32
    %swap3A_370 = arith.index_cast %swap3A_369 : i32 to index
    %swap3A_371 = arith.constant 0 : index
    %swap3A_372 = tpu.vector_load %arg7[%swap3A_370, %swap3A_371] {strides = array<i32>} : memref<100x128xf32, #tpu.memory_space<vmem>>, vector<1x16xf32>,
    %swap3A_373 = vector.shape_cast %swap3A_372 : vector<1x16xf32> to vector<16xf32>
    %swap3A_374 = vector.shape_cast %scan3A_307#10 : vector<16xf32> to vector<1x16xf32>
    tpu.vector_store %arg7[%swap3A_370, %swap3A_371], %swap3A_374 {strides = array<i32>} : memref<100x128xf32, #tpu.memory_space<vmem>>, vector<1x16xf32>,
    %swap3A_375 = arith.constant 43 : i32
    %swap3A_376 = arith.index_cast %swap3A_375 : i32 to index
    %swap3A_377 = arith.constant 0 : index
    %swap3A_378 = tpu.vector_load %arg7[%swap3A_376, %swap3A_377] {strides = array<i32>} : memref<100x128xf32, #tpu.memory_space<vmem>>, vector<1x16xf32>,
    %swap3A_379 = vector.shape_cast %swap3A_378 : vector<1x16xf32> to vector<16xf32>
    %swap3A_380 = vector.shape_cast %scan3A_307#11 : vector<16xf32> to vector<1x16xf32>
    tpu.vector_store %arg7[%swap3A_376, %swap3A_377], %swap3A_380 {strides = array<i32>} : memref<100x128xf32, #tpu.memory_space<vmem>>, vector<1x16xf32>,
    %swap3A_381 = arith.constant 44 : i32
    %swap3A_382 = arith.index_cast %swap3A_381 : i32 to index
    %swap3A_383 = arith.constant 0 : index
    %swap3A_384 = tpu.vector_load %arg7[%swap3A_382, %swap3A_383] {strides = array<i32>} : memref<100x128xf32, #tpu.memory_space<vmem>>, vector<1x16xf32>,
    %swap3A_385 = vector.shape_cast %swap3A_384 : vector<1x16xf32> to vector<16xf32>
    %swap3A_386 = vector.shape_cast %scan3A_307#12 : vector<16xf32> to vector<1x16xf32>
    tpu.vector_store %arg7[%swap3A_382, %swap3A_383], %swap3A_386 {strides = array<i32>} : memref<100x128xf32, #tpu.memory_space<vmem>>, vector<1x16xf32>,
    %swap3A_387 = arith.constant 45 : i32
    %swap3A_388 = arith.index_cast %swap3A_387 : i32 to index
    %swap3A_389 = arith.constant 0 : index
    %swap3A_390 = tpu.vector_load %arg7[%swap3A_388, %swap3A_389] {strides = array<i32>} : memref<100x128xf32, #tpu.memory_space<vmem>>, vector<1x16xf32>,
    %swap3A_391 = vector.shape_cast %swap3A_390 : vector<1x16xf32> to vector<16xf32>
    %swap3A_392 = vector.shape_cast %scan3A_307#13 : vector<16xf32> to vector<1x16xf32>
    tpu.vector_store %arg7[%swap3A_388, %swap3A_389], %swap3A_392 {strides = array<i32>} : memref<100x128xf32, #tpu.memory_space<vmem>>, vector<1x16xf32>,
    %swap3A_393 = arith.constant 46 : i32
    %swap3A_394 = arith.index_cast %swap3A_393 : i32 to index
    %swap3A_395 = arith.constant 0 : index
    %swap3A_396 = tpu.vector_load %arg7[%swap3A_394, %swap3A_395] {strides = array<i32>} : memref<100x128xf32, #tpu.memory_space<vmem>>, vector<1x16xf32>,
    %swap3A_397 = vector.shape_cast %swap3A_396 : vector<1x16xf32> to vector<16xf32>
    %swap3A_398 = vector.shape_cast %scan3A_307#14 : vector<16xf32> to vector<1x16xf32>
    tpu.vector_store %arg7[%swap3A_394, %swap3A_395], %swap3A_398 {strides = array<i32>} : memref<100x128xf32, #tpu.memory_space<vmem>>, vector<1x16xf32>,
    %swap3A_399 = arith.constant 47 : i32
    %swap3A_400 = arith.index_cast %swap3A_399 : i32 to index
    %swap3A_401 = arith.constant 0 : index
    %swap3A_402 = tpu.vector_load %arg7[%swap3A_400, %swap3A_401] {strides = array<i32>} : memref<100x128xf32, #tpu.memory_space<vmem>>, vector<1x16xf32>,
    %swap3A_403 = vector.shape_cast %swap3A_402 : vector<1x16xf32> to vector<16xf32>
    %swap3A_404 = vector.shape_cast %scan3A_307#15 : vector<16xf32> to vector<1x16xf32>
    tpu.vector_store %arg7[%swap3A_400, %swap3A_401], %swap3A_404 {strides = array<i32>} : memref<100x128xf32, #tpu.memory_space<vmem>>, vector<1x16xf32>,
    %dma_start3A_405 = arith.constant 0 : i32
    %dma_start3A_406 = arith.constant 0 : i32
    %dma_start3A_407 = arith.constant 0 : i32
    %dma_start3A_408 = tpu.memref_slice %arg6[%dma_start3A_405, %dma_start3A_406, %dma_start3A_407] : memref<2x16x640xf32, #tpu.memory_space<vmem>> -> memref<1x16x640xf32, #tpu.memory_space<vmem>>
    %dma_start3A_409 = tpu.memref_squeeze %dma_start3A_408 : memref<1x16x640xf32, #tpu.memory_space<vmem>> -> memref<16x640xf32, #tpu.memory_space<vmem>>
    %dma_start3A_410 = arith.constant 64 : i32
    %dma_start3A_411 = tpu.memref_slice %arg3[%dma_start3A_410, %add3A_4] : memref<100x1000000xf32, #tpu.memory_space<hbm>> -> memref<16x640xf32, #tpu.memory_space<hbm>>
    %dma_start3A_412 = arith.constant 0 : i32
    %dma_start3A_413 = arith.constant 0 : i32
    %dma_start3A_414 = tpu.memref_slice %arg6[%dma_start3A_405, %dma_start3A_412, %dma_start3A_413] : memref<2x16x640xf32, #tpu.memory_space<vmem>> -> memref<1x16x640xf32, #tpu.memory_space<vmem>>
    %dma_start3A_415 = tpu.memref_squeeze %dma_start3A_414 : memref<1x16x640xf32, #tpu.memory_space<vmem>> -> memref<16x640xf32, #tpu.memory_space<vmem>>
    %dma_start3A_416 = arith.constant 64 : i32
    %dma_start3A_417 = tpu.memref_slice %arg3[%dma_start3A_416, %add3A_4] : memref<100x1000000xf32, #tpu.memory_space<hbm>> -> memref<16x640xf32, #tpu.memory_space<hbm>>
    tpu.enqueue_dma source(%dma_start3A_417 : memref<16x640xf32, #tpu.memory_space<hbm>>) target(%dma_start3A_415 : memref<16x640xf32, #tpu.memory_space<vmem>>) target_semaphore(%arg10 : memref<!tpu.dma_semaphore, #tpu.memory_space<semaphore_mem>>)
    %dma_wait3A_418 = arith.constant 1 : i32
    %dma_wait3A_419 = arith.constant 0 : i32
    %dma_wait3A_420 = arith.constant 0 : i32
    %dma_wait3A_421 = tpu.memref_slice %arg6[%dma_wait3A_418, %dma_wait3A_419, %dma_wait3A_420] : memref<2x16x640xf32, #tpu.memory_space<vmem>> -> memref<1x16x640xf32, #tpu.memory_space<vmem>>
    %dma_wait3A_422 = tpu.memref_squeeze %dma_wait3A_421 : memref<1x16x640xf32, #tpu.memory_space<vmem>> -> memref<16x640xf32, #tpu.memory_space<vmem>>
    %dma_wait3A_423 = arith.constant 48 : i32
    %dma_wait3A_424 = tpu.memref_slice %arg3[%dma_wait3A_423, %add3A_4] : memref<100x1000000xf32, #tpu.memory_space<hbm>> -> memref<16x640xf32, #tpu.memory_space<hbm>>
    %dma_wait3A_425 = arith.constant 0 : i32
    %dma_wait3A_426 = arith.constant 0 : i32
    %dma_wait3A_427 = tpu.memref_slice %arg6[%dma_wait3A_418, %dma_wait3A_425, %dma_wait3A_426] : memref<2x16x640xf32, #tpu.memory_space<vmem>> -> memref<1x16x640xf32, #tpu.memory_space<vmem>>
    %dma_wait3A_428 = tpu.memref_squeeze %dma_wait3A_427 : memref<1x16x640xf32, #tpu.memory_space<vmem>> -> memref<16x640xf32, #tpu.memory_space<vmem>>
    %dma_wait3A_429 = arith.constant 48 : i32
    %dma_wait3A_430 = tpu.memref_slice %arg3[%dma_wait3A_429, %add3A_4] : memref<100x1000000xf32, #tpu.memory_space<hbm>> -> memref<16x640xf32, #tpu.memory_space<hbm>>
    tpu.wait_dma2 semaphore(%arg11 : memref<!tpu.dma_semaphore, #tpu.memory_space<semaphore_mem>>) src(%dma_wait3A_430 : memref<16x640xf32, #tpu.memory_space<hbm>>) dst(%dma_wait3A_428 : memref<16x640xf32, #tpu.memory_space<vmem>>)
    %scan3A_431 = arith.constant 0 : i32
    %scan3A_432 = arith.constant 40 : i32
    %scan3A_433 = arith.addi %scan3A_431, %scan3A_432 : i32
    %scan3A_434 = arith.constant 2 : i32
    %scan3A_435:16 = scf.for %scan3A_893 = %scan3A_431 to %scan3A_433 step %scan3A_434 iter_args(%scan3A_894 = %broadcast_in_dim3A_5, %scan3A_895 = %broadcast_in_dim3A_5, %scan3A_896 = %broadcast_in_dim3A_5, %scan3A_897 = %broadcast_in_dim3A_5, %scan3A_898 = %broadcast_in_dim3A_5, %scan3A_899 = %broadcast_in_dim3A_5, %scan3A_900 = %broadcast_in_dim3A_5, %scan3A_901 = %broadcast_in_dim3A_5, %scan3A_902 = %broadcast_in_dim3A_5, %scan3A_903 = %broadcast_in_dim3A_5, %scan3A_904 = %broadcast_in_dim3A_5, %scan3A_905 = %broadcast_in_dim3A_5, %scan3A_906 = %broadcast_in_dim3A_5, %scan3A_907 = %broadcast_in_dim3A_5, %scan3A_908 = %broadcast_in_dim3A_5, %scan3A_909 = %broadcast_in_dim3A_5) -> (vector<16xf32>, vector<16xf32>, vector<16xf32>, vector<16xf32>, vector<16xf32>, vector<16xf32>, vector<16xf32>, vector<16xf32>, vector<16xf32>, vector<16xf32>, vector<16xf32>, vector<16xf32>, vector<16xf32>, vector<16xf32>, vector<16xf32>, vector<16xf32>)  : i32 {
      %mul3A_910 = arith.constant 16 : i32
      %mul3A_911 = arith.muli %scan3A_893, %mul3A_910 : i32
      %get3A = arith.index_cast %mul3A_911 : i32 to index
      %get3A_912 = tpu.vector_load %arg5[%get3A] {strides = array<i32>} : memref<640xf32, #tpu.memory_space<vmem>>, vector<16xf32>,
      %get3A_913 = vector.shape_cast %get3A_912 : vector<16xf32> to vector<16xf32>
      %mul3A_914 = arith.constant 16 : i32
      %mul3A_915 = arith.muli %scan3A_893, %mul3A_914 : i32
      %get3A_916 = arith.constant 1 : i32
      %get3A_917 = arith.constant 0 : i32
      %get3A_918 = arith.index_cast %get3A_916 : i32 to index
      %get3A_919 = arith.index_cast %get3A_917 : i32 to index
      %get3A_920 = arith.index_cast %mul3A_915 : i32 to index
      %get3A_921 = tpu.vector_load %arg6[%get3A_918, %get3A_919, %get3A_920] {strides = array<i32>} : memref<2x16x640xf32, #tpu.memory_space<vmem>>, vector<1x1x16xf32>,
      %get3A_922 = vector.shape_cast %get3A_921 : vector<1x1x16xf32> to vector<16xf32>
      %mul3A_923 = arith.mulf %get3A_922, %get3A_913 : vector<16xf32>
      %add3A_924 = arith.addf %scan3A_894, %mul3A_923 : vector<16xf32>
      %mul3A_925 = arith.constant 16 : i32
      %mul3A_926 = arith.muli %scan3A_893, %mul3A_925 : i32
      %get3A_927 = arith.constant 1 : i32
      %get3A_928 = arith.constant 1 : i32
      %get3A_929 = arith.index_cast %get3A_927 : i32 to index
      %get3A_930 = arith.index_cast %get3A_928 : i32 to index
      %get3A_931 = arith.index_cast %mul3A_926 : i32 to index
      %get3A_932 = tpu.vector_load %arg6[%get3A_929, %get3A_930, %get3A_931] {strides = array<i32>} : memref<2x16x640xf32, #tpu.memory_space<vmem>>, vector<1x1x16xf32>,
      %get3A_933 = vector.shape_cast %get3A_932 : vector<1x1x16xf32> to vector<16xf32>
      %mul3A_934 = arith.mulf %get3A_933, %get3A_913 : vector<16xf32>
      %add3A_935 = arith.addf %scan3A_895, %mul3A_934 : vector<16xf32>
      %mul3A_936 = arith.constant 16 : i32
      %mul3A_937 = arith.muli %scan3A_893, %mul3A_936 : i32
      %get3A_938 = arith.constant 1 : i32
      %get3A_939 = arith.constant 2 : i32
      %get3A_940 = arith.index_cast %get3A_938 : i32 to index
      %get3A_941 = arith.index_cast %get3A_939 : i32 to index
      %get3A_942 = arith.index_cast %mul3A_937 : i32 to index
      %get3A_943 = tpu.vector_load %arg6[%get3A_940, %get3A_941, %get3A_942] {strides = array<i32>} : memref<2x16x640xf32, #tpu.memory_space<vmem>>, vector<1x1x16xf32>,
      %get3A_944 = vector.shape_cast %get3A_943 : vector<1x1x16xf32> to vector<16xf32>
      %mul3A_945 = arith.mulf %get3A_944, %get3A_913 : vector<16xf32>
      %add3A_946 = arith.addf %scan3A_896, %mul3A_945 : vector<16xf32>
      %mul3A_947 = arith.constant 16 : i32
      %mul3A_948 = arith.muli %scan3A_893, %mul3A_947 : i32
      %get3A_949 = arith.constant 1 : i32
      %get3A_950 = arith.constant 3 : i32
      %get3A_951 = arith.index_cast %get3A_949 : i32 to index
      %get3A_952 = arith.index_cast %get3A_950 : i32 to index
      %get3A_953 = arith.index_cast %mul3A_948 : i32 to index
      %get3A_954 = tpu.vector_load %arg6[%get3A_951, %get3A_952, %get3A_953] {strides = array<i32>} : memref<2x16x640xf32, #tpu.memory_space<vmem>>, vector<1x1x16xf32>,
      %get3A_955 = vector.shape_cast %get3A_954 : vector<1x1x16xf32> to vector<16xf32>
      %mul3A_956 = arith.mulf %get3A_955, %get3A_913 : vector<16xf32>
      %add3A_957 = arith.addf %scan3A_897, %mul3A_956 : vector<16xf32>
      %mul3A_958 = arith.constant 16 : i32
      %mul3A_959 = arith.muli %scan3A_893, %mul3A_958 : i32
      %get3A_960 = arith.constant 1 : i32
      %get3A_961 = arith.constant 4 : i32
      %get3A_962 = arith.index_cast %get3A_960 : i32 to index
      %get3A_963 = arith.index_cast %get3A_961 : i32 to index
      %get3A_964 = arith.index_cast %mul3A_959 : i32 to index
      %get3A_965 = tpu.vector_load %arg6[%get3A_962, %get3A_963, %get3A_964] {strides = array<i32>} : memref<2x16x640xf32, #tpu.memory_space<vmem>>, vector<1x1x16xf32>,
      %get3A_966 = vector.shape_cast %get3A_965 : vector<1x1x16xf32> to vector<16xf32>
      %mul3A_967 = arith.mulf %get3A_966, %get3A_913 : vector<16xf32>
      %add3A_968 = arith.addf %scan3A_898, %mul3A_967 : vector<16xf32>
      %mul3A_969 = arith.constant 16 : i32
      %mul3A_970 = arith.muli %scan3A_893, %mul3A_969 : i32
      %get3A_971 = arith.constant 1 : i32
      %get3A_972 = arith.constant 5 : i32
      %get3A_973 = arith.index_cast %get3A_971 : i32 to index
      %get3A_974 = arith.index_cast %get3A_972 : i32 to index
      %get3A_975 = arith.index_cast %mul3A_970 : i32 to index
      %get3A_976 = tpu.vector_load %arg6[%get3A_973, %get3A_974, %get3A_975] {strides = array<i32>} : memref<2x16x640xf32, #tpu.memory_space<vmem>>, vector<1x1x16xf32>,
      %get3A_977 = vector.shape_cast %get3A_976 : vector<1x1x16xf32> to vector<16xf32>
      %mul3A_978 = arith.mulf %get3A_977, %get3A_913 : vector<16xf32>
      %add3A_979 = arith.addf %scan3A_899, %mul3A_978 : vector<16xf32>
      %mul3A_980 = arith.constant 16 : i32
      %mul3A_981 = arith.muli %scan3A_893, %mul3A_980 : i32
      %get3A_982 = arith.constant 1 : i32
      %get3A_983 = arith.constant 6 : i32
      %get3A_984 = arith.index_cast %get3A_982 : i32 to index
      %get3A_985 = arith.index_cast %get3A_983 : i32 to index
      %get3A_986 = arith.index_cast %mul3A_981 : i32 to index
      %get3A_987 = tpu.vector_load %arg6[%get3A_984, %get3A_985, %get3A_986] {strides = array<i32>} : memref<2x16x640xf32, #tpu.memory_space<vmem>>, vector<1x1x16xf32>,
      %get3A_988 = vector.shape_cast %get3A_987 : vector<1x1x16xf32> to vector<16xf32>
      %mul3A_989 = arith.mulf %get3A_988, %get3A_913 : vector<16xf32>
      %add3A_990 = arith.addf %scan3A_900, %mul3A_989 : vector<16xf32>
      %mul3A_991 = arith.constant 16 : i32
      %mul3A_992 = arith.muli %scan3A_893, %mul3A_991 : i32
      %get3A_993 = arith.constant 1 : i32
      %get3A_994 = arith.constant 7 : i32
      %get3A_995 = arith.index_cast %get3A_993 : i32 to index
      %get3A_996 = arith.index_cast %get3A_994 : i32 to index
      %get3A_997 = arith.index_cast %mul3A_992 : i32 to index
      %get3A_998 = tpu.vector_load %arg6[%get3A_995, %get3A_996, %get3A_997] {strides = array<i32>} : memref<2x16x640xf32, #tpu.memory_space<vmem>>, vector<1x1x16xf32>,
      %get3A_999 = vector.shape_cast %get3A_998 : vector<1x1x16xf32> to vector<16xf32>
      %mul3A_1000 = arith.mulf %get3A_999, %get3A_913 : vector<16xf32>
      %add3A_1001 = arith.addf %scan3A_901, %mul3A_1000 : vector<16xf32>
      %mul3A_1002 = arith.constant 16 : i32
      %mul3A_1003 = arith.muli %scan3A_893, %mul3A_1002 : i32
      %get3A_1004 = arith.constant 1 : i32
      %get3A_1005 = arith.constant 8 : i32
      %get3A_1006 = arith.index_cast %get3A_1004 : i32 to index
      %get3A_1007 = arith.index_cast %get3A_1005 : i32 to index
      %get3A_1008 = arith.index_cast %mul3A_1003 : i32 to index
      %get3A_1009 = tpu.vector_load %arg6[%get3A_1006, %get3A_1007, %get3A_1008] {strides = array<i32>} : memref<2x16x640xf32, #tpu.memory_space<vmem>>, vector<1x1x16xf32>,
      %get3A_1010 = vector.shape_cast %get3A_1009 : vector<1x1x16xf32> to vector<16xf32>
      %mul3A_1011 = arith.mulf %get3A_1010, %get3A_913 : vector<16xf32>
      %add3A_1012 = arith.addf %scan3A_902, %mul3A_1011 : vector<16xf32>
      %mul3A_1013 = arith.constant 16 : i32
      %mul3A_1014 = arith.muli %scan3A_893, %mul3A_1013 : i32
      %get3A_1015 = arith.constant 1 : i32
      %get3A_1016 = arith.constant 9 : i32
      %get3A_1017 = arith.index_cast %get3A_1015 : i32 to index
      %get3A_1018 = arith.index_cast %get3A_1016 : i32 to index
      %get3A_1019 = arith.index_cast %mul3A_1014 : i32 to index
      %get3A_1020 = tpu.vector_load %arg6[%get3A_1017, %get3A_1018, %get3A_1019] {strides = array<i32>} : memref<2x16x640xf32, #tpu.memory_space<vmem>>, vector<1x1x16xf32>,
      %get3A_1021 = vector.shape_cast %get3A_1020 : vector<1x1x16xf32> to vector<16xf32>
      %mul3A_1022 = arith.mulf %get3A_1021, %get3A_913 : vector<16xf32>
      %add3A_1023 = arith.addf %scan3A_903, %mul3A_1022 : vector<16xf32>
      %mul3A_1024 = arith.constant 16 : i32
      %mul3A_1025 = arith.muli %scan3A_893, %mul3A_1024 : i32
      %get3A_1026 = arith.constant 1 : i32
      %get3A_1027 = arith.constant 10 : i32
      %get3A_1028 = arith.index_cast %get3A_1026 : i32 to index
      %get3A_1029 = arith.index_cast %get3A_1027 : i32 to index
      %get3A_1030 = arith.index_cast %mul3A_1025 : i32 to index
      %get3A_1031 = tpu.vector_load %arg6[%get3A_1028, %get3A_1029, %get3A_1030] {strides = array<i32>} : memref<2x16x640xf32, #tpu.memory_space<vmem>>, vector<1x1x16xf32>,
      %get3A_1032 = vector.shape_cast %get3A_1031 : vector<1x1x16xf32> to vector<16xf32>
      %mul3A_1033 = arith.mulf %get3A_1032, %get3A_913 : vector<16xf32>
      %add3A_1034 = arith.addf %scan3A_904, %mul3A_1033 : vector<16xf32>
      %mul3A_1035 = arith.constant 16 : i32
      %mul3A_1036 = arith.muli %scan3A_893, %mul3A_1035 : i32
      %get3A_1037 = arith.constant 1 : i32
      %get3A_1038 = arith.constant 11 : i32
      %get3A_1039 = arith.index_cast %get3A_1037 : i32 to index
      %get3A_1040 = arith.index_cast %get3A_1038 : i32 to index
      %get3A_1041 = arith.index_cast %mul3A_1036 : i32 to index
      %get3A_1042 = tpu.vector_load %arg6[%get3A_1039, %get3A_1040, %get3A_1041] {strides = array<i32>} : memref<2x16x640xf32, #tpu.memory_space<vmem>>, vector<1x1x16xf32>,
      %get3A_1043 = vector.shape_cast %get3A_1042 : vector<1x1x16xf32> to vector<16xf32>
      %mul3A_1044 = arith.mulf %get3A_1043, %get3A_913 : vector<16xf32>
      %add3A_1045 = arith.addf %scan3A_905, %mul3A_1044 : vector<16xf32>
      %mul3A_1046 = arith.constant 16 : i32
      %mul3A_1047 = arith.muli %scan3A_893, %mul3A_1046 : i32
      %get3A_1048 = arith.constant 1 : i32
      %get3A_1049 = arith.constant 12 : i32
      %get3A_1050 = arith.index_cast %get3A_1048 : i32 to index
      %get3A_1051 = arith.index_cast %get3A_1049 : i32 to index
      %get3A_1052 = arith.index_cast %mul3A_1047 : i32 to index
      %get3A_1053 = tpu.vector_load %arg6[%get3A_1050, %get3A_1051, %get3A_1052] {strides = array<i32>} : memref<2x16x640xf32, #tpu.memory_space<vmem>>, vector<1x1x16xf32>,
      %get3A_1054 = vector.shape_cast %get3A_1053 : vector<1x1x16xf32> to vector<16xf32>
      %mul3A_1055 = arith.mulf %get3A_1054, %get3A_913 : vector<16xf32>
      %add3A_1056 = arith.addf %scan3A_906, %mul3A_1055 : vector<16xf32>
      %mul3A_1057 = arith.constant 16 : i32
      %mul3A_1058 = arith.muli %scan3A_893, %mul3A_1057 : i32
      %get3A_1059 = arith.constant 1 : i32
      %get3A_1060 = arith.constant 13 : i32
      %get3A_1061 = arith.index_cast %get3A_1059 : i32 to index
      %get3A_1062 = arith.index_cast %get3A_1060 : i32 to index
      %get3A_1063 = arith.index_cast %mul3A_1058 : i32 to index
      %get3A_1064 = tpu.vector_load %arg6[%get3A_1061, %get3A_1062, %get3A_1063] {strides = array<i32>} : memref<2x16x640xf32, #tpu.memory_space<vmem>>, vector<1x1x16xf32>,
      %get3A_1065 = vector.shape_cast %get3A_1064 : vector<1x1x16xf32> to vector<16xf32>
      %mul3A_1066 = arith.mulf %get3A_1065, %get3A_913 : vector<16xf32>
      %add3A_1067 = arith.addf %scan3A_907, %mul3A_1066 : vector<16xf32>
      %mul3A_1068 = arith.constant 16 : i32
      %mul3A_1069 = arith.muli %scan3A_893, %mul3A_1068 : i32
      %get3A_1070 = arith.constant 1 : i32
      %get3A_1071 = arith.constant 14 : i32
      %get3A_1072 = arith.index_cast %get3A_1070 : i32 to index
      %get3A_1073 = arith.index_cast %get3A_1071 : i32 to index
      %get3A_1074 = arith.index_cast %mul3A_1069 : i32 to index
      %get3A_1075 = tpu.vector_load %arg6[%get3A_1072, %get3A_1073, %get3A_1074] {strides = array<i32>} : memref<2x16x640xf32, #tpu.memory_space<vmem>>, vector<1x1x16xf32>,
      %get3A_1076 = vector.shape_cast %get3A_1075 : vector<1x1x16xf32> to vector<16xf32>
      %mul3A_1077 = arith.mulf %get3A_1076, %get3A_913 : vector<16xf32>
      %add3A_1078 = arith.addf %scan3A_908, %mul3A_1077 : vector<16xf32>
      %mul3A_1079 = arith.constant 16 : i32
      %mul3A_1080 = arith.muli %scan3A_893, %mul3A_1079 : i32
      %get3A_1081 = arith.constant 1 : i32
      %get3A_1082 = arith.constant 15 : i32
      %get3A_1083 = arith.index_cast %get3A_1081 : i32 to index
      %get3A_1084 = arith.index_cast %get3A_1082 : i32 to index
      %get3A_1085 = arith.index_cast %mul3A_1080 : i32 to index
      %get3A_1086 = tpu.vector_load %arg6[%get3A_1083, %get3A_1084, %get3A_1085] {strides = array<i32>} : memref<2x16x640xf32, #tpu.memory_space<vmem>>, vector<1x1x16xf32>,
      %get3A_1087 = vector.shape_cast %get3A_1086 : vector<1x1x16xf32> to vector<16xf32>
      %mul3A_1088 = arith.mulf %get3A_1087, %get3A_913 : vector<16xf32>
      %add3A_1089 = arith.addf %scan3A_909, %mul3A_1088 : vector<16xf32>
      %scan3A_1090 = arith.constant 1 : i32
      %scan3A_1091 = arith.addi %scan3A_893, %scan3A_1090 : i32
      %mul3A_1092 = arith.constant 16 : i32
      %mul3A_1093 = arith.muli %scan3A_1091, %mul3A_1092 : i32
      %get3A_1094 = arith.index_cast %mul3A_1093 : i32 to index
      %get3A_1095 = tpu.vector_load %arg5[%get3A_1094] {strides = array<i32>} : memref<640xf32, #tpu.memory_space<vmem>>, vector<16xf32>,
      %get3A_1096 = vector.shape_cast %get3A_1095 : vector<16xf32> to vector<16xf32>
      %mul3A_1097 = arith.constant 16 : i32
      %mul3A_1098 = arith.muli %scan3A_1091, %mul3A_1097 : i32
      %get3A_1099 = arith.constant 1 : i32
      %get3A_1100 = arith.constant 0 : i32
      %get3A_1101 = arith.index_cast %get3A_1099 : i32 to index
      %get3A_1102 = arith.index_cast %get3A_1100 : i32 to index
      %get3A_1103 = arith.index_cast %mul3A_1098 : i32 to index
      %get3A_1104 = tpu.vector_load %arg6[%get3A_1101, %get3A_1102, %get3A_1103] {strides = array<i32>} : memref<2x16x640xf32, #tpu.memory_space<vmem>>, vector<1x1x16xf32>,
      %get3A_1105 = vector.shape_cast %get3A_1104 : vector<1x1x16xf32> to vector<16xf32>
      %mul3A_1106 = arith.mulf %get3A_1105, %get3A_1096 : vector<16xf32>
      %add3A_1107 = arith.addf %add3A_924, %mul3A_1106 : vector<16xf32>
      %mul3A_1108 = arith.constant 16 : i32
      %mul3A_1109 = arith.muli %scan3A_1091, %mul3A_1108 : i32
      %get3A_1110 = arith.constant 1 : i32
      %get3A_1111 = arith.constant 1 : i32
      %get3A_1112 = arith.index_cast %get3A_1110 : i32 to index
      %get3A_1113 = arith.index_cast %get3A_1111 : i32 to index
      %get3A_1114 = arith.index_cast %mul3A_1109 : i32 to index
      %get3A_1115 = tpu.vector_load %arg6[%get3A_1112, %get3A_1113, %get3A_1114] {strides = array<i32>} : memref<2x16x640xf32, #tpu.memory_space<vmem>>, vector<1x1x16xf32>,
      %get3A_1116 = vector.shape_cast %get3A_1115 : vector<1x1x16xf32> to vector<16xf32>
      %mul3A_1117 = arith.mulf %get3A_1116, %get3A_1096 : vector<16xf32>
      %add3A_1118 = arith.addf %add3A_935, %mul3A_1117 : vector<16xf32>
      %mul3A_1119 = arith.constant 16 : i32
      %mul3A_1120 = arith.muli %scan3A_1091, %mul3A_1119 : i32
      %get3A_1121 = arith.constant 1 : i32
      %get3A_1122 = arith.constant 2 : i32
      %get3A_1123 = arith.index_cast %get3A_1121 : i32 to index
      %get3A_1124 = arith.index_cast %get3A_1122 : i32 to index
      %get3A_1125 = arith.index_cast %mul3A_1120 : i32 to index
      %get3A_1126 = tpu.vector_load %arg6[%get3A_1123, %get3A_1124, %get3A_1125] {strides = array<i32>} : memref<2x16x640xf32, #tpu.memory_space<vmem>>, vector<1x1x16xf32>,
      %get3A_1127 = vector.shape_cast %get3A_1126 : vector<1x1x16xf32> to vector<16xf32>
      %mul3A_1128 = arith.mulf %get3A_1127, %get3A_1096 : vector<16xf32>
      %add3A_1129 = arith.addf %add3A_946, %mul3A_1128 : vector<16xf32>
      %mul3A_1130 = arith.constant 16 : i32
      %mul3A_1131 = arith.muli %scan3A_1091, %mul3A_1130 : i32
      %get3A_1132 = arith.constant 1 : i32
      %get3A_1133 = arith.constant 3 : i32
      %get3A_1134 = arith.index_cast %get3A_1132 : i32 to index
      %get3A_1135 = arith.index_cast %get3A_1133 : i32 to index
      %get3A_1136 = arith.index_cast %mul3A_1131 : i32 to index
      %get3A_1137 = tpu.vector_load %arg6[%get3A_1134, %get3A_1135, %get3A_1136] {strides = array<i32>} : memref<2x16x640xf32, #tpu.memory_space<vmem>>, vector<1x1x16xf32>,
      %get3A_1138 = vector.shape_cast %get3A_1137 : vector<1x1x16xf32> to vector<16xf32>
      %mul3A_1139 = arith.mulf %get3A_1138, %get3A_1096 : vector<16xf32>
      %add3A_1140 = arith.addf %add3A_957, %mul3A_1139 : vector<16xf32>
      %mul3A_1141 = arith.constant 16 : i32
      %mul3A_1142 = arith.muli %scan3A_1091, %mul3A_1141 : i32
      %get3A_1143 = arith.constant 1 : i32
      %get3A_1144 = arith.constant 4 : i32
      %get3A_1145 = arith.index_cast %get3A_1143 : i32 to index
      %get3A_1146 = arith.index_cast %get3A_1144 : i32 to index
      %get3A_1147 = arith.index_cast %mul3A_1142 : i32 to index
      %get3A_1148 = tpu.vector_load %arg6[%get3A_1145, %get3A_1146, %get3A_1147] {strides = array<i32>} : memref<2x16x640xf32, #tpu.memory_space<vmem>>, vector<1x1x16xf32>,
      %get3A_1149 = vector.shape_cast %get3A_1148 : vector<1x1x16xf32> to vector<16xf32>
      %mul3A_1150 = arith.mulf %get3A_1149, %get3A_1096 : vector<16xf32>
      %add3A_1151 = arith.addf %add3A_968, %mul3A_1150 : vector<16xf32>
      %mul3A_1152 = arith.constant 16 : i32
      %mul3A_1153 = arith.muli %scan3A_1091, %mul3A_1152 : i32
      %get3A_1154 = arith.constant 1 : i32
      %get3A_1155 = arith.constant 5 : i32
      %get3A_1156 = arith.index_cast %get3A_1154 : i32 to index
      %get3A_1157 = arith.index_cast %get3A_1155 : i32 to index
      %get3A_1158 = arith.index_cast %mul3A_1153 : i32 to index
      %get3A_1159 = tpu.vector_load %arg6[%get3A_1156, %get3A_1157, %get3A_1158] {strides = array<i32>} : memref<2x16x640xf32, #tpu.memory_space<vmem>>, vector<1x1x16xf32>,
      %get3A_1160 = vector.shape_cast %get3A_1159 : vector<1x1x16xf32> to vector<16xf32>
      %mul3A_1161 = arith.mulf %get3A_1160, %get3A_1096 : vector<16xf32>
      %add3A_1162 = arith.addf %add3A_979, %mul3A_1161 : vector<16xf32>
      %mul3A_1163 = arith.constant 16 : i32
      %mul3A_1164 = arith.muli %scan3A_1091, %mul3A_1163 : i32
      %get3A_1165 = arith.constant 1 : i32
      %get3A_1166 = arith.constant 6 : i32
      %get3A_1167 = arith.index_cast %get3A_1165 : i32 to index
      %get3A_1168 = arith.index_cast %get3A_1166 : i32 to index
      %get3A_1169 = arith.index_cast %mul3A_1164 : i32 to index
      %get3A_1170 = tpu.vector_load %arg6[%get3A_1167, %get3A_1168, %get3A_1169] {strides = array<i32>} : memref<2x16x640xf32, #tpu.memory_space<vmem>>, vector<1x1x16xf32>,
      %get3A_1171 = vector.shape_cast %get3A_1170 : vector<1x1x16xf32> to vector<16xf32>
      %mul3A_1172 = arith.mulf %get3A_1171, %get3A_1096 : vector<16xf32>
      %add3A_1173 = arith.addf %add3A_990, %mul3A_1172 : vector<16xf32>
      %mul3A_1174 = arith.constant 16 : i32
      %mul3A_1175 = arith.muli %scan3A_1091, %mul3A_1174 : i32
      %get3A_1176 = arith.constant 1 : i32
      %get3A_1177 = arith.constant 7 : i32
      %get3A_1178 = arith.index_cast %get3A_1176 : i32 to index
      %get3A_1179 = arith.index_cast %get3A_1177 : i32 to index
      %get3A_1180 = arith.index_cast %mul3A_1175 : i32 to index
      %get3A_1181 = tpu.vector_load %arg6[%get3A_1178, %get3A_1179, %get3A_1180] {strides = array<i32>} : memref<2x16x640xf32, #tpu.memory_space<vmem>>, vector<1x1x16xf32>,
      %get3A_1182 = vector.shape_cast %get3A_1181 : vector<1x1x16xf32> to vector<16xf32>
      %mul3A_1183 = arith.mulf %get3A_1182, %get3A_1096 : vector<16xf32>
      %add3A_1184 = arith.addf %add3A_1001, %mul3A_1183 : vector<16xf32>
      %mul3A_1185 = arith.constant 16 : i32
      %mul3A_1186 = arith.muli %scan3A_1091, %mul3A_1185 : i32
      %get3A_1187 = arith.constant 1 : i32
      %get3A_1188 = arith.constant 8 : i32
      %get3A_1189 = arith.index_cast %get3A_1187 : i32 to index
      %get3A_1190 = arith.index_cast %get3A_1188 : i32 to index
      %get3A_1191 = arith.index_cast %mul3A_1186 : i32 to index
      %get3A_1192 = tpu.vector_load %arg6[%get3A_1189, %get3A_1190, %get3A_1191] {strides = array<i32>} : memref<2x16x640xf32, #tpu.memory_space<vmem>>, vector<1x1x16xf32>,
      %get3A_1193 = vector.shape_cast %get3A_1192 : vector<1x1x16xf32> to vector<16xf32>
      %mul3A_1194 = arith.mulf %get3A_1193, %get3A_1096 : vector<16xf32>
      %add3A_1195 = arith.addf %add3A_1012, %mul3A_1194 : vector<16xf32>
      %mul3A_1196 = arith.constant 16 : i32
      %mul3A_1197 = arith.muli %scan3A_1091, %mul3A_1196 : i32
      %get3A_1198 = arith.constant 1 : i32
      %get3A_1199 = arith.constant 9 : i32
      %get3A_1200 = arith.index_cast %get3A_1198 : i32 to index
      %get3A_1201 = arith.index_cast %get3A_1199 : i32 to index
      %get3A_1202 = arith.index_cast %mul3A_1197 : i32 to index
      %get3A_1203 = tpu.vector_load %arg6[%get3A_1200, %get3A_1201, %get3A_1202] {strides = array<i32>} : memref<2x16x640xf32, #tpu.memory_space<vmem>>, vector<1x1x16xf32>,
      %get3A_1204 = vector.shape_cast %get3A_1203 : vector<1x1x16xf32> to vector<16xf32>
      %mul3A_1205 = arith.mulf %get3A_1204, %get3A_1096 : vector<16xf32>
      %add3A_1206 = arith.addf %add3A_1023, %mul3A_1205 : vector<16xf32>
      %mul3A_1207 = arith.constant 16 : i32
      %mul3A_1208 = arith.muli %scan3A_1091, %mul3A_1207 : i32
      %get3A_1209 = arith.constant 1 : i32
      %get3A_1210 = arith.constant 10 : i32
      %get3A_1211 = arith.index_cast %get3A_1209 : i32 to index
      %get3A_1212 = arith.index_cast %get3A_1210 : i32 to index
      %get3A_1213 = arith.index_cast %mul3A_1208 : i32 to index
      %get3A_1214 = tpu.vector_load %arg6[%get3A_1211, %get3A_1212, %get3A_1213] {strides = array<i32>} : memref<2x16x640xf32, #tpu.memory_space<vmem>>, vector<1x1x16xf32>,
      %get3A_1215 = vector.shape_cast %get3A_1214 : vector<1x1x16xf32> to vector<16xf32>
      %mul3A_1216 = arith.mulf %get3A_1215, %get3A_1096 : vector<16xf32>
      %add3A_1217 = arith.addf %add3A_1034, %mul3A_1216 : vector<16xf32>
      %mul3A_1218 = arith.constant 16 : i32
      %mul3A_1219 = arith.muli %scan3A_1091, %mul3A_1218 : i32
      %get3A_1220 = arith.constant 1 : i32
      %get3A_1221 = arith.constant 11 : i32
      %get3A_1222 = arith.index_cast %get3A_1220 : i32 to index
      %get3A_1223 = arith.index_cast %get3A_1221 : i32 to index
      %get3A_1224 = arith.index_cast %mul3A_1219 : i32 to index
      %get3A_1225 = tpu.vector_load %arg6[%get3A_1222, %get3A_1223, %get3A_1224] {strides = array<i32>} : memref<2x16x640xf32, #tpu.memory_space<vmem>>, vector<1x1x16xf32>,
      %get3A_1226 = vector.shape_cast %get3A_1225 : vector<1x1x16xf32> to vector<16xf32>
      %mul3A_1227 = arith.mulf %get3A_1226, %get3A_1096 : vector<16xf32>
      %add3A_1228 = arith.addf %add3A_1045, %mul3A_1227 : vector<16xf32>
      %mul3A_1229 = arith.constant 16 : i32
      %mul3A_1230 = arith.muli %scan3A_1091, %mul3A_1229 : i32
      %get3A_1231 = arith.constant 1 : i32
      %get3A_1232 = arith.constant 12 : i32
      %get3A_1233 = arith.index_cast %get3A_1231 : i32 to index
      %get3A_1234 = arith.index_cast %get3A_1232 : i32 to index
      %get3A_1235 = arith.index_cast %mul3A_1230 : i32 to index
      %get3A_1236 = tpu.vector_load %arg6[%get3A_1233, %get3A_1234, %get3A_1235] {strides = array<i32>} : memref<2x16x640xf32, #tpu.memory_space<vmem>>, vector<1x1x16xf32>,
      %get3A_1237 = vector.shape_cast %get3A_1236 : vector<1x1x16xf32> to vector<16xf32>
      %mul3A_1238 = arith.mulf %get3A_1237, %get3A_1096 : vector<16xf32>
      %add3A_1239 = arith.addf %add3A_1056, %mul3A_1238 : vector<16xf32>
      %mul3A_1240 = arith.constant 16 : i32
      %mul3A_1241 = arith.muli %scan3A_1091, %mul3A_1240 : i32
      %get3A_1242 = arith.constant 1 : i32
      %get3A_1243 = arith.constant 13 : i32
      %get3A_1244 = arith.index_cast %get3A_1242 : i32 to index
      %get3A_1245 = arith.index_cast %get3A_1243 : i32 to index
      %get3A_1246 = arith.index_cast %mul3A_1241 : i32 to index
      %get3A_1247 = tpu.vector_load %arg6[%get3A_1244, %get3A_1245, %get3A_1246] {strides = array<i32>} : memref<2x16x640xf32, #tpu.memory_space<vmem>>, vector<1x1x16xf32>,
      %get3A_1248 = vector.shape_cast %get3A_1247 : vector<1x1x16xf32> to vector<16xf32>
      %mul3A_1249 = arith.mulf %get3A_1248, %get3A_1096 : vector<16xf32>
      %add3A_1250 = arith.addf %add3A_1067, %mul3A_1249 : vector<16xf32>
      %mul3A_1251 = arith.constant 16 : i32
      %mul3A_1252 = arith.muli %scan3A_1091, %mul3A_1251 : i32
      %get3A_1253 = arith.constant 1 : i32
      %get3A_1254 = arith.constant 14 : i32
      %get3A_1255 = arith.index_cast %get3A_1253 : i32 to index
      %get3A_1256 = arith.index_cast %get3A_1254 : i32 to index
      %get3A_1257 = arith.index_cast %mul3A_1252 : i32 to index
      %get3A_1258 = tpu.vector_load %arg6[%get3A_1255, %get3A_1256, %get3A_1257] {strides = array<i32>} : memref<2x16x640xf32, #tpu.memory_space<vmem>>, vector<1x1x16xf32>,
      %get3A_1259 = vector.shape_cast %get3A_1258 : vector<1x1x16xf32> to vector<16xf32>
      %mul3A_1260 = arith.mulf %get3A_1259, %get3A_1096 : vector<16xf32>
      %add3A_1261 = arith.addf %add3A_1078, %mul3A_1260 : vector<16xf32>
      %mul3A_1262 = arith.constant 16 : i32
      %mul3A_1263 = arith.muli %scan3A_1091, %mul3A_1262 : i32
      %get3A_1264 = arith.constant 1 : i32
      %get3A_1265 = arith.constant 15 : i32
      %get3A_1266 = arith.index_cast %get3A_1264 : i32 to index
      %get3A_1267 = arith.index_cast %get3A_1265 : i32 to index
      %get3A_1268 = arith.index_cast %mul3A_1263 : i32 to index
      %get3A_1269 = tpu.vector_load %arg6[%get3A_1266, %get3A_1267, %get3A_1268] {strides = array<i32>} : memref<2x16x640xf32, #tpu.memory_space<vmem>>, vector<1x1x16xf32>,
      %get3A_1270 = vector.shape_cast %get3A_1269 : vector<1x1x16xf32> to vector<16xf32>
      %mul3A_1271 = arith.mulf %get3A_1270, %get3A_1096 : vector<16xf32>
      %add3A_1272 = arith.addf %add3A_1089, %mul3A_1271 : vector<16xf32>
      scf.yield %add3A_1107, %add3A_1118, %add3A_1129, %add3A_1140, %add3A_1151, %add3A_1162, %add3A_1173, %add3A_1184, %add3A_1195, %add3A_1206, %add3A_1217, %add3A_1228, %add3A_1239, %add3A_1250, %add3A_1261, %add3A_1272 : vector<16xf32>, vector<16xf32>, vector<16xf32>, vector<16xf32>, vector<16xf32>, vector<16xf32>, vector<16xf32>, vector<16xf32>, vector<16xf32>, vector<16xf32>, vector<16xf32>, vector<16xf32>, vector<16xf32>, vector<16xf32>, vector<16xf32>, vector<16xf32>
    }
    %scan3A_436 = arith.constant 40 : i32
    %swap3A_437 = arith.constant 48 : i32
    %swap3A_438 = arith.index_cast %swap3A_437 : i32 to index
    %swap3A_439 = arith.constant 0 : index
    %swap3A_440 = tpu.vector_load %arg7[%swap3A_438, %swap3A_439] {strides = array<i32>} : memref<100x128xf32, #tpu.memory_space<vmem>>, vector<1x16xf32>,
    %swap3A_441 = vector.shape_cast %swap3A_440 : vector<1x16xf32> to vector<16xf32>
    %swap3A_442 = vector.shape_cast %scan3A_435#0 : vector<16xf32> to vector<1x16xf32>
    tpu.vector_store %arg7[%swap3A_438, %swap3A_439], %swap3A_442 {strides = array<i32>} : memref<100x128xf32, #tpu.memory_space<vmem>>, vector<1x16xf32>,
    %swap3A_443 = arith.constant 49 : i32
    %swap3A_444 = arith.index_cast %swap3A_443 : i32 to index
    %swap3A_445 = arith.constant 0 : index
    %swap3A_446 = tpu.vector_load %arg7[%swap3A_444, %swap3A_445] {strides = array<i32>} : memref<100x128xf32, #tpu.memory_space<vmem>>, vector<1x16xf32>,
    %swap3A_447 = vector.shape_cast %swap3A_446 : vector<1x16xf32> to vector<16xf32>
    %swap3A_448 = vector.shape_cast %scan3A_435#1 : vector<16xf32> to vector<1x16xf32>
    tpu.vector_store %arg7[%swap3A_444, %swap3A_445], %swap3A_448 {strides = array<i32>} : memref<100x128xf32, #tpu.memory_space<vmem>>, vector<1x16xf32>,
    %swap3A_449 = arith.constant 50 : i32
    %swap3A_450 = arith.index_cast %swap3A_449 : i32 to index
    %swap3A_451 = arith.constant 0 : index
    %swap3A_452 = tpu.vector_load %arg7[%swap3A_450, %swap3A_451] {strides = array<i32>} : memref<100x128xf32, #tpu.memory_space<vmem>>, vector<1x16xf32>,
    %swap3A_453 = vector.shape_cast %swap3A_452 : vector<1x16xf32> to vector<16xf32>
    %swap3A_454 = vector.shape_cast %scan3A_435#2 : vector<16xf32> to vector<1x16xf32>
    tpu.vector_store %arg7[%swap3A_450, %swap3A_451], %swap3A_454 {strides = array<i32>} : memref<100x128xf32, #tpu.memory_space<vmem>>, vector<1x16xf32>,
    %swap3A_455 = arith.constant 51 : i32
    %swap3A_456 = arith.index_cast %swap3A_455 : i32 to index
    %swap3A_457 = arith.constant 0 : index
    %swap3A_458 = tpu.vector_load %arg7[%swap3A_456, %swap3A_457] {strides = array<i32>} : memref<100x128xf32, #tpu.memory_space<vmem>>, vector<1x16xf32>,
    %swap3A_459 = vector.shape_cast %swap3A_458 : vector<1x16xf32> to vector<16xf32>
    %swap3A_460 = vector.shape_cast %scan3A_435#3 : vector<16xf32> to vector<1x16xf32>
    tpu.vector_store %arg7[%swap3A_456, %swap3A_457], %swap3A_460 {strides = array<i32>} : memref<100x128xf32, #tpu.memory_space<vmem>>, vector<1x16xf32>,
    %swap3A_461 = arith.constant 52 : i32
    %swap3A_462 = arith.index_cast %swap3A_461 : i32 to index
    %swap3A_463 = arith.constant 0 : index
    %swap3A_464 = tpu.vector_load %arg7[%swap3A_462, %swap3A_463] {strides = array<i32>} : memref<100x128xf32, #tpu.memory_space<vmem>>, vector<1x16xf32>,
    %swap3A_465 = vector.shape_cast %swap3A_464 : vector<1x16xf32> to vector<16xf32>
    %swap3A_466 = vector.shape_cast %scan3A_435#4 : vector<16xf32> to vector<1x16xf32>
    tpu.vector_store %arg7[%swap3A_462, %swap3A_463], %swap3A_466 {strides = array<i32>} : memref<100x128xf32, #tpu.memory_space<vmem>>, vector<1x16xf32>,
    %swap3A_467 = arith.constant 53 : i32
    %swap3A_468 = arith.index_cast %swap3A_467 : i32 to index
    %swap3A_469 = arith.constant 0 : index
    %swap3A_470 = tpu.vector_load %arg7[%swap3A_468, %swap3A_469] {strides = array<i32>} : memref<100x128xf32, #tpu.memory_space<vmem>>, vector<1x16xf32>,
    %swap3A_471 = vector.shape_cast %swap3A_470 : vector<1x16xf32> to vector<16xf32>
    %swap3A_472 = vector.shape_cast %scan3A_435#5 : vector<16xf32> to vector<1x16xf32>
    tpu.vector_store %arg7[%swap3A_468, %swap3A_469], %swap3A_472 {strides = array<i32>} : memref<100x128xf32, #tpu.memory_space<vmem>>, vector<1x16xf32>,
    %swap3A_473 = arith.constant 54 : i32
    %swap3A_474 = arith.index_cast %swap3A_473 : i32 to index
    %swap3A_475 = arith.constant 0 : index
    %swap3A_476 = tpu.vector_load %arg7[%swap3A_474, %swap3A_475] {strides = array<i32>} : memref<100x128xf32, #tpu.memory_space<vmem>>, vector<1x16xf32>,
    %swap3A_477 = vector.shape_cast %swap3A_476 : vector<1x16xf32> to vector<16xf32>
    %swap3A_478 = vector.shape_cast %scan3A_435#6 : vector<16xf32> to vector<1x16xf32>
    tpu.vector_store %arg7[%swap3A_474, %swap3A_475], %swap3A_478 {strides = array<i32>} : memref<100x128xf32, #tpu.memory_space<vmem>>, vector<1x16xf32>,
    %swap3A_479 = arith.constant 55 : i32
    %swap3A_480 = arith.index_cast %swap3A_479 : i32 to index
    %swap3A_481 = arith.constant 0 : index
    %swap3A_482 = tpu.vector_load %arg7[%swap3A_480, %swap3A_481] {strides = array<i32>} : memref<100x128xf32, #tpu.memory_space<vmem>>, vector<1x16xf32>,
    %swap3A_483 = vector.shape_cast %swap3A_482 : vector<1x16xf32> to vector<16xf32>
    %swap3A_484 = vector.shape_cast %scan3A_435#7 : vector<16xf32> to vector<1x16xf32>
    tpu.vector_store %arg7[%swap3A_480, %swap3A_481], %swap3A_484 {strides = array<i32>} : memref<100x128xf32, #tpu.memory_space<vmem>>, vector<1x16xf32>,
    %swap3A_485 = arith.constant 56 : i32
    %swap3A_486 = arith.index_cast %swap3A_485 : i32 to index
    %swap3A_487 = arith.constant 0 : index
    %swap3A_488 = tpu.vector_load %arg7[%swap3A_486, %swap3A_487] {strides = array<i32>} : memref<100x128xf32, #tpu.memory_space<vmem>>, vector<1x16xf32>,
    %swap3A_489 = vector.shape_cast %swap3A_488 : vector<1x16xf32> to vector<16xf32>
    %swap3A_490 = vector.shape_cast %scan3A_435#8 : vector<16xf32> to vector<1x16xf32>
    tpu.vector_store %arg7[%swap3A_486, %swap3A_487], %swap3A_490 {strides = array<i32>} : memref<100x128xf32, #tpu.memory_space<vmem>>, vector<1x16xf32>,
    %swap3A_491 = arith.constant 57 : i32
    %swap3A_492 = arith.index_cast %swap3A_491 : i32 to index
    %swap3A_493 = arith.constant 0 : index
    %swap3A_494 = tpu.vector_load %arg7[%swap3A_492, %swap3A_493] {strides = array<i32>} : memref<100x128xf32, #tpu.memory_space<vmem>>, vector<1x16xf32>,
    %swap3A_495 = vector.shape_cast %swap3A_494 : vector<1x16xf32> to vector<16xf32>
    %swap3A_496 = vector.shape_cast %scan3A_435#9 : vector<16xf32> to vector<1x16xf32>
    tpu.vector_store %arg7[%swap3A_492, %swap3A_493], %swap3A_496 {strides = array<i32>} : memref<100x128xf32, #tpu.memory_space<vmem>>, vector<1x16xf32>,
    %swap3A_497 = arith.constant 58 : i32
    %swap3A_498 = arith.index_cast %swap3A_497 : i32 to index
    %swap3A_499 = arith.constant 0 : index
    %swap3A_500 = tpu.vector_load %arg7[%swap3A_498, %swap3A_499] {strides = array<i32>} : memref<100x128xf32, #tpu.memory_space<vmem>>, vector<1x16xf32>,
    %swap3A_501 = vector.shape_cast %swap3A_500 : vector<1x16xf32> to vector<16xf32>
    %swap3A_502 = vector.shape_cast %scan3A_435#10 : vector<16xf32> to vector<1x16xf32>
    tpu.vector_store %arg7[%swap3A_498, %swap3A_499], %swap3A_502 {strides = array<i32>} : memref<100x128xf32, #tpu.memory_space<vmem>>, vector<1x16xf32>,
    %swap3A_503 = arith.constant 59 : i32
    %swap3A_504 = arith.index_cast %swap3A_503 : i32 to index
    %swap3A_505 = arith.constant 0 : index
    %swap3A_506 = tpu.vector_load %arg7[%swap3A_504, %swap3A_505] {strides = array<i32>} : memref<100x128xf32, #tpu.memory_space<vmem>>, vector<1x16xf32>,
    %swap3A_507 = vector.shape_cast %swap3A_506 : vector<1x16xf32> to vector<16xf32>
    %swap3A_508 = vector.shape_cast %scan3A_435#11 : vector<16xf32> to vector<1x16xf32>
    tpu.vector_store %arg7[%swap3A_504, %swap3A_505], %swap3A_508 {strides = array<i32>} : memref<100x128xf32, #tpu.memory_space<vmem>>, vector<1x16xf32>,
    %swap3A_509 = arith.constant 60 : i32
    %swap3A_510 = arith.index_cast %swap3A_509 : i32 to index
    %swap3A_511 = arith.constant 0 : index
    %swap3A_512 = tpu.vector_load %arg7[%swap3A_510, %swap3A_511] {strides = array<i32>} : memref<100x128xf32, #tpu.memory_space<vmem>>, vector<1x16xf32>,
    %swap3A_513 = vector.shape_cast %swap3A_512 : vector<1x16xf32> to vector<16xf32>
    %swap3A_514 = vector.shape_cast %scan3A_435#12 : vector<16xf32> to vector<1x16xf32>
    tpu.vector_store %arg7[%swap3A_510, %swap3A_511], %swap3A_514 {strides = array<i32>} : memref<100x128xf32, #tpu.memory_space<vmem>>, vector<1x16xf32>,
    %swap3A_515 = arith.constant 61 : i32
    %swap3A_516 = arith.index_cast %swap3A_515 : i32 to index
    %swap3A_517 = arith.constant 0 : index
    %swap3A_518 = tpu.vector_load %arg7[%swap3A_516, %swap3A_517] {strides = array<i32>} : memref<100x128xf32, #tpu.memory_space<vmem>>, vector<1x16xf32>,
    %swap3A_519 = vector.shape_cast %swap3A_518 : vector<1x16xf32> to vector<16xf32>
    %swap3A_520 = vector.shape_cast %scan3A_435#13 : vector<16xf32> to vector<1x16xf32>
    tpu.vector_store %arg7[%swap3A_516, %swap3A_517], %swap3A_520 {strides = array<i32>} : memref<100x128xf32, #tpu.memory_space<vmem>>, vector<1x16xf32>,
    %swap3A_521 = arith.constant 62 : i32
    %swap3A_522 = arith.index_cast %swap3A_521 : i32 to index
    %swap3A_523 = arith.constant 0 : index
    %swap3A_524 = tpu.vector_load %arg7[%swap3A_522, %swap3A_523] {strides = array<i32>} : memref<100x128xf32, #tpu.memory_space<vmem>>, vector<1x16xf32>,
    %swap3A_525 = vector.shape_cast %swap3A_524 : vector<1x16xf32> to vector<16xf32>
    %swap3A_526 = vector.shape_cast %scan3A_435#14 : vector<16xf32> to vector<1x16xf32>
    tpu.vector_store %arg7[%swap3A_522, %swap3A_523], %swap3A_526 {strides = array<i32>} : memref<100x128xf32, #tpu.memory_space<vmem>>, vector<1x16xf32>,
    %swap3A_527 = arith.constant 63 : i32
    %swap3A_528 = arith.index_cast %swap3A_527 : i32 to index
    %swap3A_529 = arith.constant 0 : index
    %swap3A_530 = tpu.vector_load %arg7[%swap3A_528, %swap3A_529] {strides = array<i32>} : memref<100x128xf32, #tpu.memory_space<vmem>>, vector<1x16xf32>,
    %swap3A_531 = vector.shape_cast %swap3A_530 : vector<1x16xf32> to vector<16xf32>
    %swap3A_532 = vector.shape_cast %scan3A_435#15 : vector<16xf32> to vector<1x16xf32>
    tpu.vector_store %arg7[%swap3A_528, %swap3A_529], %swap3A_532 {strides = array<i32>} : memref<100x128xf32, #tpu.memory_space<vmem>>, vector<1x16xf32>,
    %dma_start3A_533 = arith.constant 1 : i32
    %dma_start3A_534 = arith.constant 0 : i32
    %dma_start3A_535 = arith.constant 0 : i32
    %dma_start3A_536 = tpu.memref_slice %arg6[%dma_start3A_533, %dma_start3A_534, %dma_start3A_535] : memref<2x16x640xf32, #tpu.memory_space<vmem>> -> memref<1x16x640xf32, #tpu.memory_space<vmem>>
    %dma_start3A_537 = tpu.memref_squeeze %dma_start3A_536 : memref<1x16x640xf32, #tpu.memory_space<vmem>> -> memref<16x640xf32, #tpu.memory_space<vmem>>
    %dma_start3A_538 = arith.constant 80 : i32
    %dma_start3A_539 = tpu.memref_slice %arg3[%dma_start3A_538, %add3A_4] : memref<100x1000000xf32, #tpu.memory_space<hbm>> -> memref<16x640xf32, #tpu.memory_space<hbm>>
    %dma_start3A_540 = arith.constant 0 : i32
    %dma_start3A_541 = arith.constant 0 : i32
    %dma_start3A_542 = tpu.memref_slice %arg6[%dma_start3A_533, %dma_start3A_540, %dma_start3A_541] : memref<2x16x640xf32, #tpu.memory_space<vmem>> -> memref<1x16x640xf32, #tpu.memory_space<vmem>>
    %dma_start3A_543 = tpu.memref_squeeze %dma_start3A_542 : memref<1x16x640xf32, #tpu.memory_space<vmem>> -> memref<16x640xf32, #tpu.memory_space<vmem>>
    %dma_start3A_544 = arith.constant 80 : i32
    %dma_start3A_545 = tpu.memref_slice %arg3[%dma_start3A_544, %add3A_4] : memref<100x1000000xf32, #tpu.memory_space<hbm>> -> memref<16x640xf32, #tpu.memory_space<hbm>>
    tpu.enqueue_dma source(%dma_start3A_545 : memref<16x640xf32, #tpu.memory_space<hbm>>) target(%dma_start3A_543 : memref<16x640xf32, #tpu.memory_space<vmem>>) target_semaphore(%arg11 : memref<!tpu.dma_semaphore, #tpu.memory_space<semaphore_mem>>)
    %dma_wait3A_546 = arith.constant 0 : i32
    %dma_wait3A_547 = arith.constant 0 : i32
    %dma_wait3A_548 = arith.constant 0 : i32
    %dma_wait3A_549 = tpu.memref_slice %arg6[%dma_wait3A_546, %dma_wait3A_547, %dma_wait3A_548] : memref<2x16x640xf32, #tpu.memory_space<vmem>> -> memref<1x16x640xf32, #tpu.memory_space<vmem>>
    %dma_wait3A_550 = tpu.memref_squeeze %dma_wait3A_549 : memref<1x16x640xf32, #tpu.memory_space<vmem>> -> memref<16x640xf32, #tpu.memory_space<vmem>>
    %dma_wait3A_551 = arith.constant 64 : i32
    %dma_wait3A_552 = tpu.memref_slice %arg3[%dma_wait3A_551, %add3A_4] : memref<100x1000000xf32, #tpu.memory_space<hbm>> -> memref<16x640xf32, #tpu.memory_space<hbm>>
    %dma_wait3A_553 = arith.constant 0 : i32
    %dma_wait3A_554 = arith.constant 0 : i32
    %dma_wait3A_555 = tpu.memref_slice %arg6[%dma_wait3A_546, %dma_wait3A_553, %dma_wait3A_554] : memref<2x16x640xf32, #tpu.memory_space<vmem>> -> memref<1x16x640xf32, #tpu.memory_space<vmem>>
    %dma_wait3A_556 = tpu.memref_squeeze %dma_wait3A_555 : memref<1x16x640xf32, #tpu.memory_space<vmem>> -> memref<16x640xf32, #tpu.memory_space<vmem>>
    %dma_wait3A_557 = arith.constant 64 : i32
    %dma_wait3A_558 = tpu.memref_slice %arg3[%dma_wait3A_557, %add3A_4] : memref<100x1000000xf32, #tpu.memory_space<hbm>> -> memref<16x640xf32, #tpu.memory_space<hbm>>
    tpu.wait_dma2 semaphore(%arg10 : memref<!tpu.dma_semaphore, #tpu.memory_space<semaphore_mem>>) src(%dma_wait3A_558 : memref<16x640xf32, #tpu.memory_space<hbm>>) dst(%dma_wait3A_556 : memref<16x640xf32, #tpu.memory_space<vmem>>)
    %scan3A_559 = arith.constant 0 : i32
    %scan3A_560 = arith.constant 40 : i32
    %scan3A_561 = arith.addi %scan3A_559, %scan3A_560 : i32
    %scan3A_562 = arith.constant 2 : i32
    %scan3A_563:16 = scf.for %scan3A_893 = %scan3A_559 to %scan3A_561 step %scan3A_562 iter_args(%scan3A_894 = %broadcast_in_dim3A_5, %scan3A_895 = %broadcast_in_dim3A_5, %scan3A_896 = %broadcast_in_dim3A_5, %scan3A_897 = %broadcast_in_dim3A_5, %scan3A_898 = %broadcast_in_dim3A_5, %scan3A_899 = %broadcast_in_dim3A_5, %scan3A_900 = %broadcast_in_dim3A_5, %scan3A_901 = %broadcast_in_dim3A_5, %scan3A_902 = %broadcast_in_dim3A_5, %scan3A_903 = %broadcast_in_dim3A_5, %scan3A_904 = %broadcast_in_dim3A_5, %scan3A_905 = %broadcast_in_dim3A_5, %scan3A_906 = %broadcast_in_dim3A_5, %scan3A_907 = %broadcast_in_dim3A_5, %scan3A_908 = %broadcast_in_dim3A_5, %scan3A_909 = %broadcast_in_dim3A_5) -> (vector<16xf32>, vector<16xf32>, vector<16xf32>, vector<16xf32>, vector<16xf32>, vector<16xf32>, vector<16xf32>, vector<16xf32>, vector<16xf32>, vector<16xf32>, vector<16xf32>, vector<16xf32>, vector<16xf32>, vector<16xf32>, vector<16xf32>, vector<16xf32>)  : i32 {
      %mul3A_910 = arith.constant 16 : i32
      %mul3A_911 = arith.muli %scan3A_893, %mul3A_910 : i32
      %get3A = arith.index_cast %mul3A_911 : i32 to index
      %get3A_912 = tpu.vector_load %arg5[%get3A] {strides = array<i32>} : memref<640xf32, #tpu.memory_space<vmem>>, vector<16xf32>,
      %get3A_913 = vector.shape_cast %get3A_912 : vector<16xf32> to vector<16xf32>
      %mul3A_914 = arith.constant 16 : i32
      %mul3A_915 = arith.muli %scan3A_893, %mul3A_914 : i32
      %get3A_916 = arith.constant 0 : i32
      %get3A_917 = arith.constant 0 : i32
      %get3A_918 = arith.index_cast %get3A_916 : i32 to index
      %get3A_919 = arith.index_cast %get3A_917 : i32 to index
      %get3A_920 = arith.index_cast %mul3A_915 : i32 to index
      %get3A_921 = tpu.vector_load %arg6[%get3A_918, %get3A_919, %get3A_920] {strides = array<i32>} : memref<2x16x640xf32, #tpu.memory_space<vmem>>, vector<1x1x16xf32>,
      %get3A_922 = vector.shape_cast %get3A_921 : vector<1x1x16xf32> to vector<16xf32>
      %mul3A_923 = arith.mulf %get3A_922, %get3A_913 : vector<16xf32>
      %add3A_924 = arith.addf %scan3A_894, %mul3A_923 : vector<16xf32>
      %mul3A_925 = arith.constant 16 : i32
      %mul3A_926 = arith.muli %scan3A_893, %mul3A_925 : i32
      %get3A_927 = arith.constant 0 : i32
      %get3A_928 = arith.constant 1 : i32
      %get3A_929 = arith.index_cast %get3A_927 : i32 to index
      %get3A_930 = arith.index_cast %get3A_928 : i32 to index
      %get3A_931 = arith.index_cast %mul3A_926 : i32 to index
      %get3A_932 = tpu.vector_load %arg6[%get3A_929, %get3A_930, %get3A_931] {strides = array<i32>} : memref<2x16x640xf32, #tpu.memory_space<vmem>>, vector<1x1x16xf32>,
      %get3A_933 = vector.shape_cast %get3A_932 : vector<1x1x16xf32> to vector<16xf32>
      %mul3A_934 = arith.mulf %get3A_933, %get3A_913 : vector<16xf32>
      %add3A_935 = arith.addf %scan3A_895, %mul3A_934 : vector<16xf32>
      %mul3A_936 = arith.constant 16 : i32
      %mul3A_937 = arith.muli %scan3A_893, %mul3A_936 : i32
      %get3A_938 = arith.constant 0 : i32
      %get3A_939 = arith.constant 2 : i32
      %get3A_940 = arith.index_cast %get3A_938 : i32 to index
      %get3A_941 = arith.index_cast %get3A_939 : i32 to index
      %get3A_942 = arith.index_cast %mul3A_937 : i32 to index
      %get3A_943 = tpu.vector_load %arg6[%get3A_940, %get3A_941, %get3A_942] {strides = array<i32>} : memref<2x16x640xf32, #tpu.memory_space<vmem>>, vector<1x1x16xf32>,
      %get3A_944 = vector.shape_cast %get3A_943 : vector<1x1x16xf32> to vector<16xf32>
      %mul3A_945 = arith.mulf %get3A_944, %get3A_913 : vector<16xf32>
      %add3A_946 = arith.addf %scan3A_896, %mul3A_945 : vector<16xf32>
      %mul3A_947 = arith.constant 16 : i32
      %mul3A_948 = arith.muli %scan3A_893, %mul3A_947 : i32
      %get3A_949 = arith.constant 0 : i32
      %get3A_950 = arith.constant 3 : i32
      %get3A_951 = arith.index_cast %get3A_949 : i32 to index
      %get3A_952 = arith.index_cast %get3A_950 : i32 to index
      %get3A_953 = arith.index_cast %mul3A_948 : i32 to index
      %get3A_954 = tpu.vector_load %arg6[%get3A_951, %get3A_952, %get3A_953] {strides = array<i32>} : memref<2x16x640xf32, #tpu.memory_space<vmem>>, vector<1x1x16xf32>,
      %get3A_955 = vector.shape_cast %get3A_954 : vector<1x1x16xf32> to vector<16xf32>
      %mul3A_956 = arith.mulf %get3A_955, %get3A_913 : vector<16xf32>
      %add3A_957 = arith.addf %scan3A_897, %mul3A_956 : vector<16xf32>
      %mul3A_958 = arith.constant 16 : i32
      %mul3A_959 = arith.muli %scan3A_893, %mul3A_958 : i32
      %get3A_960 = arith.constant 0 : i32
      %get3A_961 = arith.constant 4 : i32
      %get3A_962 = arith.index_cast %get3A_960 : i32 to index
      %get3A_963 = arith.index_cast %get3A_961 : i32 to index
      %get3A_964 = arith.index_cast %mul3A_959 : i32 to index
      %get3A_965 = tpu.vector_load %arg6[%get3A_962, %get3A_963, %get3A_964] {strides = array<i32>} : memref<2x16x640xf32, #tpu.memory_space<vmem>>, vector<1x1x16xf32>,
      %get3A_966 = vector.shape_cast %get3A_965 : vector<1x1x16xf32> to vector<16xf32>
      %mul3A_967 = arith.mulf %get3A_966, %get3A_913 : vector<16xf32>
      %add3A_968 = arith.addf %scan3A_898, %mul3A_967 : vector<16xf32>
      %mul3A_969 = arith.constant 16 : i32
      %mul3A_970 = arith.muli %scan3A_893, %mul3A_969 : i32
      %get3A_971 = arith.constant 0 : i32
      %get3A_972 = arith.constant 5 : i32
      %get3A_973 = arith.index_cast %get3A_971 : i32 to index
      %get3A_974 = arith.index_cast %get3A_972 : i32 to index
      %get3A_975 = arith.index_cast %mul3A_970 : i32 to index
      %get3A_976 = tpu.vector_load %arg6[%get3A_973, %get3A_974, %get3A_975] {strides = array<i32>} : memref<2x16x640xf32, #tpu.memory_space<vmem>>, vector<1x1x16xf32>,
      %get3A_977 = vector.shape_cast %get3A_976 : vector<1x1x16xf32> to vector<16xf32>
      %mul3A_978 = arith.mulf %get3A_977, %get3A_913 : vector<16xf32>
      %add3A_979 = arith.addf %scan3A_899, %mul3A_978 : vector<16xf32>
      %mul3A_980 = arith.constant 16 : i32
      %mul3A_981 = arith.muli %scan3A_893, %mul3A_980 : i32
      %get3A_982 = arith.constant 0 : i32
      %get3A_983 = arith.constant 6 : i32
      %get3A_984 = arith.index_cast %get3A_982 : i32 to index
      %get3A_985 = arith.index_cast %get3A_983 : i32 to index
      %get3A_986 = arith.index_cast %mul3A_981 : i32 to index
      %get3A_987 = tpu.vector_load %arg6[%get3A_984, %get3A_985, %get3A_986] {strides = array<i32>} : memref<2x16x640xf32, #tpu.memory_space<vmem>>, vector<1x1x16xf32>,
      %get3A_988 = vector.shape_cast %get3A_987 : vector<1x1x16xf32> to vector<16xf32>
      %mul3A_989 = arith.mulf %get3A_988, %get3A_913 : vector<16xf32>
      %add3A_990 = arith.addf %scan3A_900, %mul3A_989 : vector<16xf32>
      %mul3A_991 = arith.constant 16 : i32
      %mul3A_992 = arith.muli %scan3A_893, %mul3A_991 : i32
      %get3A_993 = arith.constant 0 : i32
      %get3A_994 = arith.constant 7 : i32
      %get3A_995 = arith.index_cast %get3A_993 : i32 to index
      %get3A_996 = arith.index_cast %get3A_994 : i32 to index
      %get3A_997 = arith.index_cast %mul3A_992 : i32 to index
      %get3A_998 = tpu.vector_load %arg6[%get3A_995, %get3A_996, %get3A_997] {strides = array<i32>} : memref<2x16x640xf32, #tpu.memory_space<vmem>>, vector<1x1x16xf32>,
      %get3A_999 = vector.shape_cast %get3A_998 : vector<1x1x16xf32> to vector<16xf32>
      %mul3A_1000 = arith.mulf %get3A_999, %get3A_913 : vector<16xf32>
      %add3A_1001 = arith.addf %scan3A_901, %mul3A_1000 : vector<16xf32>
      %mul3A_1002 = arith.constant 16 : i32
      %mul3A_1003 = arith.muli %scan3A_893, %mul3A_1002 : i32
      %get3A_1004 = arith.constant 0 : i32
      %get3A_1005 = arith.constant 8 : i32
      %get3A_1006 = arith.index_cast %get3A_1004 : i32 to index
      %get3A_1007 = arith.index_cast %get3A_1005 : i32 to index
      %get3A_1008 = arith.index_cast %mul3A_1003 : i32 to index
      %get3A_1009 = tpu.vector_load %arg6[%get3A_1006, %get3A_1007, %get3A_1008] {strides = array<i32>} : memref<2x16x640xf32, #tpu.memory_space<vmem>>, vector<1x1x16xf32>,
      %get3A_1010 = vector.shape_cast %get3A_1009 : vector<1x1x16xf32> to vector<16xf32>
      %mul3A_1011 = arith.mulf %get3A_1010, %get3A_913 : vector<16xf32>
      %add3A_1012 = arith.addf %scan3A_902, %mul3A_1011 : vector<16xf32>
      %mul3A_1013 = arith.constant 16 : i32
      %mul3A_1014 = arith.muli %scan3A_893, %mul3A_1013 : i32
      %get3A_1015 = arith.constant 0 : i32
      %get3A_1016 = arith.constant 9 : i32
      %get3A_1017 = arith.index_cast %get3A_1015 : i32 to index
      %get3A_1018 = arith.index_cast %get3A_1016 : i32 to index
      %get3A_1019 = arith.index_cast %mul3A_1014 : i32 to index
      %get3A_1020 = tpu.vector_load %arg6[%get3A_1017, %get3A_1018, %get3A_1019] {strides = array<i32>} : memref<2x16x640xf32, #tpu.memory_space<vmem>>, vector<1x1x16xf32>,
      %get3A_1021 = vector.shape_cast %get3A_1020 : vector<1x1x16xf32> to vector<16xf32>
      %mul3A_1022 = arith.mulf %get3A_1021, %get3A_913 : vector<16xf32>
      %add3A_1023 = arith.addf %scan3A_903, %mul3A_1022 : vector<16xf32>
      %mul3A_1024 = arith.constant 16 : i32
      %mul3A_1025 = arith.muli %scan3A_893, %mul3A_1024 : i32
      %get3A_1026 = arith.constant 0 : i32
      %get3A_1027 = arith.constant 10 : i32
      %get3A_1028 = arith.index_cast %get3A_1026 : i32 to index
      %get3A_1029 = arith.index_cast %get3A_1027 : i32 to index
      %get3A_1030 = arith.index_cast %mul3A_1025 : i32 to index
      %get3A_1031 = tpu.vector_load %arg6[%get3A_1028, %get3A_1029, %get3A_1030] {strides = array<i32>} : memref<2x16x640xf32, #tpu.memory_space<vmem>>, vector<1x1x16xf32>,
      %get3A_1032 = vector.shape_cast %get3A_1031 : vector<1x1x16xf32> to vector<16xf32>
      %mul3A_1033 = arith.mulf %get3A_1032, %get3A_913 : vector<16xf32>
      %add3A_1034 = arith.addf %scan3A_904, %mul3A_1033 : vector<16xf32>
      %mul3A_1035 = arith.constant 16 : i32
      %mul3A_1036 = arith.muli %scan3A_893, %mul3A_1035 : i32
      %get3A_1037 = arith.constant 0 : i32
      %get3A_1038 = arith.constant 11 : i32
      %get3A_1039 = arith.index_cast %get3A_1037 : i32 to index
      %get3A_1040 = arith.index_cast %get3A_1038 : i32 to index
      %get3A_1041 = arith.index_cast %mul3A_1036 : i32 to index
      %get3A_1042 = tpu.vector_load %arg6[%get3A_1039, %get3A_1040, %get3A_1041] {strides = array<i32>} : memref<2x16x640xf32, #tpu.memory_space<vmem>>, vector<1x1x16xf32>,
      %get3A_1043 = vector.shape_cast %get3A_1042 : vector<1x1x16xf32> to vector<16xf32>
      %mul3A_1044 = arith.mulf %get3A_1043, %get3A_913 : vector<16xf32>
      %add3A_1045 = arith.addf %scan3A_905, %mul3A_1044 : vector<16xf32>
      %mul3A_1046 = arith.constant 16 : i32
      %mul3A_1047 = arith.muli %scan3A_893, %mul3A_1046 : i32
      %get3A_1048 = arith.constant 0 : i32
      %get3A_1049 = arith.constant 12 : i32
      %get3A_1050 = arith.index_cast %get3A_1048 : i32 to index
      %get3A_1051 = arith.index_cast %get3A_1049 : i32 to index
      %get3A_1052 = arith.index_cast %mul3A_1047 : i32 to index
      %get3A_1053 = tpu.vector_load %arg6[%get3A_1050, %get3A_1051, %get3A_1052] {strides = array<i32>} : memref<2x16x640xf32, #tpu.memory_space<vmem>>, vector<1x1x16xf32>,
      %get3A_1054 = vector.shape_cast %get3A_1053 : vector<1x1x16xf32> to vector<16xf32>
      %mul3A_1055 = arith.mulf %get3A_1054, %get3A_913 : vector<16xf32>
      %add3A_1056 = arith.addf %scan3A_906, %mul3A_1055 : vector<16xf32>
      %mul3A_1057 = arith.constant 16 : i32
      %mul3A_1058 = arith.muli %scan3A_893, %mul3A_1057 : i32
      %get3A_1059 = arith.constant 0 : i32
      %get3A_1060 = arith.constant 13 : i32
      %get3A_1061 = arith.index_cast %get3A_1059 : i32 to index
      %get3A_1062 = arith.index_cast %get3A_1060 : i32 to index
      %get3A_1063 = arith.index_cast %mul3A_1058 : i32 to index
      %get3A_1064 = tpu.vector_load %arg6[%get3A_1061, %get3A_1062, %get3A_1063] {strides = array<i32>} : memref<2x16x640xf32, #tpu.memory_space<vmem>>, vector<1x1x16xf32>,
      %get3A_1065 = vector.shape_cast %get3A_1064 : vector<1x1x16xf32> to vector<16xf32>
      %mul3A_1066 = arith.mulf %get3A_1065, %get3A_913 : vector<16xf32>
      %add3A_1067 = arith.addf %scan3A_907, %mul3A_1066 : vector<16xf32>
      %mul3A_1068 = arith.constant 16 : i32
      %mul3A_1069 = arith.muli %scan3A_893, %mul3A_1068 : i32
      %get3A_1070 = arith.constant 0 : i32
      %get3A_1071 = arith.constant 14 : i32
      %get3A_1072 = arith.index_cast %get3A_1070 : i32 to index
      %get3A_1073 = arith.index_cast %get3A_1071 : i32 to index
      %get3A_1074 = arith.index_cast %mul3A_1069 : i32 to index
      %get3A_1075 = tpu.vector_load %arg6[%get3A_1072, %get3A_1073, %get3A_1074] {strides = array<i32>} : memref<2x16x640xf32, #tpu.memory_space<vmem>>, vector<1x1x16xf32>,
      %get3A_1076 = vector.shape_cast %get3A_1075 : vector<1x1x16xf32> to vector<16xf32>
      %mul3A_1077 = arith.mulf %get3A_1076, %get3A_913 : vector<16xf32>
      %add3A_1078 = arith.addf %scan3A_908, %mul3A_1077 : vector<16xf32>
      %mul3A_1079 = arith.constant 16 : i32
      %mul3A_1080 = arith.muli %scan3A_893, %mul3A_1079 : i32
      %get3A_1081 = arith.constant 0 : i32
      %get3A_1082 = arith.constant 15 : i32
      %get3A_1083 = arith.index_cast %get3A_1081 : i32 to index
      %get3A_1084 = arith.index_cast %get3A_1082 : i32 to index
      %get3A_1085 = arith.index_cast %mul3A_1080 : i32 to index
      %get3A_1086 = tpu.vector_load %arg6[%get3A_1083, %get3A_1084, %get3A_1085] {strides = array<i32>} : memref<2x16x640xf32, #tpu.memory_space<vmem>>, vector<1x1x16xf32>,
      %get3A_1087 = vector.shape_cast %get3A_1086 : vector<1x1x16xf32> to vector<16xf32>
      %mul3A_1088 = arith.mulf %get3A_1087, %get3A_913 : vector<16xf32>
      %add3A_1089 = arith.addf %scan3A_909, %mul3A_1088 : vector<16xf32>
      %scan3A_1090 = arith.constant 1 : i32
      %scan3A_1091 = arith.addi %scan3A_893, %scan3A_1090 : i32
      %mul3A_1092 = arith.constant 16 : i32
      %mul3A_1093 = arith.muli %scan3A_1091, %mul3A_1092 : i32
      %get3A_1094 = arith.index_cast %mul3A_1093 : i32 to index
      %get3A_1095 = tpu.vector_load %arg5[%get3A_1094] {strides = array<i32>} : memref<640xf32, #tpu.memory_space<vmem>>, vector<16xf32>,
      %get3A_1096 = vector.shape_cast %get3A_1095 : vector<16xf32> to vector<16xf32>
      %mul3A_1097 = arith.constant 16 : i32
      %mul3A_1098 = arith.muli %scan3A_1091, %mul3A_1097 : i32
      %get3A_1099 = arith.constant 0 : i32
      %get3A_1100 = arith.constant 0 : i32
      %get3A_1101 = arith.index_cast %get3A_1099 : i32 to index
      %get3A_1102 = arith.index_cast %get3A_1100 : i32 to index
      %get3A_1103 = arith.index_cast %mul3A_1098 : i32 to index
      %get3A_1104 = tpu.vector_load %arg6[%get3A_1101, %get3A_1102, %get3A_1103] {strides = array<i32>} : memref<2x16x640xf32, #tpu.memory_space<vmem>>, vector<1x1x16xf32>,
      %get3A_1105 = vector.shape_cast %get3A_1104 : vector<1x1x16xf32> to vector<16xf32>
      %mul3A_1106 = arith.mulf %get3A_1105, %get3A_1096 : vector<16xf32>
      %add3A_1107 = arith.addf %add3A_924, %mul3A_1106 : vector<16xf32>
      %mul3A_1108 = arith.constant 16 : i32
      %mul3A_1109 = arith.muli %scan3A_1091, %mul3A_1108 : i32
      %get3A_1110 = arith.constant 0 : i32
      %get3A_1111 = arith.constant 1 : i32
      %get3A_1112 = arith.index_cast %get3A_1110 : i32 to index
      %get3A_1113 = arith.index_cast %get3A_1111 : i32 to index
      %get3A_1114 = arith.index_cast %mul3A_1109 : i32 to index
      %get3A_1115 = tpu.vector_load %arg6[%get3A_1112, %get3A_1113, %get3A_1114] {strides = array<i32>} : memref<2x16x640xf32, #tpu.memory_space<vmem>>, vector<1x1x16xf32>,
      %get3A_1116 = vector.shape_cast %get3A_1115 : vector<1x1x16xf32> to vector<16xf32>
      %mul3A_1117 = arith.mulf %get3A_1116, %get3A_1096 : vector<16xf32>
      %add3A_1118 = arith.addf %add3A_935, %mul3A_1117 : vector<16xf32>
      %mul3A_1119 = arith.constant 16 : i32
      %mul3A_1120 = arith.muli %scan3A_1091, %mul3A_1119 : i32
      %get3A_1121 = arith.constant 0 : i32
      %get3A_1122 = arith.constant 2 : i32
      %get3A_1123 = arith.index_cast %get3A_1121 : i32 to index
      %get3A_1124 = arith.index_cast %get3A_1122 : i32 to index
      %get3A_1125 = arith.index_cast %mul3A_1120 : i32 to index
      %get3A_1126 = tpu.vector_load %arg6[%get3A_1123, %get3A_1124, %get3A_1125] {strides = array<i32>} : memref<2x16x640xf32, #tpu.memory_space<vmem>>, vector<1x1x16xf32>,
      %get3A_1127 = vector.shape_cast %get3A_1126 : vector<1x1x16xf32> to vector<16xf32>
      %mul3A_1128 = arith.mulf %get3A_1127, %get3A_1096 : vector<16xf32>
      %add3A_1129 = arith.addf %add3A_946, %mul3A_1128 : vector<16xf32>
      %mul3A_1130 = arith.constant 16 : i32
      %mul3A_1131 = arith.muli %scan3A_1091, %mul3A_1130 : i32
      %get3A_1132 = arith.constant 0 : i32
      %get3A_1133 = arith.constant 3 : i32
      %get3A_1134 = arith.index_cast %get3A_1132 : i32 to index
      %get3A_1135 = arith.index_cast %get3A_1133 : i32 to index
      %get3A_1136 = arith.index_cast %mul3A_1131 : i32 to index
      %get3A_1137 = tpu.vector_load %arg6[%get3A_1134, %get3A_1135, %get3A_1136] {strides = array<i32>} : memref<2x16x640xf32, #tpu.memory_space<vmem>>, vector<1x1x16xf32>,
      %get3A_1138 = vector.shape_cast %get3A_1137 : vector<1x1x16xf32> to vector<16xf32>
      %mul3A_1139 = arith.mulf %get3A_1138, %get3A_1096 : vector<16xf32>
      %add3A_1140 = arith.addf %add3A_957, %mul3A_1139 : vector<16xf32>
      %mul3A_1141 = arith.constant 16 : i32
      %mul3A_1142 = arith.muli %scan3A_1091, %mul3A_1141 : i32
      %get3A_1143 = arith.constant 0 : i32
      %get3A_1144 = arith.constant 4 : i32
      %get3A_1145 = arith.index_cast %get3A_1143 : i32 to index
      %get3A_1146 = arith.index_cast %get3A_1144 : i32 to index
      %get3A_1147 = arith.index_cast %mul3A_1142 : i32 to index
      %get3A_1148 = tpu.vector_load %arg6[%get3A_1145, %get3A_1146, %get3A_1147] {strides = array<i32>} : memref<2x16x640xf32, #tpu.memory_space<vmem>>, vector<1x1x16xf32>,
      %get3A_1149 = vector.shape_cast %get3A_1148 : vector<1x1x16xf32> to vector<16xf32>
      %mul3A_1150 = arith.mulf %get3A_1149, %get3A_1096 : vector<16xf32>
      %add3A_1151 = arith.addf %add3A_968, %mul3A_1150 : vector<16xf32>
      %mul3A_1152 = arith.constant 16 : i32
      %mul3A_1153 = arith.muli %scan3A_1091, %mul3A_1152 : i32
      %get3A_1154 = arith.constant 0 : i32
      %get3A_1155 = arith.constant 5 : i32
      %get3A_1156 = arith.index_cast %get3A_1154 : i32 to index
      %get3A_1157 = arith.index_cast %get3A_1155 : i32 to index
      %get3A_1158 = arith.index_cast %mul3A_1153 : i32 to index
      %get3A_1159 = tpu.vector_load %arg6[%get3A_1156, %get3A_1157, %get3A_1158] {strides = array<i32>} : memref<2x16x640xf32, #tpu.memory_space<vmem>>, vector<1x1x16xf32>,
      %get3A_1160 = vector.shape_cast %get3A_1159 : vector<1x1x16xf32> to vector<16xf32>
      %mul3A_1161 = arith.mulf %get3A_1160, %get3A_1096 : vector<16xf32>
      %add3A_1162 = arith.addf %add3A_979, %mul3A_1161 : vector<16xf32>
      %mul3A_1163 = arith.constant 16 : i32
      %mul3A_1164 = arith.muli %scan3A_1091, %mul3A_1163 : i32
      %get3A_1165 = arith.constant 0 : i32
      %get3A_1166 = arith.constant 6 : i32
      %get3A_1167 = arith.index_cast %get3A_1165 : i32 to index
      %get3A_1168 = arith.index_cast %get3A_1166 : i32 to index
      %get3A_1169 = arith.index_cast %mul3A_1164 : i32 to index
      %get3A_1170 = tpu.vector_load %arg6[%get3A_1167, %get3A_1168, %get3A_1169] {strides = array<i32>} : memref<2x16x640xf32, #tpu.memory_space<vmem>>, vector<1x1x16xf32>,
      %get3A_1171 = vector.shape_cast %get3A_1170 : vector<1x1x16xf32> to vector<16xf32>
      %mul3A_1172 = arith.mulf %get3A_1171, %get3A_1096 : vector<16xf32>
      %add3A_1173 = arith.addf %add3A_990, %mul3A_1172 : vector<16xf32>
      %mul3A_1174 = arith.constant 16 : i32
      %mul3A_1175 = arith.muli %scan3A_1091, %mul3A_1174 : i32
      %get3A_1176 = arith.constant 0 : i32
      %get3A_1177 = arith.constant 7 : i32
      %get3A_1178 = arith.index_cast %get3A_1176 : i32 to index
      %get3A_1179 = arith.index_cast %get3A_1177 : i32 to index
      %get3A_1180 = arith.index_cast %mul3A_1175 : i32 to index
      %get3A_1181 = tpu.vector_load %arg6[%get3A_1178, %get3A_1179, %get3A_1180] {strides = array<i32>} : memref<2x16x640xf32, #tpu.memory_space<vmem>>, vector<1x1x16xf32>,
      %get3A_1182 = vector.shape_cast %get3A_1181 : vector<1x1x16xf32> to vector<16xf32>
      %mul3A_1183 = arith.mulf %get3A_1182, %get3A_1096 : vector<16xf32>
      %add3A_1184 = arith.addf %add3A_1001, %mul3A_1183 : vector<16xf32>
      %mul3A_1185 = arith.constant 16 : i32
      %mul3A_1186 = arith.muli %scan3A_1091, %mul3A_1185 : i32
      %get3A_1187 = arith.constant 0 : i32
      %get3A_1188 = arith.constant 8 : i32
      %get3A_1189 = arith.index_cast %get3A_1187 : i32 to index
      %get3A_1190 = arith.index_cast %get3A_1188 : i32 to index
      %get3A_1191 = arith.index_cast %mul3A_1186 : i32 to index
      %get3A_1192 = tpu.vector_load %arg6[%get3A_1189, %get3A_1190, %get3A_1191] {strides = array<i32>} : memref<2x16x640xf32, #tpu.memory_space<vmem>>, vector<1x1x16xf32>,
      %get3A_1193 = vector.shape_cast %get3A_1192 : vector<1x1x16xf32> to vector<16xf32>
      %mul3A_1194 = arith.mulf %get3A_1193, %get3A_1096 : vector<16xf32>
      %add3A_1195 = arith.addf %add3A_1012, %mul3A_1194 : vector<16xf32>
      %mul3A_1196 = arith.constant 16 : i32
      %mul3A_1197 = arith.muli %scan3A_1091, %mul3A_1196 : i32
      %get3A_1198 = arith.constant 0 : i32
      %get3A_1199 = arith.constant 9 : i32
      %get3A_1200 = arith.index_cast %get3A_1198 : i32 to index
      %get3A_1201 = arith.index_cast %get3A_1199 : i32 to index
      %get3A_1202 = arith.index_cast %mul3A_1197 : i32 to index
      %get3A_1203 = tpu.vector_load %arg6[%get3A_1200, %get3A_1201, %get3A_1202] {strides = array<i32>} : memref<2x16x640xf32, #tpu.memory_space<vmem>>, vector<1x1x16xf32>,
      %get3A_1204 = vector.shape_cast %get3A_1203 : vector<1x1x16xf32> to vector<16xf32>
      %mul3A_1205 = arith.mulf %get3A_1204, %get3A_1096 : vector<16xf32>
      %add3A_1206 = arith.addf %add3A_1023, %mul3A_1205 : vector<16xf32>
      %mul3A_1207 = arith.constant 16 : i32
      %mul3A_1208 = arith.muli %scan3A_1091, %mul3A_1207 : i32
      %get3A_1209 = arith.constant 0 : i32
      %get3A_1210 = arith.constant 10 : i32
      %get3A_1211 = arith.index_cast %get3A_1209 : i32 to index
      %get3A_1212 = arith.index_cast %get3A_1210 : i32 to index
      %get3A_1213 = arith.index_cast %mul3A_1208 : i32 to index
      %get3A_1214 = tpu.vector_load %arg6[%get3A_1211, %get3A_1212, %get3A_1213] {strides = array<i32>} : memref<2x16x640xf32, #tpu.memory_space<vmem>>, vector<1x1x16xf32>,
      %get3A_1215 = vector.shape_cast %get3A_1214 : vector<1x1x16xf32> to vector<16xf32>
      %mul3A_1216 = arith.mulf %get3A_1215, %get3A_1096 : vector<16xf32>
      %add3A_1217 = arith.addf %add3A_1034, %mul3A_1216 : vector<16xf32>
      %mul3A_1218 = arith.constant 16 : i32
      %mul3A_1219 = arith.muli %scan3A_1091, %mul3A_1218 : i32
      %get3A_1220 = arith.constant 0 : i32
      %get3A_1221 = arith.constant 11 : i32
      %get3A_1222 = arith.index_cast %get3A_1220 : i32 to index
      %get3A_1223 = arith.index_cast %get3A_1221 : i32 to index
      %get3A_1224 = arith.index_cast %mul3A_1219 : i32 to index
      %get3A_1225 = tpu.vector_load %arg6[%get3A_1222, %get3A_1223, %get3A_1224] {strides = array<i32>} : memref<2x16x640xf32, #tpu.memory_space<vmem>>, vector<1x1x16xf32>,
      %get3A_1226 = vector.shape_cast %get3A_1225 : vector<1x1x16xf32> to vector<16xf32>
      %mul3A_1227 = arith.mulf %get3A_1226, %get3A_1096 : vector<16xf32>
      %add3A_1228 = arith.addf %add3A_1045, %mul3A_1227 : vector<16xf32>
      %mul3A_1229 = arith.constant 16 : i32
      %mul3A_1230 = arith.muli %scan3A_1091, %mul3A_1229 : i32
      %get3A_1231 = arith.constant 0 : i32
      %get3A_1232 = arith.constant 12 : i32
      %get3A_1233 = arith.index_cast %get3A_1231 : i32 to index
      %get3A_1234 = arith.index_cast %get3A_1232 : i32 to index
      %get3A_1235 = arith.index_cast %mul3A_1230 : i32 to index
      %get3A_1236 = tpu.vector_load %arg6[%get3A_1233, %get3A_1234, %get3A_1235] {strides = array<i32>} : memref<2x16x640xf32, #tpu.memory_space<vmem>>, vector<1x1x16xf32>,
      %get3A_1237 = vector.shape_cast %get3A_1236 : vector<1x1x16xf32> to vector<16xf32>
      %mul3A_1238 = arith.mulf %get3A_1237, %get3A_1096 : vector<16xf32>
      %add3A_1239 = arith.addf %add3A_1056, %mul3A_1238 : vector<16xf32>
      %mul3A_1240 = arith.constant 16 : i32
      %mul3A_1241 = arith.muli %scan3A_1091, %mul3A_1240 : i32
      %get3A_1242 = arith.constant 0 : i32
      %get3A_1243 = arith.constant 13 : i32
      %get3A_1244 = arith.index_cast %get3A_1242 : i32 to index
      %get3A_1245 = arith.index_cast %get3A_1243 : i32 to index
      %get3A_1246 = arith.index_cast %mul3A_1241 : i32 to index
      %get3A_1247 = tpu.vector_load %arg6[%get3A_1244, %get3A_1245, %get3A_1246] {strides = array<i32>} : memref<2x16x640xf32, #tpu.memory_space<vmem>>, vector<1x1x16xf32>,
      %get3A_1248 = vector.shape_cast %get3A_1247 : vector<1x1x16xf32> to vector<16xf32>
      %mul3A_1249 = arith.mulf %get3A_1248, %get3A_1096 : vector<16xf32>
      %add3A_1250 = arith.addf %add3A_1067, %mul3A_1249 : vector<16xf32>
      %mul3A_1251 = arith.constant 16 : i32
      %mul3A_1252 = arith.muli %scan3A_1091, %mul3A_1251 : i32
      %get3A_1253 = arith.constant 0 : i32
      %get3A_1254 = arith.constant 14 : i32
      %get3A_1255 = arith.index_cast %get3A_1253 : i32 to index
      %get3A_1256 = arith.index_cast %get3A_1254 : i32 to index
      %get3A_1257 = arith.index_cast %mul3A_1252 : i32 to index
      %get3A_1258 = tpu.vector_load %arg6[%get3A_1255, %get3A_1256, %get3A_1257] {strides = array<i32>} : memref<2x16x640xf32, #tpu.memory_space<vmem>>, vector<1x1x16xf32>,
      %get3A_1259 = vector.shape_cast %get3A_1258 : vector<1x1x16xf32> to vector<16xf32>
      %mul3A_1260 = arith.mulf %get3A_1259, %get3A_1096 : vector<16xf32>
      %add3A_1261 = arith.addf %add3A_1078, %mul3A_1260 : vector<16xf32>
      %mul3A_1262 = arith.constant 16 : i32
      %mul3A_1263 = arith.muli %scan3A_1091, %mul3A_1262 : i32
      %get3A_1264 = arith.constant 0 : i32
      %get3A_1265 = arith.constant 15 : i32
      %get3A_1266 = arith.index_cast %get3A_1264 : i32 to index
      %get3A_1267 = arith.index_cast %get3A_1265 : i32 to index
      %get3A_1268 = arith.index_cast %mul3A_1263 : i32 to index
      %get3A_1269 = tpu.vector_load %arg6[%get3A_1266, %get3A_1267, %get3A_1268] {strides = array<i32>} : memref<2x16x640xf32, #tpu.memory_space<vmem>>, vector<1x1x16xf32>,
      %get3A_1270 = vector.shape_cast %get3A_1269 : vector<1x1x16xf32> to vector<16xf32>
      %mul3A_1271 = arith.mulf %get3A_1270, %get3A_1096 : vector<16xf32>
      %add3A_1272 = arith.addf %add3A_1089, %mul3A_1271 : vector<16xf32>
      scf.yield %add3A_1107, %add3A_1118, %add3A_1129, %add3A_1140, %add3A_1151, %add3A_1162, %add3A_1173, %add3A_1184, %add3A_1195, %add3A_1206, %add3A_1217, %add3A_1228, %add3A_1239, %add3A_1250, %add3A_1261, %add3A_1272 : vector<16xf32>, vector<16xf32>, vector<16xf32>, vector<16xf32>, vector<16xf32>, vector<16xf32>, vector<16xf32>, vector<16xf32>, vector<16xf32>, vector<16xf32>, vector<16xf32>, vector<16xf32>, vector<16xf32>, vector<16xf32>, vector<16xf32>, vector<16xf32>
    }
    %scan3A_564 = arith.constant 40 : i32
    %swap3A_565 = arith.constant 64 : i32
    %swap3A_566 = arith.index_cast %swap3A_565 : i32 to index
    %swap3A_567 = arith.constant 0 : index
    %swap3A_568 = tpu.vector_load %arg7[%swap3A_566, %swap3A_567] {strides = array<i32>} : memref<100x128xf32, #tpu.memory_space<vmem>>, vector<1x16xf32>,
    %swap3A_569 = vector.shape_cast %swap3A_568 : vector<1x16xf32> to vector<16xf32>
    %swap3A_570 = vector.shape_cast %scan3A_563#0 : vector<16xf32> to vector<1x16xf32>
    tpu.vector_store %arg7[%swap3A_566, %swap3A_567], %swap3A_570 {strides = array<i32>} : memref<100x128xf32, #tpu.memory_space<vmem>>, vector<1x16xf32>,
    %swap3A_571 = arith.constant 65 : i32
    %swap3A_572 = arith.index_cast %swap3A_571 : i32 to index
    %swap3A_573 = arith.constant 0 : index
    %swap3A_574 = tpu.vector_load %arg7[%swap3A_572, %swap3A_573] {strides = array<i32>} : memref<100x128xf32, #tpu.memory_space<vmem>>, vector<1x16xf32>,
    %swap3A_575 = vector.shape_cast %swap3A_574 : vector<1x16xf32> to vector<16xf32>
    %swap3A_576 = vector.shape_cast %scan3A_563#1 : vector<16xf32> to vector<1x16xf32>
    tpu.vector_store %arg7[%swap3A_572, %swap3A_573], %swap3A_576 {strides = array<i32>} : memref<100x128xf32, #tpu.memory_space<vmem>>, vector<1x16xf32>,
    %swap3A_577 = arith.constant 66 : i32
    %swap3A_578 = arith.index_cast %swap3A_577 : i32 to index
    %swap3A_579 = arith.constant 0 : index
    %swap3A_580 = tpu.vector_load %arg7[%swap3A_578, %swap3A_579] {strides = array<i32>} : memref<100x128xf32, #tpu.memory_space<vmem>>, vector<1x16xf32>,
    %swap3A_581 = vector.shape_cast %swap3A_580 : vector<1x16xf32> to vector<16xf32>
    %swap3A_582 = vector.shape_cast %scan3A_563#2 : vector<16xf32> to vector<1x16xf32>
    tpu.vector_store %arg7[%swap3A_578, %swap3A_579], %swap3A_582 {strides = array<i32>} : memref<100x128xf32, #tpu.memory_space<vmem>>, vector<1x16xf32>,
    %swap3A_583 = arith.constant 67 : i32
    %swap3A_584 = arith.index_cast %swap3A_583 : i32 to index
    %swap3A_585 = arith.constant 0 : index
    %swap3A_586 = tpu.vector_load %arg7[%swap3A_584, %swap3A_585] {strides = array<i32>} : memref<100x128xf32, #tpu.memory_space<vmem>>, vector<1x16xf32>,
    %swap3A_587 = vector.shape_cast %swap3A_586 : vector<1x16xf32> to vector<16xf32>
    %swap3A_588 = vector.shape_cast %scan3A_563#3 : vector<16xf32> to vector<1x16xf32>
    tpu.vector_store %arg7[%swap3A_584, %swap3A_585], %swap3A_588 {strides = array<i32>} : memref<100x128xf32, #tpu.memory_space<vmem>>, vector<1x16xf32>,
    %swap3A_589 = arith.constant 68 : i32
    %swap3A_590 = arith.index_cast %swap3A_589 : i32 to index
    %swap3A_591 = arith.constant 0 : index
    %swap3A_592 = tpu.vector_load %arg7[%swap3A_590, %swap3A_591] {strides = array<i32>} : memref<100x128xf32, #tpu.memory_space<vmem>>, vector<1x16xf32>,
    %swap3A_593 = vector.shape_cast %swap3A_592 : vector<1x16xf32> to vector<16xf32>
    %swap3A_594 = vector.shape_cast %scan3A_563#4 : vector<16xf32> to vector<1x16xf32>
    tpu.vector_store %arg7[%swap3A_590, %swap3A_591], %swap3A_594 {strides = array<i32>} : memref<100x128xf32, #tpu.memory_space<vmem>>, vector<1x16xf32>,
    %swap3A_595 = arith.constant 69 : i32
    %swap3A_596 = arith.index_cast %swap3A_595 : i32 to index
    %swap3A_597 = arith.constant 0 : index
    %swap3A_598 = tpu.vector_load %arg7[%swap3A_596, %swap3A_597] {strides = array<i32>} : memref<100x128xf32, #tpu.memory_space<vmem>>, vector<1x16xf32>,
    %swap3A_599 = vector.shape_cast %swap3A_598 : vector<1x16xf32> to vector<16xf32>
    %swap3A_600 = vector.shape_cast %scan3A_563#5 : vector<16xf32> to vector<1x16xf32>
    tpu.vector_store %arg7[%swap3A_596, %swap3A_597], %swap3A_600 {strides = array<i32>} : memref<100x128xf32, #tpu.memory_space<vmem>>, vector<1x16xf32>,
    %swap3A_601 = arith.constant 70 : i32
    %swap3A_602 = arith.index_cast %swap3A_601 : i32 to index
    %swap3A_603 = arith.constant 0 : index
    %swap3A_604 = tpu.vector_load %arg7[%swap3A_602, %swap3A_603] {strides = array<i32>} : memref<100x128xf32, #tpu.memory_space<vmem>>, vector<1x16xf32>,
    %swap3A_605 = vector.shape_cast %swap3A_604 : vector<1x16xf32> to vector<16xf32>
    %swap3A_606 = vector.shape_cast %scan3A_563#6 : vector<16xf32> to vector<1x16xf32>
    tpu.vector_store %arg7[%swap3A_602, %swap3A_603], %swap3A_606 {strides = array<i32>} : memref<100x128xf32, #tpu.memory_space<vmem>>, vector<1x16xf32>,
    %swap3A_607 = arith.constant 71 : i32
    %swap3A_608 = arith.index_cast %swap3A_607 : i32 to index
    %swap3A_609 = arith.constant 0 : index
    %swap3A_610 = tpu.vector_load %arg7[%swap3A_608, %swap3A_609] {strides = array<i32>} : memref<100x128xf32, #tpu.memory_space<vmem>>, vector<1x16xf32>,
    %swap3A_611 = vector.shape_cast %swap3A_610 : vector<1x16xf32> to vector<16xf32>
    %swap3A_612 = vector.shape_cast %scan3A_563#7 : vector<16xf32> to vector<1x16xf32>
    tpu.vector_store %arg7[%swap3A_608, %swap3A_609], %swap3A_612 {strides = array<i32>} : memref<100x128xf32, #tpu.memory_space<vmem>>, vector<1x16xf32>,
    %swap3A_613 = arith.constant 72 : i32
    %swap3A_614 = arith.index_cast %swap3A_613 : i32 to index
    %swap3A_615 = arith.constant 0 : index
    %swap3A_616 = tpu.vector_load %arg7[%swap3A_614, %swap3A_615] {strides = array<i32>} : memref<100x128xf32, #tpu.memory_space<vmem>>, vector<1x16xf32>,
    %swap3A_617 = vector.shape_cast %swap3A_616 : vector<1x16xf32> to vector<16xf32>
    %swap3A_618 = vector.shape_cast %scan3A_563#8 : vector<16xf32> to vector<1x16xf32>
    tpu.vector_store %arg7[%swap3A_614, %swap3A_615], %swap3A_618 {strides = array<i32>} : memref<100x128xf32, #tpu.memory_space<vmem>>, vector<1x16xf32>,
    %swap3A_619 = arith.constant 73 : i32
    %swap3A_620 = arith.index_cast %swap3A_619 : i32 to index
    %swap3A_621 = arith.constant 0 : index
    %swap3A_622 = tpu.vector_load %arg7[%swap3A_620, %swap3A_621] {strides = array<i32>} : memref<100x128xf32, #tpu.memory_space<vmem>>, vector<1x16xf32>,
    %swap3A_623 = vector.shape_cast %swap3A_622 : vector<1x16xf32> to vector<16xf32>
    %swap3A_624 = vector.shape_cast %scan3A_563#9 : vector<16xf32> to vector<1x16xf32>
    tpu.vector_store %arg7[%swap3A_620, %swap3A_621], %swap3A_624 {strides = array<i32>} : memref<100x128xf32, #tpu.memory_space<vmem>>, vector<1x16xf32>,
    %swap3A_625 = arith.constant 74 : i32
    %swap3A_626 = arith.index_cast %swap3A_625 : i32 to index
    %swap3A_627 = arith.constant 0 : index
    %swap3A_628 = tpu.vector_load %arg7[%swap3A_626, %swap3A_627] {strides = array<i32>} : memref<100x128xf32, #tpu.memory_space<vmem>>, vector<1x16xf32>,
    %swap3A_629 = vector.shape_cast %swap3A_628 : vector<1x16xf32> to vector<16xf32>
    %swap3A_630 = vector.shape_cast %scan3A_563#10 : vector<16xf32> to vector<1x16xf32>
    tpu.vector_store %arg7[%swap3A_626, %swap3A_627], %swap3A_630 {strides = array<i32>} : memref<100x128xf32, #tpu.memory_space<vmem>>, vector<1x16xf32>,
    %swap3A_631 = arith.constant 75 : i32
    %swap3A_632 = arith.index_cast %swap3A_631 : i32 to index
    %swap3A_633 = arith.constant 0 : index
    %swap3A_634 = tpu.vector_load %arg7[%swap3A_632, %swap3A_633] {strides = array<i32>} : memref<100x128xf32, #tpu.memory_space<vmem>>, vector<1x16xf32>,
    %swap3A_635 = vector.shape_cast %swap3A_634 : vector<1x16xf32> to vector<16xf32>
    %swap3A_636 = vector.shape_cast %scan3A_563#11 : vector<16xf32> to vector<1x16xf32>
    tpu.vector_store %arg7[%swap3A_632, %swap3A_633], %swap3A_636 {strides = array<i32>} : memref<100x128xf32, #tpu.memory_space<vmem>>, vector<1x16xf32>,
    %swap3A_637 = arith.constant 76 : i32
    %swap3A_638 = arith.index_cast %swap3A_637 : i32 to index
    %swap3A_639 = arith.constant 0 : index
    %swap3A_640 = tpu.vector_load %arg7[%swap3A_638, %swap3A_639] {strides = array<i32>} : memref<100x128xf32, #tpu.memory_space<vmem>>, vector<1x16xf32>,
    %swap3A_641 = vector.shape_cast %swap3A_640 : vector<1x16xf32> to vector<16xf32>
    %swap3A_642 = vector.shape_cast %scan3A_563#12 : vector<16xf32> to vector<1x16xf32>
    tpu.vector_store %arg7[%swap3A_638, %swap3A_639], %swap3A_642 {strides = array<i32>} : memref<100x128xf32, #tpu.memory_space<vmem>>, vector<1x16xf32>,
    %swap3A_643 = arith.constant 77 : i32
    %swap3A_644 = arith.index_cast %swap3A_643 : i32 to index
    %swap3A_645 = arith.constant 0 : index
    %swap3A_646 = tpu.vector_load %arg7[%swap3A_644, %swap3A_645] {strides = array<i32>} : memref<100x128xf32, #tpu.memory_space<vmem>>, vector<1x16xf32>,
    %swap3A_647 = vector.shape_cast %swap3A_646 : vector<1x16xf32> to vector<16xf32>
    %swap3A_648 = vector.shape_cast %scan3A_563#13 : vector<16xf32> to vector<1x16xf32>
    tpu.vector_store %arg7[%swap3A_644, %swap3A_645], %swap3A_648 {strides = array<i32>} : memref<100x128xf32, #tpu.memory_space<vmem>>, vector<1x16xf32>,
    %swap3A_649 = arith.constant 78 : i32
    %swap3A_650 = arith.index_cast %swap3A_649 : i32 to index
    %swap3A_651 = arith.constant 0 : index
    %swap3A_652 = tpu.vector_load %arg7[%swap3A_650, %swap3A_651] {strides = array<i32>} : memref<100x128xf32, #tpu.memory_space<vmem>>, vector<1x16xf32>,
    %swap3A_653 = vector.shape_cast %swap3A_652 : vector<1x16xf32> to vector<16xf32>
    %swap3A_654 = vector.shape_cast %scan3A_563#14 : vector<16xf32> to vector<1x16xf32>
    tpu.vector_store %arg7[%swap3A_650, %swap3A_651], %swap3A_654 {strides = array<i32>} : memref<100x128xf32, #tpu.memory_space<vmem>>, vector<1x16xf32>,
    %swap3A_655 = arith.constant 79 : i32
    %swap3A_656 = arith.index_cast %swap3A_655 : i32 to index
    %swap3A_657 = arith.constant 0 : index
    %swap3A_658 = tpu.vector_load %arg7[%swap3A_656, %swap3A_657] {strides = array<i32>} : memref<100x128xf32, #tpu.memory_space<vmem>>, vector<1x16xf32>,
    %swap3A_659 = vector.shape_cast %swap3A_658 : vector<1x16xf32> to vector<16xf32>
    %swap3A_660 = vector.shape_cast %scan3A_563#15 : vector<16xf32> to vector<1x16xf32>
    tpu.vector_store %arg7[%swap3A_656, %swap3A_657], %swap3A_660 {strides = array<i32>} : memref<100x128xf32, #tpu.memory_space<vmem>>, vector<1x16xf32>,
    %dma_start3A_661 = arith.constant 0 : i32
    %dma_start3A_662 = arith.constant 0 : i32
    %dma_start3A_663 = arith.constant 0 : i32
    %dma_start3A_664 = tpu.memref_slice %arg6[%dma_start3A_661, %dma_start3A_662, %dma_start3A_663] : memref<2x16x640xf32, #tpu.memory_space<vmem>> -> memref<1x4x640xf32, #tpu.memory_space<vmem>>
    %dma_start3A_665 = tpu.memref_squeeze %dma_start3A_664 : memref<1x4x640xf32, #tpu.memory_space<vmem>> -> memref<4x640xf32, #tpu.memory_space<vmem>>
    %dma_start3A_666 = arith.constant 96 : i32
    %dma_start3A_667 = tpu.memref_slice %arg3[%dma_start3A_666, %add3A_4] : memref<100x1000000xf32, #tpu.memory_space<hbm>> -> memref<4x640xf32, #tpu.memory_space<hbm>>
    %dma_start3A_668 = arith.constant 0 : i32
    %dma_start3A_669 = arith.constant 0 : i32
    %dma_start3A_670 = tpu.memref_slice %arg6[%dma_start3A_661, %dma_start3A_668, %dma_start3A_669] : memref<2x16x640xf32, #tpu.memory_space<vmem>> -> memref<1x4x640xf32, #tpu.memory_space<vmem>>
    %dma_start3A_671 = tpu.memref_squeeze %dma_start3A_670 : memref<1x4x640xf32, #tpu.memory_space<vmem>> -> memref<4x640xf32, #tpu.memory_space<vmem>>
    %dma_start3A_672 = arith.constant 96 : i32
    %dma_start3A_673 = tpu.memref_slice %arg3[%dma_start3A_672, %add3A_4] : memref<100x1000000xf32, #tpu.memory_space<hbm>> -> memref<4x640xf32, #tpu.memory_space<hbm>>
    tpu.enqueue_dma source(%dma_start3A_673 : memref<4x640xf32, #tpu.memory_space<hbm>>) target(%dma_start3A_671 : memref<4x640xf32, #tpu.memory_space<vmem>>) target_semaphore(%arg10 : memref<!tpu.dma_semaphore, #tpu.memory_space<semaphore_mem>>)
    %dma_wait3A_674 = arith.constant 1 : i32
    %dma_wait3A_675 = arith.constant 0 : i32
    %dma_wait3A_676 = arith.constant 0 : i32
    %dma_wait3A_677 = tpu.memref_slice %arg6[%dma_wait3A_674, %dma_wait3A_675, %dma_wait3A_676] : memref<2x16x640xf32, #tpu.memory_space<vmem>> -> memref<1x16x640xf32, #tpu.memory_space<vmem>>
    %dma_wait3A_678 = tpu.memref_squeeze %dma_wait3A_677 : memref<1x16x640xf32, #tpu.memory_space<vmem>> -> memref<16x640xf32, #tpu.memory_space<vmem>>
    %dma_wait3A_679 = arith.constant 80 : i32
    %dma_wait3A_680 = tpu.memref_slice %arg3[%dma_wait3A_679, %add3A_4] : memref<100x1000000xf32, #tpu.memory_space<hbm>> -> memref<16x640xf32, #tpu.memory_space<hbm>>
    %dma_wait3A_681 = arith.constant 0 : i32
    %dma_wait3A_682 = arith.constant 0 : i32
    %dma_wait3A_683 = tpu.memref_slice %arg6[%dma_wait3A_674, %dma_wait3A_681, %dma_wait3A_682] : memref<2x16x640xf32, #tpu.memory_space<vmem>> -> memref<1x16x640xf32, #tpu.memory_space<vmem>>
    %dma_wait3A_684 = tpu.memref_squeeze %dma_wait3A_683 : memref<1x16x640xf32, #tpu.memory_space<vmem>> -> memref<16x640xf32, #tpu.memory_space<vmem>>
    %dma_wait3A_685 = arith.constant 80 : i32
    %dma_wait3A_686 = tpu.memref_slice %arg3[%dma_wait3A_685, %add3A_4] : memref<100x1000000xf32, #tpu.memory_space<hbm>> -> memref<16x640xf32, #tpu.memory_space<hbm>>
    tpu.wait_dma2 semaphore(%arg11 : memref<!tpu.dma_semaphore, #tpu.memory_space<semaphore_mem>>) src(%dma_wait3A_686 : memref<16x640xf32, #tpu.memory_space<hbm>>) dst(%dma_wait3A_684 : memref<16x640xf32, #tpu.memory_space<vmem>>)
    %scan3A_687 = arith.constant 0 : i32
    %scan3A_688 = arith.constant 40 : i32
    %scan3A_689 = arith.addi %scan3A_687, %scan3A_688 : i32
    %scan3A_690 = arith.constant 2 : i32
    %scan3A_691:16 = scf.for %scan3A_893 = %scan3A_687 to %scan3A_689 step %scan3A_690 iter_args(%scan3A_894 = %broadcast_in_dim3A_5, %scan3A_895 = %broadcast_in_dim3A_5, %scan3A_896 = %broadcast_in_dim3A_5, %scan3A_897 = %broadcast_in_dim3A_5, %scan3A_898 = %broadcast_in_dim3A_5, %scan3A_899 = %broadcast_in_dim3A_5, %scan3A_900 = %broadcast_in_dim3A_5, %scan3A_901 = %broadcast_in_dim3A_5, %scan3A_902 = %broadcast_in_dim3A_5, %scan3A_903 = %broadcast_in_dim3A_5, %scan3A_904 = %broadcast_in_dim3A_5, %scan3A_905 = %broadcast_in_dim3A_5, %scan3A_906 = %broadcast_in_dim3A_5, %scan3A_907 = %broadcast_in_dim3A_5, %scan3A_908 = %broadcast_in_dim3A_5, %scan3A_909 = %broadcast_in_dim3A_5) -> (vector<16xf32>, vector<16xf32>, vector<16xf32>, vector<16xf32>, vector<16xf32>, vector<16xf32>, vector<16xf32>, vector<16xf32>, vector<16xf32>, vector<16xf32>, vector<16xf32>, vector<16xf32>, vector<16xf32>, vector<16xf32>, vector<16xf32>, vector<16xf32>)  : i32 {
      %mul3A_910 = arith.constant 16 : i32
      %mul3A_911 = arith.muli %scan3A_893, %mul3A_910 : i32
      %get3A = arith.index_cast %mul3A_911 : i32 to index
      %get3A_912 = tpu.vector_load %arg5[%get3A] {strides = array<i32>} : memref<640xf32, #tpu.memory_space<vmem>>, vector<16xf32>,
      %get3A_913 = vector.shape_cast %get3A_912 : vector<16xf32> to vector<16xf32>
      %mul3A_914 = arith.constant 16 : i32
      %mul3A_915 = arith.muli %scan3A_893, %mul3A_914 : i32
      %get3A_916 = arith.constant 1 : i32
      %get3A_917 = arith.constant 0 : i32
      %get3A_918 = arith.index_cast %get3A_916 : i32 to index
      %get3A_919 = arith.index_cast %get3A_917 : i32 to index
      %get3A_920 = arith.index_cast %mul3A_915 : i32 to index
      %get3A_921 = tpu.vector_load %arg6[%get3A_918, %get3A_919, %get3A_920] {strides = array<i32>} : memref<2x16x640xf32, #tpu.memory_space<vmem>>, vector<1x1x16xf32>,
      %get3A_922 = vector.shape_cast %get3A_921 : vector<1x1x16xf32> to vector<16xf32>
      %mul3A_923 = arith.mulf %get3A_922, %get3A_913 : vector<16xf32>
      %add3A_924 = arith.addf %scan3A_894, %mul3A_923 : vector<16xf32>
      %mul3A_925 = arith.constant 16 : i32
      %mul3A_926 = arith.muli %scan3A_893, %mul3A_925 : i32
      %get3A_927 = arith.constant 1 : i32
      %get3A_928 = arith.constant 1 : i32
      %get3A_929 = arith.index_cast %get3A_927 : i32 to index
      %get3A_930 = arith.index_cast %get3A_928 : i32 to index
      %get3A_931 = arith.index_cast %mul3A_926 : i32 to index
      %get3A_932 = tpu.vector_load %arg6[%get3A_929, %get3A_930, %get3A_931] {strides = array<i32>} : memref<2x16x640xf32, #tpu.memory_space<vmem>>, vector<1x1x16xf32>,
      %get3A_933 = vector.shape_cast %get3A_932 : vector<1x1x16xf32> to vector<16xf32>
      %mul3A_934 = arith.mulf %get3A_933, %get3A_913 : vector<16xf32>
      %add3A_935 = arith.addf %scan3A_895, %mul3A_934 : vector<16xf32>
      %mul3A_936 = arith.constant 16 : i32
      %mul3A_937 = arith.muli %scan3A_893, %mul3A_936 : i32
      %get3A_938 = arith.constant 1 : i32
      %get3A_939 = arith.constant 2 : i32
      %get3A_940 = arith.index_cast %get3A_938 : i32 to index
      %get3A_941 = arith.index_cast %get3A_939 : i32 to index
      %get3A_942 = arith.index_cast %mul3A_937 : i32 to index
      %get3A_943 = tpu.vector_load %arg6[%get3A_940, %get3A_941, %get3A_942] {strides = array<i32>} : memref<2x16x640xf32, #tpu.memory_space<vmem>>, vector<1x1x16xf32>,
      %get3A_944 = vector.shape_cast %get3A_943 : vector<1x1x16xf32> to vector<16xf32>
      %mul3A_945 = arith.mulf %get3A_944, %get3A_913 : vector<16xf32>
      %add3A_946 = arith.addf %scan3A_896, %mul3A_945 : vector<16xf32>
      %mul3A_947 = arith.constant 16 : i32
      %mul3A_948 = arith.muli %scan3A_893, %mul3A_947 : i32
      %get3A_949 = arith.constant 1 : i32
      %get3A_950 = arith.constant 3 : i32
      %get3A_951 = arith.index_cast %get3A_949 : i32 to index
      %get3A_952 = arith.index_cast %get3A_950 : i32 to index
      %get3A_953 = arith.index_cast %mul3A_948 : i32 to index
      %get3A_954 = tpu.vector_load %arg6[%get3A_951, %get3A_952, %get3A_953] {strides = array<i32>} : memref<2x16x640xf32, #tpu.memory_space<vmem>>, vector<1x1x16xf32>,
      %get3A_955 = vector.shape_cast %get3A_954 : vector<1x1x16xf32> to vector<16xf32>
      %mul3A_956 = arith.mulf %get3A_955, %get3A_913 : vector<16xf32>
      %add3A_957 = arith.addf %scan3A_897, %mul3A_956 : vector<16xf32>
      %mul3A_958 = arith.constant 16 : i32
      %mul3A_959 = arith.muli %scan3A_893, %mul3A_958 : i32
      %get3A_960 = arith.constant 1 : i32
      %get3A_961 = arith.constant 4 : i32
      %get3A_962 = arith.index_cast %get3A_960 : i32 to index
      %get3A_963 = arith.index_cast %get3A_961 : i32 to index
      %get3A_964 = arith.index_cast %mul3A_959 : i32 to index
      %get3A_965 = tpu.vector_load %arg6[%get3A_962, %get3A_963, %get3A_964] {strides = array<i32>} : memref<2x16x640xf32, #tpu.memory_space<vmem>>, vector<1x1x16xf32>,
      %get3A_966 = vector.shape_cast %get3A_965 : vector<1x1x16xf32> to vector<16xf32>
      %mul3A_967 = arith.mulf %get3A_966, %get3A_913 : vector<16xf32>
      %add3A_968 = arith.addf %scan3A_898, %mul3A_967 : vector<16xf32>
      %mul3A_969 = arith.constant 16 : i32
      %mul3A_970 = arith.muli %scan3A_893, %mul3A_969 : i32
      %get3A_971 = arith.constant 1 : i32
      %get3A_972 = arith.constant 5 : i32
      %get3A_973 = arith.index_cast %get3A_971 : i32 to index
      %get3A_974 = arith.index_cast %get3A_972 : i32 to index
      %get3A_975 = arith.index_cast %mul3A_970 : i32 to index
      %get3A_976 = tpu.vector_load %arg6[%get3A_973, %get3A_974, %get3A_975] {strides = array<i32>} : memref<2x16x640xf32, #tpu.memory_space<vmem>>, vector<1x1x16xf32>,
      %get3A_977 = vector.shape_cast %get3A_976 : vector<1x1x16xf32> to vector<16xf32>
      %mul3A_978 = arith.mulf %get3A_977, %get3A_913 : vector<16xf32>
      %add3A_979 = arith.addf %scan3A_899, %mul3A_978 : vector<16xf32>
      %mul3A_980 = arith.constant 16 : i32
      %mul3A_981 = arith.muli %scan3A_893, %mul3A_980 : i32
      %get3A_982 = arith.constant 1 : i32
      %get3A_983 = arith.constant 6 : i32
      %get3A_984 = arith.index_cast %get3A_982 : i32 to index
      %get3A_985 = arith.index_cast %get3A_983 : i32 to index
      %get3A_986 = arith.index_cast %mul3A_981 : i32 to index
      %get3A_987 = tpu.vector_load %arg6[%get3A_984, %get3A_985, %get3A_986] {strides = array<i32>} : memref<2x16x640xf32, #tpu.memory_space<vmem>>, vector<1x1x16xf32>,
      %get3A_988 = vector.shape_cast %get3A_987 : vector<1x1x16xf32> to vector<16xf32>
      %mul3A_989 = arith.mulf %get3A_988, %get3A_913 : vector<16xf32>
      %add3A_990 = arith.addf %scan3A_900, %mul3A_989 : vector<16xf32>
      %mul3A_991 = arith.constant 16 : i32
      %mul3A_992 = arith.muli %scan3A_893, %mul3A_991 : i32
      %get3A_993 = arith.constant 1 : i32
      %get3A_994 = arith.constant 7 : i32
      %get3A_995 = arith.index_cast %get3A_993 : i32 to index
      %get3A_996 = arith.index_cast %get3A_994 : i32 to index
      %get3A_997 = arith.index_cast %mul3A_992 : i32 to index
      %get3A_998 = tpu.vector_load %arg6[%get3A_995, %get3A_996, %get3A_997] {strides = array<i32>} : memref<2x16x640xf32, #tpu.memory_space<vmem>>, vector<1x1x16xf32>,
      %get3A_999 = vector.shape_cast %get3A_998 : vector<1x1x16xf32> to vector<16xf32>
      %mul3A_1000 = arith.mulf %get3A_999, %get3A_913 : vector<16xf32>
      %add3A_1001 = arith.addf %scan3A_901, %mul3A_1000 : vector<16xf32>
      %mul3A_1002 = arith.constant 16 : i32
      %mul3A_1003 = arith.muli %scan3A_893, %mul3A_1002 : i32
      %get3A_1004 = arith.constant 1 : i32
      %get3A_1005 = arith.constant 8 : i32
      %get3A_1006 = arith.index_cast %get3A_1004 : i32 to index
      %get3A_1007 = arith.index_cast %get3A_1005 : i32 to index
      %get3A_1008 = arith.index_cast %mul3A_1003 : i32 to index
      %get3A_1009 = tpu.vector_load %arg6[%get3A_1006, %get3A_1007, %get3A_1008] {strides = array<i32>} : memref<2x16x640xf32, #tpu.memory_space<vmem>>, vector<1x1x16xf32>,
      %get3A_1010 = vector.shape_cast %get3A_1009 : vector<1x1x16xf32> to vector<16xf32>
      %mul3A_1011 = arith.mulf %get3A_1010, %get3A_913 : vector<16xf32>
      %add3A_1012 = arith.addf %scan3A_902, %mul3A_1011 : vector<16xf32>
      %mul3A_1013 = arith.constant 16 : i32
      %mul3A_1014 = arith.muli %scan3A_893, %mul3A_1013 : i32
      %get3A_1015 = arith.constant 1 : i32
      %get3A_1016 = arith.constant 9 : i32
      %get3A_1017 = arith.index_cast %get3A_1015 : i32 to index
      %get3A_1018 = arith.index_cast %get3A_1016 : i32 to index
      %get3A_1019 = arith.index_cast %mul3A_1014 : i32 to index
      %get3A_1020 = tpu.vector_load %arg6[%get3A_1017, %get3A_1018, %get3A_1019] {strides = array<i32>} : memref<2x16x640xf32, #tpu.memory_space<vmem>>, vector<1x1x16xf32>,
      %get3A_1021 = vector.shape_cast %get3A_1020 : vector<1x1x16xf32> to vector<16xf32>
      %mul3A_1022 = arith.mulf %get3A_1021, %get3A_913 : vector<16xf32>
      %add3A_1023 = arith.addf %scan3A_903, %mul3A_1022 : vector<16xf32>
      %mul3A_1024 = arith.constant 16 : i32
      %mul3A_1025 = arith.muli %scan3A_893, %mul3A_1024 : i32
      %get3A_1026 = arith.constant 1 : i32
      %get3A_1027 = arith.constant 10 : i32
      %get3A_1028 = arith.index_cast %get3A_1026 : i32 to index
      %get3A_1029 = arith.index_cast %get3A_1027 : i32 to index
      %get3A_1030 = arith.index_cast %mul3A_1025 : i32 to index
      %get3A_1031 = tpu.vector_load %arg6[%get3A_1028, %get3A_1029, %get3A_1030] {strides = array<i32>} : memref<2x16x640xf32, #tpu.memory_space<vmem>>, vector<1x1x16xf32>,
      %get3A_1032 = vector.shape_cast %get3A_1031 : vector<1x1x16xf32> to vector<16xf32>
      %mul3A_1033 = arith.mulf %get3A_1032, %get3A_913 : vector<16xf32>
      %add3A_1034 = arith.addf %scan3A_904, %mul3A_1033 : vector<16xf32>
      %mul3A_1035 = arith.constant 16 : i32
      %mul3A_1036 = arith.muli %scan3A_893, %mul3A_1035 : i32
      %get3A_1037 = arith.constant 1 : i32
      %get3A_1038 = arith.constant 11 : i32
      %get3A_1039 = arith.index_cast %get3A_1037 : i32 to index
      %get3A_1040 = arith.index_cast %get3A_1038 : i32 to index
      %get3A_1041 = arith.index_cast %mul3A_1036 : i32 to index
      %get3A_1042 = tpu.vector_load %arg6[%get3A_1039, %get3A_1040, %get3A_1041] {strides = array<i32>} : memref<2x16x640xf32, #tpu.memory_space<vmem>>, vector<1x1x16xf32>,
      %get3A_1043 = vector.shape_cast %get3A_1042 : vector<1x1x16xf32> to vector<16xf32>
      %mul3A_1044 = arith.mulf %get3A_1043, %get3A_913 : vector<16xf32>
      %add3A_1045 = arith.addf %scan3A_905, %mul3A_1044 : vector<16xf32>
      %mul3A_1046 = arith.constant 16 : i32
      %mul3A_1047 = arith.muli %scan3A_893, %mul3A_1046 : i32
      %get3A_1048 = arith.constant 1 : i32
      %get3A_1049 = arith.constant 12 : i32
      %get3A_1050 = arith.index_cast %get3A_1048 : i32 to index
      %get3A_1051 = arith.index_cast %get3A_1049 : i32 to index
      %get3A_1052 = arith.index_cast %mul3A_1047 : i32 to index
      %get3A_1053 = tpu.vector_load %arg6[%get3A_1050, %get3A_1051, %get3A_1052] {strides = array<i32>} : memref<2x16x640xf32, #tpu.memory_space<vmem>>, vector<1x1x16xf32>,
      %get3A_1054 = vector.shape_cast %get3A_1053 : vector<1x1x16xf32> to vector<16xf32>
      %mul3A_1055 = arith.mulf %get3A_1054, %get3A_913 : vector<16xf32>
      %add3A_1056 = arith.addf %scan3A_906, %mul3A_1055 : vector<16xf32>
      %mul3A_1057 = arith.constant 16 : i32
      %mul3A_1058 = arith.muli %scan3A_893, %mul3A_1057 : i32
      %get3A_1059 = arith.constant 1 : i32
      %get3A_1060 = arith.constant 13 : i32
      %get3A_1061 = arith.index_cast %get3A_1059 : i32 to index
      %get3A_1062 = arith.index_cast %get3A_1060 : i32 to index
      %get3A_1063 = arith.index_cast %mul3A_1058 : i32 to index
      %get3A_1064 = tpu.vector_load %arg6[%get3A_1061, %get3A_1062, %get3A_1063] {strides = array<i32>} : memref<2x16x640xf32, #tpu.memory_space<vmem>>, vector<1x1x16xf32>,
      %get3A_1065 = vector.shape_cast %get3A_1064 : vector<1x1x16xf32> to vector<16xf32>
      %mul3A_1066 = arith.mulf %get3A_1065, %get3A_913 : vector<16xf32>
      %add3A_1067 = arith.addf %scan3A_907, %mul3A_1066 : vector<16xf32>
      %mul3A_1068 = arith.constant 16 : i32
      %mul3A_1069 = arith.muli %scan3A_893, %mul3A_1068 : i32
      %get3A_1070 = arith.constant 1 : i32
      %get3A_1071 = arith.constant 14 : i32
      %get3A_1072 = arith.index_cast %get3A_1070 : i32 to index
      %get3A_1073 = arith.index_cast %get3A_1071 : i32 to index
      %get3A_1074 = arith.index_cast %mul3A_1069 : i32 to index
      %get3A_1075 = tpu.vector_load %arg6[%get3A_1072, %get3A_1073, %get3A_1074] {strides = array<i32>} : memref<2x16x640xf32, #tpu.memory_space<vmem>>, vector<1x1x16xf32>,
      %get3A_1076 = vector.shape_cast %get3A_1075 : vector<1x1x16xf32> to vector<16xf32>
      %mul3A_1077 = arith.mulf %get3A_1076, %get3A_913 : vector<16xf32>
      %add3A_1078 = arith.addf %scan3A_908, %mul3A_1077 : vector<16xf32>
      %mul3A_1079 = arith.constant 16 : i32
      %mul3A_1080 = arith.muli %scan3A_893, %mul3A_1079 : i32
      %get3A_1081 = arith.constant 1 : i32
      %get3A_1082 = arith.constant 15 : i32
      %get3A_1083 = arith.index_cast %get3A_1081 : i32 to index
      %get3A_1084 = arith.index_cast %get3A_1082 : i32 to index
      %get3A_1085 = arith.index_cast %mul3A_1080 : i32 to index
      %get3A_1086 = tpu.vector_load %arg6[%get3A_1083, %get3A_1084, %get3A_1085] {strides = array<i32>} : memref<2x16x640xf32, #tpu.memory_space<vmem>>, vector<1x1x16xf32>,
      %get3A_1087 = vector.shape_cast %get3A_1086 : vector<1x1x16xf32> to vector<16xf32>
      %mul3A_1088 = arith.mulf %get3A_1087, %get3A_913 : vector<16xf32>
      %add3A_1089 = arith.addf %scan3A_909, %mul3A_1088 : vector<16xf32>
      %scan3A_1090 = arith.constant 1 : i32
      %scan3A_1091 = arith.addi %scan3A_893, %scan3A_1090 : i32
      %mul3A_1092 = arith.constant 16 : i32
      %mul3A_1093 = arith.muli %scan3A_1091, %mul3A_1092 : i32
      %get3A_1094 = arith.index_cast %mul3A_1093 : i32 to index
      %get3A_1095 = tpu.vector_load %arg5[%get3A_1094] {strides = array<i32>} : memref<640xf32, #tpu.memory_space<vmem>>, vector<16xf32>,
      %get3A_1096 = vector.shape_cast %get3A_1095 : vector<16xf32> to vector<16xf32>
      %mul3A_1097 = arith.constant 16 : i32
      %mul3A_1098 = arith.muli %scan3A_1091, %mul3A_1097 : i32
      %get3A_1099 = arith.constant 1 : i32
      %get3A_1100 = arith.constant 0 : i32
      %get3A_1101 = arith.index_cast %get3A_1099 : i32 to index
      %get3A_1102 = arith.index_cast %get3A_1100 : i32 to index
      %get3A_1103 = arith.index_cast %mul3A_1098 : i32 to index
      %get3A_1104 = tpu.vector_load %arg6[%get3A_1101, %get3A_1102, %get3A_1103] {strides = array<i32>} : memref<2x16x640xf32, #tpu.memory_space<vmem>>, vector<1x1x16xf32>,
      %get3A_1105 = vector.shape_cast %get3A_1104 : vector<1x1x16xf32> to vector<16xf32>
      %mul3A_1106 = arith.mulf %get3A_1105, %get3A_1096 : vector<16xf32>
      %add3A_1107 = arith.addf %add3A_924, %mul3A_1106 : vector<16xf32>
      %mul3A_1108 = arith.constant 16 : i32
      %mul3A_1109 = arith.muli %scan3A_1091, %mul3A_1108 : i32
      %get3A_1110 = arith.constant 1 : i32
      %get3A_1111 = arith.constant 1 : i32
      %get3A_1112 = arith.index_cast %get3A_1110 : i32 to index
      %get3A_1113 = arith.index_cast %get3A_1111 : i32 to index
      %get3A_1114 = arith.index_cast %mul3A_1109 : i32 to index
      %get3A_1115 = tpu.vector_load %arg6[%get3A_1112, %get3A_1113, %get3A_1114] {strides = array<i32>} : memref<2x16x640xf32, #tpu.memory_space<vmem>>, vector<1x1x16xf32>,
      %get3A_1116 = vector.shape_cast %get3A_1115 : vector<1x1x16xf32> to vector<16xf32>
      %mul3A_1117 = arith.mulf %get3A_1116, %get3A_1096 : vector<16xf32>
      %add3A_1118 = arith.addf %add3A_935, %mul3A_1117 : vector<16xf32>
      %mul3A_1119 = arith.constant 16 : i32
      %mul3A_1120 = arith.muli %scan3A_1091, %mul3A_1119 : i32
      %get3A_1121 = arith.constant 1 : i32
      %get3A_1122 = arith.constant 2 : i32
      %get3A_1123 = arith.index_cast %get3A_1121 : i32 to index
      %get3A_1124 = arith.index_cast %get3A_1122 : i32 to index
      %get3A_1125 = arith.index_cast %mul3A_1120 : i32 to index
      %get3A_1126 = tpu.vector_load %arg6[%get3A_1123, %get3A_1124, %get3A_1125] {strides = array<i32>} : memref<2x16x640xf32, #tpu.memory_space<vmem>>, vector<1x1x16xf32>,
      %get3A_1127 = vector.shape_cast %get3A_1126 : vector<1x1x16xf32> to vector<16xf32>
      %mul3A_1128 = arith.mulf %get3A_1127, %get3A_1096 : vector<16xf32>
      %add3A_1129 = arith.addf %add3A_946, %mul3A_1128 : vector<16xf32>
      %mul3A_1130 = arith.constant 16 : i32
      %mul3A_1131 = arith.muli %scan3A_1091, %mul3A_1130 : i32
      %get3A_1132 = arith.constant 1 : i32
      %get3A_1133 = arith.constant 3 : i32
      %get3A_1134 = arith.index_cast %get3A_1132 : i32 to index
      %get3A_1135 = arith.index_cast %get3A_1133 : i32 to index
      %get3A_1136 = arith.index_cast %mul3A_1131 : i32 to index
      %get3A_1137 = tpu.vector_load %arg6[%get3A_1134, %get3A_1135, %get3A_1136] {strides = array<i32>} : memref<2x16x640xf32, #tpu.memory_space<vmem>>, vector<1x1x16xf32>,
      %get3A_1138 = vector.shape_cast %get3A_1137 : vector<1x1x16xf32> to vector<16xf32>
      %mul3A_1139 = arith.mulf %get3A_1138, %get3A_1096 : vector<16xf32>
      %add3A_1140 = arith.addf %add3A_957, %mul3A_1139 : vector<16xf32>
      %mul3A_1141 = arith.constant 16 : i32
      %mul3A_1142 = arith.muli %scan3A_1091, %mul3A_1141 : i32
      %get3A_1143 = arith.constant 1 : i32
      %get3A_1144 = arith.constant 4 : i32
      %get3A_1145 = arith.index_cast %get3A_1143 : i32 to index
      %get3A_1146 = arith.index_cast %get3A_1144 : i32 to index
      %get3A_1147 = arith.index_cast %mul3A_1142 : i32 to index
      %get3A_1148 = tpu.vector_load %arg6[%get3A_1145, %get3A_1146, %get3A_1147] {strides = array<i32>} : memref<2x16x640xf32, #tpu.memory_space<vmem>>, vector<1x1x16xf32>,
      %get3A_1149 = vector.shape_cast %get3A_1148 : vector<1x1x16xf32> to vector<16xf32>
      %mul3A_1150 = arith.mulf %get3A_1149, %get3A_1096 : vector<16xf32>
      %add3A_1151 = arith.addf %add3A_968, %mul3A_1150 : vector<16xf32>
      %mul3A_1152 = arith.constant 16 : i32
      %mul3A_1153 = arith.muli %scan3A_1091, %mul3A_1152 : i32
      %get3A_1154 = arith.constant 1 : i32
      %get3A_1155 = arith.constant 5 : i32
      %get3A_1156 = arith.index_cast %get3A_1154 : i32 to index
      %get3A_1157 = arith.index_cast %get3A_1155 : i32 to index
      %get3A_1158 = arith.index_cast %mul3A_1153 : i32 to index
      %get3A_1159 = tpu.vector_load %arg6[%get3A_1156, %get3A_1157, %get3A_1158] {strides = array<i32>} : memref<2x16x640xf32, #tpu.memory_space<vmem>>, vector<1x1x16xf32>,
      %get3A_1160 = vector.shape_cast %get3A_1159 : vector<1x1x16xf32> to vector<16xf32>
      %mul3A_1161 = arith.mulf %get3A_1160, %get3A_1096 : vector<16xf32>
      %add3A_1162 = arith.addf %add3A_979, %mul3A_1161 : vector<16xf32>
      %mul3A_1163 = arith.constant 16 : i32
      %mul3A_1164 = arith.muli %scan3A_1091, %mul3A_1163 : i32
      %get3A_1165 = arith.constant 1 : i32
      %get3A_1166 = arith.constant 6 : i32
      %get3A_1167 = arith.index_cast %get3A_1165 : i32 to index
      %get3A_1168 = arith.index_cast %get3A_1166 : i32 to index
      %get3A_1169 = arith.index_cast %mul3A_1164 : i32 to index
      %get3A_1170 = tpu.vector_load %arg6[%get3A_1167, %get3A_1168, %get3A_1169] {strides = array<i32>} : memref<2x16x640xf32, #tpu.memory_space<vmem>>, vector<1x1x16xf32>,
      %get3A_1171 = vector.shape_cast %get3A_1170 : vector<1x1x16xf32> to vector<16xf32>
      %mul3A_1172 = arith.mulf %get3A_1171, %get3A_1096 : vector<16xf32>
      %add3A_1173 = arith.addf %add3A_990, %mul3A_1172 : vector<16xf32>
      %mul3A_1174 = arith.constant 16 : i32
      %mul3A_1175 = arith.muli %scan3A_1091, %mul3A_1174 : i32
      %get3A_1176 = arith.constant 1 : i32
      %get3A_1177 = arith.constant 7 : i32
      %get3A_1178 = arith.index_cast %get3A_1176 : i32 to index
      %get3A_1179 = arith.index_cast %get3A_1177 : i32 to index
      %get3A_1180 = arith.index_cast %mul3A_1175 : i32 to index
      %get3A_1181 = tpu.vector_load %arg6[%get3A_1178, %get3A_1179, %get3A_1180] {strides = array<i32>} : memref<2x16x640xf32, #tpu.memory_space<vmem>>, vector<1x1x16xf32>,
      %get3A_1182 = vector.shape_cast %get3A_1181 : vector<1x1x16xf32> to vector<16xf32>
      %mul3A_1183 = arith.mulf %get3A_1182, %get3A_1096 : vector<16xf32>
      %add3A_1184 = arith.addf %add3A_1001, %mul3A_1183 : vector<16xf32>
      %mul3A_1185 = arith.constant 16 : i32
      %mul3A_1186 = arith.muli %scan3A_1091, %mul3A_1185 : i32
      %get3A_1187 = arith.constant 1 : i32
      %get3A_1188 = arith.constant 8 : i32
      %get3A_1189 = arith.index_cast %get3A_1187 : i32 to index
      %get3A_1190 = arith.index_cast %get3A_1188 : i32 to index
      %get3A_1191 = arith.index_cast %mul3A_1186 : i32 to index
      %get3A_1192 = tpu.vector_load %arg6[%get3A_1189, %get3A_1190, %get3A_1191] {strides = array<i32>} : memref<2x16x640xf32, #tpu.memory_space<vmem>>, vector<1x1x16xf32>,
      %get3A_1193 = vector.shape_cast %get3A_1192 : vector<1x1x16xf32> to vector<16xf32>
      %mul3A_1194 = arith.mulf %get3A_1193, %get3A_1096 : vector<16xf32>
      %add3A_1195 = arith.addf %add3A_1012, %mul3A_1194 : vector<16xf32>
      %mul3A_1196 = arith.constant 16 : i32
      %mul3A_1197 = arith.muli %scan3A_1091, %mul3A_1196 : i32
      %get3A_1198 = arith.constant 1 : i32
      %get3A_1199 = arith.constant 9 : i32
      %get3A_1200 = arith.index_cast %get3A_1198 : i32 to index
      %get3A_1201 = arith.index_cast %get3A_1199 : i32 to index
      %get3A_1202 = arith.index_cast %mul3A_1197 : i32 to index
      %get3A_1203 = tpu.vector_load %arg6[%get3A_1200, %get3A_1201, %get3A_1202] {strides = array<i32>} : memref<2x16x640xf32, #tpu.memory_space<vmem>>, vector<1x1x16xf32>,
      %get3A_1204 = vector.shape_cast %get3A_1203 : vector<1x1x16xf32> to vector<16xf32>
      %mul3A_1205 = arith.mulf %get3A_1204, %get3A_1096 : vector<16xf32>
      %add3A_1206 = arith.addf %add3A_1023, %mul3A_1205 : vector<16xf32>
      %mul3A_1207 = arith.constant 16 : i32
      %mul3A_1208 = arith.muli %scan3A_1091, %mul3A_1207 : i32
      %get3A_1209 = arith.constant 1 : i32
      %get3A_1210 = arith.constant 10 : i32
      %get3A_1211 = arith.index_cast %get3A_1209 : i32 to index
      %get3A_1212 = arith.index_cast %get3A_1210 : i32 to index
      %get3A_1213 = arith.index_cast %mul3A_1208 : i32 to index
      %get3A_1214 = tpu.vector_load %arg6[%get3A_1211, %get3A_1212, %get3A_1213] {strides = array<i32>} : memref<2x16x640xf32, #tpu.memory_space<vmem>>, vector<1x1x16xf32>,
      %get3A_1215 = vector.shape_cast %get3A_1214 : vector<1x1x16xf32> to vector<16xf32>
      %mul3A_1216 = arith.mulf %get3A_1215, %get3A_1096 : vector<16xf32>
      %add3A_1217 = arith.addf %add3A_1034, %mul3A_1216 : vector<16xf32>
      %mul3A_1218 = arith.constant 16 : i32
      %mul3A_1219 = arith.muli %scan3A_1091, %mul3A_1218 : i32
      %get3A_1220 = arith.constant 1 : i32
      %get3A_1221 = arith.constant 11 : i32
      %get3A_1222 = arith.index_cast %get3A_1220 : i32 to index
      %get3A_1223 = arith.index_cast %get3A_1221 : i32 to index
      %get3A_1224 = arith.index_cast %mul3A_1219 : i32 to index
      %get3A_1225 = tpu.vector_load %arg6[%get3A_1222, %get3A_1223, %get3A_1224] {strides = array<i32>} : memref<2x16x640xf32, #tpu.memory_space<vmem>>, vector<1x1x16xf32>,
      %get3A_1226 = vector.shape_cast %get3A_1225 : vector<1x1x16xf32> to vector<16xf32>
      %mul3A_1227 = arith.mulf %get3A_1226, %get3A_1096 : vector<16xf32>
      %add3A_1228 = arith.addf %add3A_1045, %mul3A_1227 : vector<16xf32>
      %mul3A_1229 = arith.constant 16 : i32
      %mul3A_1230 = arith.muli %scan3A_1091, %mul3A_1229 : i32
      %get3A_1231 = arith.constant 1 : i32
      %get3A_1232 = arith.constant 12 : i32
      %get3A_1233 = arith.index_cast %get3A_1231 : i32 to index
      %get3A_1234 = arith.index_cast %get3A_1232 : i32 to index
      %get3A_1235 = arith.index_cast %mul3A_1230 : i32 to index
      %get3A_1236 = tpu.vector_load %arg6[%get3A_1233, %get3A_1234, %get3A_1235] {strides = array<i32>} : memref<2x16x640xf32, #tpu.memory_space<vmem>>, vector<1x1x16xf32>,
      %get3A_1237 = vector.shape_cast %get3A_1236 : vector<1x1x16xf32> to vector<16xf32>
      %mul3A_1238 = arith.mulf %get3A_1237, %get3A_1096 : vector<16xf32>
      %add3A_1239 = arith.addf %add3A_1056, %mul3A_1238 : vector<16xf32>
      %mul3A_1240 = arith.constant 16 : i32
      %mul3A_1241 = arith.muli %scan3A_1091, %mul3A_1240 : i32
      %get3A_1242 = arith.constant 1 : i32
      %get3A_1243 = arith.constant 13 : i32
      %get3A_1244 = arith.index_cast %get3A_1242 : i32 to index
      %get3A_1245 = arith.index_cast %get3A_1243 : i32 to index
      %get3A_1246 = arith.index_cast %mul3A_1241 : i32 to index
      %get3A_1247 = tpu.vector_load %arg6[%get3A_1244, %get3A_1245, %get3A_1246] {strides = array<i32>} : memref<2x16x640xf32, #tpu.memory_space<vmem>>, vector<1x1x16xf32>,
      %get3A_1248 = vector.shape_cast %get3A_1247 : vector<1x1x16xf32> to vector<16xf32>
      %mul3A_1249 = arith.mulf %get3A_1248, %get3A_1096 : vector<16xf32>
      %add3A_1250 = arith.addf %add3A_1067, %mul3A_1249 : vector<16xf32>
      %mul3A_1251 = arith.constant 16 : i32
      %mul3A_1252 = arith.muli %scan3A_1091, %mul3A_1251 : i32
      %get3A_1253 = arith.constant 1 : i32
      %get3A_1254 = arith.constant 14 : i32
      %get3A_1255 = arith.index_cast %get3A_1253 : i32 to index
      %get3A_1256 = arith.index_cast %get3A_1254 : i32 to index
      %get3A_1257 = arith.index_cast %mul3A_1252 : i32 to index
      %get3A_1258 = tpu.vector_load %arg6[%get3A_1255, %get3A_1256, %get3A_1257] {strides = array<i32>} : memref<2x16x640xf32, #tpu.memory_space<vmem>>, vector<1x1x16xf32>,
      %get3A_1259 = vector.shape_cast %get3A_1258 : vector<1x1x16xf32> to vector<16xf32>
      %mul3A_1260 = arith.mulf %get3A_1259, %get3A_1096 : vector<16xf32>
      %add3A_1261 = arith.addf %add3A_1078, %mul3A_1260 : vector<16xf32>
      %mul3A_1262 = arith.constant 16 : i32
      %mul3A_1263 = arith.muli %scan3A_1091, %mul3A_1262 : i32
      %get3A_1264 = arith.constant 1 : i32
      %get3A_1265 = arith.constant 15 : i32
      %get3A_1266 = arith.index_cast %get3A_1264 : i32 to index
      %get3A_1267 = arith.index_cast %get3A_1265 : i32 to index
      %get3A_1268 = arith.index_cast %mul3A_1263 : i32 to index
      %get3A_1269 = tpu.vector_load %arg6[%get3A_1266, %get3A_1267, %get3A_1268] {strides = array<i32>} : memref<2x16x640xf32, #tpu.memory_space<vmem>>, vector<1x1x16xf32>,
      %get3A_1270 = vector.shape_cast %get3A_1269 : vector<1x1x16xf32> to vector<16xf32>
      %mul3A_1271 = arith.mulf %get3A_1270, %get3A_1096 : vector<16xf32>
      %add3A_1272 = arith.addf %add3A_1089, %mul3A_1271 : vector<16xf32>
      scf.yield %add3A_1107, %add3A_1118, %add3A_1129, %add3A_1140, %add3A_1151, %add3A_1162, %add3A_1173, %add3A_1184, %add3A_1195, %add3A_1206, %add3A_1217, %add3A_1228, %add3A_1239, %add3A_1250, %add3A_1261, %add3A_1272 : vector<16xf32>, vector<16xf32>, vector<16xf32>, vector<16xf32>, vector<16xf32>, vector<16xf32>, vector<16xf32>, vector<16xf32>, vector<16xf32>, vector<16xf32>, vector<16xf32>, vector<16xf32>, vector<16xf32>, vector<16xf32>, vector<16xf32>, vector<16xf32>
    }
    %scan3A_692 = arith.constant 40 : i32
    %swap3A_693 = arith.constant 80 : i32
    %swap3A_694 = arith.index_cast %swap3A_693 : i32 to index
    %swap3A_695 = arith.constant 0 : index
    %swap3A_696 = tpu.vector_load %arg7[%swap3A_694, %swap3A_695] {strides = array<i32>} : memref<100x128xf32, #tpu.memory_space<vmem>>, vector<1x16xf32>,
    %swap3A_697 = vector.shape_cast %swap3A_696 : vector<1x16xf32> to vector<16xf32>
    %swap3A_698 = vector.shape_cast %scan3A_691#0 : vector<16xf32> to vector<1x16xf32>
    tpu.vector_store %arg7[%swap3A_694, %swap3A_695], %swap3A_698 {strides = array<i32>} : memref<100x128xf32, #tpu.memory_space<vmem>>, vector<1x16xf32>,
    %swap3A_699 = arith.constant 81 : i32
    %swap3A_700 = arith.index_cast %swap3A_699 : i32 to index
    %swap3A_701 = arith.constant 0 : index
    %swap3A_702 = tpu.vector_load %arg7[%swap3A_700, %swap3A_701] {strides = array<i32>} : memref<100x128xf32, #tpu.memory_space<vmem>>, vector<1x16xf32>,
    %swap3A_703 = vector.shape_cast %swap3A_702 : vector<1x16xf32> to vector<16xf32>
    %swap3A_704 = vector.shape_cast %scan3A_691#1 : vector<16xf32> to vector<1x16xf32>
    tpu.vector_store %arg7[%swap3A_700, %swap3A_701], %swap3A_704 {strides = array<i32>} : memref<100x128xf32, #tpu.memory_space<vmem>>, vector<1x16xf32>,
    %swap3A_705 = arith.constant 82 : i32
    %swap3A_706 = arith.index_cast %swap3A_705 : i32 to index
    %swap3A_707 = arith.constant 0 : index
    %swap3A_708 = tpu.vector_load %arg7[%swap3A_706, %swap3A_707] {strides = array<i32>} : memref<100x128xf32, #tpu.memory_space<vmem>>, vector<1x16xf32>,
    %swap3A_709 = vector.shape_cast %swap3A_708 : vector<1x16xf32> to vector<16xf32>
    %swap3A_710 = vector.shape_cast %scan3A_691#2 : vector<16xf32> to vector<1x16xf32>
    tpu.vector_store %arg7[%swap3A_706, %swap3A_707], %swap3A_710 {strides = array<i32>} : memref<100x128xf32, #tpu.memory_space<vmem>>, vector<1x16xf32>,
    %swap3A_711 = arith.constant 83 : i32
    %swap3A_712 = arith.index_cast %swap3A_711 : i32 to index
    %swap3A_713 = arith.constant 0 : index
    %swap3A_714 = tpu.vector_load %arg7[%swap3A_712, %swap3A_713] {strides = array<i32>} : memref<100x128xf32, #tpu.memory_space<vmem>>, vector<1x16xf32>,
    %swap3A_715 = vector.shape_cast %swap3A_714 : vector<1x16xf32> to vector<16xf32>
    %swap3A_716 = vector.shape_cast %scan3A_691#3 : vector<16xf32> to vector<1x16xf32>
    tpu.vector_store %arg7[%swap3A_712, %swap3A_713], %swap3A_716 {strides = array<i32>} : memref<100x128xf32, #tpu.memory_space<vmem>>, vector<1x16xf32>,
    %swap3A_717 = arith.constant 84 : i32
    %swap3A_718 = arith.index_cast %swap3A_717 : i32 to index
    %swap3A_719 = arith.constant 0 : index
    %swap3A_720 = tpu.vector_load %arg7[%swap3A_718, %swap3A_719] {strides = array<i32>} : memref<100x128xf32, #tpu.memory_space<vmem>>, vector<1x16xf32>,
    %swap3A_721 = vector.shape_cast %swap3A_720 : vector<1x16xf32> to vector<16xf32>
    %swap3A_722 = vector.shape_cast %scan3A_691#4 : vector<16xf32> to vector<1x16xf32>
    tpu.vector_store %arg7[%swap3A_718, %swap3A_719], %swap3A_722 {strides = array<i32>} : memref<100x128xf32, #tpu.memory_space<vmem>>, vector<1x16xf32>,
    %swap3A_723 = arith.constant 85 : i32
    %swap3A_724 = arith.index_cast %swap3A_723 : i32 to index
    %swap3A_725 = arith.constant 0 : index
    %swap3A_726 = tpu.vector_load %arg7[%swap3A_724, %swap3A_725] {strides = array<i32>} : memref<100x128xf32, #tpu.memory_space<vmem>>, vector<1x16xf32>,
    %swap3A_727 = vector.shape_cast %swap3A_726 : vector<1x16xf32> to vector<16xf32>
    %swap3A_728 = vector.shape_cast %scan3A_691#5 : vector<16xf32> to vector<1x16xf32>
    tpu.vector_store %arg7[%swap3A_724, %swap3A_725], %swap3A_728 {strides = array<i32>} : memref<100x128xf32, #tpu.memory_space<vmem>>, vector<1x16xf32>,
    %swap3A_729 = arith.constant 86 : i32
    %swap3A_730 = arith.index_cast %swap3A_729 : i32 to index
    %swap3A_731 = arith.constant 0 : index
    %swap3A_732 = tpu.vector_load %arg7[%swap3A_730, %swap3A_731] {strides = array<i32>} : memref<100x128xf32, #tpu.memory_space<vmem>>, vector<1x16xf32>,
    %swap3A_733 = vector.shape_cast %swap3A_732 : vector<1x16xf32> to vector<16xf32>
    %swap3A_734 = vector.shape_cast %scan3A_691#6 : vector<16xf32> to vector<1x16xf32>
    tpu.vector_store %arg7[%swap3A_730, %swap3A_731], %swap3A_734 {strides = array<i32>} : memref<100x128xf32, #tpu.memory_space<vmem>>, vector<1x16xf32>,
    %swap3A_735 = arith.constant 87 : i32
    %swap3A_736 = arith.index_cast %swap3A_735 : i32 to index
    %swap3A_737 = arith.constant 0 : index
    %swap3A_738 = tpu.vector_load %arg7[%swap3A_736, %swap3A_737] {strides = array<i32>} : memref<100x128xf32, #tpu.memory_space<vmem>>, vector<1x16xf32>,
    %swap3A_739 = vector.shape_cast %swap3A_738 : vector<1x16xf32> to vector<16xf32>
    %swap3A_740 = vector.shape_cast %scan3A_691#7 : vector<16xf32> to vector<1x16xf32>
    tpu.vector_store %arg7[%swap3A_736, %swap3A_737], %swap3A_740 {strides = array<i32>} : memref<100x128xf32, #tpu.memory_space<vmem>>, vector<1x16xf32>,
    %swap3A_741 = arith.constant 88 : i32
    %swap3A_742 = arith.index_cast %swap3A_741 : i32 to index
    %swap3A_743 = arith.constant 0 : index
    %swap3A_744 = tpu.vector_load %arg7[%swap3A_742, %swap3A_743] {strides = array<i32>} : memref<100x128xf32, #tpu.memory_space<vmem>>, vector<1x16xf32>,
    %swap3A_745 = vector.shape_cast %swap3A_744 : vector<1x16xf32> to vector<16xf32>
    %swap3A_746 = vector.shape_cast %scan3A_691#8 : vector<16xf32> to vector<1x16xf32>
    tpu.vector_store %arg7[%swap3A_742, %swap3A_743], %swap3A_746 {strides = array<i32>} : memref<100x128xf32, #tpu.memory_space<vmem>>, vector<1x16xf32>,
    %swap3A_747 = arith.constant 89 : i32
    %swap3A_748 = arith.index_cast %swap3A_747 : i32 to index
    %swap3A_749 = arith.constant 0 : index
    %swap3A_750 = tpu.vector_load %arg7[%swap3A_748, %swap3A_749] {strides = array<i32>} : memref<100x128xf32, #tpu.memory_space<vmem>>, vector<1x16xf32>,
    %swap3A_751 = vector.shape_cast %swap3A_750 : vector<1x16xf32> to vector<16xf32>
    %swap3A_752 = vector.shape_cast %scan3A_691#9 : vector<16xf32> to vector<1x16xf32>
    tpu.vector_store %arg7[%swap3A_748, %swap3A_749], %swap3A_752 {strides = array<i32>} : memref<100x128xf32, #tpu.memory_space<vmem>>, vector<1x16xf32>,
    %swap3A_753 = arith.constant 90 : i32
    %swap3A_754 = arith.index_cast %swap3A_753 : i32 to index
    %swap3A_755 = arith.constant 0 : index
    %swap3A_756 = tpu.vector_load %arg7[%swap3A_754, %swap3A_755] {strides = array<i32>} : memref<100x128xf32, #tpu.memory_space<vmem>>, vector<1x16xf32>,
    %swap3A_757 = vector.shape_cast %swap3A_756 : vector<1x16xf32> to vector<16xf32>
    %swap3A_758 = vector.shape_cast %scan3A_691#10 : vector<16xf32> to vector<1x16xf32>
    tpu.vector_store %arg7[%swap3A_754, %swap3A_755], %swap3A_758 {strides = array<i32>} : memref<100x128xf32, #tpu.memory_space<vmem>>, vector<1x16xf32>,
    %swap3A_759 = arith.constant 91 : i32
    %swap3A_760 = arith.index_cast %swap3A_759 : i32 to index
    %swap3A_761 = arith.constant 0 : index
    %swap3A_762 = tpu.vector_load %arg7[%swap3A_760, %swap3A_761] {strides = array<i32>} : memref<100x128xf32, #tpu.memory_space<vmem>>, vector<1x16xf32>,
    %swap3A_763 = vector.shape_cast %swap3A_762 : vector<1x16xf32> to vector<16xf32>
    %swap3A_764 = vector.shape_cast %scan3A_691#11 : vector<16xf32> to vector<1x16xf32>
    tpu.vector_store %arg7[%swap3A_760, %swap3A_761], %swap3A_764 {strides = array<i32>} : memref<100x128xf32, #tpu.memory_space<vmem>>, vector<1x16xf32>,
    %swap3A_765 = arith.constant 92 : i32
    %swap3A_766 = arith.index_cast %swap3A_765 : i32 to index
    %swap3A_767 = arith.constant 0 : index
    %swap3A_768 = tpu.vector_load %arg7[%swap3A_766, %swap3A_767] {strides = array<i32>} : memref<100x128xf32, #tpu.memory_space<vmem>>, vector<1x16xf32>,
    %swap3A_769 = vector.shape_cast %swap3A_768 : vector<1x16xf32> to vector<16xf32>
    %swap3A_770 = vector.shape_cast %scan3A_691#12 : vector<16xf32> to vector<1x16xf32>
    tpu.vector_store %arg7[%swap3A_766, %swap3A_767], %swap3A_770 {strides = array<i32>} : memref<100x128xf32, #tpu.memory_space<vmem>>, vector<1x16xf32>,
    %swap3A_771 = arith.constant 93 : i32
    %swap3A_772 = arith.index_cast %swap3A_771 : i32 to index
    %swap3A_773 = arith.constant 0 : index
    %swap3A_774 = tpu.vector_load %arg7[%swap3A_772, %swap3A_773] {strides = array<i32>} : memref<100x128xf32, #tpu.memory_space<vmem>>, vector<1x16xf32>,
    %swap3A_775 = vector.shape_cast %swap3A_774 : vector<1x16xf32> to vector<16xf32>
    %swap3A_776 = vector.shape_cast %scan3A_691#13 : vector<16xf32> to vector<1x16xf32>
    tpu.vector_store %arg7[%swap3A_772, %swap3A_773], %swap3A_776 {strides = array<i32>} : memref<100x128xf32, #tpu.memory_space<vmem>>, vector<1x16xf32>,
    %swap3A_777 = arith.constant 94 : i32
    %swap3A_778 = arith.index_cast %swap3A_777 : i32 to index
    %swap3A_779 = arith.constant 0 : index
    %swap3A_780 = tpu.vector_load %arg7[%swap3A_778, %swap3A_779] {strides = array<i32>} : memref<100x128xf32, #tpu.memory_space<vmem>>, vector<1x16xf32>,
    %swap3A_781 = vector.shape_cast %swap3A_780 : vector<1x16xf32> to vector<16xf32>
    %swap3A_782 = vector.shape_cast %scan3A_691#14 : vector<16xf32> to vector<1x16xf32>
    tpu.vector_store %arg7[%swap3A_778, %swap3A_779], %swap3A_782 {strides = array<i32>} : memref<100x128xf32, #tpu.memory_space<vmem>>, vector<1x16xf32>,
    %swap3A_783 = arith.constant 95 : i32
    %swap3A_784 = arith.index_cast %swap3A_783 : i32 to index
    %swap3A_785 = arith.constant 0 : index
    %swap3A_786 = tpu.vector_load %arg7[%swap3A_784, %swap3A_785] {strides = array<i32>} : memref<100x128xf32, #tpu.memory_space<vmem>>, vector<1x16xf32>,
    %swap3A_787 = vector.shape_cast %swap3A_786 : vector<1x16xf32> to vector<16xf32>
    %swap3A_788 = vector.shape_cast %scan3A_691#15 : vector<16xf32> to vector<1x16xf32>
    tpu.vector_store %arg7[%swap3A_784, %swap3A_785], %swap3A_788 {strides = array<i32>} : memref<100x128xf32, #tpu.memory_space<vmem>>, vector<1x16xf32>,
    %dma_wait3A_789 = arith.constant 0 : i32
    %dma_wait3A_790 = arith.constant 0 : i32
    %dma_wait3A_791 = arith.constant 0 : i32
    %dma_wait3A_792 = tpu.memref_slice %arg6[%dma_wait3A_789, %dma_wait3A_790, %dma_wait3A_791] : memref<2x16x640xf32, #tpu.memory_space<vmem>> -> memref<1x4x640xf32, #tpu.memory_space<vmem>>
    %dma_wait3A_793 = tpu.memref_squeeze %dma_wait3A_792 : memref<1x4x640xf32, #tpu.memory_space<vmem>> -> memref<4x640xf32, #tpu.memory_space<vmem>>
    %dma_wait3A_794 = arith.constant 96 : i32
    %dma_wait3A_795 = tpu.memref_slice %arg3[%dma_wait3A_794, %add3A_4] : memref<100x1000000xf32, #tpu.memory_space<hbm>> -> memref<4x640xf32, #tpu.memory_space<hbm>>
    %dma_wait3A_796 = arith.constant 0 : i32
    %dma_wait3A_797 = arith.constant 0 : i32
    %dma_wait3A_798 = tpu.memref_slice %arg6[%dma_wait3A_789, %dma_wait3A_796, %dma_wait3A_797] : memref<2x16x640xf32, #tpu.memory_space<vmem>> -> memref<1x4x640xf32, #tpu.memory_space<vmem>>
    %dma_wait3A_799 = tpu.memref_squeeze %dma_wait3A_798 : memref<1x4x640xf32, #tpu.memory_space<vmem>> -> memref<4x640xf32, #tpu.memory_space<vmem>>
    %dma_wait3A_800 = arith.constant 96 : i32
    %dma_wait3A_801 = tpu.memref_slice %arg3[%dma_wait3A_800, %add3A_4] : memref<100x1000000xf32, #tpu.memory_space<hbm>> -> memref<4x640xf32, #tpu.memory_space<hbm>>
    tpu.wait_dma2 semaphore(%arg10 : memref<!tpu.dma_semaphore, #tpu.memory_space<semaphore_mem>>) src(%dma_wait3A_801 : memref<4x640xf32, #tpu.memory_space<hbm>>) dst(%dma_wait3A_799 : memref<4x640xf32, #tpu.memory_space<vmem>>)
    %scan3A_802 = arith.constant 0 : i32
    %scan3A_803 = arith.constant 40 : i32
    %scan3A_804 = arith.addi %scan3A_802, %scan3A_803 : i32
    %scan3A_805 = arith.constant 2 : i32
    %scan3A_806:4 = scf.for %scan3A_893 = %scan3A_802 to %scan3A_804 step %scan3A_805 iter_args(%scan3A_894 = %broadcast_in_dim3A_5, %scan3A_895 = %broadcast_in_dim3A_5, %scan3A_896 = %broadcast_in_dim3A_5, %scan3A_897 = %broadcast_in_dim3A_5) -> (vector<16xf32>, vector<16xf32>, vector<16xf32>, vector<16xf32>)  : i32 {
      %mul3A_898 = arith.constant 16 : i32
      %mul3A_899 = arith.muli %scan3A_893, %mul3A_898 : i32
      %get3A = arith.index_cast %mul3A_899 : i32 to index
      %get3A_900 = tpu.vector_load %arg5[%get3A] {strides = array<i32>} : memref<640xf32, #tpu.memory_space<vmem>>, vector<16xf32>,
      %get3A_901 = vector.shape_cast %get3A_900 : vector<16xf32> to vector<16xf32>
      %mul3A_902 = arith.constant 16 : i32
      %mul3A_903 = arith.muli %scan3A_893, %mul3A_902 : i32
      %get3A_904 = arith.constant 0 : i32
      %get3A_905 = arith.constant 0 : i32
      %get3A_906 = arith.index_cast %get3A_904 : i32 to index
      %get3A_907 = arith.index_cast %get3A_905 : i32 to index
      %get3A_908 = arith.index_cast %mul3A_903 : i32 to index
      %get3A_909 = tpu.vector_load %arg6[%get3A_906, %get3A_907, %get3A_908] {strides = array<i32>} : memref<2x16x640xf32, #tpu.memory_space<vmem>>, vector<1x1x16xf32>,
      %get3A_910 = vector.shape_cast %get3A_909 : vector<1x1x16xf32> to vector<16xf32>
      %mul3A_911 = arith.mulf %get3A_910, %get3A_901 : vector<16xf32>
      %add3A_912 = arith.addf %scan3A_894, %mul3A_911 : vector<16xf32>
      %mul3A_913 = arith.constant 16 : i32
      %mul3A_914 = arith.muli %scan3A_893, %mul3A_913 : i32
      %get3A_915 = arith.constant 0 : i32
      %get3A_916 = arith.constant 1 : i32
      %get3A_917 = arith.index_cast %get3A_915 : i32 to index
      %get3A_918 = arith.index_cast %get3A_916 : i32 to index
      %get3A_919 = arith.index_cast %mul3A_914 : i32 to index
      %get3A_920 = tpu.vector_load %arg6[%get3A_917, %get3A_918, %get3A_919] {strides = array<i32>} : memref<2x16x640xf32, #tpu.memory_space<vmem>>, vector<1x1x16xf32>,
      %get3A_921 = vector.shape_cast %get3A_920 : vector<1x1x16xf32> to vector<16xf32>
      %mul3A_922 = arith.mulf %get3A_921, %get3A_901 : vector<16xf32>
      %add3A_923 = arith.addf %scan3A_895, %mul3A_922 : vector<16xf32>
      %mul3A_924 = arith.constant 16 : i32
      %mul3A_925 = arith.muli %scan3A_893, %mul3A_924 : i32
      %get3A_926 = arith.constant 0 : i32
      %get3A_927 = arith.constant 2 : i32
      %get3A_928 = arith.index_cast %get3A_926 : i32 to index
      %get3A_929 = arith.index_cast %get3A_927 : i32 to index
      %get3A_930 = arith.index_cast %mul3A_925 : i32 to index
      %get3A_931 = tpu.vector_load %arg6[%get3A_928, %get3A_929, %get3A_930] {strides = array<i32>} : memref<2x16x640xf32, #tpu.memory_space<vmem>>, vector<1x1x16xf32>,
      %get3A_932 = vector.shape_cast %get3A_931 : vector<1x1x16xf32> to vector<16xf32>
      %mul3A_933 = arith.mulf %get3A_932, %get3A_901 : vector<16xf32>
      %add3A_934 = arith.addf %scan3A_896, %mul3A_933 : vector<16xf32>
      %mul3A_935 = arith.constant 16 : i32
      %mul3A_936 = arith.muli %scan3A_893, %mul3A_935 : i32
      %get3A_937 = arith.constant 0 : i32
      %get3A_938 = arith.constant 3 : i32
      %get3A_939 = arith.index_cast %get3A_937 : i32 to index
      %get3A_940 = arith.index_cast %get3A_938 : i32 to index
      %get3A_941 = arith.index_cast %mul3A_936 : i32 to index
      %get3A_942 = tpu.vector_load %arg6[%get3A_939, %get3A_940, %get3A_941] {strides = array<i32>} : memref<2x16x640xf32, #tpu.memory_space<vmem>>, vector<1x1x16xf32>,
      %get3A_943 = vector.shape_cast %get3A_942 : vector<1x1x16xf32> to vector<16xf32>
      %mul3A_944 = arith.mulf %get3A_943, %get3A_901 : vector<16xf32>
      %add3A_945 = arith.addf %scan3A_897, %mul3A_944 : vector<16xf32>
      %scan3A_946 = arith.constant 1 : i32
      %scan3A_947 = arith.addi %scan3A_893, %scan3A_946 : i32
      %mul3A_948 = arith.constant 16 : i32
      %mul3A_949 = arith.muli %scan3A_947, %mul3A_948 : i32
      %get3A_950 = arith.index_cast %mul3A_949 : i32 to index
      %get3A_951 = tpu.vector_load %arg5[%get3A_950] {strides = array<i32>} : memref<640xf32, #tpu.memory_space<vmem>>, vector<16xf32>,
      %get3A_952 = vector.shape_cast %get3A_951 : vector<16xf32> to vector<16xf32>
      %mul3A_953 = arith.constant 16 : i32
      %mul3A_954 = arith.muli %scan3A_947, %mul3A_953 : i32
      %get3A_955 = arith.constant 0 : i32
      %get3A_956 = arith.constant 0 : i32
      %get3A_957 = arith.index_cast %get3A_955 : i32 to index
      %get3A_958 = arith.index_cast %get3A_956 : i32 to index
      %get3A_959 = arith.index_cast %mul3A_954 : i32 to index
      %get3A_960 = tpu.vector_load %arg6[%get3A_957, %get3A_958, %get3A_959] {strides = array<i32>} : memref<2x16x640xf32, #tpu.memory_space<vmem>>, vector<1x1x16xf32>,
      %get3A_961 = vector.shape_cast %get3A_960 : vector<1x1x16xf32> to vector<16xf32>
      %mul3A_962 = arith.mulf %get3A_961, %get3A_952 : vector<16xf32>
      %add3A_963 = arith.addf %add3A_912, %mul3A_962 : vector<16xf32>
      %mul3A_964 = arith.constant 16 : i32
      %mul3A_965 = arith.muli %scan3A_947, %mul3A_964 : i32
      %get3A_966 = arith.constant 0 : i32
      %get3A_967 = arith.constant 1 : i32
      %get3A_968 = arith.index_cast %get3A_966 : i32 to index
      %get3A_969 = arith.index_cast %get3A_967 : i32 to index
      %get3A_970 = arith.index_cast %mul3A_965 : i32 to index
      %get3A_971 = tpu.vector_load %arg6[%get3A_968, %get3A_969, %get3A_970] {strides = array<i32>} : memref<2x16x640xf32, #tpu.memory_space<vmem>>, vector<1x1x16xf32>,
      %get3A_972 = vector.shape_cast %get3A_971 : vector<1x1x16xf32> to vector<16xf32>
      %mul3A_973 = arith.mulf %get3A_972, %get3A_952 : vector<16xf32>
      %add3A_974 = arith.addf %add3A_923, %mul3A_973 : vector<16xf32>
      %mul3A_975 = arith.constant 16 : i32
      %mul3A_976 = arith.muli %scan3A_947, %mul3A_975 : i32
      %get3A_977 = arith.constant 0 : i32
      %get3A_978 = arith.constant 2 : i32
      %get3A_979 = arith.index_cast %get3A_977 : i32 to index
      %get3A_980 = arith.index_cast %get3A_978 : i32 to index
      %get3A_981 = arith.index_cast %mul3A_976 : i32 to index
      %get3A_982 = tpu.vector_load %arg6[%get3A_979, %get3A_980, %get3A_981] {strides = array<i32>} : memref<2x16x640xf32, #tpu.memory_space<vmem>>, vector<1x1x16xf32>,
      %get3A_983 = vector.shape_cast %get3A_982 : vector<1x1x16xf32> to vector<16xf32>
      %mul3A_984 = arith.mulf %get3A_983, %get3A_952 : vector<16xf32>
      %add3A_985 = arith.addf %add3A_934, %mul3A_984 : vector<16xf32>
      %mul3A_986 = arith.constant 16 : i32
      %mul3A_987 = arith.muli %scan3A_947, %mul3A_986 : i32
      %get3A_988 = arith.constant 0 : i32
      %get3A_989 = arith.constant 3 : i32
      %get3A_990 = arith.index_cast %get3A_988 : i32 to index
      %get3A_991 = arith.index_cast %get3A_989 : i32 to index
      %get3A_992 = arith.index_cast %mul3A_987 : i32 to index
      %get3A_993 = tpu.vector_load %arg6[%get3A_990, %get3A_991, %get3A_992] {strides = array<i32>} : memref<2x16x640xf32, #tpu.memory_space<vmem>>, vector<1x1x16xf32>,
      %get3A_994 = vector.shape_cast %get3A_993 : vector<1x1x16xf32> to vector<16xf32>
      %mul3A_995 = arith.mulf %get3A_994, %get3A_952 : vector<16xf32>
      %add3A_996 = arith.addf %add3A_945, %mul3A_995 : vector<16xf32>
      scf.yield %add3A_963, %add3A_974, %add3A_985, %add3A_996 : vector<16xf32>, vector<16xf32>, vector<16xf32>, vector<16xf32>
    }
    %scan3A_807 = arith.constant 40 : i32
    %swap3A_808 = arith.constant 96 : i32
    %swap3A_809 = arith.index_cast %swap3A_808 : i32 to index
    %swap3A_810 = arith.constant 0 : index
    %swap3A_811 = tpu.vector_load %arg7[%swap3A_809, %swap3A_810] {strides = array<i32>} : memref<100x128xf32, #tpu.memory_space<vmem>>, vector<1x16xf32>,
    %swap3A_812 = vector.shape_cast %swap3A_811 : vector<1x16xf32> to vector<16xf32>
    %swap3A_813 = vector.shape_cast %scan3A_806#0 : vector<16xf32> to vector<1x16xf32>
    tpu.vector_store %arg7[%swap3A_809, %swap3A_810], %swap3A_813 {strides = array<i32>} : memref<100x128xf32, #tpu.memory_space<vmem>>, vector<1x16xf32>,
    %swap3A_814 = arith.constant 97 : i32
    %swap3A_815 = arith.index_cast %swap3A_814 : i32 to index
    %swap3A_816 = arith.constant 0 : index
    %swap3A_817 = tpu.vector_load %arg7[%swap3A_815, %swap3A_816] {strides = array<i32>} : memref<100x128xf32, #tpu.memory_space<vmem>>, vector<1x16xf32>,
    %swap3A_818 = vector.shape_cast %swap3A_817 : vector<1x16xf32> to vector<16xf32>
    %swap3A_819 = vector.shape_cast %scan3A_806#1 : vector<16xf32> to vector<1x16xf32>
    tpu.vector_store %arg7[%swap3A_815, %swap3A_816], %swap3A_819 {strides = array<i32>} : memref<100x128xf32, #tpu.memory_space<vmem>>, vector<1x16xf32>,
    %swap3A_820 = arith.constant 98 : i32
    %swap3A_821 = arith.index_cast %swap3A_820 : i32 to index
    %swap3A_822 = arith.constant 0 : index
    %swap3A_823 = tpu.vector_load %arg7[%swap3A_821, %swap3A_822] {strides = array<i32>} : memref<100x128xf32, #tpu.memory_space<vmem>>, vector<1x16xf32>,
    %swap3A_824 = vector.shape_cast %swap3A_823 : vector<1x16xf32> to vector<16xf32>
    %swap3A_825 = vector.shape_cast %scan3A_806#2 : vector<16xf32> to vector<1x16xf32>
    tpu.vector_store %arg7[%swap3A_821, %swap3A_822], %swap3A_825 {strides = array<i32>} : memref<100x128xf32, #tpu.memory_space<vmem>>, vector<1x16xf32>,
    %swap3A_826 = arith.constant 99 : i32
    %swap3A_827 = arith.index_cast %swap3A_826 : i32 to index
    %swap3A_828 = arith.constant 0 : index
    %swap3A_829 = tpu.vector_load %arg7[%swap3A_827, %swap3A_828] {strides = array<i32>} : memref<100x128xf32, #tpu.memory_space<vmem>>, vector<1x16xf32>,
    %swap3A_830 = vector.shape_cast %swap3A_829 : vector<1x16xf32> to vector<16xf32>
    %swap3A_831 = vector.shape_cast %scan3A_806#3 : vector<16xf32> to vector<1x16xf32>
    tpu.vector_store %arg7[%swap3A_827, %swap3A_828], %swap3A_831 {strides = array<i32>} : memref<100x128xf32, #tpu.memory_space<vmem>>, vector<1x16xf32>,
    %eq3A = arith.constant 0 : i32
    %eq3A_832 = arith.cmpi eq, %arg1, %eq3A : i32
    %convert_element_type3A = arith.extui %eq3A_832 : i1 to i32
    %cond3A = arith.constant 0 : i32
    %cond3A_833 = arith.cmpi ne, %convert_element_type3A, %cond3A : i32
    scf.if %cond3A_833 {
      "tpu.region"() ({
        %run_scoped3A = tpu.sem_alloc : memref<!tpu.dma_semaphore, #tpu.memory_space<semaphore_mem>>
        tpu.enqueue_dma source(%arg7 : memref<100x128xf32, #tpu.memory_space<vmem>>) target(%arg8 : memref<100x128xf32, #tpu.memory_space<vmem_shared>>) target_semaphore(%run_scoped3A : memref<!tpu.dma_semaphore, #tpu.memory_space<semaphore_mem>>)
        tpu.wait_dma2 semaphore(%run_scoped3A : memref<!tpu.dma_semaphore, #tpu.memory_space<semaphore_mem>>) src(%arg7 : memref<100x128xf32, #tpu.memory_space<vmem>>) dst(%arg8 : memref<100x128xf32, #tpu.memory_space<vmem_shared>>)
        tpu.yield
      }) : () -> ()
    } else {
    }
    %iota3A = tpu.iota {dimensions = array<i32: 0>} : vector<16xi32>
    %add3A_834 = arith.constant 0 : i32
    %add3A_835 = vector.broadcast %add3A_834 : i32 to vector<16xi32>
    %add3A_836 = arith.addi %iota3A, %add3A_835 : vector<16xi32>
    %swap3A_837 = arith.constant 0 : index
    %swap3A_838 = tpu.vector_load %arg9[%swap3A_837] {strides = array<i32>} : memref<100xi32, #tpu.memory_space<vmem>>, vector<16xi32>,
    %swap3A_839 = vector.shape_cast %swap3A_838 : vector<16xi32> to vector<16xi32>
    %swap3A_840 = vector.shape_cast %add3A_836 : vector<16xi32> to vector<16xi32>
    tpu.vector_store %arg9[%swap3A_837], %swap3A_840 {strides = array<i32>} : memref<100xi32, #tpu.memory_space<vmem>>, vector<16xi32>,
    %add3A_841 = arith.constant 16 : i32
    %add3A_842 = vector.broadcast %add3A_841 : i32 to vector<16xi32>
    %add3A_843 = arith.addi %iota3A, %add3A_842 : vector<16xi32>
    %swap3A_844 = arith.constant 16 : index
    %swap3A_845 = tpu.vector_load %arg9[%swap3A_844] {strides = array<i32>} : memref<100xi32, #tpu.memory_space<vmem>>, vector<16xi32>,
    %swap3A_846 = vector.shape_cast %swap3A_845 : vector<16xi32> to vector<16xi32>
    %swap3A_847 = vector.shape_cast %add3A_843 : vector<16xi32> to vector<16xi32>
    tpu.vector_store %arg9[%swap3A_844], %swap3A_847 {strides = array<i32>} : memref<100xi32, #tpu.memory_space<vmem>>, vector<16xi32>,
    %add3A_848 = arith.constant 32 : i32
    %add3A_849 = vector.broadcast %add3A_848 : i32 to vector<16xi32>
    %add3A_850 = arith.addi %iota3A, %add3A_849 : vector<16xi32>
    %swap3A_851 = arith.constant 32 : index
    %swap3A_852 = tpu.vector_load %arg9[%swap3A_851] {strides = array<i32>} : memref<100xi32, #tpu.memory_space<vmem>>, vector<16xi32>,
    %swap3A_853 = vector.shape_cast %swap3A_852 : vector<16xi32> to vector<16xi32>
    %swap3A_854 = vector.shape_cast %add3A_850 : vector<16xi32> to vector<16xi32>
    tpu.vector_store %arg9[%swap3A_851], %swap3A_854 {strides = array<i32>} : memref<100xi32, #tpu.memory_space<vmem>>, vector<16xi32>,
    %add3A_855 = arith.constant 48 : i32
    %add3A_856 = vector.broadcast %add3A_855 : i32 to vector<16xi32>
    %add3A_857 = arith.addi %iota3A, %add3A_856 : vector<16xi32>
    %swap3A_858 = arith.constant 48 : index
    %swap3A_859 = tpu.vector_load %arg9[%swap3A_858] {strides = array<i32>} : memref<100xi32, #tpu.memory_space<vmem>>, vector<16xi32>,
    %swap3A_860 = vector.shape_cast %swap3A_859 : vector<16xi32> to vector<16xi32>
    %swap3A_861 = vector.shape_cast %add3A_857 : vector<16xi32> to vector<16xi32>
    tpu.vector_store %arg9[%swap3A_858], %swap3A_861 {strides = array<i32>} : memref<100xi32, #tpu.memory_space<vmem>>, vector<16xi32>,
    %add3A_862 = arith.constant 64 : i32
    %add3A_863 = vector.broadcast %add3A_862 : i32 to vector<16xi32>
    %add3A_864 = arith.addi %iota3A, %add3A_863 : vector<16xi32>
    %swap3A_865 = arith.constant 64 : index
    %swap3A_866 = tpu.vector_load %arg9[%swap3A_865] {strides = array<i32>} : memref<100xi32, #tpu.memory_space<vmem>>, vector<16xi32>,
    %swap3A_867 = vector.shape_cast %swap3A_866 : vector<16xi32> to vector<16xi32>
    %swap3A_868 = vector.shape_cast %add3A_864 : vector<16xi32> to vector<16xi32>
    tpu.vector_store %arg9[%swap3A_865], %swap3A_868 {strides = array<i32>} : memref<100xi32, #tpu.memory_space<vmem>>, vector<16xi32>,
    %add3A_869 = arith.constant 80 : i32
    %add3A_870 = vector.broadcast %add3A_869 : i32 to vector<16xi32>
    %add3A_871 = arith.addi %iota3A, %add3A_870 : vector<16xi32>
    %swap3A_872 = arith.constant 80 : index
    %swap3A_873 = tpu.vector_load %arg9[%swap3A_872] {strides = array<i32>} : memref<100xi32, #tpu.memory_space<vmem>>, vector<16xi32>,
    %swap3A_874 = vector.shape_cast %swap3A_873 : vector<16xi32> to vector<16xi32>
    %swap3A_875 = vector.shape_cast %add3A_871 : vector<16xi32> to vector<16xi32>
    tpu.vector_store %arg9[%swap3A_872], %swap3A_875 {strides = array<i32>} : memref<100xi32, #tpu.memory_space<vmem>>, vector<16xi32>,
    %add3A_876 = arith.constant 84 : i32
    %add3A_877 = vector.broadcast %add3A_876 : i32 to vector<16xi32>
    %add3A_878 = arith.addi %iota3A, %add3A_877 : vector<16xi32>
    %swap3A_879 = arith.constant 84 : index
    %swap3A_880 = tpu.vector_load %arg9[%swap3A_879] {strides = array<i32>} : memref<100xi32, #tpu.memory_space<vmem>>, vector<16xi32>,
    %swap3A_881 = vector.shape_cast %swap3A_880 : vector<16xi32> to vector<16xi32>
    %swap3A_882 = vector.shape_cast %add3A_878 : vector<16xi32> to vector<16xi32>
    tpu.vector_store %arg9[%swap3A_879], %swap3A_882 {strides = array<i32>} : memref<100xi32, #tpu.memory_space<vmem>>, vector<16xi32>,
    %barrier3A = arith.constant 0 : index
    tpu.barrier barrier_id(%barrier3A)
    %ne3A = arith.constant 0 : i32
    %ne3A_883 = arith.cmpi ne, %arg1, %ne3A : i32
    %convert_element_type3A_884 = arith.extui %ne3A_883 : i1 to i32
    %cond3A_885 = arith.constant 0 : i32
    %cond3A_886 = arith.cmpi ne, %convert_element_type3A_884, %cond3A_885 : i32
    scf.if %cond3A_886 {
      "tpu.region"() ({
        %run_scoped3A = tpu.sem_alloc : memref<!tpu.dma_semaphore, #tpu.memory_space<semaphore_mem>>
        %dma_start3A_893 = arith.constant 0 : i32
        %dma_start3A_894 = arith.constant 0 : i32
        %dma_start3A_895 = tpu.memref_slice %arg8[%dma_start3A_893, %dma_start3A_894] : memref<100x128xf32, #tpu.memory_space<vmem_shared>> -> memref<100x128xf32, #tpu.memory_space<vmem_shared>>
        tpu.enqueue_indirect_dma source(%arg7 : memref<100x128xf32, #tpu.memory_space<vmem>>) target(%dma_start3A_895 : memref<100x128xf32, #tpu.memory_space<vmem_shared>>) offsets(%arg9 : memref<100xi32, #tpu.memory_space<vmem>>) semaphore(%run_scoped3A : memref<!tpu.dma_semaphore, #tpu.memory_space<semaphore_mem>>) {add = true}
        %dma_wait3A_896 = arith.constant 0 : i32
        %dma_wait3A_897 = arith.constant 0 : i32
        %dma_wait3A_898 = tpu.memref_slice %arg8[%dma_wait3A_896, %dma_wait3A_897] : memref<100x128xf32, #tpu.memory_space<vmem_shared>> -> memref<100x128xf32, #tpu.memory_space<vmem_shared>>
        tpu.wait_indirect_dma semaphore(%run_scoped3A : memref<!tpu.dma_semaphore, #tpu.memory_space<semaphore_mem>>) src(%arg7 : memref<100x128xf32, #tpu.memory_space<vmem>>) dst(%dma_wait3A_898 : memref<100x128xf32, #tpu.memory_space<vmem_shared>>)
        tpu.yield
      }) : () -> ()
    } else {
    }
    %barrier3A_887 = arith.constant 0 : index
    tpu.barrier barrier_id(%barrier3A_887)
    %eq3A_888 = arith.constant 0 : i32
    %eq3A_889 = arith.cmpi eq, %arg1, %eq3A_888 : i32
    %convert_element_type3A_890 = arith.extui %eq3A_889 : i1 to i32
    %cond3A_891 = arith.constant 0 : i32
    %cond3A_892 = arith.cmpi ne, %convert_element_type3A_890, %cond3A_891 : i32
    scf.if %cond3A_892 {
      %mul3A_893 = arith.constant 128 : i32
      %mul3A_894 = arith.muli %arg0, %mul3A_893 : i32
      "tpu.region"() ({
        %run_scoped3A = tpu.sem_alloc : memref<!tpu.dma_semaphore, #tpu.memory_space<semaphore_mem>>
        %dma_start3A_895 = arith.constant 0 : i32
        %dma_start3A_896 = tpu.memref_slice %arg4[%dma_start3A_895, %mul3A_894] : memref<100x256xf32, #tpu.memory_space<hbm>> -> memref<100x128xf32, #tpu.memory_space<hbm>>
        tpu.enqueue_dma source(%arg8 : memref<100x128xf32, #tpu.memory_space<vmem_shared>>) target(%dma_start3A_896 : memref<100x128xf32, #tpu.memory_space<hbm>>) target_semaphore(%run_scoped3A : memref<!tpu.dma_semaphore, #tpu.memory_space<semaphore_mem>>)
        %dma_wait3A_897 = arith.constant 0 : i32
        %dma_wait3A_898 = tpu.memref_slice %arg4[%dma_wait3A_897, %mul3A_894] : memref<100x256xf32, #tpu.memory_space<hbm>> -> memref<100x128xf32, #tpu.memory_space<hbm>>
        tpu.wait_dma2 semaphore(%run_scoped3A : memref<!tpu.dma_semaphore, #tpu.memory_space<semaphore_mem>>) src(%arg8 : memref<100x128xf32, #tpu.memory_space<vmem_shared>>) dst(%dma_wait3A_898 : memref<100x128xf32, #tpu.memory_space<hbm>>)
        tpu.yield
      }) : () -> ()
    } else {
    }
    return
  }
}

module attributes {stable_mosaic.version = 14 : i64} {
  func.func @body(%arg0: i32, %arg1: memref<1x45056xf32, #tpu.memory_space<vmem>>, %arg2: memref<32x45056xf32, #tpu.memory_space<vmem>>, %arg3: memref<32x1xf32, #tpu.memory_space<vmem>>) attributes {dimension_semantics = [#tpu.dimension_semantics<arbitrary>], iteration_bounds = array<i64: 4>, scalar_prefetch = 0 : i64, scratch_operands = 0 : i64, tpu.core_type = #tpu.core_type<tc>, window_params = [{transform_indices = @transform_0, window_bounds = array<i64: 1, 45056>}, {transform_indices = @transform_1, window_bounds = array<i64: 32, 45056>}, {transform_indices = @transform_2, window_bounds = array<i64: 32, 1>}]} {
    %get3A = arith.constant 0 : index
    %get3A_0 = arith.constant 0 : index
    %get3A_1 = vector.load %arg1[%get3A, %get3A_0] : memref<1x45056xf32, #tpu.memory_space<vmem>>, vector<1x45056xf32>
    %gt3A = arith.constant 5.000000e-01 : f32
    %gt3A_2 = vector.broadcast %gt3A : f32 to vector<1x45056xf32>
    %gt3A_3 = arith.cmpf ogt, %get3A_1, %gt3A_2 : vector<1x45056xf32>
    %convert_element_type3A = arith.extui %gt3A_3 : vector<1x45056xi1> to vector<1x45056xi32>
    %convert_element_type3A_4 = arith.sitofp %convert_element_type3A : vector<1x45056xi32> to vector<1x45056xf32>
    %get3A_5 = arith.constant 0 : index
    %get3A_6 = arith.constant 0 : index
    %get3A_7 = vector.load %arg2[%get3A_5, %get3A_6] : memref<32x45056xf32, #tpu.memory_space<vmem>>, vector<32x45056xf32>
    %mul3A = vector.broadcast %convert_element_type3A_4 : vector<1x45056xf32> to vector<32x45056xf32>
    %mul3A_8 = arith.mulf %get3A_7, %mul3A : vector<32x45056xf32>
    %reduce_sum3A = arith.constant dense<0.000000e+00> : vector<32xf32>
    %reduce_sum3A_9 = vector.multi_reduction <add>, %mul3A_8, %reduce_sum3A [1] : vector<32x45056xf32> to vector<32xf32>
    %broadcast_in_dim3A = vector.shape_cast %reduce_sum3A_9 : vector<32xf32> to vector<32x1xf32>
    %swap3A = arith.constant 0 : index
    %swap3A_10 = arith.constant 0 : index
    %swap3A_11 = vector.load %arg3[%swap3A, %swap3A_10] : memref<32x1xf32, #tpu.memory_space<vmem>>, vector<32x1xf32>
    tpu.vector_store %arg3[%swap3A, %swap3A_10], %broadcast_in_dim3A {strides = array<i32>} : memref<32x1xf32, #tpu.memory_space<vmem>>, vector<32x1xf32>,
    return
  }
  func.func @transform_0(%arg0: i32) -> (i32, i32) {
    %c0_i32 = arith.constant 0 : i32
    %c0_i32_0 = arith.constant 0 : i32
    %c0_i32_1 = arith.constant 0 : i32
    return %c0_i32, %c0_i32_0 : i32, i32
  }
  func.func @transform_1(%arg0: i32) -> (i32, i32) {
    %c0_i32 = arith.constant 0 : i32
    %c0_i32_0 = arith.constant 0 : i32
    return %arg0, %c0_i32 : i32, i32
  }
  func.func @transform_2(%arg0: i32) -> (i32, i32) {
    %c0_i32 = arith.constant 0 : i32
    %c0_i32_0 = arith.constant 0 : i32
    return %arg0, %c0_i32 : i32, i32
  }
}

module attributes {stable_mosaic.version = 14 : i64} {
  func.func @body(%arg0: memref<100x256xf32, #tpu.memory_space<vmem>>, %arg1: memref<100x1xf32, #tpu.memory_space<vmem>>, %arg2: memref<1x1xi32, #tpu.memory_space<smem>>) attributes {dimension_semantics = [], scalar_prefetch = 0 : i64, scratch_operands = 0 : i64, tpu.core_type = #tpu.core_type<tc>} {
    %get3A = arith.constant 0 : index
    %get3A_0 = arith.constant 0 : index
    %get3A_1 = vector.load %arg0[%get3A, %get3A_0] : memref<100x256xf32, #tpu.memory_space<vmem>>, vector<100x256xf32>
    %iota3A = tpu.iota {dimensions = array<i32: 1>} : vector<100x256xi32>
    %jit3A = arith.constant 128 : i32
    %eq3A = arith.constant 0 : i32
    %eq3A_2 = arith.cmpi eq, %jit3A, %eq3A : i32
    %jit3A_3 = arith.constant 1 : i32
    %select_n3A = arith.select %eq3A_2, %jit3A_3, %jit3A : i32
    %rem3A = vector.broadcast %select_n3A : i32 to vector<100x256xi32>
    %rem3A_4 = arith.remsi %iota3A, %rem3A : vector<100x256xi32>
    %ne3A = arith.constant 0 : i32
    %ne3A_5 = vector.broadcast %ne3A : i32 to vector<100x256xi32>
    %ne3A_6 = arith.cmpi ne, %rem3A_4, %ne3A_5 : vector<100x256xi32>
    %lt3A = arith.constant 0 : i32
    %lt3A_7 = vector.broadcast %lt3A : i32 to vector<100x256xi32>
    %lt3A_8 = arith.cmpi slt, %rem3A_4, %lt3A_7 : vector<100x256xi32>
    %lt3A_9 = arith.constant 0 : i32
    %lt3A_10 = arith.cmpi slt, %select_n3A, %lt3A_9 : i32
    %ne3A_11 = vector.broadcast %lt3A_10 : i1 to vector<100x256xi1>
    %ne3A_12 = vector.broadcast %ne3A_11 : vector<100x256xi1> to vector<100x256xi1>
    %ne3A_13 = arith.xori %lt3A_8, %ne3A_12 : vector<100x256xi1>
    %and3A = arith.andi %ne3A_13, %ne3A_6 : vector<100x256xi1>
    %add3A = vector.broadcast %select_n3A : i32 to vector<100x256xi32>
    %add3A_14 = arith.addi %rem3A_4, %add3A : vector<100x256xi32>
    %select_n3A_15 = arith.select %and3A, %add3A_14, %rem3A_4 : vector<100x256xi1>, vector<100x256xi32>
    %lt3A_16 = arith.constant 16 : i32
    %lt3A_17 = vector.broadcast %lt3A_16 : i32 to vector<100x256xi32>
    %lt3A_18 = arith.cmpi slt, %select_n3A_15, %lt3A_17 : vector<100x256xi32>
    %jit3A_19 = arith.constant 0.000000e+00 : f32
    %broadcast_in_dim3A = vector.broadcast %jit3A_19 : f32 to vector<100x256xf32>
    %select_n3A_20 = arith.select %lt3A_18, %get3A_1, %broadcast_in_dim3A : vector<100x256xi1>, vector<100x256xf32>
    %reduce_sum3A = arith.constant dense<0.000000e+00> : vector<100xf32>
    %reduce_sum3A_21 = vector.multi_reduction <add>, %select_n3A_20, %reduce_sum3A [1] : vector<100x256xf32> to vector<100xf32>
    %broadcast_in_dim3A_22 = vector.shape_cast %reduce_sum3A_21 : vector<100xf32> to vector<100x1xf32>
    %get3A_23 = arith.constant 0 : index
    %get3A_24 = arith.constant 0 : index
    %get3A_25 = vector.load %arg1[%get3A_23, %get3A_24] : memref<100x1xf32, #tpu.memory_space<vmem>>, vector<100x1xf32>
    %add3A_26 = arith.addf %broadcast_in_dim3A_22, %get3A_25 : vector<100x1xf32>
    %reduce_max3A = arith.constant dense<0xFF800000> : vector<1xf32>
    %reduce_max3A_27 = vector.multi_reduction <maximumf>, %add3A_26, %reduce_max3A [0] : vector<100x1xf32> to vector<1xf32>
    %broadcast_in_dim3A_28 = vector.shape_cast %reduce_max3A_27 : vector<1xf32> to vector<1x1xf32>
    %iota3A_29 = tpu.iota {dimensions = array<i32: 0>} : vector<100x1xi32>
    %ge3A = vector.broadcast %broadcast_in_dim3A_28 : vector<1x1xf32> to vector<100x1xf32>
    %ge3A_30 = arith.cmpf oge, %add3A_26, %ge3A : vector<100x1xf32>
    %jit3A_31 = arith.constant 100 : i32
    %broadcast_in_dim3A_32 = vector.broadcast %jit3A_31 : i32 to vector<100x1xi32>
    %select_n3A_33 = arith.select %ge3A_30, %iota3A_29, %broadcast_in_dim3A_32 : vector<100x1xi1>, vector<100x1xi32>
    %reduce_min3A = vector.shape_cast %select_n3A_33 : vector<100x1xi32> to vector<1x100x1xi32>
    %reduce_min3A_34 = arith.constant dense<2147483647> : vector<1xi32>
    %reduce_min3A_35 = vector.multi_reduction <minsi>, %reduce_min3A, %reduce_min3A_34 [1, 2] : vector<1x100x1xi32> to vector<1xi32>
    %reduce_min3A_36 = vector.shape_cast %reduce_min3A_35 : vector<1xi32> to vector<1x1x1xi32>
    %reduce_min3A_37 = vector.extract %reduce_min3A_36[0, 0, 0] : i32 from vector<1x1x1xi32>
    %swap3A = arith.constant 0 : index
    %swap3A_38 = arith.constant 0 : index
    %swap3A_39 = memref.load %arg2[%swap3A, %swap3A_38] : memref<1x1xi32, #tpu.memory_space<smem>>
    memref.store %reduce_min3A_37, %arg2[%swap3A, %swap3A_38] : memref<1x1xi32, #tpu.memory_space<smem>>
    return
  }
}

</mosaic_0001>

<sc_bundles>
// kernel: kernel.5.cloned.1.call-start
scs
__scs_entry_jumppad:
0x0: {  	(pc) =	sbr.rel $0x88, $3  }
0x1: {  	(tag) =	ssettag $0x0;
	lr =	simm.s32 $0x1  }
0x2: {  	[smem:$0x3F9F] =	sst lr;
	_ =	strace $0xD0000000  }
0x3: {  	_ = 	snop  }
0x4: {  	_ = 	snop  }
0x5: {  	_ = 	snop  }
0x6: {  	_ = 	snop  }
0x7: {  	_ = 	snop  }
__scs_overlays_trampoline_lowered:
0x8: {  	[smem:$0x3FAE] =	sst s0  }
0x9: {  	[smem:$0x3FAF] =	sst s1  }
0xa: {  	[smem:$0x3FB0] =	sst s2  }
0xb: {  	[smem:$0x3FB1] =	sst s3  }
0xc: {  	[smem:$0x3FB2] =	sst s4  }
0xd: {  	[smem:$0x3FB3] =	sst s5  }
0xe: {  	[smem:$0x3FB4] =	sst s6  }
0xf: {  	[smem:$0x3FB5] =	sst s7  }
0x10: {  	[smem:$0x3FB6] =	sst s8  }
0x11: {  	[smem:$0x3FB7] =	sst s9;
	s0 =	simm.s32 @!p0 $0x0  }
0x12: {  	s1 =	sld [smem:$0x3F9D];
	s0 =	simm.s32 @p0 $0x1  }
0x13: {  	[smem:$0x3FB8] =	sst s0;
	s0 =	simm.s32 @!p1 $0x0  }
0x14: {  	s2 =	sld [smem:$0x3F9C];
	s0 =	simm.s32 @p1 $0x1  }
0x15: {  	[smem:$0x3FB9] =	sst s0;
	s0 =	simm.s32 @!p2 $0x0  }
0x16: {  	s3 =	sld [smem:$0x3FDB];
	s0 =	simm.s32 @p2 $0x1  }
0x17: {  	s4 =	simm.s32 $0x1BF5;
	[smem:$0x3FBB] =	sst s0  }
0x18: {  	s0 =	sld [smem:$0x3F9E];
	_ =	swait.ge [sflag:s4], $0x0  }
0x19: {  	s7 =	sld [smem:$0x3F9F]  }
0x1a: {  	s8 =	sadd.s32 $0xFFFFE003, lr  }
0x1b: {  	s9 =	sadd.s32 $0xFFFFFEF7, lr;
	s5 =	simm.s32 $0xFFFFFFFF;
	p2 =	slt.u32 s8, $0xFFFFF086  }
0x1c: {  	p1 =	slt.u32 s9, $0xF7A;
	s5 =	simm.s32 @!p2 $0x0  }
0x1d: {  	s5 =	simm.s32 @p1 $0x1;
	p0 =	seq.s32 s7, s2  }
0x1e: {  	s7 =	smul.u32 @!p0 $0xF7A, s2;
	p2 =	seq.s32 @!p0 s5, $0x0  }
0x1f: {  	s9 =	smul.u32 $0xF7A, s1;
	s8 =	simm.s32 @!p0 $0x1BF5;
	p2 =	por !p2, p0  }
0x20: {  	[sflag:s8] =	ssyncset.s32 @!p0 $0xFFFFF086;
	s6 =	sadd.s32 @!p0 s3, s7;
	s7 =	simm.s32 @!p0 $0x108  }
0x21: {  	s3 =	sadd.s32 s3, s9;
	s6 =	sadd.s32 @!p0 $0x88, s6;
	s7 =	simm.s32 @p2 $0x1082  }
0x22: {  	[simem:s7], [sflag:s8] =	dma.local @!p0 [hbm:s6], $0xF7A  }
0x23: {  	s9 =	sor.u32 $0xD0000000, s2;
	s6 =	simm.s32 $0x108;
	_ =	swait.ge @!p0 [sflag:s8], $0x0  }
0x24: {  	s3 =	sadd.s32 $0x88, s3;
	s6 =	simm.s32 @!p1 $0x1082;
	[sflag:s4] =	ssyncset.s32 $0xFFFFF086  }
0x25: {  	[simem:s6], [sflag:s4] =	dma.local [hbm:s3], $0xF7A  }
0x26: {  	[smem:$0x3F9F] =	sst s1;
	(tag) =	ssettag s2;
	_ =	strace s9  }
0x27: {  	s1 =	sld [smem:$0x3FAF]  }
0x28: {  	s2 =	sld [smem:$0x3FB0]  }
0x29: {  	s4 =	sld [smem:$0x3FB2]  }
0x2a: {  	p0 =	seq.s32 s5, $0x0;
	s5 =	sld [smem:$0x3FB3]  }
0x2b: {  	s6 =	sld [smem:$0x3FB4]  }
0x2c: {  	s7 =	sld [smem:$0x3FB5]  }
0x2d: {  	s3 =	simm.s32 $0x108;
	s8 =	sld [smem:$0x3FB6]  }
0x2e: {  	s3 =	simm.s32 @!p0 $0x1082;
	s9 =	sld [smem:$0x3FB7]  }
0x2f: {  	lr =	sadd.s32 s0, s3;
	s0 =	sld [smem:$0x3FAE]  }
0x30: {  	s3 =	sld [smem:$0x3FB1]  }
0x31: {  	[smem:$0x3FBA] =	sst s10  }
0x32: {  	s10 =	sld [smem:$0x3FB8];
	_ =	sdelay $0x3  }
0x33: {  	p0 =	seq.s32 s10, $0x1;
	s10 =	sld [smem:$0x3FBA];
	_ =	sdelay $0x3  }
0x34: {  	[smem:$0x3FBA] =	sst s10  }
0x35: {  	s10 =	sld [smem:$0x3FB9];
	_ =	sdelay $0x3  }
0x36: {  	p1 =	seq.s32 s10, $0x1;
	s10 =	sld [smem:$0x3FBA];
	_ =	sdelay $0x3  }
0x37: {  	[smem:$0x3FBA] =	sst s10  }
0x38: {  	s10 =	sld [smem:$0x3FBB]  }
0x39: {  	_ = 	snop;
	(pc) =	sbr.ind lr, $3  }
0x3a: {  	_ = 	snop  }
0x3b: {  	_ = 	snop  }
0x3c: {  	p2 =	seq.s32 s10, $0x1;
	s10 =	sld [smem:$0x3FBA]  }
0x3d: {  	_ =	shalt  }
0x3e: {  	_ =	shalt  }
0x3f: {  	_ =	shalt  }
0x40: {  	_ =	shalt  }
0x41: {  	_ =	shalt  }
0x42: {  	_ =	shalt  }
0x43: {  	_ =	shalt  }
0x44: {  	_ =	shalt  }
0x45: {  	_ =	shalt  }
0x46: {  	_ =	shalt  }
0x47: {  	_ =	shalt  }
0x48: {  	_ =	shalt  }
0x49: {  	_ =	shalt  }
0x4a: {  	_ =	shalt  }
0x4b: {  	_ =	shalt  }
0x4c: {  	_ =	shalt  }
0x4d: {  	_ =	shalt  }
0x4e: {  	_ =	shalt  }
0x4f: {  	_ =	shalt  }
0x50: {  	_ =	shalt  }
0x51: {  	_ =	shalt  }
0x52: {  	_ =	shalt  }
0x53: {  	_ =	shalt  }
0x54: {  	_ =	shalt  }
0x55: {  	_ =	shalt  }
0x56: {  	_ =	shalt  }
0x57: {  	_ =	shalt  }
0x58: {  	_ =	shalt  }
0x59: {  	_ =	shalt  }
0x5a: {  	_ =	shalt  }
0x5b: {  	_ =	shalt  }
0x5c: {  	_ =	shalt  }
0x5d: {  	_ =	shalt  }
0x5e: {  	_ =	shalt  }
0x5f: {  	_ =	shalt  }
0x60: {  	_ =	shalt  }
0x61: {  	_ =	shalt  }
0x62: {  	_ =	shalt  }
0x63: {  	_ =	shalt  }
0x64: {  	_ =	shalt  }
0x65: {  	_ =	shalt  }
0x66: {  	_ =	shalt  }
0x67: {  	_ =	shalt  }
0x68: {  	_ =	shalt  }
0x69: {  	_ =	shalt  }
0x6a: {  	_ =	shalt  }
0x6b: {  	_ =	shalt  }
0x6c: {  	_ =	shalt  }
0x6d: {  	_ =	shalt  }
0x6e: {  	_ =	shalt  }
0x6f: {  	_ =	shalt  }
0x70: {  	_ =	shalt  }
0x71: {  	_ =	shalt  }
0x72: {  	_ =	shalt  }
0x73: {  	_ =	shalt  }
0x74: {  	_ =	shalt  }
0x75: {  	_ =	shalt  }
0x76: {  	_ =	shalt  }
0x77: {  	_ =	shalt  }
0x78: {  	_ =	shalt  }
0x79: {  	_ =	shalt  }
0x7a: {  	_ =	shalt  }
0x7b: {  	_ =	shalt  }
0x7c: {  	_ =	shalt  }
0x7d: {  	_ =	shalt  }
0x7e: {  	_ =	shalt  }
0x7f: {  	_ =	shalt  }
0x80: {  	_ =	shalt  }
0x81: {  	_ =	shalt  }
0x82: {  	_ =	shalt  }
0x83: {  	_ =	shalt  }
0x84: {  	_ =	shalt  }
0x85: {  	_ =	shalt  }
0x86: {  	_ =	shalt  }
0x87: {  	_ =	shalt  }
.Lfunc_end0:
.L_simem_size_0:
called_computation_lowered:
.L_overlay_start_0:
0x88: {  	s2 =	sld [smem:$0x3FD9]  }
0x89: {  	s3 =	sld [smem:$0x3FFE];
	_ =	sdelay $0x1  }
0x8a: {  	s1 =	srdreg.scid  }
0x8b: {  	s0 =	sand.u32 $0x1, s1  }
0x8c: {  	s17 =	sshll.u32 s0, $0xA;
	s2 =	sadd.s32 s3, s2  }
0x8d: {  	s2 =	sadd.s32 s2, s17  }
0x8e: {  	[smem:$0x3FC6] =	sst s2  }
0x8f: {  	_ = 	snop  }
0x90: {  	s2 =	sld [smem:$0x3FC9]  }
0x91: {  	s18 =	sld [smem:$0x3FC8];
	(tm) =	ssettm $0x1  }
0x92: {  	s4 =	sld [smem:$0x3FFB];
	_ =	sdelay $0x3  }
0x93: {  	_ =	strace s4  }
0x94: {  	s4 =	sld [smem:$0x3FFC];
	_ =	sdelay $0x3  }
0x95: {  	_ =	strace s4  }
0x96: {  	s4 =	sld [smem:$0x3FFD];
	_ =	sdelay $0x3  }
0x97: {  	_ =	strace s4  }
0x98: {  	_ =	strace $0x8FFFFFFF  }
0x99: {  	s19 =	sld [smem:$0x3FDB];
	_ =	sdelay $0x1  }
0x9a: {  	s5 =	simm.s32 $_scs_section_size  }
0x9b: {  	s6 =	simm.s32 $_size__tile_overlayer_lowered;
	s7 =	simm.s32 $_tile_overlayer_lowered  }
0x9c: {  	s22 =	simm.s32 $0x1BFF;
	s21 =	sshll.u32 s7, $0x1;
	s4 =	sadd.s32 s5, s19  }
0x9d: {  	s8 =	simm.s32 $0x0;
	s20 =	sshll.u32 s6, $0x1;
	s6 =	sadd.s32 s21, s4  }
0x9e: {  	[timem:s8], [sflag:s22] =	dma.local [hbm:s6], s20  }
0x9f: {  	_ =	swait.ge [sflag:s22], s20  }
0xa0: {  	s5 =	ssub.s32 $0x0, s20;
	[sflag:s22] =	ssyncset.done $0x0  }
0xa1: {  	[sflag:s22] =	ssyncadd.s32 s5;
	_ =	sdelay $0x1  }
0xa2: {  	s23 =	simm.s32 $0x1B8B  }
0xa3: {  	_ =	swait.ge [sflag:s23], $0x1  }
0xa4: {  	[sflag:s23] =	ssyncset.done $0x0  }
0xa5: {  	s25 =	simm.s32 $0x1B8E;
	s24 =	sld [smem:$0x3FFE];
	[sflag:s23] =	ssyncadd.s32 $0xFFFFFFFF  }
0xa6: {  	s26 =	simm.s32 $execute0_lowered;
	[smem:$0x3FD2] =	sst s25  }
0xa7: {  	s6 =	sshll.u32 s26, $0x1;
	_ =	strace $0x80000046;
	[dreg:$0x1] =	wrdreg $0xFFFFFFFF  }
0xa8: {  	s28 =	simm.s32 $_size_execute0_lowered;
	s4 =	sadd.s32 s4, s6;
	[dreg:$0x0] =	wrdreg $0x0  }
0xa9: {  	s6 =	sshll.u32 s28, $0x1;
	[dreg:$0x2] =	wrdreg s4  }
0xaa: {  	[dreg:$0x3] =	wrdreg s6  }
0xab: {  	[dreg:$0x4] =	wrdreg $0xC0  }
0xac: {  	_ =	task [dreg:s8], $0x5FFFF  }
0xad: {  	[dreg:$0x1] =	wrdreg $0xFFFFFFFF  }
0xae: {  	[dreg:$0x0] =	wrdreg $0x60  }
0xaf: {  	[dreg:$0x2] =	wrdreg s2  }
0xb0: {  	[dreg:$0x3] =	wrdreg s18  }
0xb1: {  	[dreg:$0x4] =	wrdreg s24  }
0xb2: {  	[dreg:$0x5] =	wrdreg $0x86800  }
0xb3: {  	[dreg:$0x6] =	wrdreg $0x9  }
0xb4: {  	_ =	task.clear_ibuf [dreg:s8], $0x7FFFF;
	_ =	strace $0x90000046  }
0xb5: {  	s29 =	simm.s32 $0x9;
	_ =	strace $0x80000048  }
0xb6: {  	_ =	swait.ge [sflag:s29], $0x1  }
0xb7: {  	[sflag:s29] =	ssyncadd.s32 $0xFFFFFFFF  }
0xb8: {  	_ =	strace $0x90000048  }
0xb9: {  	_ =	sfence  }
0xba: {  	s30 =	sld [smem:$0x0];
	_ =	sdelay $0x2  }
0xbb: {  	s31 =	sshll.u32 s1, $0xD;
	s1 =	sshrl.u32 s1, $0x2  }
0xbc: {  	s3 =	sand.u32 $0x4000, s31;
	s1 =	sadd.s32 s1, s30  }
0xbd: {  	s0 =	sor.u32 s3, s0;
	s1 =	sshll.u32 s1, $0x11  }
0xbe: {  	s0 =	sor.u32 s1, s0  }
0xbf: {  	s0 =	sadd.s32 $0x8F2B, s0  }
0xc0: {  	[sflag:s0] =	ssyncadd.remote.s32 $0x1  }
0xc1: {  	_ =	sfence.sel $0xFFFF  }
0xc2: {  	[dreg:$0x0] =	wrdreg $0xFFFFFFFF;
	(pc) =	sbr.abs _section_cstart, $3  }
0xc3: {  	[dreg:$0x1] =	wrdreg $0xFFFFFFFF  }
0xc4: {  	_ =	task.clear_ibuf [dreg:s8], $0x2FFFF;
	_ =	strace $0x9FFFFFFF  }
0xc5: {  	(tm) =	ssettm $0x7FFFFFFF  }
tec
execute0_lowered:
.L_overlay_start_1:
0x0: {  	(tag) =	ssettag $0x1  }
0x1: {  	s0 =	rddreg [dreg:$0x0]  }
0x2: {  	s1 =	rddreg [dreg:$0x1]  }
0x3: {  	s2 =	rddreg [dreg:$0x2]  }
0x4: {  	s3 =	srdreg.scid;
	s4 =	stileid.u32  }
0x5: {  	s8 =	rddreg [dreg:$0x3];
	s6 =	simm.s32 $0x0;
	s13 =	simm.s32 $0x1400  }
0x6: {  	s14 =	simm.s32 $0x7A1400;
	s3 =	sand.u32 $0x1, s3;
	s5 =	sshll.u32 s4, $0x1  }
0x7: {  	s5 =	sor.u32 s3, s5;
	s22 =	sshll.u32 s3, $0x7;
	s3 =	ssub.s32 $0x2, s3  }
0x8: {  	s15 =	simm.s32 $0x280;
	s5 =	smul.u32 $0x280, s5;
	s23 =	sshrl.u32 s3, $0x1  }
0x9: {  	s17 =	simm.s32 $0x3;
	[smem:$0x7FF] =	sst s6;
	s3 =	ssub.s32 s3, s23  }
0xa: {  	_ =	strace $0x80000047;
	s7 =	sadd.s32 $0xB000, s5;
	s31 =	smax.u32 s3, $0x1  }
0xb: {  	s5 =	sadd.s32 s5, s1;
	s1 =	sadd.s32 s1, s7;
	[dreg:$0xc] =	wrdreg s31  }
0xc: {  	s18 =	simm.s32 $0x1;
	s24 =	sadd.s32 $0x1F3500, s5;
	[dreg:$0x5] =	wrdreg s1  }
0xd: {  	s19 =	simm.s32 $0x2;
	s26 =	sadd.s32 $0x3DBA00, s5;
	[dreg:$0x6] =	wrdreg s24  }
0xe: {  	p0 =	sne.s32 s4, $0x0;
	s28 =	sadd.s32 $0x5C3F00, s5;
	[dreg:$0x7] =	wrdreg s26  }
0xf: {  	s25 =	sshrl.u32 s7, $0x3;
	s29 =	sadd.s32 $0x7AC400, s5;
	[dreg:$0x8] =	wrdreg s28  }
0x10: {  	s2 =	sadd.s32 s22, s2;
	s0 =	sadd.s32 s0, s25;
	[dreg:$0xa] =	wrdreg s29  }
0x11: {  	s30 =	sadd.s32 $0x994900, s5;
	[dreg:$0x9] =	wrdreg s0;
	s0 =	sadd.s32 $0x3000, s8  }
0x12: {  	s11 =	sadd.s32 $0x800, s2;
	[dreg:$0xb] =	wrdreg s30;
	s0 =	sshrl.u32 @!p0 s0, $0x3  }
0x13: {  	v0 =	vimm.f32 $0.0e+00;
	s10 =	sadd.s32 $0xB7CE00, s5;
	s25 =	simm.s32 $0x0;
	[dreg:$0xd] =	wrdreg s0  }
.LBB2_1:
0x14: {  	s0 =	rddreg [dreg:$0x5]  }
0x15: {  	[tilespmem:s15], [sflag:$0x1] =	stream.strided.gather [hbm4b:s0+s13], $0x2800, s14, s13, $0x38;
	[tilespmem:$0x8A20] =	vst v63  }
0x16: {  	s29 =	rddreg [dreg:$0x6];
	s1 =	simm.s32 $0x2A80  }
0x17: {  	[tilespmem:s1], [sflag:$0x2] =	stream.strided.gather [hbm4b:s29+s13], $0x2800, s14, s13, $0x38;
	[tilespmem:$0x8A20] =	vst v63  }
0x18: {  	s30 =	simm.s32 $0x0;
	s31 =	rddreg [dreg:$0x9]  }
0x19: {  	[tilespmem:s30], [sflag:$0x3] =	stream.linear.gather [hbm4b:s31+s30], $0x280, $0x38;
	[tilespmem:$0x8A20] =	vst v63  }
0x1a: {  	_ =	swait.ge [sflag:s17], $0x280  }
0x1b: {  	[sflag:s17] =	ssyncset.done $0x0  }
0x1c: {  	s0 =	simm.s32 $0x0;
	s1 =	simm.s32 $0x40;
	[sflag:s17] =	ssyncadd.s32 $0xFFFFFD80  }
.LBB2_2:
0x1d: {  	p1 =	sne.s32 s1, $0x9C0;
	v1 =	vld [tilespmem:s0+$0x0];
	_ =	sdelay $0x2  }
.Ltmp0:
0x1e: {  	(pc) =	sbr.rel @p1 .LBB2_2-.Ltmp0, $4  }
0x1f: {  	_ = 	snop  }
0x20: {  	vm0 =	vgt.f32 v1, $5.000000000e-01  }
0x21: {  	v1 =	vsel vm0, $0x3F800000, v0  }
0x22: {  	[tilespmem:s0+$0x0] =	vst v1;
	s0 =	sshra.s32 s1, $0x2;
	s1 =	sadd.s32 $0x40, s1  }
0x23: {  	v1 =	vld [tilespmem:s0+$0x0];
	_ =	sdelay $0x4  }
0x24: {  	vm0 =	vgt.f32 v1, $5.000000000e-01  }
0x25: {  	v1 =	vsel vm0, $0x3F800000, v0  }
0x26: {  	[tilespmem:s0+$0x0] =	vst v1  }
0x27: {  	s26 =	simm.s32 $0x0;
	_ =	swait.ge [sflag:s18], $0x2800  }
0x28: {  	s20 =	sand.u32 $0x60, s26;
	[sflag:s18] =	ssyncset.done $0x0  }
0x29: {  	s9 =	sor.u32 s26, s26;
	s1 =	sand.u32 $0x380, s26;
	[sflag:s18] =	ssyncadd.s32 $0xFFFFD800  }
0x2a: {  	s21 =	sand.u32 $0x1C00, s26;
	s2 =	sor.u32 $0x380, s9;
	s0 =	sor.u32 $0x10, s20;
	v2 =	vld [tilespmem:s26+$0x0]  }
0x2b: {  	s4 =	sor.u32 $0x280, s21;
	s1 =	sor.u32 s0, s1;
	v3 =	vld [tilespmem:s2+$0x280]  }
0x2c: {  	s12 =	sor.u32 s0, s4;
	v1 =	vld [tilespmem:s1+$0x0]  }
0x2d: {  	v4 =	vld [tilespmem:s12+$0x0]  }
0x2e: {  	v5 =	vld [tilespmem:s12+$0x80]  }
0x2f: {  	v6 =	vld [tilespmem:s12+$0x100]  }
0x30: {  	v7 =	vld [tilespmem:s12+$0x180]  }
0x31: {  	s5 =	sadd.s32 $0x1680, s21;
	v8 =	vld [tilespmem:s12+$0x200]  }
0x32: {  	s6 =	sadd.s32 $0x1700, s21;
	s16 =	sor.u32 s0, s5;
	v9 =	vld [tilespmem:s12+$0x280]  }
0x33: {  	s7 =	sadd.s32 $0x1780, s21;
	s22 =	sor.u32 s0, s6;
	v10 =	vld [tilespmem:s16+$0x0]  }
0x34: {  	s8 =	sadd.s32 $0x1800, s21;
	s23 =	sor.u32 s0, s7;
	v11 =	vld [tilespmem:s22+$0x0]  }
0x35: {  	s3 =	sadd.s32 $0x1880, s21;
	s24 =	sor.u32 s0, s8;
	v12 =	vld [tilespmem:s23+$0x0]  }
0x36: {  	s9 =	sor.u32 s0, s3;
	v13 =	vld [tilespmem:s24+$0x0]  }
0x37: {  	s4 =	sor.u32 s20, s4;
	v14 =	vld [tilespmem:s9+$0x0]  }
0x38: {  	v17 =	vld [tilespmem:s4+$0x0]  }
0x39: {  	v19 =	vld [tilespmem:s4+$0x80]  }
0x3a: {  	s2 =	sadd.s32 $0x1900, s21;
	v23 =	vld [tilespmem:s4+$0x100];
	v22 =	vmul.f32 v3, v2;
	v4 =	vmul.f32 v4, v1  }
0x3b: {  	v25 =	vld [tilespmem:s4+$0x180];
	s12 =	sor.u32 s0, s2;
	v5 =	vmul.f32 v5, v1;
	v24 =	vmul.f32 v6, v1  }
0x3c: {  	s16 =	sand.u32 $0x3, s26;
	v16 =	vld [tilespmem:s12+$0x0];
	v27 =	vmul.f32 v7, v1;
	v29 =	vmul.f32 v8, v1  }
0x3d: {  	s1 =	sshll.u32 s16, $0x5;
	v7 =	vld [tilespmem:s4+$0x200];
	v30 =	vmul.f32 v9, v1;
	v18 =	vmul.f32 v10, v1  }
0x3e: {  	s22 =	sor.u32 s20, s5;
	s1 =	sadd.s32 $0x0, s1;
	v8 =	vld [tilespmem:s4+$0x280];
	v21 =	vmul.f32 v11, v1;
	v15 =	vmul.f32 v12, v1  }
0x3f: {  	s24 =	sor.u32 $0x300, s1;
	v10 =	vld [tilespmem:s22+$0x0];
	v20 =	vmul.f32 v13, v1;
	v6 =	vmul.f32 v14, v1  }
0x40: {  	s23 =	sor.u32 s20, s6;
	s1 =	sadd.s32 $0x10, s1;
	v13 =	vld [tilespmem:s24+$0x280];
	v14 =	vmul.f32 v19, v2;
	v19 =	vmul.f32 v25, v2  }
0x41: {  	s5 =	sor.u32 $0x300, s1;
	v11 =	vld [tilespmem:s23+$0x0];
	v12 =	vmul.f32 v17, v2;
	v3 =	vimm.f32 $0.0e+00;
	v9 =	vmul.f32 v16, v1  }
0x42: {  	s1 =	sor.u32 $0x380, s1;
	v17 =	vld [tilespmem:s5+$0x280];
	v16 =	vmul.f32 v23, v2;
	v14 =	vadd.f32 v14, v3;
	v19 =	vadd.f32 v19, v3  }
0x43: {  	s6 =	sor.u32 s20, s7;
	v22 =	vadd.f32 v22, v3;
	v23 =	vmul.f32 v7, v2;
	v7 =	vadd.f32 v12, v3;
	v12 =	vld [tilespmem:s1+$0x280]  }
0x44: {  	s7 =	sor.u32 s20, s8;
	v5 =	vadd.f32 v5, v14;
	v28 =	vmul.f32 v8, v2;
	v8 =	vadd.f32 v16, v3;
	v16 =	vld [tilespmem:s6+$0x0]  }
0x45: {  	v25 =	vmul.f32 v10, v2;
	v10 =	vld [tilespmem:s7+$0x0];
	v13 =	vmul.f32 v13, v2;
	v4 =	vadd.f32 v4, v7  }
0x46: {  	v26 =	vmul.f32 v11, v2;
	v7 =	vadd.f32 v24, v8;
	v11 =	vadd.f32 v23, v3  }
0x47: {  	s8 =	sor.u32 s20, s3;
	v8 =	vadd.f32 v27, v19;
	v14 =	vadd.f32 v28, v3;
	v23 =	vmul.f32 v17, v1  }
0x48: {  	s9 =	sor.u32 s20, s2;
	s12 =	sadd.s32 $0x1980, s21;
	v13 =	vadd.f32 v13, v3;
	v27 =	vld [tilespmem:s8+$0x0];
	v24 =	vimm.f32 $0.0e+00;
	v19 =	vadd.f32 v29, v11  }
0x49: {  	s16 =	sor.u32 s20, s12;
	s22 =	sadd.s32 $0x1A00, s21;
	v28 =	vld [tilespmem:s9+$0x0];
	v17 =	vadd.f32 v30, v14;
	v14 =	vimm.f32 $0.0e+00;
	v12 =	vmul.f32 v12, v1  }
0x4a: {  	s23 =	sor.u32 s20, s22;
	v29 =	vld [tilespmem:s16+$0x0];
	v11 =	vimm.f32 $0.0e+00;
	v32 =	vmul.f32 v16, v2;
	v33 =	vmul.f32 v10, v2  }
0x4b: {  	s28 =	simm.s32 $0x0;
	s29 =	simm.s32 $0x100;
	s24 =	sor.u32 s0, s12;
	v30 =	vld [tilespmem:s23+$0x0];
	v16 =	vadd.f32 v23, v13;
	v23 =	vimm.f32 $0.0e+00;
	v13 =	vimm.f32 $0.0e+00  }
0x4c: {  	s30 =	simm.s32 $0x20;
	s31 =	simm.s32 $0x20;
	v31 =	vld [tilespmem:s24+$0x0];
	s0 =	sor.u32 s0, s22;
	v10 =	vimm.f32 $0.0e+00;
	v12 =	vadd.f32 v12, v22;
	v22 =	vimm.f32 $0.0e+00  }
.LBB2_4:
0x4d: {  	s20 =	sand.u32 $0x60, s30;
	s1 =	sor.u32 s29, s30;
	s2 =	sand.u32 $0x380, s30;
	v3 =	vadd.f32 v25, v3;
	v24 =	vadd.f32 v26, v24;
	v25 =	vmul.f32 v27, v2;
	v26 =	vld [tilespmem:s0+$0x0]  }
0x4e: {  	s21 =	sand.u32 $0x1C00, s29;
	v23 =	vadd.f32 v32, v23;
	v27 =	vld [tilespmem:s31+$0x0];
	s1 =	sor.u32 $0x380, s1;
	s0 =	sor.u32 $0x10, s20;
	v22 =	vadd.f32 v33, v22;
	v28 =	vmul.f32 v28, v2  }
0x4f: {  	s4 =	sor.u32 $0x280, s21;
	v32 =	vld [tilespmem:s1+$0x280];
	s1 =	sor.u32 s0, s2;
	v29 =	vmul.f32 v29, v2;
	v3 =	vadd.f32 v18, v3;
	v24 =	vadd.f32 v21, v24  }
0x50: {  	v23 =	vadd.f32 v15, v23;
	v18 =	vld [tilespmem:s1+$0x0];
	s1 =	sor.u32 s0, s4;
	v30 =	vmul.f32 v30, v2;
	v22 =	vadd.f32 v20, v22  }
0x51: {  	v13 =	vadd.f32 v25, v13;
	v14 =	vadd.f32 v28, v14;
	v15 =	vld [tilespmem:s1+$0x0];
	v20 =	vmul.f32 v31, v1  }
0x52: {  	v11 =	vadd.f32 v29, v11;
	v21 =	vld [tilespmem:s1+$0x80];
	v10 =	vadd.f32 v30, v10;
	v26 =	vmul.f32 v26, v1  }
0x53: {  	v13 =	vadd.f32 v6, v13;
	v14 =	vadd.f32 v9, v14;
	v25 =	vld [tilespmem:s1+$0x100];
	v2 =	vmov v27  }
0x54: {  	v11 =	vadd.f32 v20, v11;
	v6 =	vld [tilespmem:s1+$0x180];
	v10 =	vadd.f32 v26, v10  }
0x55: {  	s5 =	sadd.s32 $0x1680, s21;
	v9 =	vld [tilespmem:s1+$0x200];
	v1 =	vmov v18  }
0x56: {  	s6 =	sadd.s32 $0x1700, s21;
	v18 =	vld [tilespmem:s1+$0x280];
	s1 =	sor.u32 s0, s5  }
0x57: {  	s3 =	sadd.s32 $0x1780, s21;
	v20 =	vld [tilespmem:s1+$0x0];
	s1 =	sor.u32 s0, s6  }
0x58: {  	s23 =	sadd.s32 $0x1800, s21;
	v26 =	vld [tilespmem:s1+$0x0];
	s1 =	sor.u32 s0, s3  }
0x59: {  	s2 =	sadd.s32 $0x1880, s21;
	v27 =	vld [tilespmem:s1+$0x0];
	s1 =	sor.u32 s0, s23  }
0x5a: {  	s22 =	sadd.s32 $0x1900, s21;
	v28 =	vld [tilespmem:s1+$0x0];
	s1 =	sor.u32 s0, s2  }
0x5b: {  	v29 =	vld [tilespmem:s1+$0x0];
	s1 =	sor.u32 s0, s22  }
0x5c: {  	s4 =	sor.u32 s20, s4;
	v30 =	vld [tilespmem:s1+$0x0]  }
0x5d: {  	v31 =	vld [tilespmem:s4+$0x0]  }
0x5e: {  	v32 =	vmul.f32 v32, v2;
	v34 =	vmul.f32 v15, v1;
	v33 =	vld [tilespmem:s4+$0x80]  }
0x5f: {  	v36 =	vmul.f32 v21, v1;
	v37 =	vmul.f32 v25, v1;
	v35 =	vld [tilespmem:s4+$0x100]  }
0x60: {  	s26 =	sadd.s32 $0x1, s26;
	v38 =	vmul.f32 v6, v1;
	v39 =	vmul.f32 v9, v1;
	v25 =	vld [tilespmem:s4+$0x180]  }
0x61: {  	v41 =	vmul.f32 v18, v1;
	s1 =	sand.u32 $0x3, s26;
	v18 =	vmul.f32 v20, v1;
	v40 =	vld [tilespmem:s4+$0x200]  }
0x62: {  	s1 =	sshll.u32 s1, $0x5;
	v21 =	vmul.f32 v26, v1;
	v15 =	vmul.f32 v27, v1;
	v42 =	vld [tilespmem:s4+$0x280];
	s4 =	sor.u32 s20, s5  }
0x63: {  	s1 =	sadd.s32 s1, s29;
	v20 =	vmul.f32 v28, v1;
	v6 =	vmul.f32 v29, v1;
	v26 =	vld [tilespmem:s4+$0x0];
	s4 =	sor.u32 s20, s6  }
0x64: {  	v9 =	vmul.f32 v30, v1;
	v27 =	vmul.f32 v31, v2;
	s5 =	sor.u32 $0x300, s1;
	s1 =	sadd.s32 $0x10, s1;
	v28 =	vld [tilespmem:s4+$0x0]  }
0x65: {  	v29 =	vmul.f32 v33, v2;
	v30 =	vmul.f32 v35, v2;
	s4 =	sor.u32 $0x300, s1;
	v31 =	vld [tilespmem:s5+$0x280]  }
0x66: {  	s1 =	sor.u32 $0x380, s1;
	v25 =	vmul.f32 v25, v2;
	v33 =	vmul.f32 v40, v2;
	v35 =	vld [tilespmem:s4+$0x280]  }
0x67: {  	s3 =	sor.u32 s20, s3;
	v4 =	vadd.f32 v27, v4;
	v5 =	vadd.f32 v29, v5;
	v29 =	vmul.f32 v42, v2;
	v40 =	vld [tilespmem:s1+$0x280]  }
0x68: {  	s28 =	sadd.s32 $0x2, s28;
	v7 =	vadd.f32 v30, v7;
	v8 =	vadd.f32 v25, v8;
	s1 =	sor.u32 s20, s23;
	v25 =	vmul.f32 v26, v2;
	v30 =	vld [tilespmem:s3+$0x0]  }
0x69: {  	p1 =	slt.u32 s28, $0x26;
	v4 =	vadd.f32 v34, v4;
	v5 =	vadd.f32 v36, v5;
	v26 =	vmul.f32 v28, v2;
	v42 =	vld [tilespmem:s1+$0x0];
	s1 =	sor.u32 s20, s2  }
.Ltmp1:
0x6a: {  	v7 =	vadd.f32 v37, v7;
	s2 =	sadd.s32 $0x1980, s21;
	v8 =	vadd.f32 v38, v8;
	v31 =	vmul.f32 v31, v2;
	v27 =	vld [tilespmem:s1+$0x0];
	s1 =	sor.u32 s20, s22;
	(pc) =	sbr.rel @p1 .LBB2_4-.Ltmp1, $4  }
0x6b: {  	v19 =	vadd.f32 v33, v19;
	s3 =	sadd.s32 $0x1A00, s21;
	v17 =	vadd.f32 v29, v17;
	v28 =	vld [tilespmem:s1+$0x0];
	s1 =	sor.u32 s20, s2;
	v34 =	vmul.f32 v35, v1  }
0x6c: {  	v12 =	vadd.f32 v32, v12;
	v16 =	vadd.f32 v31, v16;
	v29 =	vld [tilespmem:s1+$0x0];
	s1 =	sor.u32 s20, s3;
	v31 =	vmul.f32 v40, v1  }
0x6d: {  	s29 =	sadd.s32 $0x100, s29;
	v19 =	vadd.f32 v39, v19;
	v17 =	vadd.f32 v41, v17;
	v32 =	vmul.f32 v30, v2;
	v30 =	vld [tilespmem:s1+$0x0];
	s1 =	sor.u32 s0, s2  }
0x6e: {  	s30 =	sadd.s32 $0x20, s30;
	s31 =	sadd.s32 $0x20, s31;
	s0 =	sor.u32 s0, s3;
	v33 =	vmul.f32 v42, v2;
	v16 =	vadd.f32 v34, v16;
	v12 =	vadd.f32 v31, v12;
	v31 =	vld [tilespmem:s1+$0x0]  }
0x6f: {  	v34 =	vld [tilespmem:s0+$0x0];
	[tilespmem:$0x5280] =	vst v4  }
0x70: {  	[tilespmem:$0x5300] =	vst v5  }
0x71: {  	[tilespmem:$0x5380] =	vst v7  }
0x72: {  	[tilespmem:$0x5400] =	vst v8  }
0x73: {  	v3 =	vadd.f32 v25, v3;
	[tilespmem:$0x5480] =	vst v19  }
0x74: {  	v4 =	vadd.f32 v26, v24;
	[tilespmem:$0x5500] =	vst v17  }
0x75: {  	v5 =	vmul.f32 v27, v2;
	v7 =	vadd.f32 v32, v23;
	[tilespmem:$0x5580] =	vst v16;
	v3 =	vadd.f32 v18, v3  }
0x76: {  	v8 =	vadd.f32 v33, v22;
	v16 =	vmul.f32 v28, v2;
	[tilespmem:$0x5600] =	vst v12;
	v4 =	vadd.f32 v21, v4  }
0x77: {  	v12 =	vmul.f32 v29, v2;
	v7 =	vadd.f32 v15, v7;
	v5 =	vadd.f32 v5, v13;
	[tilespmem:$0x5680] =	vst v3  }
0x78: {  	v2 =	vmul.f32 v30, v2;
	v3 =	vadd.f32 v20, v8;
	v8 =	vadd.f32 v16, v14;
	[tilespmem:$0x5700] =	vst v4  }
0x79: {  	v4 =	vmul.f32 v31, v1;
	v11 =	vadd.f32 v12, v11;
	v5 =	vadd.f32 v6, v5;
	[tilespmem:$0x5780] =	vst v7  }
0x7a: {  	v2 =	vadd.f32 v2, v10;
	v1 =	vmul.f32 v34, v1;
	v6 =	vadd.f32 v9, v8;
	[tilespmem:$0x5800] =	vst v3  }
0x7b: {  	v3 =	vadd.f32 v4, v11;
	[tilespmem:$0x5880] =	vst v5  }
0x7c: {  	v1 =	vadd.f32 v1, v2;
	[tilespmem:$0x5900] =	vst v6  }
0x7d: {  	[tilespmem:$0x5980] =	vst v3  }
0x7e: {  	s9 =	rddreg [dreg:$0x7];
	[tilespmem:$0x5A00] =	vst v1  }
0x7f: {  	[tilespmem:s15], [sflag:$0x1] =	stream.strided.gather [hbm4b:s9+s13], $0x2800, s14, s13, $0x38;
	[tilespmem:$0x8A20] =	vst v63  }
0x80: {  	s26 =	simm.s32 $0x0;
	_ =	swait.ge [sflag:s19], $0x2800  }
0x81: {  	s0 =	sand.u32 $0x60, s26;
	s20 =	sand.u32 $0x1C00, s26;
	[sflag:s19] =	ssyncset.done $0x0  }
0x82: {  	s1 =	sand.u32 $0x380, s26;
	s28 =	sor.u32 $0x10, s0;
	[sflag:s19] =	ssyncadd.s32 $0xFFFFD800  }
0x83: {  	s4 =	sadd.s32 $0x2A80, s20;
	s1 =	sor.u32 s28, s1;
	v2 =	vld [tilespmem:s26+$0x0]  }
0x84: {  	s5 =	sadd.s32 $0x2B00, s20;
	s12 =	sor.u32 s28, s4;
	v1 =	vld [tilespmem:s1+$0x0]  }
0x85: {  	s6 =	sadd.s32 $0x2B80, s20;
	s16 =	sor.u32 s28, s5;
	v3 =	vld [tilespmem:s12+$0x0]  }
0x86: {  	s7 =	sadd.s32 $0x2C00, s20;
	s21 =	sor.u32 s28, s6;
	v4 =	vld [tilespmem:s16+$0x0]  }
0x87: {  	s8 =	sadd.s32 $0x2C80, s20;
	s22 =	sor.u32 s28, s7;
	v5 =	vld [tilespmem:s21+$0x0]  }
0x88: {  	s23 =	sor.u32 s28, s8;
	s9 =	sadd.s32 $0x2D00, s20;
	v6 =	vld [tilespmem:s22+$0x0]  }
0x89: {  	s24 =	sor.u32 s28, s9;
	v7 =	vld [tilespmem:s23+$0x0]  }
0x8a: {  	s4 =	sor.u32 s0, s4;
	s12 =	sadd.s32 $0x2D80, s20;
	v8 =	vld [tilespmem:s24+$0x0]  }
0x8b: {  	s21 =	sadd.s32 $0x2E00, s20;
	v17 =	vld [tilespmem:s4+$0x0];
	s2 =	sor.u32 s28, s12  }
0x8c: {  	s22 =	sadd.s32 $0x3E80, s20;
	s3 =	sor.u32 s28, s21;
	v9 =	vld [tilespmem:s2+$0x0]  }
0x8d: {  	s23 =	sadd.s32 $0x3F00, s20;
	s16 =	sor.u32 s28, s22;
	v10 =	vld [tilespmem:s3+$0x0]  }
0x8e: {  	s24 =	sadd.s32 $0x3F80, s20;
	v11 =	vld [tilespmem:s16+$0x0];
	s2 =	sor.u32 s28, s23  }
0x8f: {  	s3 =	sor.u32 $0x4000, s20;
	v12 =	vld [tilespmem:s2+$0x0];
	s2 =	sor.u32 s28, s24  }
0x90: {  	s1 =	sor.u32 $0x4080, s20;
	s29 =	sor.u32 s28, s3;
	v13 =	vld [tilespmem:s2+$0x0]  }
0x91: {  	v14 =	vld [tilespmem:s29+$0x0];
	s29 =	sor.u32 s28, s1  }
0x92: {  	s5 =	sor.u32 s0, s5;
	v15 =	vld [tilespmem:s29+$0x0]  }
0x93: {  	s16 =	sor.u32 s0, s6;
	v24 =	vmul.f32 v4, v1;
	v4 =	vld [tilespmem:s5+$0x0]  }
0x94: {  	s6 =	sor.u32 s0, s8;
	s2 =	sor.u32 $0x4100, s20;
	v27 =	vmul.f32 v5, v1;
	v5 =	vld [tilespmem:s16+$0x0]  }
0x95: {  	s29 =	sor.u32 s28, s2;
	v23 =	vmul.f32 v3, v1;
	v30 =	vmul.f32 v7, v1;
	v7 =	vld [tilespmem:s6+$0x0]  }
0x96: {  	v28 =	vmul.f32 v6, v1;
	s5 =	sor.u32 s0, s7;
	v8 =	vmul.f32 v8, v1;
	v16 =	vld [tilespmem:s29+$0x0]  }
0x97: {  	s7 =	sor.u32 s0, s9;
	s9 =	sor.u32 s0, s21;
	s21 =	sor.u32 s0, s24;
	v6 =	vld [tilespmem:s5+$0x0];
	v26 =	vmul.f32 v9, v1;
	v25 =	vmul.f32 v10, v1  }
0x98: {  	v31 =	vld [tilespmem:s21+$0x0];
	v22 =	vmul.f32 v11, v1;
	v11 =	vmul.f32 v17, v2  }
0x99: {  	s8 =	sor.u32 s0, s12;
	v9 =	vld [tilespmem:s7+$0x0];
	v21 =	vmul.f32 v12, v1;
	v20 =	vmul.f32 v13, v1  }
0x9a: {  	v10 =	vld [tilespmem:s8+$0x0];
	v19 =	vmul.f32 v14, v1;
	v12 =	vmul.f32 v15, v1  }
0x9b: {  	s12 =	sor.u32 s0, s22;
	v3 =	vimm.f32 $0.0e+00;
	v13 =	vld [tilespmem:s9+$0x0];
	v4 =	vmul.f32 v4, v2;
	v5 =	vmul.f32 v5, v2  }
0x9c: {  	v14 =	vld [tilespmem:s12+$0x0];
	v11 =	vadd.f32 v11, v3;
	v17 =	vmul.f32 v7, v2;
	v18 =	vmul.f32 v16, v1  }
0x9d: {  	s16 =	sor.u32 s0, s23;
	v6 =	vmul.f32 v6, v2;
	v33 =	vmul.f32 v31, v2;
	v16 =	vadd.f32 v4, v3  }
0x9e: {  	v15 =	vld [tilespmem:s16+$0x0];
	v7 =	vadd.f32 v5, v3;
	v9 =	vmul.f32 v9, v2;
	v4 =	vadd.f32 v23, v11  }
0x9f: {  	v10 =	vmul.f32 v10, v2;
	v29 =	vadd.f32 v6, v3;
	v5 =	vadd.f32 v24, v16  }
0xa0: {  	s3 =	sor.u32 s0, s3;
	v6 =	vadd.f32 v27, v7;
	v11 =	vmul.f32 v13, v2;
	v13 =	vadd.f32 v17, v3  }
0xa1: {  	s1 =	sor.u32 s0, s1;
	v9 =	vadd.f32 v9, v3;
	v32 =	vmul.f32 v14, v2;
	v7 =	vadd.f32 v28, v29;
	v29 =	vld [tilespmem:s3+$0x0]  }
0xa2: {  	s22 =	sor.u32 s0, s2;
	s23 =	sor.u32 $0x4180, s20;
	v23 =	vadd.f32 v10, v3;
	v27 =	vld [tilespmem:s1+$0x0];
	v16 =	vimm.f32 $0.0e+00;
	v10 =	vimm.f32 $0.0e+00  }
0xa3: {  	s24 =	sor.u32 s0, s23;
	s1 =	sor.u32 $0x4200, s20;
	v34 =	vmul.f32 v15, v2;
	v28 =	vld [tilespmem:s22+$0x0];
	v15 =	vimm.f32 $0.0e+00;
	v24 =	vadd.f32 v11, v3  }
0xa4: {  	s30 =	simm.s32 $0x100;
	v31 =	vld [tilespmem:s24+$0x0];
	s0 =	sor.u32 s0, s1;
	v17 =	vadd.f32 v30, v13;
	v14 =	vadd.f32 v8, v9;
	v13 =	vimm.f32 $0.0e+00  }
0xa5: {  	s31 =	simm.s32 $0x20;
	s29 =	simm.s32 $0x0;
	s2 =	sor.u32 s28, s23;
	v30 =	vld [tilespmem:s0+$0x0];
	v11 =	vimm.f32 $0.0e+00;
	v9 =	vimm.f32 $0.0e+00;
	v8 =	vimm.f32 $0.0e+00  }
.LBB2_6:
0xa6: {  	s0 =	sand.u32 $0x60, s31;
	v29 =	vmul.f32 v29, v2;
	v23 =	vadd.f32 v26, v23;
	v24 =	vadd.f32 v25, v24;
	v25 =	vld [tilespmem:s2+$0x0];
	s1 =	sor.u32 s28, s1;
	s26 =	sadd.s32 $0x20, s26  }
0xa7: {  	s20 =	sand.u32 $0x1C00, s30;
	s2 =	sand.u32 $0x380, s31;
	v3 =	vadd.f32 v32, v3;
	v15 =	vadd.f32 v34, v15;
	s28 =	sor.u32 $0x10, s0;
	v26 =	vmul.f32 v27, v2;
	v27 =	vld [tilespmem:s1+$0x0]  }
0xa8: {  	s21 =	sadd.s32 $0x2A80, s20;
	v16 =	vadd.f32 v33, v16;
	v32 =	vld [tilespmem:s26+$0x0];
	s1 =	sor.u32 s28, s2;
	v13 =	vadd.f32 v29, v13;
	v28 =	vmul.f32 v28, v2  }
0xa9: {  	s22 =	sadd.s32 $0x2B00, s20;
	v3 =	vadd.f32 v22, v3;
	v15 =	vadd.f32 v21, v15;
	v29 =	vld [tilespmem:s1+$0x0];
	s1 =	sor.u32 s28, s21;
	v31 =	vmul.f32 v31, v2  }
0xaa: {  	s2 =	sadd.s32 $0x2B80, s20;
	v16 =	vadd.f32 v20, v16;
	v21 =	vld [tilespmem:s1+$0x0];
	s1 =	sor.u32 s28, s22;
	v30 =	vmul.f32 v30, v2;
	v13 =	vadd.f32 v19, v13  }
0xab: {  	s3 =	sadd.s32 $0x2C00, s20;
	v10 =	vadd.f32 v26, v10;
	v11 =	vadd.f32 v28, v11;
	v19 =	vld [tilespmem:s1+$0x0];
	s1 =	sor.u32 s28, s2;
	v20 =	vmul.f32 v25, v1  }
0xac: {  	s6 =	sadd.s32 $0x2C80, s20;
	v9 =	vadd.f32 v31, v9;
	v22 =	vld [tilespmem:s1+$0x0];
	s1 =	sor.u32 s28, s3;
	v8 =	vadd.f32 v30, v8;
	v26 =	vmul.f32 v27, v1  }
0xad: {  	s8 =	sadd.s32 $0x2D00, s20;
	v10 =	vadd.f32 v12, v10;
	v11 =	vadd.f32 v18, v11;
	v25 =	vld [tilespmem:s1+$0x0];
	s1 =	sor.u32 s28, s6;
	v2 =	vmov v32  }
0xae: {  	s24 =	sadd.s32 $0x2D80, s20;
	s4 =	sor.u32 s28, s8;
	v9 =	vadd.f32 v20, v9;
	v12 =	vld [tilespmem:s1+$0x0];
	v8 =	vadd.f32 v26, v8;
	v1 =	vmov v29  }
0xaf: {  	s1 =	sadd.s32 $0x2E00, s20;
	v18 =	vld [tilespmem:s4+$0x0];
	s4 =	sor.u32 s28, s24  }
0xb0: {  	s12 =	sadd.s32 $0x3E80, s20;
	v20 =	vld [tilespmem:s4+$0x0];
	s4 =	sor.u32 s28, s1  }
0xb1: {  	s9 =	sadd.s32 $0x3F00, s20;
	v27 =	vld [tilespmem:s4+$0x0];
	s4 =	sor.u32 s28, s12  }
0xb2: {  	s7 =	sadd.s32 $0x3F80, s20;
	s5 =	sor.u32 s28, s9;
	v28 =	vld [tilespmem:s4+$0x0]  }
0xb3: {  	s23 =	sor.u32 s28, s7;
	s4 =	sor.u32 $0x4000, s20;
	v29 =	vld [tilespmem:s5+$0x0]  }
0xb4: {  	s5 =	sor.u32 $0x4080, s20;
	s16 =	sor.u32 s28, s4;
	v30 =	vld [tilespmem:s23+$0x0]  }
0xb5: {  	s23 =	sor.u32 $0x4100, s20;
	v31 =	vld [tilespmem:s16+$0x0];
	s16 =	sor.u32 s28, s5  }
0xb6: {  	v32 =	vld [tilespmem:s16+$0x0];
	s16 =	sor.u32 s28, s23  }
0xb7: {  	s21 =	sor.u32 s0, s21;
	v33 =	vld [tilespmem:s16+$0x0]  }
0xb8: {  	v35 =	vmul.f32 v21, v1;
	v36 =	vmul.f32 v19, v1;
	s16 =	sor.u32 s0, s22;
	v34 =	vld [tilespmem:s21+$0x0]  }
0xb9: {  	s2 =	sor.u32 s0, s2;
	v38 =	vmul.f32 v22, v1;
	v39 =	vmul.f32 v25, v1;
	v37 =	vld [tilespmem:s16+$0x0]  }
0xba: {  	v41 =	vmul.f32 v12, v1;
	v42 =	vmul.f32 v18, v1;
	v40 =	vld [tilespmem:s2+$0x0];
	s2 =	sor.u32 s0, s3  }
0xbb: {  	v26 =	vmul.f32 v20, v1;
	v25 =	vmul.f32 v27, v1;
	v43 =	vld [tilespmem:s2+$0x0];
	s2 =	sor.u32 s0, s6  }
0xbc: {  	v22 =	vmul.f32 v28, v1;
	v21 =	vmul.f32 v29, v1;
	v27 =	vld [tilespmem:s2+$0x0];
	s2 =	sor.u32 s0, s8  }
0xbd: {  	v20 =	vmul.f32 v30, v1;
	v19 =	vmul.f32 v31, v1;
	v28 =	vld [tilespmem:s2+$0x0];
	s2 =	sor.u32 s0, s24  }
0xbe: {  	s1 =	sor.u32 s0, s1;
	v12 =	vmul.f32 v32, v1;
	v18 =	vmul.f32 v33, v1;
	v29 =	vld [tilespmem:s2+$0x0]  }
0xbf: {  	v30 =	vmul.f32 v34, v2;
	v31 =	vmul.f32 v37, v2;
	v32 =	vld [tilespmem:s1+$0x0];
	s1 =	sor.u32 s0, s12  }
0xc0: {  	v33 =	vmul.f32 v40, v2;
	v34 =	vmul.f32 v43, v2;
	v37 =	vld [tilespmem:s1+$0x0];
	s1 =	sor.u32 s0, s9  }
0xc1: {  	s29 =	sadd.s32 $0x2, s29;
	v4 =	vadd.f32 v30, v4;
	v5 =	vadd.f32 v31, v5;
	v30 =	vmul.f32 v27, v2;
	v31 =	vld [tilespmem:s1+$0x0];
	s1 =	sor.u32 s0, s7  }
0xc2: {  	p1 =	slt.u32 s29, $0x26;
	v6 =	vadd.f32 v33, v6;
	v7 =	vadd.f32 v34, v7;
	v28 =	vmul.f32 v28, v2;
	v33 =	vld [tilespmem:s1+$0x0];
	s1 =	sor.u32 s0, s4  }
.Ltmp2:
0xc3: {  	v4 =	vadd.f32 v35, v4;
	v5 =	vadd.f32 v36, v5;
	v34 =	vmul.f32 v29, v2;
	v29 =	vld [tilespmem:s1+$0x0];
	s1 =	sor.u32 s0, s5;
	(pc) =	sbr.rel @p1 .LBB2_6-.Ltmp2, $4  }
0xc4: {  	s2 =	sor.u32 $0x4180, s20;
	v6 =	vadd.f32 v38, v6;
	v35 =	vmul.f32 v32, v2;
	v27 =	vld [tilespmem:s1+$0x0];
	s1 =	sor.u32 s0, s23;
	v7 =	vadd.f32 v39, v7  }
0xc5: {  	s3 =	sor.u32 s0, s2;
	v17 =	vadd.f32 v30, v17;
	v14 =	vadd.f32 v28, v14;
	v32 =	vmul.f32 v37, v2;
	v28 =	vld [tilespmem:s1+$0x0];
	s1 =	sor.u32 $0x4200, s20  }
0xc6: {  	v23 =	vadd.f32 v34, v23;
	v24 =	vadd.f32 v35, v24;
	v34 =	vmul.f32 v31, v2;
	v31 =	vld [tilespmem:s3+$0x0];
	s0 =	sor.u32 s0, s1  }
0xc7: {  	s30 =	sadd.s32 $0x100, s30;
	s31 =	sadd.s32 $0x20, s31;
	s2 =	sor.u32 s28, s2;
	v17 =	vadd.f32 v41, v17;
	v14 =	vadd.f32 v42, v14;
	v33 =	vmul.f32 v33, v2;
	v30 =	vld [tilespmem:s0+$0x0]  }
0xc8: {  	v35 =	vld [tilespmem:s2+$0x0];
	s0 =	sor.u32 s28, s1  }
0xc9: {  	v36 =	vld [tilespmem:s0+$0x0];
	[tilespmem:$0x5A80] =	vst v4  }
0xca: {  	[tilespmem:$0x5B00] =	vst v5  }
0xcb: {  	[tilespmem:$0x5B80] =	vst v6  }
0xcc: {  	[tilespmem:$0x5C00] =	vst v7  }
0xcd: {  	v3 =	vadd.f32 v32, v3;
	v4 =	vadd.f32 v26, v23;
	[tilespmem:$0x5C80] =	vst v17  }
0xce: {  	v5 =	vmul.f32 v29, v2;
	v6 =	vadd.f32 v25, v24;
	v7 =	vadd.f32 v34, v15;
	[tilespmem:$0x5D00] =	vst v14  }
0xcf: {  	v14 =	vmul.f32 v27, v2;
	v15 =	vadd.f32 v33, v16;
	v3 =	vadd.f32 v22, v3;
	[tilespmem:$0x5D80] =	vst v4  }
0xd0: {  	v4 =	vadd.f32 v5, v13;
	v5 =	vmul.f32 v28, v2;
	v7 =	vadd.f32 v21, v7;
	[tilespmem:$0x5E00] =	vst v6  }
0xd1: {  	v6 =	vmul.f32 v31, v2;
	v13 =	vadd.f32 v20, v15;
	v10 =	vadd.f32 v14, v10;
	[tilespmem:$0x5E80] =	vst v3  }
0xd2: {  	v2 =	vmul.f32 v30, v2;
	v3 =	vadd.f32 v19, v4;
	v4 =	vadd.f32 v5, v11;
	[tilespmem:$0x5F00] =	vst v7  }
0xd3: {  	v5 =	vmul.f32 v35, v1;
	v6 =	vadd.f32 v6, v9;
	v7 =	vadd.f32 v12, v10;
	[tilespmem:$0x5F80] =	vst v13  }
0xd4: {  	v2 =	vadd.f32 v2, v8;
	v1 =	vmul.f32 v36, v1;
	v4 =	vadd.f32 v18, v4;
	[tilespmem:$0x6000] =	vst v3  }
0xd5: {  	v3 =	vadd.f32 v5, v6;
	[tilespmem:$0x6080] =	vst v7  }
0xd6: {  	v1 =	vadd.f32 v1, v2;
	[tilespmem:$0x6100] =	vst v4  }
0xd7: {  	[tilespmem:$0x6180] =	vst v3  }
0xd8: {  	s5 =	rddreg [dreg:$0x8];
	s6 =	simm.s32 $0x2A80;
	[tilespmem:$0x6200] =	vst v1  }
0xd9: {  	[tilespmem:s6], [sflag:$0x2] =	stream.strided.gather [hbm4b:s5+s13], $0x2800, s14, s13, $0x38;
	[tilespmem:$0x8A20] =	vst v63  }
0xda: {  	s26 =	simm.s32 $0x0;
	_ =	swait.ge [sflag:s18], $0x2800  }
0xdb: {  	s20 =	sand.u32 $0x60, s26;
	[sflag:s18] =	ssyncset.done $0x0  }
0xdc: {  	s7 =	sor.u32 s26, s26;
	s8 =	sand.u32 $0x380, s26;
	[sflag:s18] =	ssyncadd.s32 $0xFFFFD800  }
0xdd: {  	s21 =	sand.u32 $0x1C00, s26;
	s9 =	sor.u32 $0x380, s7;
	s0 =	sor.u32 $0x10, s20;
	v2 =	vld [tilespmem:s26+$0x0]  }
0xde: {  	s4 =	sor.u32 $0x280, s21;
	s1 =	sor.u32 s0, s8;
	v3 =	vld [tilespmem:s9+$0x280]  }
0xdf: {  	s12 =	sor.u32 s0, s4;
	v1 =	vld [tilespmem:s1+$0x0]  }
0xe0: {  	v4 =	vld [tilespmem:s12+$0x0]  }
0xe1: {  	v5 =	vld [tilespmem:s12+$0x80]  }
0xe2: {  	v6 =	vld [tilespmem:s12+$0x100]  }
0xe3: {  	v7 =	vld [tilespmem:s12+$0x180]  }
0xe4: {  	s5 =	sadd.s32 $0x1680, s21;
	v8 =	vld [tilespmem:s12+$0x200]  }
0xe5: {  	s6 =	sadd.s32 $0x1700, s21;
	s16 =	sor.u32 s0, s5;
	v9 =	vld [tilespmem:s12+$0x280]  }
0xe6: {  	s7 =	sadd.s32 $0x1780, s21;
	s22 =	sor.u32 s0, s6;
	v10 =	vld [tilespmem:s16+$0x0]  }
0xe7: {  	s8 =	sadd.s32 $0x1800, s21;
	s23 =	sor.u32 s0, s7;
	v11 =	vld [tilespmem:s22+$0x0]  }
0xe8: {  	s24 =	sor.u32 s0, s8;
	v12 =	vld [tilespmem:s23+$0x0]  }
0xe9: {  	s4 =	sor.u32 s20, s4;
	v13 =	vld [tilespmem:s24+$0x0]  }
0xea: {  	v17 =	vld [tilespmem:s4+$0x0]  }
0xeb: {  	v19 =	vld [tilespmem:s4+$0x80]  }
0xec: {  	s3 =	sadd.s32 $0x1880, s21;
	v23 =	vld [tilespmem:s4+$0x100]  }
0xed: {  	s2 =	sadd.s32 $0x1900, s21;
	s9 =	sor.u32 s0, s3;
	v25 =	vld [tilespmem:s4+$0x180];
	v22 =	vmul.f32 v3, v2;
	v4 =	vmul.f32 v4, v1  }
0xee: {  	s12 =	sor.u32 s0, s2;
	v14 =	vld [tilespmem:s9+$0x0];
	v5 =	vmul.f32 v5, v1;
	v24 =	vmul.f32 v6, v1  }
0xef: {  	s16 =	sand.u32 $0x3, s26;
	v16 =	vld [tilespmem:s12+$0x0];
	v27 =	vmul.f32 v7, v1;
	v29 =	vmul.f32 v8, v1  }
0xf0: {  	s1 =	sshll.u32 s16, $0x5;
	v7 =	vld [tilespmem:s4+$0x200];
	v30 =	vmul.f32 v9, v1;
	v18 =	vmul.f32 v10, v1  }
0xf1: {  	s22 =	sor.u32 s20, s5;
	s1 =	sadd.s32 $0x0, s1;
	v8 =	vld [tilespmem:s4+$0x280];
	v21 =	vmul.f32 v11, v1;
	v15 =	vmul.f32 v12, v1  }
0xf2: {  	s24 =	sor.u32 $0x300, s1;
	v10 =	vld [tilespmem:s22+$0x0];
	v20 =	vmul.f32 v13, v1;
	v12 =	vmul.f32 v17, v2  }
0xf3: {  	s23 =	sor.u32 s20, s6;
	s1 =	sadd.s32 $0x10, s1;
	v13 =	vld [tilespmem:s24+$0x280];
	v6 =	vmul.f32 v14, v1;
	v14 =	vmul.f32 v19, v2  }
0xf4: {  	s5 =	sor.u32 $0x300, s1;
	v11 =	vld [tilespmem:s23+$0x0];
	v3 =	vimm.f32 $0.0e+00;
	v9 =	vmul.f32 v16, v1;
	v19 =	vmul.f32 v25, v2  }
0xf5: {  	s1 =	sor.u32 $0x380, s1;
	v17 =	vld [tilespmem:s5+$0x280];
	v16 =	vmul.f32 v23, v2;
	v22 =	vadd.f32 v22, v3;
	v14 =	vadd.f32 v14, v3  }
0xf6: {  	s6 =	sor.u32 s20, s7;
	v19 =	vadd.f32 v19, v3;
	v23 =	vmul.f32 v7, v2;
	v7 =	vadd.f32 v12, v3;
	v12 =	vld [tilespmem:s1+$0x280]  }
0xf7: {  	s7 =	sor.u32 s20, s8;
	v28 =	vmul.f32 v8, v2;
	v8 =	vadd.f32 v16, v3;
	v16 =	vld [tilespmem:s6+$0x0];
	v25 =	vmul.f32 v10, v2  }
0xf8: {  	v10 =	vld [tilespmem:s7+$0x0];
	v5 =	vadd.f32 v5, v14;
	v13 =	vmul.f32 v13, v2;
	v4 =	vadd.f32 v4, v7  }
0xf9: {  	v26 =	vmul.f32 v11, v2;
	v7 =	vadd.f32 v24, v8;
	v11 =	vadd.f32 v23, v3  }
0xfa: {  	s8 =	sor.u32 s20, s3;
	v8 =	vadd.f32 v27, v19;
	v14 =	vadd.f32 v28, v3;
	v23 =	vmul.f32 v17, v1  }
0xfb: {  	s9 =	sor.u32 s20, s2;
	s12 =	sadd.s32 $0x1980, s21;
	v13 =	vadd.f32 v13, v3;
	v27 =	vld [tilespmem:s8+$0x0];
	v24 =	vimm.f32 $0.0e+00;
	v19 =	vadd.f32 v29, v11  }
0xfc: {  	s16 =	sor.u32 s20, s12;
	s22 =	sadd.s32 $0x1A00, s21;
	v28 =	vld [tilespmem:s9+$0x0];
	v17 =	vadd.f32 v30, v14;
	v14 =	vimm.f32 $0.0e+00;
	v12 =	vmul.f32 v12, v1  }
0xfd: {  	s23 =	sor.u32 s20, s22;
	v29 =	vld [tilespmem:s16+$0x0];
	v11 =	vimm.f32 $0.0e+00;
	v32 =	vmul.f32 v16, v2;
	v33 =	vmul.f32 v10, v2  }
0xfe: {  	s28 =	simm.s32 $0x0;
	s29 =	simm.s32 $0x100;
	s24 =	sor.u32 s0, s12;
	v30 =	vld [tilespmem:s23+$0x0];
	v16 =	vadd.f32 v23, v13;
	v23 =	vimm.f32 $0.0e+00;
	v13 =	vimm.f32 $0.0e+00  }
0xff: {  	s30 =	simm.s32 $0x20;
	s31 =	simm.s32 $0x20;
	v31 =	vld [tilespmem:s24+$0x0];
	s0 =	sor.u32 s0, s22;
	v10 =	vimm.f32 $0.0e+00;
	v12 =	vadd.f32 v12, v22;
	v22 =	vimm.f32 $0.0e+00  }
.LBB2_8:
0x100: {  	s20 =	sand.u32 $0x60, s30;
	s1 =	sor.u32 s29, s30;
	s2 =	sand.u32 $0x380, s30;
	v3 =	vadd.f32 v25, v3;
	v24 =	vadd.f32 v26, v24;
	v25 =	vmul.f32 v27, v2;
	v26 =	vld [tilespmem:s0+$0x0]  }
0x101: {  	s21 =	sand.u32 $0x1C00, s29;
	v23 =	vadd.f32 v32, v23;
	v27 =	vld [tilespmem:s31+$0x0];
	s1 =	sor.u32 $0x380, s1;
	s0 =	sor.u32 $0x10, s20;
	v22 =	vadd.f32 v33, v22;
	v28 =	vmul.f32 v28, v2  }
0x102: {  	s4 =	sor.u32 $0x280, s21;
	v32 =	vld [tilespmem:s1+$0x280];
	s1 =	sor.u32 s0, s2;
	v29 =	vmul.f32 v29, v2;
	v3 =	vadd.f32 v18, v3;
	v24 =	vadd.f32 v21, v24  }
0x103: {  	v23 =	vadd.f32 v15, v23;
	v18 =	vld [tilespmem:s1+$0x0];
	s1 =	sor.u32 s0, s4;
	v30 =	vmul.f32 v30, v2;
	v22 =	vadd.f32 v20, v22  }
0x104: {  	v13 =	vadd.f32 v25, v13;
	v14 =	vadd.f32 v28, v14;
	v15 =	vld [tilespmem:s1+$0x0];
	v20 =	vmul.f32 v31, v1  }
0x105: {  	v11 =	vadd.f32 v29, v11;
	v21 =	vld [tilespmem:s1+$0x80];
	v10 =	vadd.f32 v30, v10;
	v26 =	vmul.f32 v26, v1  }
0x106: {  	v13 =	vadd.f32 v6, v13;
	v14 =	vadd.f32 v9, v14;
	v25 =	vld [tilespmem:s1+$0x100];
	v2 =	vmov v27  }
0x107: {  	v11 =	vadd.f32 v20, v11;
	v6 =	vld [tilespmem:s1+$0x180];
	v10 =	vadd.f32 v26, v10  }
0x108: {  	s5 =	sadd.s32 $0x1680, s21;
	v9 =	vld [tilespmem:s1+$0x200];
	v1 =	vmov v18  }
0x109: {  	s6 =	sadd.s32 $0x1700, s21;
	v18 =	vld [tilespmem:s1+$0x280];
	s1 =	sor.u32 s0, s5  }
0x10a: {  	s3 =	sadd.s32 $0x1780, s21;
	v20 =	vld [tilespmem:s1+$0x0];
	s1 =	sor.u32 s0, s6  }
0x10b: {  	s2 =	sadd.s32 $0x1800, s21;
	v26 =	vld [tilespmem:s1+$0x0];
	s1 =	sor.u32 s0, s3  }
0x10c: {  	s23 =	sadd.s32 $0x1880, s21;
	v27 =	vld [tilespmem:s1+$0x0];
	s1 =	sor.u32 s0, s2  }
0x10d: {  	s22 =	sadd.s32 $0x1900, s21;
	v28 =	vld [tilespmem:s1+$0x0];
	s1 =	sor.u32 s0, s23  }
0x10e: {  	v29 =	vld [tilespmem:s1+$0x0];
	s1 =	sor.u32 s0, s22  }
0x10f: {  	s4 =	sor.u32 s20, s4;
	v30 =	vld [tilespmem:s1+$0x0]  }
0x110: {  	v31 =	vld [tilespmem:s4+$0x0]  }
0x111: {  	v32 =	vmul.f32 v32, v2;
	v34 =	vmul.f32 v15, v1;
	v33 =	vld [tilespmem:s4+$0x80]  }
0x112: {  	v36 =	vmul.f32 v21, v1;
	v37 =	vmul.f32 v25, v1;
	v35 =	vld [tilespmem:s4+$0x100]  }
0x113: {  	s26 =	sadd.s32 $0x1, s26;
	v38 =	vmul.f32 v6, v1;
	v39 =	vmul.f32 v9, v1;
	v25 =	vld [tilespmem:s4+$0x180]  }
0x114: {  	v41 =	vmul.f32 v18, v1;
	s1 =	sand.u32 $0x3, s26;
	v18 =	vmul.f32 v20, v1;
	v40 =	vld [tilespmem:s4+$0x200]  }
0x115: {  	s1 =	sshll.u32 s1, $0x5;
	v21 =	vmul.f32 v26, v1;
	v15 =	vmul.f32 v27, v1;
	v42 =	vld [tilespmem:s4+$0x280];
	s4 =	sor.u32 s20, s5  }
0x116: {  	s1 =	sadd.s32 s1, s29;
	v20 =	vmul.f32 v28, v1;
	v6 =	vmul.f32 v29, v1;
	v26 =	vld [tilespmem:s4+$0x0];
	s4 =	sor.u32 s20, s6  }
0x117: {  	v9 =	vmul.f32 v30, v1;
	v27 =	vmul.f32 v31, v2;
	s5 =	sor.u32 $0x300, s1;
	s1 =	sadd.s32 $0x10, s1;
	v28 =	vld [tilespmem:s4+$0x0]  }
0x118: {  	v29 =	vmul.f32 v33, v2;
	v30 =	vmul.f32 v35, v2;
	s4 =	sor.u32 $0x300, s1;
	v31 =	vld [tilespmem:s5+$0x280]  }
0x119: {  	s1 =	sor.u32 $0x380, s1;
	v25 =	vmul.f32 v25, v2;
	v33 =	vmul.f32 v40, v2;
	v35 =	vld [tilespmem:s4+$0x280]  }
0x11a: {  	s3 =	sor.u32 s20, s3;
	v4 =	vadd.f32 v27, v4;
	v5 =	vadd.f32 v29, v5;
	v29 =	vmul.f32 v42, v2;
	v40 =	vld [tilespmem:s1+$0x280]  }
0x11b: {  	s28 =	sadd.s32 $0x2, s28;
	v7 =	vadd.f32 v30, v7;
	v8 =	vadd.f32 v25, v8;
	s1 =	sor.u32 s20, s2;
	v25 =	vmul.f32 v26, v2;
	v30 =	vld [tilespmem:s3+$0x0]  }
0x11c: {  	p1 =	slt.u32 s28, $0x26;
	v4 =	vadd.f32 v34, v4;
	v5 =	vadd.f32 v36, v5;
	v26 =	vmul.f32 v28, v2;
	v42 =	vld [tilespmem:s1+$0x0];
	s1 =	sor.u32 s20, s23  }
.Ltmp3:
0x11d: {  	s2 =	sadd.s32 $0x1980, s21;
	v7 =	vadd.f32 v37, v7;
	v8 =	vadd.f32 v38, v8;
	v31 =	vmul.f32 v31, v2;
	v27 =	vld [tilespmem:s1+$0x0];
	s1 =	sor.u32 s20, s22;
	(pc) =	sbr.rel @p1 .LBB2_8-.Ltmp3, $4  }
0x11e: {  	v19 =	vadd.f32 v33, v19;
	s3 =	sadd.s32 $0x1A00, s21;
	v17 =	vadd.f32 v29, v17;
	v28 =	vld [tilespmem:s1+$0x0];
	s1 =	sor.u32 s20, s2;
	v34 =	vmul.f32 v35, v1  }
0x11f: {  	v12 =	vadd.f32 v32, v12;
	v16 =	vadd.f32 v31, v16;
	v29 =	vld [tilespmem:s1+$0x0];
	s1 =	sor.u32 s20, s3;
	v31 =	vmul.f32 v40, v1  }
0x120: {  	s29 =	sadd.s32 $0x100, s29;
	v19 =	vadd.f32 v39, v19;
	v17 =	vadd.f32 v41, v17;
	v32 =	vmul.f32 v30, v2;
	v30 =	vld [tilespmem:s1+$0x0];
	s1 =	sor.u32 s0, s2  }
0x121: {  	s30 =	sadd.s32 $0x20, s30;
	s31 =	sadd.s32 $0x20, s31;
	s0 =	sor.u32 s0, s3;
	v33 =	vmul.f32 v42, v2;
	v16 =	vadd.f32 v34, v16;
	v12 =	vadd.f32 v31, v12;
	v31 =	vld [tilespmem:s1+$0x0]  }
0x122: {  	v34 =	vld [tilespmem:s0+$0x0];
	[tilespmem:$0x6280] =	vst v4  }
0x123: {  	[tilespmem:$0x6300] =	vst v5  }
0x124: {  	[tilespmem:$0x6380] =	vst v7  }
0x125: {  	[tilespmem:$0x6400] =	vst v8  }
0x126: {  	v3 =	vadd.f32 v25, v3;
	[tilespmem:$0x6480] =	vst v19  }
0x127: {  	v4 =	vadd.f32 v26, v24;
	[tilespmem:$0x6500] =	vst v17  }
0x128: {  	v5 =	vmul.f32 v27, v2;
	v7 =	vadd.f32 v32, v23;
	[tilespmem:$0x6580] =	vst v16;
	v3 =	vadd.f32 v18, v3  }
0x129: {  	v8 =	vadd.f32 v33, v22;
	v16 =	vmul.f32 v28, v2;
	[tilespmem:$0x6600] =	vst v12;
	v4 =	vadd.f32 v21, v4  }
0x12a: {  	v12 =	vmul.f32 v29, v2;
	v7 =	vadd.f32 v15, v7;
	v5 =	vadd.f32 v5, v13;
	[tilespmem:$0x6680] =	vst v3  }
0x12b: {  	v2 =	vmul.f32 v30, v2;
	v3 =	vadd.f32 v20, v8;
	v8 =	vadd.f32 v16, v14;
	[tilespmem:$0x6700] =	vst v4  }
0x12c: {  	v4 =	vmul.f32 v31, v1;
	v11 =	vadd.f32 v12, v11;
	v5 =	vadd.f32 v6, v5;
	[tilespmem:$0x6780] =	vst v7  }
0x12d: {  	v2 =	vadd.f32 v2, v10;
	v1 =	vmul.f32 v34, v1;
	v6 =	vadd.f32 v9, v8;
	[tilespmem:$0x6800] =	vst v3  }
0x12e: {  	v3 =	vadd.f32 v4, v11;
	[tilespmem:$0x6880] =	vst v5  }
0x12f: {  	v1 =	vadd.f32 v1, v2;
	[tilespmem:$0x6900] =	vst v6  }
0x130: {  	[tilespmem:$0x6980] =	vst v3  }
0x131: {  	s6 =	rddreg [dreg:$0xa];
	[tilespmem:$0x6A00] =	vst v1  }
0x132: {  	[tilespmem:s15], [sflag:$0x1] =	stream.strided.gather [hbm4b:s6+s13], $0x2800, s14, s13, $0x38;
	[tilespmem:$0x8A20] =	vst v63  }
0x133: {  	s26 =	simm.s32 $0x0;
	_ =	swait.ge [sflag:s19], $0x2800  }
0x134: {  	s0 =	sand.u32 $0x60, s26;
	s20 =	sand.u32 $0x1C00, s26;
	[sflag:s19] =	ssyncset.done $0x0  }
0x135: {  	s1 =	sand.u32 $0x380, s26;
	s28 =	sor.u32 $0x10, s0;
	[sflag:s19] =	ssyncadd.s32 $0xFFFFD800  }
0x136: {  	s4 =	sadd.s32 $0x2A80, s20;
	s1 =	sor.u32 s28, s1;
	v2 =	vld [tilespmem:s26+$0x0]  }
0x137: {  	s5 =	sadd.s32 $0x2B00, s20;
	s7 =	sor.u32 s28, s4;
	v1 =	vld [tilespmem:s1+$0x0]  }
0x138: {  	s8 =	sor.u32 s28, s5;
	s6 =	sadd.s32 $0x2B80, s20;
	v3 =	vld [tilespmem:s7+$0x0]  }
0x139: {  	s9 =	sor.u32 s28, s6;
	v4 =	vld [tilespmem:s8+$0x0]  }
0x13a: {  	s4 =	sor.u32 s0, s4;
	s7 =	sadd.s32 $0x2C00, s20;
	v5 =	vld [tilespmem:s9+$0x0]  }
0x13b: {  	s8 =	sadd.s32 $0x2C80, s20;
	v17 =	vld [tilespmem:s4+$0x0];
	s12 =	sor.u32 s28, s7  }
0x13c: {  	s9 =	sadd.s32 $0x2D00, s20;
	s16 =	sor.u32 s28, s8;
	v6 =	vld [tilespmem:s12+$0x0]  }
0x13d: {  	s21 =	sor.u32 s28, s9;
	s12 =	sadd.s32 $0x2D80, s20;
	v7 =	vld [tilespmem:s16+$0x0]  }
0x13e: {  	s16 =	sadd.s32 $0x2E00, s20;
	v8 =	vld [tilespmem:s21+$0x0];
	s22 =	sor.u32 s28, s12  }
0x13f: {  	s21 =	sadd.s32 $0x3E80, s20;
	s23 =	sor.u32 s28, s16;
	v9 =	vld [tilespmem:s22+$0x0]  }
0x140: {  	s3 =	sor.u32 $0x4000, s20;
	s24 =	sor.u32 s28, s21;
	v10 =	vld [tilespmem:s23+$0x0]  }
0x141: {  	v11 =	vld [tilespmem:s24+$0x0];
	s24 =	sor.u32 s28, s3  }
0x142: {  	s5 =	sor.u32 s0, s5;
	s22 =	sadd.s32 $0x3F00, s20;
	v14 =	vld [tilespmem:s24+$0x0]  }
0x143: {  	s1 =	sor.u32 $0x4080, s20;
	s2 =	sor.u32 s28, s22;
	v24 =	vmul.f32 v4, v1;
	v4 =	vld [tilespmem:s5+$0x0]  }
0x144: {  	s23 =	sadd.s32 $0x3F80, s20;
	s24 =	sor.u32 s28, s1;
	v12 =	vld [tilespmem:s2+$0x0]  }
0x145: {  	s2 =	sor.u32 s28, s23;
	v15 =	vld [tilespmem:s24+$0x0]  }
0x146: {  	s5 =	sor.u32 s0, s7;
	v13 =	vld [tilespmem:s2+$0x0];
	s2 =	sor.u32 $0x4100, s20  }
0x147: {  	v28 =	vmul.f32 v6, v1;
	v6 =	vld [tilespmem:s5+$0x0];
	s24 =	sor.u32 s28, s2  }
0x148: {  	s7 =	sor.u32 s0, s9;
	v16 =	vld [tilespmem:s24+$0x0]  }
0x149: {  	s24 =	sor.u32 s0, s6;
	v26 =	vmul.f32 v9, v1;
	v9 =	vld [tilespmem:s7+$0x0]  }
0x14a: {  	v23 =	vmul.f32 v3, v1;
	v27 =	vmul.f32 v5, v1;
	s6 =	sor.u32 s0, s8;
	v5 =	vld [tilespmem:s24+$0x0]  }
0x14b: {  	v30 =	vmul.f32 v7, v1;
	v8 =	vmul.f32 v8, v1;
	s8 =	sor.u32 s0, s12;
	v7 =	vld [tilespmem:s6+$0x0]  }
0x14c: {  	v25 =	vmul.f32 v10, v1;
	v22 =	vmul.f32 v11, v1;
	s12 =	sor.u32 s0, s21;
	v10 =	vld [tilespmem:s8+$0x0]  }
0x14d: {  	v11 =	vmul.f32 v17, v2;
	s21 =	sor.u32 s0, s23;
	v19 =	vmul.f32 v14, v1;
	v14 =	vld [tilespmem:s12+$0x0]  }
0x14e: {  	s9 =	sor.u32 s0, s16;
	v3 =	vimm.f32 $0.0e+00;
	s16 =	sor.u32 s0, s22;
	v4 =	vmul.f32 v4, v2;
	v31 =	vld [tilespmem:s21+$0x0];
	v21 =	vmul.f32 v12, v1  }
0x14f: {  	v12 =	vmul.f32 v15, v1;
	v11 =	vadd.f32 v11, v3;
	v15 =	vld [tilespmem:s16+$0x0];
	v6 =	vmul.f32 v6, v2  }
0x150: {  	v20 =	vmul.f32 v13, v1;
	v18 =	vmul.f32 v16, v1;
	v16 =	vadd.f32 v4, v3  }
0x151: {  	v13 =	vld [tilespmem:s9+$0x0];
	v29 =	vadd.f32 v6, v3;
	v9 =	vmul.f32 v9, v2;
	v5 =	vmul.f32 v5, v2  }
0x152: {  	v4 =	vadd.f32 v23, v11;
	v17 =	vmul.f32 v7, v2;
	v10 =	vmul.f32 v10, v2  }
0x153: {  	v32 =	vmul.f32 v14, v2;
	v33 =	vmul.f32 v31, v2;
	v7 =	vadd.f32 v5, v3  }
0x154: {  	s3 =	sor.u32 s0, s3;
	v9 =	vadd.f32 v9, v3;
	v34 =	vmul.f32 v15, v2;
	v5 =	vadd.f32 v24, v16  }
0x155: {  	s1 =	sor.u32 s0, s1;
	v15 =	vimm.f32 $0.0e+00;
	v6 =	vadd.f32 v27, v7;
	v7 =	vadd.f32 v28, v29;
	v29 =	vld [tilespmem:s3+$0x0]  }
0x156: {  	s22 =	sor.u32 s0, s2;
	s23 =	sor.u32 $0x4180, s20;
	v11 =	vmul.f32 v13, v2;
	v13 =	vadd.f32 v17, v3;
	v23 =	vadd.f32 v10, v3;
	v27 =	vld [tilespmem:s1+$0x0]  }
0x157: {  	s24 =	sor.u32 s0, s23;
	v16 =	vimm.f32 $0.0e+00;
	v10 =	vimm.f32 $0.0e+00;
	v14 =	vadd.f32 v8, v9;
	v28 =	vld [tilespmem:s22+$0x0];
	s1 =	sor.u32 $0x4200, s20  }
0x158: {  	s29 =	simm.s32 $0x0;
	v31 =	vld [tilespmem:s24+$0x0];
	v9 =	vimm.f32 $0.0e+00;
	v8 =	vimm.f32 $0.0e+00;
	v24 =	vadd.f32 v11, v3;
	s0 =	sor.u32 s0, s1  }
0x159: {  	s30 =	simm.s32 $0x100;
	s31 =	simm.s32 $0x20;
	s2 =	sor.u32 s28, s23;
	v17 =	vadd.f32 v30, v13;
	v13 =	vimm.f32 $0.0e+00;
	v11 =	vimm.f32 $0.0e+00;
	v30 =	vld [tilespmem:s0+$0x0]  }
.LBB2_10:
0x15a: {  	s0 =	sand.u32 $0x60, s31;
	v29 =	vmul.f32 v29, v2;
	v23 =	vadd.f32 v26, v23;
	v24 =	vadd.f32 v25, v24;
	v25 =	vld [tilespmem:s2+$0x0];
	s1 =	sor.u32 s28, s1;
	s26 =	sadd.s32 $0x20, s26  }
0x15b: {  	s20 =	sand.u32 $0x1C00, s30;
	s2 =	sand.u32 $0x380, s31;
	v3 =	vadd.f32 v32, v3;
	v15 =	vadd.f32 v34, v15;
	s28 =	sor.u32 $0x10, s0;
	v26 =	vmul.f32 v27, v2;
	v27 =	vld [tilespmem:s1+$0x0]  }
0x15c: {  	s21 =	sadd.s32 $0x2A80, s20;
	v16 =	vadd.f32 v33, v16;
	v32 =	vld [tilespmem:s26+$0x0];
	s1 =	sor.u32 s28, s2;
	v13 =	vadd.f32 v29, v13;
	v28 =	vmul.f32 v28, v2  }
0x15d: {  	s22 =	sadd.s32 $0x2B00, s20;
	v3 =	vadd.f32 v22, v3;
	v15 =	vadd.f32 v21, v15;
	v29 =	vld [tilespmem:s1+$0x0];
	s1 =	sor.u32 s28, s21;
	v31 =	vmul.f32 v31, v2  }
0x15e: {  	s2 =	sadd.s32 $0x2B80, s20;
	v16 =	vadd.f32 v20, v16;
	v21 =	vld [tilespmem:s1+$0x0];
	s1 =	sor.u32 s28, s22;
	v30 =	vmul.f32 v30, v2;
	v13 =	vadd.f32 v19, v13  }
0x15f: {  	s3 =	sadd.s32 $0x2C00, s20;
	v10 =	vadd.f32 v26, v10;
	v11 =	vadd.f32 v28, v11;
	v19 =	vld [tilespmem:s1+$0x0];
	s1 =	sor.u32 s28, s2;
	v20 =	vmul.f32 v25, v1  }
0x160: {  	s6 =	sadd.s32 $0x2C80, s20;
	v9 =	vadd.f32 v31, v9;
	v22 =	vld [tilespmem:s1+$0x0];
	s1 =	sor.u32 s28, s3;
	v8 =	vadd.f32 v30, v8;
	v26 =	vmul.f32 v27, v1  }
0x161: {  	s8 =	sadd.s32 $0x2D00, s20;
	v10 =	vadd.f32 v12, v10;
	v11 =	vadd.f32 v18, v11;
	v25 =	vld [tilespmem:s1+$0x0];
	s1 =	sor.u32 s28, s6;
	v2 =	vmov v32  }
0x162: {  	s24 =	sadd.s32 $0x2D80, s20;
	s4 =	sor.u32 s28, s8;
	v9 =	vadd.f32 v20, v9;
	v12 =	vld [tilespmem:s1+$0x0];
	v8 =	vadd.f32 v26, v8;
	v1 =	vmov v29  }
0x163: {  	s1 =	sadd.s32 $0x2E00, s20;
	v18 =	vld [tilespmem:s4+$0x0];
	s4 =	sor.u32 s28, s24  }
0x164: {  	s12 =	sadd.s32 $0x3E80, s20;
	v20 =	vld [tilespmem:s4+$0x0];
	s4 =	sor.u32 s28, s1  }
0x165: {  	s9 =	sadd.s32 $0x3F00, s20;
	v27 =	vld [tilespmem:s4+$0x0];
	s4 =	sor.u32 s28, s12  }
0x166: {  	s7 =	sadd.s32 $0x3F80, s20;
	s5 =	sor.u32 s28, s9;
	v28 =	vld [tilespmem:s4+$0x0]  }
0x167: {  	s16 =	sor.u32 s28, s7;
	s4 =	sor.u32 $0x4000, s20;
	v29 =	vld [tilespmem:s5+$0x0]  }
0x168: {  	s5 =	sor.u32 $0x4080, s20;
	v30 =	vld [tilespmem:s16+$0x0];
	s16 =	sor.u32 s28, s4  }
0x169: {  	s23 =	sor.u32 $0x4100, s20;
	v31 =	vld [tilespmem:s16+$0x0];
	s16 =	sor.u32 s28, s5  }
0x16a: {  	v32 =	vld [tilespmem:s16+$0x0];
	s16 =	sor.u32 s28, s23  }
0x16b: {  	s21 =	sor.u32 s0, s21;
	v33 =	vld [tilespmem:s16+$0x0]  }
0x16c: {  	v35 =	vmul.f32 v21, v1;
	v36 =	vmul.f32 v19, v1;
	s16 =	sor.u32 s0, s22;
	v34 =	vld [tilespmem:s21+$0x0]  }
0x16d: {  	s2 =	sor.u32 s0, s2;
	v38 =	vmul.f32 v22, v1;
	v39 =	vmul.f32 v25, v1;
	v37 =	vld [tilespmem:s16+$0x0]  }
0x16e: {  	v41 =	vmul.f32 v12, v1;
	v42 =	vmul.f32 v18, v1;
	v40 =	vld [tilespmem:s2+$0x0];
	s2 =	sor.u32 s0, s3  }
0x16f: {  	v26 =	vmul.f32 v20, v1;
	v25 =	vmul.f32 v27, v1;
	v43 =	vld [tilespmem:s2+$0x0];
	s2 =	sor.u32 s0, s6  }
0x170: {  	v22 =	vmul.f32 v28, v1;
	v21 =	vmul.f32 v29, v1;
	v27 =	vld [tilespmem:s2+$0x0];
	s2 =	sor.u32 s0, s8  }
0x171: {  	v20 =	vmul.f32 v30, v1;
	v19 =	vmul.f32 v31, v1;
	v28 =	vld [tilespmem:s2+$0x0];
	s2 =	sor.u32 s0, s24  }
0x172: {  	s1 =	sor.u32 s0, s1;
	v12 =	vmul.f32 v32, v1;
	v18 =	vmul.f32 v33, v1;
	v29 =	vld [tilespmem:s2+$0x0]  }
0x173: {  	v30 =	vmul.f32 v34, v2;
	v31 =	vmul.f32 v37, v2;
	v32 =	vld [tilespmem:s1+$0x0];
	s1 =	sor.u32 s0, s12  }
0x174: {  	v33 =	vmul.f32 v40, v2;
	v34 =	vmul.f32 v43, v2;
	v37 =	vld [tilespmem:s1+$0x0];
	s1 =	sor.u32 s0, s9  }
0x175: {  	s29 =	sadd.s32 $0x2, s29;
	v4 =	vadd.f32 v30, v4;
	v5 =	vadd.f32 v31, v5;
	v30 =	vmul.f32 v27, v2;
	v31 =	vld [tilespmem:s1+$0x0];
	s1 =	sor.u32 s0, s7  }
0x176: {  	p1 =	slt.u32 s29, $0x26;
	v6 =	vadd.f32 v33, v6;
	v7 =	vadd.f32 v34, v7;
	v28 =	vmul.f32 v28, v2;
	v33 =	vld [tilespmem:s1+$0x0];
	s1 =	sor.u32 s0, s4  }
.Ltmp4:
0x177: {  	v4 =	vadd.f32 v35, v4;
	v5 =	vadd.f32 v36, v5;
	v34 =	vmul.f32 v29, v2;
	v29 =	vld [tilespmem:s1+$0x0];
	s1 =	sor.u32 s0, s5;
	(pc) =	sbr.rel @p1 .LBB2_10-.Ltmp4, $4  }
0x178: {  	s2 =	sor.u32 $0x4180, s20;
	v6 =	vadd.f32 v38, v6;
	v35 =	vmul.f32 v32, v2;
	v27 =	vld [tilespmem:s1+$0x0];
	s1 =	sor.u32 s0, s23;
	v7 =	vadd.f32 v39, v7  }
0x179: {  	s3 =	sor.u32 s0, s2;
	v17 =	vadd.f32 v30, v17;
	v14 =	vadd.f32 v28, v14;
	v32 =	vmul.f32 v37, v2;
	v28 =	vld [tilespmem:s1+$0x0];
	s1 =	sor.u32 $0x4200, s20  }
0x17a: {  	v23 =	vadd.f32 v34, v23;
	v24 =	vadd.f32 v35, v24;
	v34 =	vmul.f32 v31, v2;
	v31 =	vld [tilespmem:s3+$0x0];
	s0 =	sor.u32 s0, s1  }
0x17b: {  	s30 =	sadd.s32 $0x100, s30;
	s31 =	sadd.s32 $0x20, s31;
	s2 =	sor.u32 s28, s2;
	v17 =	vadd.f32 v41, v17;
	v14 =	vadd.f32 v42, v14;
	v33 =	vmul.f32 v33, v2;
	v30 =	vld [tilespmem:s0+$0x0]  }
0x17c: {  	v35 =	vld [tilespmem:s2+$0x0];
	s0 =	sor.u32 s28, s1  }
0x17d: {  	v36 =	vld [tilespmem:s0+$0x0];
	[tilespmem:$0x6A80] =	vst v4  }
0x17e: {  	[tilespmem:$0x6B00] =	vst v5  }
0x17f: {  	[tilespmem:$0x6B80] =	vst v6  }
0x180: {  	[tilespmem:$0x6C00] =	vst v7  }
0x181: {  	v3 =	vadd.f32 v32, v3;
	v4 =	vadd.f32 v26, v23;
	[tilespmem:$0x6C80] =	vst v17  }
0x182: {  	v5 =	vmul.f32 v29, v2;
	v6 =	vadd.f32 v25, v24;
	v7 =	vadd.f32 v34, v15;
	[tilespmem:$0x6D00] =	vst v14  }
0x183: {  	v14 =	vmul.f32 v27, v2;
	v15 =	vadd.f32 v33, v16;
	v3 =	vadd.f32 v22, v3;
	[tilespmem:$0x6D80] =	vst v4  }
0x184: {  	v4 =	vadd.f32 v5, v13;
	v5 =	vmul.f32 v28, v2;
	v7 =	vadd.f32 v21, v7;
	[tilespmem:$0x6E00] =	vst v6  }
0x185: {  	v6 =	vmul.f32 v31, v2;
	v13 =	vadd.f32 v20, v15;
	v10 =	vadd.f32 v14, v10;
	[tilespmem:$0x6E80] =	vst v3  }
0x186: {  	v2 =	vmul.f32 v30, v2;
	v3 =	vadd.f32 v19, v4;
	v4 =	vadd.f32 v5, v11;
	[tilespmem:$0x6F00] =	vst v7  }
0x187: {  	v5 =	vmul.f32 v35, v1;
	v6 =	vadd.f32 v6, v9;
	v7 =	vadd.f32 v12, v10;
	[tilespmem:$0x6F80] =	vst v13  }
0x188: {  	v2 =	vadd.f32 v2, v8;
	v1 =	vmul.f32 v36, v1;
	v4 =	vadd.f32 v18, v4;
	[tilespmem:$0x7000] =	vst v3  }
0x189: {  	v3 =	vadd.f32 v5, v6;
	[tilespmem:$0x7080] =	vst v7  }
0x18a: {  	v1 =	vadd.f32 v1, v2;
	[tilespmem:$0x7100] =	vst v4  }
0x18b: {  	[tilespmem:$0x7180] =	vst v3  }
0x18c: {  	s5 =	rddreg [dreg:$0xb];
	s6 =	simm.s32 $0x2A80;
	[tilespmem:$0x7200] =	vst v1  }
0x18d: {  	[tilespmem:s6], [sflag:$0x2] =	stream.strided.gather [hbm4b:s5+s13], $0x2800, s14, s13, $0x38;
	[tilespmem:$0x8A20] =	vst v63  }
0x18e: {  	s26 =	simm.s32 $0x0;
	_ =	swait.ge [sflag:s18], $0x2800  }
0x18f: {  	s20 =	sand.u32 $0x60, s26;
	[sflag:s18] =	ssyncset.done $0x0  }
0x190: {  	s7 =	sor.u32 s26, s26;
	s8 =	sand.u32 $0x380, s26;
	[sflag:s18] =	ssyncadd.s32 $0xFFFFD800  }
0x191: {  	s21 =	sand.u32 $0x1C00, s26;
	s9 =	sor.u32 $0x380, s7;
	s0 =	sor.u32 $0x10, s20;
	v2 =	vld [tilespmem:s26+$0x0]  }
0x192: {  	s4 =	sor.u32 $0x280, s21;
	s1 =	sor.u32 s0, s8;
	v3 =	vld [tilespmem:s9+$0x280]  }
0x193: {  	s12 =	sor.u32 s0, s4;
	v1 =	vld [tilespmem:s1+$0x0]  }
0x194: {  	v4 =	vld [tilespmem:s12+$0x0]  }
0x195: {  	v5 =	vld [tilespmem:s12+$0x80]  }
0x196: {  	v6 =	vld [tilespmem:s12+$0x100]  }
0x197: {  	v7 =	vld [tilespmem:s12+$0x180]  }
0x198: {  	s5 =	sadd.s32 $0x1680, s21;
	v8 =	vld [tilespmem:s12+$0x200]  }
0x199: {  	s6 =	sadd.s32 $0x1700, s21;
	s16 =	sor.u32 s0, s5;
	v9 =	vld [tilespmem:s12+$0x280]  }
0x19a: {  	s7 =	sadd.s32 $0x1780, s21;
	s22 =	sor.u32 s0, s6;
	v10 =	vld [tilespmem:s16+$0x0]  }
0x19b: {  	s8 =	sadd.s32 $0x1800, s21;
	s23 =	sor.u32 s0, s7;
	v11 =	vld [tilespmem:s22+$0x0]  }
0x19c: {  	s24 =	sor.u32 s0, s8;
	v12 =	vld [tilespmem:s23+$0x0]  }
0x19d: {  	s4 =	sor.u32 s20, s4;
	v13 =	vld [tilespmem:s24+$0x0]  }
0x19e: {  	v17 =	vld [tilespmem:s4+$0x0]  }
0x19f: {  	v19 =	vld [tilespmem:s4+$0x80]  }
0x1a0: {  	s3 =	sadd.s32 $0x1880, s21;
	v23 =	vld [tilespmem:s4+$0x100]  }
0x1a1: {  	s2 =	sadd.s32 $0x1900, s21;
	s9 =	sor.u32 s0, s3;
	v25 =	vld [tilespmem:s4+$0x180];
	v22 =	vmul.f32 v3, v2;
	v4 =	vmul.f32 v4, v1  }
0x1a2: {  	s12 =	sor.u32 s0, s2;
	v14 =	vld [tilespmem:s9+$0x0];
	v5 =	vmul.f32 v5, v1;
	v24 =	vmul.f32 v6, v1  }
0x1a3: {  	s16 =	sand.u32 $0x3, s26;
	v16 =	vld [tilespmem:s12+$0x0];
	v27 =	vmul.f32 v7, v1;
	v29 =	vmul.f32 v8, v1  }
0x1a4: {  	s1 =	sshll.u32 s16, $0x5;
	v7 =	vld [tilespmem:s4+$0x200];
	v30 =	vmul.f32 v9, v1;
	v18 =	vmul.f32 v10, v1  }
0x1a5: {  	s22 =	sor.u32 s20, s5;
	s1 =	sadd.s32 $0x0, s1;
	v8 =	vld [tilespmem:s4+$0x280];
	v21 =	vmul.f32 v11, v1;
	v15 =	vmul.f32 v12, v1  }
0x1a6: {  	s24 =	sor.u32 $0x300, s1;
	v10 =	vld [tilespmem:s22+$0x0];
	v20 =	vmul.f32 v13, v1;
	v12 =	vmul.f32 v17, v2  }
0x1a7: {  	s23 =	sor.u32 s20, s6;
	s1 =	sadd.s32 $0x10, s1;
	v13 =	vld [tilespmem:s24+$0x280];
	v6 =	vmul.f32 v14, v1;
	v14 =	vmul.f32 v19, v2  }
0x1a8: {  	s5 =	sor.u32 $0x300, s1;
	v11 =	vld [tilespmem:s23+$0x0];
	v3 =	vimm.f32 $0.0e+00;
	v9 =	vmul.f32 v16, v1;
	v19 =	vmul.f32 v25, v2  }
0x1a9: {  	s1 =	sor.u32 $0x380, s1;
	v17 =	vld [tilespmem:s5+$0x280];
	v16 =	vmul.f32 v23, v2;
	v22 =	vadd.f32 v22, v3;
	v14 =	vadd.f32 v14, v3  }
0x1aa: {  	s6 =	sor.u32 s20, s7;
	v19 =	vadd.f32 v19, v3;
	v23 =	vmul.f32 v7, v2;
	v7 =	vadd.f32 v12, v3;
	v12 =	vld [tilespmem:s1+$0x280]  }
0x1ab: {  	s7 =	sor.u32 s20, s8;
	v28 =	vmul.f32 v8, v2;
	v8 =	vadd.f32 v16, v3;
	v16 =	vld [tilespmem:s6+$0x0];
	v25 =	vmul.f32 v10, v2  }
0x1ac: {  	v10 =	vld [tilespmem:s7+$0x0];
	v5 =	vadd.f32 v5, v14;
	v13 =	vmul.f32 v13, v2;
	v4 =	vadd.f32 v4, v7  }
0x1ad: {  	v26 =	vmul.f32 v11, v2;
	v7 =	vadd.f32 v24, v8;
	v11 =	vadd.f32 v23, v3  }
0x1ae: {  	s8 =	sor.u32 s20, s3;
	v8 =	vadd.f32 v27, v19;
	v14 =	vadd.f32 v28, v3;
	v23 =	vmul.f32 v17, v1  }
0x1af: {  	s9 =	sor.u32 s20, s2;
	s12 =	sadd.s32 $0x1980, s21;
	v13 =	vadd.f32 v13, v3;
	v27 =	vld [tilespmem:s8+$0x0];
	v24 =	vimm.f32 $0.0e+00;
	v19 =	vadd.f32 v29, v11  }
0x1b0: {  	s16 =	sor.u32 s20, s12;
	s22 =	sadd.s32 $0x1A00, s21;
	v28 =	vld [tilespmem:s9+$0x0];
	v17 =	vadd.f32 v30, v14;
	v14 =	vimm.f32 $0.0e+00;
	v12 =	vmul.f32 v12, v1  }
0x1b1: {  	s23 =	sor.u32 s20, s22;
	v29 =	vld [tilespmem:s16+$0x0];
	v11 =	vimm.f32 $0.0e+00;
	v32 =	vmul.f32 v16, v2;
	v33 =	vmul.f32 v10, v2  }
0x1b2: {  	s28 =	simm.s32 $0x0;
	s29 =	simm.s32 $0x100;
	s24 =	sor.u32 s0, s12;
	v30 =	vld [tilespmem:s23+$0x0];
	v16 =	vadd.f32 v23, v13;
	v23 =	vimm.f32 $0.0e+00;
	v13 =	vimm.f32 $0.0e+00  }
0x1b3: {  	s30 =	simm.s32 $0x20;
	s31 =	simm.s32 $0x20;
	v31 =	vld [tilespmem:s24+$0x0];
	s0 =	sor.u32 s0, s22;
	v10 =	vimm.f32 $0.0e+00;
	v12 =	vadd.f32 v12, v22;
	v22 =	vimm.f32 $0.0e+00  }
.LBB2_12:
0x1b4: {  	s20 =	sand.u32 $0x60, s30;
	s1 =	sor.u32 s29, s30;
	s2 =	sand.u32 $0x380, s30;
	v3 =	vadd.f32 v25, v3;
	v24 =	vadd.f32 v26, v24;
	v25 =	vmul.f32 v27, v2;
	v26 =	vld [tilespmem:s0+$0x0]  }
0x1b5: {  	s21 =	sand.u32 $0x1C00, s29;
	v23 =	vadd.f32 v32, v23;
	v27 =	vld [tilespmem:s31+$0x0];
	s1 =	sor.u32 $0x380, s1;
	s0 =	sor.u32 $0x10, s20;
	v22 =	vadd.f32 v33, v22;
	v28 =	vmul.f32 v28, v2  }
0x1b6: {  	s4 =	sor.u32 $0x280, s21;
	v32 =	vld [tilespmem:s1+$0x280];
	s1 =	sor.u32 s0, s2;
	v29 =	vmul.f32 v29, v2;
	v3 =	vadd.f32 v18, v3;
	v24 =	vadd.f32 v21, v24  }
0x1b7: {  	v23 =	vadd.f32 v15, v23;
	v18 =	vld [tilespmem:s1+$0x0];
	s1 =	sor.u32 s0, s4;
	v30 =	vmul.f32 v30, v2;
	v22 =	vadd.f32 v20, v22  }
0x1b8: {  	v13 =	vadd.f32 v25, v13;
	v14 =	vadd.f32 v28, v14;
	v15 =	vld [tilespmem:s1+$0x0];
	v20 =	vmul.f32 v31, v1  }
0x1b9: {  	v11 =	vadd.f32 v29, v11;
	v21 =	vld [tilespmem:s1+$0x80];
	v10 =	vadd.f32 v30, v10;
	v26 =	vmul.f32 v26, v1  }
0x1ba: {  	v13 =	vadd.f32 v6, v13;
	v14 =	vadd.f32 v9, v14;
	v25 =	vld [tilespmem:s1+$0x100];
	v2 =	vmov v27  }
0x1bb: {  	v11 =	vadd.f32 v20, v11;
	v6 =	vld [tilespmem:s1+$0x180];
	v10 =	vadd.f32 v26, v10  }
0x1bc: {  	s5 =	sadd.s32 $0x1680, s21;
	v9 =	vld [tilespmem:s1+$0x200];
	v1 =	vmov v18  }
0x1bd: {  	s6 =	sadd.s32 $0x1700, s21;
	v18 =	vld [tilespmem:s1+$0x280];
	s1 =	sor.u32 s0, s5  }
0x1be: {  	s3 =	sadd.s32 $0x1780, s21;
	v20 =	vld [tilespmem:s1+$0x0];
	s1 =	sor.u32 s0, s6  }
0x1bf: {  	s2 =	sadd.s32 $0x1800, s21;
	v26 =	vld [tilespmem:s1+$0x0];
	s1 =	sor.u32 s0, s3  }
0x1c0: {  	s23 =	sadd.s32 $0x1880, s21;
	v27 =	vld [tilespmem:s1+$0x0];
	s1 =	sor.u32 s0, s2  }
0x1c1: {  	s22 =	sadd.s32 $0x1900, s21;
	v28 =	vld [tilespmem:s1+$0x0];
	s1 =	sor.u32 s0, s23  }
0x1c2: {  	v29 =	vld [tilespmem:s1+$0x0];
	s1 =	sor.u32 s0, s22  }
0x1c3: {  	s4 =	sor.u32 s20, s4;
	v30 =	vld [tilespmem:s1+$0x0]  }
0x1c4: {  	v31 =	vld [tilespmem:s4+$0x0]  }
0x1c5: {  	v32 =	vmul.f32 v32, v2;
	v34 =	vmul.f32 v15, v1;
	v33 =	vld [tilespmem:s4+$0x80]  }
0x1c6: {  	v36 =	vmul.f32 v21, v1;
	v37 =	vmul.f32 v25, v1;
	v35 =	vld [tilespmem:s4+$0x100]  }
0x1c7: {  	s26 =	sadd.s32 $0x1, s26;
	v38 =	vmul.f32 v6, v1;
	v39 =	vmul.f32 v9, v1;
	v25 =	vld [tilespmem:s4+$0x180]  }
0x1c8: {  	v41 =	vmul.f32 v18, v1;
	s1 =	sand.u32 $0x3, s26;
	v18 =	vmul.f32 v20, v1;
	v40 =	vld [tilespmem:s4+$0x200]  }
0x1c9: {  	s1 =	sshll.u32 s1, $0x5;
	v21 =	vmul.f32 v26, v1;
	v15 =	vmul.f32 v27, v1;
	v42 =	vld [tilespmem:s4+$0x280];
	s4 =	sor.u32 s20, s5  }
0x1ca: {  	s1 =	sadd.s32 s1, s29;
	v20 =	vmul.f32 v28, v1;
	v6 =	vmul.f32 v29, v1;
	v26 =	vld [tilespmem:s4+$0x0];
	s4 =	sor.u32 s20, s6  }
0x1cb: {  	v9 =	vmul.f32 v30, v1;
	v27 =	vmul.f32 v31, v2;
	s5 =	sor.u32 $0x300, s1;
	s1 =	sadd.s32 $0x10, s1;
	v28 =	vld [tilespmem:s4+$0x0]  }
0x1cc: {  	v29 =	vmul.f32 v33, v2;
	v30 =	vmul.f32 v35, v2;
	s4 =	sor.u32 $0x300, s1;
	v31 =	vld [tilespmem:s5+$0x280]  }
0x1cd: {  	s1 =	sor.u32 $0x380, s1;
	v25 =	vmul.f32 v25, v2;
	v33 =	vmul.f32 v40, v2;
	v35 =	vld [tilespmem:s4+$0x280]  }
0x1ce: {  	s3 =	sor.u32 s20, s3;
	v4 =	vadd.f32 v27, v4;
	v5 =	vadd.f32 v29, v5;
	v29 =	vmul.f32 v42, v2;
	v40 =	vld [tilespmem:s1+$0x280]  }
0x1cf: {  	s28 =	sadd.s32 $0x2, s28;
	v7 =	vadd.f32 v30, v7;
	v8 =	vadd.f32 v25, v8;
	s1 =	sor.u32 s20, s2;
	v25 =	vmul.f32 v26, v2;
	v30 =	vld [tilespmem:s3+$0x0]  }
0x1d0: {  	p1 =	slt.u32 s28, $0x26;
	v4 =	vadd.f32 v34, v4;
	v5 =	vadd.f32 v36, v5;
	v26 =	vmul.f32 v28, v2;
	v42 =	vld [tilespmem:s1+$0x0];
	s1 =	sor.u32 s20, s23  }
.Ltmp5:
0x1d1: {  	s2 =	sadd.s32 $0x1980, s21;
	v7 =	vadd.f32 v37, v7;
	v8 =	vadd.f32 v38, v8;
	v31 =	vmul.f32 v31, v2;
	v27 =	vld [tilespmem:s1+$0x0];
	s1 =	sor.u32 s20, s22;
	(pc) =	sbr.rel @p1 .LBB2_12-.Ltmp5, $4  }
0x1d2: {  	v19 =	vadd.f32 v33, v19;
	s3 =	sadd.s32 $0x1A00, s21;
	v17 =	vadd.f32 v29, v17;
	v28 =	vld [tilespmem:s1+$0x0];
	s1 =	sor.u32 s20, s2;
	v34 =	vmul.f32 v35, v1  }
0x1d3: {  	v12 =	vadd.f32 v32, v12;
	v16 =	vadd.f32 v31, v16;
	v29 =	vld [tilespmem:s1+$0x0];
	s1 =	sor.u32 s20, s3;
	v31 =	vmul.f32 v40, v1  }
0x1d4: {  	s29 =	sadd.s32 $0x100, s29;
	v19 =	vadd.f32 v39, v19;
	v17 =	vadd.f32 v41, v17;
	v32 =	vmul.f32 v30, v2;
	v30 =	vld [tilespmem:s1+$0x0];
	s1 =	sor.u32 s0, s2  }
0x1d5: {  	s30 =	sadd.s32 $0x20, s30;
	s31 =	sadd.s32 $0x20, s31;
	s0 =	sor.u32 s0, s3;
	v33 =	vmul.f32 v42, v2;
	v16 =	vadd.f32 v34, v16;
	v12 =	vadd.f32 v31, v12;
	v31 =	vld [tilespmem:s1+$0x0]  }
0x1d6: {  	v34 =	vld [tilespmem:s0+$0x0];
	[tilespmem:$0x7280] =	vst v4  }
0x1d7: {  	[tilespmem:$0x7300] =	vst v5  }
0x1d8: {  	[tilespmem:$0x7380] =	vst v7  }
0x1d9: {  	[tilespmem:$0x7400] =	vst v8  }
0x1da: {  	v3 =	vadd.f32 v25, v3;
	[tilespmem:$0x7480] =	vst v19  }
0x1db: {  	v4 =	vadd.f32 v26, v24;
	[tilespmem:$0x7500] =	vst v17  }
0x1dc: {  	v5 =	vmul.f32 v27, v2;
	v7 =	vadd.f32 v32, v23;
	[tilespmem:$0x7580] =	vst v16;
	v3 =	vadd.f32 v18, v3  }
0x1dd: {  	v8 =	vadd.f32 v33, v22;
	v16 =	vmul.f32 v28, v2;
	[tilespmem:$0x7600] =	vst v12;
	v4 =	vadd.f32 v21, v4  }
0x1de: {  	v12 =	vmul.f32 v29, v2;
	v7 =	vadd.f32 v15, v7;
	v5 =	vadd.f32 v5, v13;
	[tilespmem:$0x7680] =	vst v3  }
0x1df: {  	v2 =	vmul.f32 v30, v2;
	v3 =	vadd.f32 v20, v8;
	v8 =	vadd.f32 v16, v14;
	[tilespmem:$0x7700] =	vst v4  }
0x1e0: {  	v4 =	vmul.f32 v31, v1;
	v11 =	vadd.f32 v12, v11;
	v5 =	vadd.f32 v6, v5;
	[tilespmem:$0x7780] =	vst v7  }
0x1e1: {  	v2 =	vadd.f32 v2, v10;
	v1 =	vmul.f32 v34, v1;
	v6 =	vadd.f32 v9, v8;
	[tilespmem:$0x7800] =	vst v3  }
0x1e2: {  	v3 =	vadd.f32 v4, v11;
	[tilespmem:$0x7880] =	vst v5  }
0x1e3: {  	v1 =	vadd.f32 v1, v2;
	[tilespmem:$0x7900] =	vst v6  }
0x1e4: {  	[tilespmem:$0x7980] =	vst v3  }
0x1e5: {  	s26 =	simm.s32 $0x0;
	[tilespmem:$0x7A00] =	vst v1  }
0x1e6: {  	[tilespmem:s15], [sflag:$0x1] =	stream.linear.gather [hbm4b:s10+s26], $0x200, $0x38;
	[tilespmem:$0x8A20] =	vst v63  }
0x1e7: {  	s22 =	sadd.s32 $0x80, s10;
	s1 =	simm.s32 $0x680  }
0x1e8: {  	[tilespmem:s1], [sflag:$0x1] =	stream.linear.gather [hbm4b:s22+s26], $0x200, $0x38;
	[tilespmem:$0x8A20] =	vst v63  }
0x1e9: {  	s23 =	sadd.s32 $0x100, s10;
	s24 =	simm.s32 $0xA80  }
0x1ea: {  	[tilespmem:s24], [sflag:$0x1] =	stream.linear.gather [hbm4b:s23+s26], $0x200, $0x38;
	[tilespmem:$0x8A20] =	vst v63  }
0x1eb: {  	s2 =	sadd.s32 $0x180, s10;
	s3 =	simm.s32 $0xE80  }
0x1ec: {  	[tilespmem:s3], [sflag:$0x1] =	stream.linear.gather [hbm4b:s2+s26], $0x200, $0x38;
	[tilespmem:$0x8A20] =	vst v63  }
0x1ed: {  	s4 =	sadd.s32 $0x200, s10;
	s5 =	simm.s32 $0x1280  }
0x1ee: {  	[tilespmem:s5], [sflag:$0x1] =	stream.linear.gather [hbm4b:s4+s26], $0x200, $0x38;
	[tilespmem:$0x8A20] =	vst v63  }
0x1ef: {  	_ =	swait.ge [sflag:s19], $0x2800  }
0x1f0: {  	s0 =	sand.u32 $0x60, s26;
	s20 =	sand.u32 $0x1C00, s26;
	[sflag:s19] =	ssyncset.done $0x0  }
0x1f1: {  	s6 =	sand.u32 $0x380, s26;
	s28 =	sor.u32 $0x10, s0;
	[sflag:s19] =	ssyncadd.s32 $0xFFFFD800  }
0x1f2: {  	s1 =	sor.u32 s28, s6;
	s4 =	sadd.s32 $0x2A80, s20;
	v2 =	vld [tilespmem:s26+$0x0]  }
0x1f3: {  	s5 =	sadd.s32 $0x2B00, s20;
	s7 =	sor.u32 s28, s4;
	v1 =	vld [tilespmem:s1+$0x0]  }
0x1f4: {  	s6 =	sadd.s32 $0x2B80, s20;
	s8 =	sor.u32 s28, s5;
	v3 =	vld [tilespmem:s7+$0x0]  }
0x1f5: {  	s9 =	sor.u32 s28, s6;
	v4 =	vld [tilespmem:s8+$0x0]  }
0x1f6: {  	s4 =	sor.u32 s0, s4;
	s7 =	sadd.s32 $0x2C00, s20;
	v5 =	vld [tilespmem:s9+$0x0]  }
0x1f7: {  	s8 =	sadd.s32 $0x2C80, s20;
	v17 =	vld [tilespmem:s4+$0x0];
	s12 =	sor.u32 s28, s7  }
0x1f8: {  	s9 =	sadd.s32 $0x2D00, s20;
	s16 =	sor.u32 s28, s8;
	v6 =	vld [tilespmem:s12+$0x0]  }
0x1f9: {  	s21 =	sor.u32 s28, s9;
	s12 =	sadd.s32 $0x2D80, s20;
	v7 =	vld [tilespmem:s16+$0x0]  }
0x1fa: {  	s16 =	sadd.s32 $0x2E00, s20;
	v8 =	vld [tilespmem:s21+$0x0];
	s22 =	sor.u32 s28, s12  }
0x1fb: {  	s21 =	sadd.s32 $0x3E80, s20;
	s23 =	sor.u32 s28, s16;
	v9 =	vld [tilespmem:s22+$0x0]  }
0x1fc: {  	s3 =	sor.u32 $0x4000, s20;
	s24 =	sor.u32 s28, s21;
	v10 =	vld [tilespmem:s23+$0x0]  }
0x1fd: {  	v11 =	vld [tilespmem:s24+$0x0];
	s24 =	sor.u32 s28, s3  }
0x1fe: {  	s5 =	sor.u32 s0, s5;
	s22 =	sadd.s32 $0x3F00, s20;
	v14 =	vld [tilespmem:s24+$0x0]  }
0x1ff: {  	s1 =	sor.u32 $0x4080, s20;
	s2 =	sor.u32 s28, s22;
	v24 =	vmul.f32 v4, v1;
	v4 =	vld [tilespmem:s5+$0x0]  }
0x200: {  	s23 =	sadd.s32 $0x3F80, s20;
	s24 =	sor.u32 s28, s1;
	v12 =	vld [tilespmem:s2+$0x0]  }
0x201: {  	s2 =	sor.u32 s28, s23;
	v15 =	vld [tilespmem:s24+$0x0]  }
0x202: {  	s5 =	sor.u32 s0, s7;
	v13 =	vld [tilespmem:s2+$0x0];
	s2 =	sor.u32 $0x4100, s20  }
0x203: {  	v28 =	vmul.f32 v6, v1;
	v6 =	vld [tilespmem:s5+$0x0];
	s24 =	sor.u32 s28, s2  }
0x204: {  	s7 =	sor.u32 s0, s9;
	v16 =	vld [tilespmem:s24+$0x0]  }
0x205: {  	s24 =	sor.u32 s0, s6;
	v26 =	vmul.f32 v9, v1;
	v9 =	vld [tilespmem:s7+$0x0]  }
0x206: {  	v23 =	vmul.f32 v3, v1;
	v27 =	vmul.f32 v5, v1;
	s6 =	sor.u32 s0, s8;
	v5 =	vld [tilespmem:s24+$0x0]  }
0x207: {  	v30 =	vmul.f32 v7, v1;
	v8 =	vmul.f32 v8, v1;
	s8 =	sor.u32 s0, s12;
	v7 =	vld [tilespmem:s6+$0x0]  }
0x208: {  	v25 =	vmul.f32 v10, v1;
	v22 =	vmul.f32 v11, v1;
	s12 =	sor.u32 s0, s21;
	v10 =	vld [tilespmem:s8+$0x0]  }
0x209: {  	v11 =	vmul.f32 v17, v2;
	s21 =	sor.u32 s0, s23;
	v19 =	vmul.f32 v14, v1;
	v14 =	vld [tilespmem:s12+$0x0]  }
0x20a: {  	s9 =	sor.u32 s0, s16;
	v3 =	vimm.f32 $0.0e+00;
	s16 =	sor.u32 s0, s22;
	v4 =	vmul.f32 v4, v2;
	v31 =	vld [tilespmem:s21+$0x0];
	v21 =	vmul.f32 v12, v1  }
0x20b: {  	v12 =	vmul.f32 v15, v1;
	v11 =	vadd.f32 v11, v3;
	v15 =	vld [tilespmem:s16+$0x0];
	v6 =	vmul.f32 v6, v2  }
0x20c: {  	v20 =	vmul.f32 v13, v1;
	v18 =	vmul.f32 v16, v1;
	v16 =	vadd.f32 v4, v3  }
0x20d: {  	v13 =	vld [tilespmem:s9+$0x0];
	v29 =	vadd.f32 v6, v3;
	v9 =	vmul.f32 v9, v2;
	v5 =	vmul.f32 v5, v2  }
0x20e: {  	v4 =	vadd.f32 v23, v11;
	v17 =	vmul.f32 v7, v2;
	v10 =	vmul.f32 v10, v2  }
0x20f: {  	v32 =	vmul.f32 v14, v2;
	v33 =	vmul.f32 v31, v2;
	v7 =	vadd.f32 v5, v3  }
0x210: {  	s3 =	sor.u32 s0, s3;
	v9 =	vadd.f32 v9, v3;
	v34 =	vmul.f32 v15, v2;
	v5 =	vadd.f32 v24, v16  }
0x211: {  	s1 =	sor.u32 s0, s1;
	v15 =	vimm.f32 $0.0e+00;
	v6 =	vadd.f32 v27, v7;
	v7 =	vadd.f32 v28, v29;
	v29 =	vld [tilespmem:s3+$0x0]  }
0x212: {  	s22 =	sor.u32 s0, s2;
	s23 =	sor.u32 $0x4180, s20;
	v11 =	vmul.f32 v13, v2;
	v13 =	vadd.f32 v17, v3;
	v23 =	vadd.f32 v10, v3;
	v27 =	vld [tilespmem:s1+$0x0]  }
0x213: {  	s24 =	sor.u32 s0, s23;
	v16 =	vimm.f32 $0.0e+00;
	v10 =	vimm.f32 $0.0e+00;
	v14 =	vadd.f32 v8, v9;
	v28 =	vld [tilespmem:s22+$0x0];
	s1 =	sor.u32 $0x4200, s20  }
0x214: {  	s29 =	simm.s32 $0x0;
	v31 =	vld [tilespmem:s24+$0x0];
	v9 =	vimm.f32 $0.0e+00;
	v8 =	vimm.f32 $0.0e+00;
	v24 =	vadd.f32 v11, v3;
	s0 =	sor.u32 s0, s1  }
0x215: {  	s30 =	simm.s32 $0x100;
	s31 =	simm.s32 $0x20;
	s2 =	sor.u32 s28, s23;
	v17 =	vadd.f32 v30, v13;
	v13 =	vimm.f32 $0.0e+00;
	v11 =	vimm.f32 $0.0e+00;
	v30 =	vld [tilespmem:s0+$0x0]  }
.LBB2_14:
0x216: {  	s0 =	sand.u32 $0x60, s31;
	v29 =	vmul.f32 v29, v2;
	v23 =	vadd.f32 v26, v23;
	v24 =	vadd.f32 v25, v24;
	v25 =	vld [tilespmem:s2+$0x0];
	s1 =	sor.u32 s28, s1;
	s26 =	sadd.s32 $0x20, s26  }
0x217: {  	s20 =	sand.u32 $0x1C00, s30;
	s2 =	sand.u32 $0x380, s31;
	v3 =	vadd.f32 v32, v3;
	v15 =	vadd.f32 v34, v15;
	s28 =	sor.u32 $0x10, s0;
	v26 =	vmul.f32 v27, v2;
	v27 =	vld [tilespmem:s1+$0x0]  }
0x218: {  	s21 =	sadd.s32 $0x2A80, s20;
	v16 =	vadd.f32 v33, v16;
	v32 =	vld [tilespmem:s26+$0x0];
	s1 =	sor.u32 s28, s2;
	v13 =	vadd.f32 v29, v13;
	v28 =	vmul.f32 v28, v2  }
0x219: {  	s22 =	sadd.s32 $0x2B00, s20;
	v3 =	vadd.f32 v22, v3;
	v15 =	vadd.f32 v21, v15;
	v29 =	vld [tilespmem:s1+$0x0];
	s1 =	sor.u32 s28, s21;
	v31 =	vmul.f32 v31, v2  }
0x21a: {  	s2 =	sadd.s32 $0x2B80, s20;
	v16 =	vadd.f32 v20, v16;
	v21 =	vld [tilespmem:s1+$0x0];
	s1 =	sor.u32 s28, s22;
	v30 =	vmul.f32 v30, v2;
	v13 =	vadd.f32 v19, v13  }
0x21b: {  	s3 =	sadd.s32 $0x2C00, s20;
	v10 =	vadd.f32 v26, v10;
	v11 =	vadd.f32 v28, v11;
	v19 =	vld [tilespmem:s1+$0x0];
	s1 =	sor.u32 s28, s2;
	v20 =	vmul.f32 v25, v1  }
0x21c: {  	s6 =	sadd.s32 $0x2C80, s20;
	v9 =	vadd.f32 v31, v9;
	v22 =	vld [tilespmem:s1+$0x0];
	s1 =	sor.u32 s28, s3;
	v8 =	vadd.f32 v30, v8;
	v26 =	vmul.f32 v27, v1  }
0x21d: {  	s8 =	sadd.s32 $0x2D00, s20;
	v10 =	vadd.f32 v12, v10;
	v11 =	vadd.f32 v18, v11;
	v25 =	vld [tilespmem:s1+$0x0];
	s1 =	sor.u32 s28, s6;
	v2 =	vmov v32  }
0x21e: {  	s24 =	sadd.s32 $0x2D80, s20;
	s4 =	sor.u32 s28, s8;
	v9 =	vadd.f32 v20, v9;
	v12 =	vld [tilespmem:s1+$0x0];
	v8 =	vadd.f32 v26, v8;
	v1 =	vmov v29  }
0x21f: {  	s1 =	sadd.s32 $0x2E00, s20;
	v18 =	vld [tilespmem:s4+$0x0];
	s4 =	sor.u32 s28, s24  }
0x220: {  	s12 =	sadd.s32 $0x3E80, s20;
	v20 =	vld [tilespmem:s4+$0x0];
	s4 =	sor.u32 s28, s1  }
0x221: {  	s9 =	sadd.s32 $0x3F00, s20;
	v27 =	vld [tilespmem:s4+$0x0];
	s4 =	sor.u32 s28, s12  }
0x222: {  	s7 =	sadd.s32 $0x3F80, s20;
	s5 =	sor.u32 s28, s9;
	v28 =	vld [tilespmem:s4+$0x0]  }
0x223: {  	s16 =	sor.u32 s28, s7;
	s4 =	sor.u32 $0x4000, s20;
	v29 =	vld [tilespmem:s5+$0x0]  }
0x224: {  	s5 =	sor.u32 $0x4080, s20;
	v30 =	vld [tilespmem:s16+$0x0];
	s16 =	sor.u32 s28, s4  }
0x225: {  	s23 =	sor.u32 $0x4100, s20;
	v31 =	vld [tilespmem:s16+$0x0];
	s16 =	sor.u32 s28, s5  }
0x226: {  	v32 =	vld [tilespmem:s16+$0x0];
	s16 =	sor.u32 s28, s23  }
0x227: {  	s21 =	sor.u32 s0, s21;
	v33 =	vld [tilespmem:s16+$0x0]  }
0x228: {  	v35 =	vmul.f32 v21, v1;
	v36 =	vmul.f32 v19, v1;
	s16 =	sor.u32 s0, s22;
	v34 =	vld [tilespmem:s21+$0x0]  }
0x229: {  	s2 =	sor.u32 s0, s2;
	v38 =	vmul.f32 v22, v1;
	v39 =	vmul.f32 v25, v1;
	v37 =	vld [tilespmem:s16+$0x0]  }
0x22a: {  	v41 =	vmul.f32 v12, v1;
	v42 =	vmul.f32 v18, v1;
	v40 =	vld [tilespmem:s2+$0x0];
	s2 =	sor.u32 s0, s3  }
0x22b: {  	v26 =	vmul.f32 v20, v1;
	v25 =	vmul.f32 v27, v1;
	v43 =	vld [tilespmem:s2+$0x0];
	s2 =	sor.u32 s0, s6  }
0x22c: {  	v22 =	vmul.f32 v28, v1;
	v21 =	vmul.f32 v29, v1;
	v27 =	vld [tilespmem:s2+$0x0];
	s2 =	sor.u32 s0, s8  }
0x22d: {  	v20 =	vmul.f32 v30, v1;
	v19 =	vmul.f32 v31, v1;
	v28 =	vld [tilespmem:s2+$0x0];
	s2 =	sor.u32 s0, s24  }
0x22e: {  	s1 =	sor.u32 s0, s1;
	v12 =	vmul.f32 v32, v1;
	v18 =	vmul.f32 v33, v1;
	v29 =	vld [tilespmem:s2+$0x0]  }
0x22f: {  	v30 =	vmul.f32 v34, v2;
	v31 =	vmul.f32 v37, v2;
	v32 =	vld [tilespmem:s1+$0x0];
	s1 =	sor.u32 s0, s12  }
0x230: {  	v33 =	vmul.f32 v40, v2;
	v34 =	vmul.f32 v43, v2;
	v37 =	vld [tilespmem:s1+$0x0];
	s1 =	sor.u32 s0, s9  }
0x231: {  	s29 =	sadd.s32 $0x2, s29;
	v4 =	vadd.f32 v30, v4;
	v5 =	vadd.f32 v31, v5;
	v30 =	vmul.f32 v27, v2;
	v31 =	vld [tilespmem:s1+$0x0];
	s1 =	sor.u32 s0, s7  }
0x232: {  	p1 =	slt.u32 s29, $0x26;
	v6 =	vadd.f32 v33, v6;
	v7 =	vadd.f32 v34, v7;
	v28 =	vmul.f32 v28, v2;
	v33 =	vld [tilespmem:s1+$0x0];
	s1 =	sor.u32 s0, s4  }
.Ltmp6:
0x233: {  	v4 =	vadd.f32 v35, v4;
	v5 =	vadd.f32 v36, v5;
	v34 =	vmul.f32 v29, v2;
	v29 =	vld [tilespmem:s1+$0x0];
	s1 =	sor.u32 s0, s5;
	(pc) =	sbr.rel @p1 .LBB2_14-.Ltmp6, $4  }
0x234: {  	s2 =	sor.u32 $0x4180, s20;
	v6 =	vadd.f32 v38, v6;
	v35 =	vmul.f32 v32, v2;
	v27 =	vld [tilespmem:s1+$0x0];
	s1 =	sor.u32 s0, s23;
	v7 =	vadd.f32 v39, v7  }
0x235: {  	s3 =	sor.u32 s0, s2;
	v17 =	vadd.f32 v30, v17;
	v14 =	vadd.f32 v28, v14;
	v32 =	vmul.f32 v37, v2;
	v28 =	vld [tilespmem:s1+$0x0];
	s1 =	sor.u32 $0x4200, s20  }
0x236: {  	v23 =	vadd.f32 v34, v23;
	v24 =	vadd.f32 v35, v24;
	v34 =	vmul.f32 v31, v2;
	v31 =	vld [tilespmem:s3+$0x0];
	s0 =	sor.u32 s0, s1  }
0x237: {  	s30 =	sadd.s32 $0x100, s30;
	s31 =	sadd.s32 $0x20, s31;
	s2 =	sor.u32 s28, s2;
	v17 =	vadd.f32 v41, v17;
	v14 =	vadd.f32 v42, v14;
	v33 =	vmul.f32 v33, v2;
	v30 =	vld [tilespmem:s0+$0x0]  }
0x238: {  	v35 =	vld [tilespmem:s2+$0x0];
	s0 =	sor.u32 s28, s1  }
0x239: {  	v36 =	vld [tilespmem:s0+$0x0];
	[tilespmem:$0x7A80] =	vst v4  }
0x23a: {  	[tilespmem:$0x7B00] =	vst v5  }
0x23b: {  	[tilespmem:$0x7B80] =	vst v6  }
0x23c: {  	[tilespmem:$0x7C00] =	vst v7  }
0x23d: {  	v3 =	vadd.f32 v32, v3;
	v4 =	vadd.f32 v26, v23;
	[tilespmem:$0x7C80] =	vst v17  }
0x23e: {  	v5 =	vmul.f32 v29, v2;
	v6 =	vadd.f32 v25, v24;
	v7 =	vadd.f32 v34, v15;
	[tilespmem:$0x7D00] =	vst v14  }
0x23f: {  	v14 =	vmul.f32 v27, v2;
	v15 =	vadd.f32 v33, v16;
	v3 =	vadd.f32 v22, v3;
	[tilespmem:$0x7D80] =	vst v4  }
0x240: {  	v4 =	vadd.f32 v5, v13;
	v5 =	vmul.f32 v28, v2;
	v7 =	vadd.f32 v21, v7;
	[tilespmem:$0x7E00] =	vst v6  }
0x241: {  	v6 =	vmul.f32 v31, v2;
	v13 =	vadd.f32 v20, v15;
	v10 =	vadd.f32 v14, v10;
	[tilespmem:$0x7E80] =	vst v3  }
0x242: {  	v2 =	vmul.f32 v30, v2;
	v3 =	vadd.f32 v19, v4;
	v4 =	vadd.f32 v5, v11;
	[tilespmem:$0x7F00] =	vst v7  }
0x243: {  	v5 =	vmul.f32 v35, v1;
	v6 =	vadd.f32 v6, v9;
	v7 =	vadd.f32 v12, v10;
	[tilespmem:$0x7F80] =	vst v13  }
0x244: {  	v2 =	vadd.f32 v2, v8;
	v1 =	vmul.f32 v36, v1;
	v4 =	vadd.f32 v18, v4;
	[tilespmem:$0x8000] =	vst v3  }
0x245: {  	v3 =	vadd.f32 v5, v6;
	[tilespmem:$0x8080] =	vst v7  }
0x246: {  	v1 =	vadd.f32 v1, v2;
	[tilespmem:$0x8100] =	vst v4  }
0x247: {  	[tilespmem:$0x8180] =	vst v3  }
0x248: {  	[tilespmem:$0x8200] =	vst v1  }
0x249: {  	s0 =	simm.s32 $0x0;
	_ =	swait.ge [sflag:s18], $0xA00  }
0x24a: {  	s28 =	sand.u32 $0x60, s0;
	s29 =	sand.u32 $0x1C00, s0;
	[sflag:s18] =	ssyncset.done $0x0  }
0x24b: {  	s4 =	sand.u32 $0x380, s0;
	s3 =	sor.u32 $0x10, s28;
	[sflag:s18] =	ssyncadd.s32 $0xFFFFF600  }
0x24c: {  	s5 =	sor.u32 $0x280, s29;
	s30 =	sor.u32 s3, s4;
	v3 =	vld [tilespmem:s0+$0x0]  }
0x24d: {  	s1 =	sor.u32 s3, s5;
	v1 =	vld [tilespmem:s30+$0x0]  }
0x24e: {  	v2 =	vld [tilespmem:s1+$0x0]  }
0x24f: {  	s31 =	sor.u32 s28, s5;
	v4 =	vld [tilespmem:s1+$0x80]  }
0x250: {  	v8 =	vld [tilespmem:s31+$0x0]  }
0x251: {  	v10 =	vld [tilespmem:s31+$0x80]  }
0x252: {  	v9 =	vimm.f32 $0.0e+00;
	v11 =	vld [tilespmem:s31+$0x100]  }
0x253: {  	s2 =	simm.s32 $0x0;
	s3 =	simm.s32 $0x20;
	s4 =	simm.s32 $0x0;
	v5 =	vimm.f32 $0.0e+00;
	v7 =	vimm.f32 $0.0e+00;
	v6 =	vimm.f32 $0.0e+00;
	v12 =	vld [tilespmem:s31+$0x180]  }
.LBB2_16:
0x254: {  	s5 =	sand.u32 $0x60, s3;
	v13 =	vld [tilespmem:s1+$0x100];
	s0 =	sadd.s32 $0x100, s0;
	s4 =	sadd.s32 $0x20, s4  }
0x255: {  	s8 =	sand.u32 $0x380, s3;
	s6 =	sand.u32 $0x1C00, s0;
	s7 =	sor.u32 $0x10, s5;
	v14 =	vld [tilespmem:s1+$0x180]  }
0x256: {  	v16 =	vmul.f32 v2, v1;
	v17 =	vmul.f32 v4, v1;
	v15 =	vld [tilespmem:s4+$0x0];
	s6 =	sor.u32 $0x280, s6;
	s1 =	sor.u32 s7, s8  }
0x257: {  	s2 =	sadd.s32 $0x2, s2;
	v8 =	vmul.f32 v8, v3;
	v10 =	vmul.f32 v10, v3;
	v18 =	vld [tilespmem:s1+$0x0];
	s1 =	sor.u32 s7, s6  }
0x258: {  	p1 =	slt.u32 s2, $0x26;
	v11 =	vmul.f32 v11, v3;
	v2 =	vld [tilespmem:s1+$0x0];
	v19 =	vmul.f32 v12, v3  }
.Ltmp7:
0x259: {  	s5 =	sor.u32 s5, s6;
	v5 =	vadd.f32 v8, v5;
	v9 =	vadd.f32 v10, v9;
	v4 =	vld [tilespmem:s1+$0x80];
	v12 =	vmul.f32 v13, v1;
	(pc) =	sbr.rel @p1 .LBB2_16-.Ltmp7, $4  }
0x25a: {  	v7 =	vadd.f32 v11, v7;
	v8 =	vld [tilespmem:s5+$0x0];
	v6 =	vadd.f32 v19, v6;
	v13 =	vmul.f32 v14, v1  }
0x25b: {  	v5 =	vadd.f32 v16, v5;
	v9 =	vadd.f32 v17, v9;
	v10 =	vld [tilespmem:s5+$0x80];
	v3 =	vmov v15  }
0x25c: {  	v7 =	vadd.f32 v12, v7;
	v11 =	vld [tilespmem:s5+$0x100];
	v6 =	vadd.f32 v13, v6;
	v1 =	vmov v18  }
0x25d: {  	s3 =	sadd.s32 $0x20, s3;
	v12 =	vld [tilespmem:s5+$0x180]  }
0x25e: {  	v13 =	vld [tilespmem:s1+$0x100]  }
0x25f: {  	v14 =	vld [tilespmem:s1+$0x180];
	v8 =	vmul.f32 v8, v3  }
0x260: {  	v10 =	vmul.f32 v10, v3  }
0x261: {  	v2 =	vmul.f32 v2, v1;
	v11 =	vmul.f32 v11, v3;
	v5 =	vadd.f32 v8, v5  }
0x262: {  	v4 =	vmul.f32 v4, v1;
	v3 =	vmul.f32 v12, v3;
	v61 =	vadd.f32 v10, v9  }
0x263: {  	v62 =	vmul.f32 v13, v1;
	v7 =	vadd.f32 v11, v7;
	v2 =	vadd.f32 v2, v5  }
0x264: {  	v1 =	vmul.f32 v14, v1;
	v3 =	vadd.f32 v3, v6;
	v4 =	vadd.f32 v4, v61  }
0x265: {  	v63 =	vadd.f32 v62, v7;
	[tilespmem:$0x8280] =	vst v2  }
0x266: {  	v1 =	vadd.f32 v1, v3;
	[tilespmem:$0x8300] =	vst v4  }
0x267: {  	[tilespmem:$0x8380] =	vst v63  }
0x268: {  	[tilespmem:$0x8400] =	vst v1;
	v1 =	vlaneseq.u32 @p0  }
0x269: {  	[tilespmem:$0x89A0] =	vst @p0 v1;
	v2 =	vor.u32 @p0 $0x10, v1  }
0x26a: {  	[tilespmem:$0x89B0] =	vst @p0 v2;
	v2 =	vor.u32 @p0 $0x20, v1  }
0x26b: {  	[tilespmem:$0x89C0] =	vst @p0 v2;
	v2 =	vor.u32 @p0 $0x30, v1  }
0x26c: {  	[tilespmem:$0x89D0] =	vst @p0 v2;
	v2 =	vor.u32 @p0 $0x40, v1  }
0x26d: {  	[tilespmem:$0x89E0] =	vst @p0 v2;
	v2 =	vor.u32 @p0 $0x50, v1  }
0x26e: {  	v1 =	vadd.s32 @p0 $0x54, v1;
	[tilespmem:$0x89F0] =	vst @p0 v2  }
0x26f: {  	[tilespmem:$0x89F4] =	vst @p0 v1  }
0x270: {  	s0 =	simm.s32 @p0 $0x64;
	[bflag:$0x0] =	sbarrier.arrive @p0 $0xFFFF  }
0x271: {  	s1 =	simm.s32 @p0 $0x89A0;
	s2 =	simm.s32 @p0 $0x5280;
	s3 =	rddreg [dreg:$0x3]  }
0x272: {  	[spmem:s3] =	stream.indirect.scatter.add.f32 @p0 [tilespmem:s2], [sflag:$0x3], $0x80, s1, s0, $0xb8;
	[tilespmem:$0x8A20] =	vst v63  }
0x273: {  	s0 =	simm.s32 @p0 $0x3  }
0x274: {  	_ =	swait.ge @p0 [sflag:s0], $0x3200  }
0x275: {  	[sflag:s0] =	ssyncset.done @p0 $0x0  }
0x276: {  	[sflag:s0] =	ssyncadd.s32 @p0 $0xFFFFCE00  }
0x277: {  	s0 =	simm.s32 @!p0 $0x5280;
	[bflag:$0x0] =	sbarrier.arrive @p0 $0xFFFF  }
0x278: {  	[spmem:s3] =	stream.linear.scatter @!p0 [tilespmem:s0], [sflag:$0x3], $0x3200, $0x38;
	[tilespmem:$0x8A20] =	vst v63  }
0x279: {  	s0 =	simm.s32 @!p0 $0x3  }
0x27a: {  	_ =	swait.ge @!p0 [sflag:s0], $0x3200  }
0x27b: {  	[sflag:s0] =	ssyncset.done @!p0 $0x0  }
0x27c: {  	v1 =	vlaneseq.u32 @!p0;
	[sflag:s0] =	ssyncadd.s32 @!p0 $0xFFFFCE00  }
0x27d: {  	v2 =	vor.u32 @!p0 $0x10, v1;
	[tilespmem:$0x89A0] =	vst @!p0 v1  }
0x27e: {  	[tilespmem:$0x89B0] =	vst @!p0 v2;
	v2 =	vor.u32 @!p0 $0x20, v1  }
0x27f: {  	[tilespmem:$0x89C0] =	vst @!p0 v2;
	v2 =	vor.u32 @!p0 $0x30, v1  }
0x280: {  	[tilespmem:$0x89D0] =	vst @!p0 v2;
	v2 =	vor.u32 @!p0 $0x40, v1  }
0x281: {  	[tilespmem:$0x89E0] =	vst @!p0 v2;
	v2 =	vor.u32 @!p0 $0x50, v1  }
0x282: {  	v1 =	vadd.s32 @!p0 $0x54, v1;
	[tilespmem:$0x89F0] =	vst @!p0 v2  }
0x283: {  	s4 =	simm.s32 @!p0 $0x80;
	[tilespmem:$0x89F4] =	vst @!p0 v1  }
0x284: {  	s5 =	simm.s32 @!p0 $0x1C03;
	s1 =	sshrl.u32 @!p0 s3, $0x3;
	[bflag:$0x0] =	sbarrier.arrive @!p0 $0xFFFF  }
0x285: {  	s2 =	simm.s32 @!p0 $0x8;
	s3 =	simm.s32 @!p0 $0x100;
	[bflag:$0x0] =	sbarrier.arrive @!p0 $0xFFFF  }
0x286: {  	[hbm:s11@s3], [sflag:s5] =	dma.strided @!p0 [spmem:s1@s4], $0x600, s2, $0x10   }
0x287: {  	s1 =	sadd.s32 @!p0 $0xC00, s11;
	s2 =	rddreg [dreg:$0xd]  }
0x288: {  	[hbm:s1], [sflag:s5] =	dma.local @!p0 [spmem:s2], $0x40  }
0x289: {  	_ =	swait.ge @!p0 [sflag:s0], $0x640  }
0x28a: {  	s25 =	sadd.s32 $0x1, s25;
	s31 =	rddreg [dreg:$0xc]  }
0x28b: {  	p1 =	sne.s32 s25, s31  }
.Ltmp8:
0x28c: {  	_ = 	snop;
	(pc) =	sbr.rel @p1 .LBB2_1-.Ltmp8, $3  }
0x28d: {  	_ =	sdelay $0x1  }
0x28e: {  	[sflag:s0] =	ssyncset.done @!p0 $0x0  }
0x28f: {  	[sflag:s0] =	ssyncadd.s32 @!p0 $0xFFFFF9C0  }
0x290: {  	_ =	sfence.sel $0x180000  }
0x291: {  	[bflag:$0x0] =	sbarrier.arrive $0xFFFF  }
0x292: {  	_ =	strace $0x90000047  }
0x293: {  	[bflag:$0x2] =	sbarrier.arrive $0xFFFF  }
0x294: {  	s0 =	rddreg [dreg:$0x4]  }
0x295: {  	s0 =	sadd.s32 @!p0 $0x100000, s0  }
0x296: {  	[sflag:s0] =	ssyncadd.tile.s32 @!p0 $0x1;
	_ =	shalt  }
.Lfunc_end2:
_tile_overlayer_lowered:
.L_overlay_start_2:
0x297: {  	(tag) =	ssettag $0x2  }
0x298: {  	s0 =	rddreg [dreg:$0x0];
	s2 =	stileid.u32  }
0x299: {  	s1 =	rddreg [dreg:$0x1];
	p0 =	sne.s32 s2, $0x0  }
0x29a: {  	s3 =	rddreg [dreg:$0x2];
	[bflag:$0x3] =	sbarrier.arrive $0xFFFF;
	s2 =	simm.s32 @!p0 $0x1C03  }
0x29b: {  	[timem:s3], [sflag:s2] =	dma.local @!p0 [hbm:s0], s1  }
0x29c: {  	s0 =	simm.s32 @!p0 $0x3  }
0x29d: {  	_ =	swait.ge @!p0 [sflag:s0], s1  }
0x29e: {  	s1 =	ssub.s32 @!p0 $0x0, s1;
	[sflag:s0] =	ssyncset.done @!p0 $0x0  }
0x29f: {  	[sflag:s0] =	ssyncadd.s32 @!p0 s1  }
0x2a0: {  	[bflag:$0x3] =	sbarrier.arrive $0xFFFF  }
0x2a1: {  	_ =	shalt  }

</sc_bundles>
